<compile_context>
chip_gen: v7x
topology: tpu7x:2x2x1
jax: 0.10.2.dev20260603
libtpu: 0.0.44.dev20260713+nightly
codegen_flags: <defaults>
</compile_context>

<pallas_src>
import functools
import math

import jax
import jax.numpy as jnp
from jax import lax
from jax.experimental import pallas as pl
from jax.experimental.pallas import tpu as pltpu
from jax.experimental.pallas import tpu_sc as plsc

_NS = 16
_W = 128
_C = 16
_LEAK = 0.2


def _leaky(v):
    return jnp.where(v >= 0, v, _LEAK * v)


def _dot(a, b):
    return jnp.dot(a, b, preferred_element_type=jnp.float32,
                   precision=lax.Precision.HIGHEST)


def _seg_sum_sc(h_pad, seed, src_w, dst_w):
    np_, d = h_pad.shape
    nk = src_w.shape[1]
    t = nk * _C
    rps = np_ // _NS
    mesh = plsc.VectorSubcoreMesh(core_axis_name="c", subcore_axis_name="s",
                                  num_cores=1)

    @functools.partial(
        pl.kernel,
        out_type=jax.ShapeDtypeStruct((np_, d), jnp.float32),
        mesh=mesh,
        scratch_types=[
            pltpu.VMEM((2, _C, _W), jnp.int32),
            pltpu.VMEM((2, _C, _W), jnp.int32),
            pltpu.VMEM((_W, d), jnp.float32),
            pltpu.VMEM((_W, d), jnp.float32),
            pltpu.VMEM_SHARED((np_, d), jnp.float32),
            pltpu.SemaphoreType.DMA,
            pltpu.SemaphoreType.DMA,
            pltpu.SemaphoreType.DMA,
            pltpu.SemaphoreType.DMA,
            pltpu.SemaphoreType.DMA,
        ],
    )
    def k(h_hbm, seed_hbm, src_hbm, dst_hbm, out_hbm, src_v, dst_v, buf_a,
          buf_b, acc, gsem_a, gsem_b, ssem_a, ssem_b, isem):
        s = lax.axis_index("s")

        def wait_idx():
            pltpu.make_async_copy(src_hbm.at[s, 0], src_v.at[0], isem).wait()
            pltpu.make_async_copy(dst_hbm.at[s, 0], dst_v.at[0], isem).wait()

        pltpu.async_copy(src_hbm.at[s, 0], src_v.at[0], isem)
        pltpu.async_copy(dst_hbm.at[s, 0], dst_v.at[0], isem)
        pltpu.sync_copy(seed_hbm.at[pl.ds(s * rps, rps)],
                        acc.at[pl.ds(s * rps, rps)])
        wait_idx()
        plsc.subcore_barrier()

        pltpu.async_copy(h_hbm.at[src_v.at[0, 0]], buf_a, gsem_a)
        pltpu.async_copy(h_hbm.at[src_v.at[0, 1]], buf_b, gsem_b)

        @pl.loop(0, t, step=2)
        def _(w):
            k_ = w // _C
            kp = lax.rem(k_, 2)

            @pl.when(lax.rem(w, _C) == 0)
            def _():
                @pl.when(k_ + 1 < nk)
                def _():
                    knp = lax.rem(k_ + 1, 2)
                    pltpu.async_copy(src_hbm.at[s, k_ + 1], src_v.at[knp],
                                     isem)
                    pltpu.async_copy(dst_hbm.at[s, k_ + 1], dst_v.at[knp],
                                     isem)

            pltpu.make_async_copy(h_hbm.at[src_v.at[0, 0]], buf_a,
                                  gsem_a).wait()
            pltpu.async_copy(buf_a, acc.at[dst_v.at[kp, lax.rem(w, _C)]],
                             ssem_a, add=True)

            pltpu.make_async_copy(h_hbm.at[src_v.at[0, 0]], buf_b,
                                  gsem_b).wait()
            pltpu.async_copy(buf_b, acc.at[dst_v.at[kp, lax.rem(w + 1, _C)]],
                             ssem_b, add=True)

            pltpu.make_async_copy(buf_a, acc.at[dst_v.at[0, 0]],
                                  ssem_a).wait()

            @pl.when(w + 2 < t)
            def _():
                @pl.when(lax.rem(w + 2, _C) == 0)
                def _():
                    wait_idx()

                pltpu.async_copy(
                    h_hbm.at[src_v.at[lax.rem((w + 2) // _C, 2),
                                      lax.rem(w + 2, _C)]],
                    buf_a, gsem_a)

            pltpu.make_async_copy(buf_b, acc.at[dst_v.at[0, 0]],
                                  ssem_b).wait()

            @pl.when(w + 3 < t)
            def _():
                pltpu.async_copy(
                    h_hbm.at[src_v.at[lax.rem((w + 3) // _C, 2),
                                      lax.rem(w + 3, _C)]],
                    buf_b, gsem_b)

        plsc.subcore_barrier()
        pltpu.sync_copy(acc.at[pl.ds(s * rps, rps)],
                        out_hbm.at[pl.ds(s * rps, rps)])

    return k(h_pad, seed, src_w, dst_w)


def _proj_tc(batch3d, gs_pad, stat_w_pad, stat_b, np_, r):
    nb, _, _ = batch3d.shape
    nl, _, h_dim = stat_w_pad.shape
    b = gs_pad.shape[0]

    def body(b_ref, gs_ref, w_ref, bias_ref, out_ref):
        gs = jnp.nan_to_num(gs_ref[...], nan=-100.0)
        bvec = b_ref[0, 0, :]
        oh = (bvec[:, None]
              == lax.broadcasted_iota(jnp.int32, (r, b), 1)).astype(jnp.float32)
        for l in range(nl):
            g = _dot(gs, w_ref[l]) + bias_ref[l][None, :]
            out_ref[l] = _dot(oh, g)

    return pl.pallas_call(
        body,
        grid=(nb,),
        in_specs=[
            pl.BlockSpec((1, 1, r), lambda i: (i, 0, 0)),
            pl.BlockSpec(gs_pad.shape, lambda i: (0, 0)),
            pl.BlockSpec(stat_w_pad.shape, lambda i: (0, 0, 0)),
            pl.BlockSpec(stat_b.shape, lambda i: (0, 0)),
        ],
        out_specs=pl.BlockSpec((nl, r, h_dim), lambda i: (0, i, 0)),
        out_shape=jax.ShapeDtypeStruct((nl, np_, h_dim), jnp.float32),
    )(batch3d, gs_pad, stat_w_pad, stat_b)


def _layer_tc(hagg0, hagg1, proj_l, w1, b1, scale, shift, w2, b2, fcw, fcb,
              last, r):
    np_, h_dim = hagg0.shape
    nb = np_ // r

    def body(p0_ref, p1_ref, pr_ref, w1_ref, b1_ref, sc_ref, sh_ref, w2_ref,
             b2_ref, fw_ref, fb_ref, out_ref):
        p = p0_ref[...] + p1_ref[...]
        z = _leaky(_dot(p, w1_ref[...]) + b1_ref[...])
        z = z * sc_ref[...] + sh_ref[...]
        z = _leaky(_dot(z, w2_ref[...]) + b2_ref[...])
        z = z + pr_ref[...]
        if last:
            z = _dot(z, fw_ref[...]) + fb_ref[...]
        out_ref[...] = z

    return pl.pallas_call(
        body,
        grid=(nb,),
        in_specs=[
            pl.BlockSpec((r, h_dim), lambda i: (i, 0)),
            pl.BlockSpec((r, h_dim), lambda i: (i, 0)),
            pl.BlockSpec((r, h_dim), lambda i: (i, 0)),
            pl.BlockSpec(w1.shape, lambda i: (0, 0)),
            pl.BlockSpec(b1.shape, lambda i: (0, 0)),
            pl.BlockSpec(scale.shape, lambda i: (0, 0)),
            pl.BlockSpec(shift.shape, lambda i: (0, 0)),
            pl.BlockSpec(w2.shape, lambda i: (0, 0)),
            pl.BlockSpec(b2.shape, lambda i: (0, 0)),
            pl.BlockSpec(fcw.shape, lambda i: (0, 0)),
            pl.BlockSpec(fcb.shape, lambda i: (0, 0)),
        ],
        out_specs=pl.BlockSpec((r, h_dim), lambda i: (i, 0)),
        out_shape=jax.ShapeDtypeStruct((np_, h_dim), jnp.float32),
    )(hagg0, hagg1, proj_l, w1, b1, scale, shift, w2, b2, fcw, fcb)


def kernel(x, edge_index, batch, graph_stats, lin1_w, lin1_b, bn_g, bn_b,
           lin2_w, lin2_b, stat_w, stat_b, fc_w, fc_b):
    n, d = x.shape
    nl, _, h_dim = lin1_w.shape
    e = edge_index.shape[1]

    np_ = (n // (_NS * 64) + 1) * (_NS * 64)

    eh = e // 2
    nk = math.ceil(eh / (_NS * _C * _W))
    t = nk * _C
    pad = _NS * t * _W - eh
    src_w = []
    dst_w = []
    for half in range(2):
        src = lax.slice(edge_index[0], (half * eh,), ((half + 1) * eh,))
        dst = lax.slice(edge_index[1], (half * eh,), ((half + 1) * eh,))
        if pad:
            pidx = jnp.arange(pad, dtype=jnp.int32)
            src = jnp.concatenate([src, pidx % n])
            dst = jnp.concatenate([dst, n + pidx % (np_ - n)])
        src_w.append(src.reshape(_NS, nk, _C, _W))
        dst_w.append(dst.reshape(_NS, nk, _C, _W))

    h = jnp.pad(x, ((0, np_ - n), (0, 0)))

    r = 512
    batch3d = jnp.pad(batch, (0, np_ - n)).reshape(np_ // r, 1, r)
    gs_pad = jnp.pad(graph_stats, ((0, 0), (0, 1)))
    stat_w_pad = jnp.pad(stat_w, ((0, 0), (0, 1), (0, 0)))
    proj = _proj_tc(batch3d, gs_pad, stat_w_pad, stat_b, np_, r)

    zeros = jnp.zeros_like(h)
    inv_std = 1.0 / math.sqrt(1.0 + 1e-5)
    for i in range(nl):
        hagg0 = _seg_sum_sc(h, h, src_w[0], dst_w[0])
        hagg1 = _seg_sum_sc(h, zeros, src_w[1], dst_w[1])
        h = _layer_tc(hagg0, hagg1, proj[i], lin1_w[i],
                      lin1_b[i][None, :], (bn_g[i] * inv_std)[None, :],
                      bn_b[i][None, :], lin2_w[i], lin2_b[i][None, :],
                      fc_w, fc_b[None, :], i == nl - 1, r)
    return h[:n]

# --- scband reference (transcript-rebuilt; emitter-appended) ---
"""Pipeline reference for scband-ginnode-level-87729001988302 (READ-ONLY COPY).

The authoritative reference and input builder live on the scoring server;
editing this copy changes nothing except your own understanding.
"""

import jax, jax.numpy as jnp
import numpy as np

N = 10000
E = 640000
D = 128
H = 128
B = 16
P = 7
L = 3

def leaky_relu(x):
    return jnp.where(x >= 0, x, 0.2 * x)

def setup_inputs(seed: int = 0):
    key = jax.random.key(seed)
    ks = jax.random.split(key, 16)
    x = jax.random.normal(ks[0], (N, D), dtype=jnp.float32)
    edge_index = jax.random.randint(ks[1], (2, E), 0, N, dtype=jnp.int32)
    batch = jnp.sort(jax.random.randint(ks[2], (N,), 0, B, dtype=jnp.int32))
    graph_stats = jax.random.normal(ks[3], (B, P), dtype=jnp.float32)
    s = 1.0 / np.sqrt(H)
    sp = 1.0 / np.sqrt(P)
    lin1_w = jax.random.uniform(ks[4], (L, D, H), minval=-s, maxval=s, dtype=jnp.float32)
    lin1_b = jax.random.uniform(ks[5], (L, H), minval=-s, maxval=s, dtype=jnp.float32)
    bn_g = jnp.ones((L, H), dtype=jnp.float32)
    bn_b = jnp.zeros((L, H), dtype=jnp.float32)
    lin2_w = jax.random.uniform(ks[6], (L, H, H), minval=-s, maxval=s, dtype=jnp.float32)
    lin2_b = jax.random.uniform(ks[7], (L, H), minval=-s, maxval=s, dtype=jnp.float32)
    stat_w = jax.random.uniform(ks[8], (L, P, H), minval=-sp, maxval=sp, dtype=jnp.float32)
    stat_b = jax.random.uniform(ks[9], (L, H), minval=-sp, maxval=sp, dtype=jnp.float32)
    fc_w = jax.random.uniform(ks[10], (H, H), minval=-s, maxval=s, dtype=jnp.float32)
    fc_b = jax.random.uniform(ks[11], (H,), minval=-s, maxval=s, dtype=jnp.float32)
    return {"x": x, "edge_index": edge_index, "batch": batch, "graph_stats": graph_stats, "lin1_w": lin1_w, "lin1_b": lin1_b, "bn_g": bn_g, "bn_b": bn_b, "lin2_w": lin2_w, "lin2_b": lin2_b, "stat_w": stat_w, "stat_b": stat_b, "fc_w": fc_w, "fc_b": fc_b}

def reference(x, edge_index, batch, graph_stats, lin1_w, lin1_b, bn_g, bn_b, lin2_w, lin2_b, stat_w, stat_b, fc_w, fc_b):
    n = x.shape[0]
    gs = jnp.nan_to_num(graph_stats, nan=-100.0)
    node_stats = gs[batch]
    src = edge_index[0]
    dst = edge_index[1]
    inv_std = 1.0 / jnp.sqrt(1.0 + 1e-5)
    h = x
    for i in range(L):
        # GINConv with eps=0: mlp((1+eps)*h + sum_{j in N(i)} h_j)
        agg = jax.ops.segment_sum(h[src], dst, num_segments=n)
        z = h + agg
        z = leaky_relu(z @ lin1_w[i] + lin1_b[i])
        # BatchNorm1d in eval mode: running_mean=0, running_var=1
        z = bn_g[i] * (z * inv_std) + bn_b[i]
        z = leaky_relu(z @ lin2_w[i] + lin2_b[i])
        h = z + (node_stats @ stat_w[i] + stat_b[i])
        # dropout is a no-op in eval mode
    return h @ fc_w + fc_b

if __name__ == "__main__":
    import jax
    _d = setup_inputs()
    print(jax.jit(kernel)(*tuple(_d.values())))

</pallas_src>

<mosaic_0001>
#map = affine_map<(d0, d1) -> (0, 0)>
#map1 = affine_map<(d0, d1) -> (0, 0, 0, 0)>
module attributes {stable_mosaic.version = 14 : i64} {
  func.func @k(%arg0: i32, %arg1: i32, %arg2: memref<10240x128xf32, #tpu.memory_space<hbm>>, %arg3: memref<10240x128xf32, #tpu.memory_space<hbm>>, %arg4: memref<16x10x16x128xi32, #tpu.memory_space<hbm>>, %arg5: memref<16x10x16x128xi32, #tpu.memory_space<hbm>>, %arg6: memref<10240x128xf32, #tpu.memory_space<hbm>>, %arg7: memref<2x16x128xi32, #tpu.memory_space<vmem>>, %arg8: memref<2x16x128xi32, #tpu.memory_space<vmem>>, %arg9: memref<128x128xf32, #tpu.memory_space<vmem>>, %arg10: memref<128x128xf32, #tpu.memory_space<vmem>>, %arg11: memref<10240x128xf32, #tpu.memory_space<vmem_shared>>, %arg12: memref<!tpu.dma_semaphore, #tpu.memory_space<semaphore_mem>>, %arg13: memref<!tpu.dma_semaphore, #tpu.memory_space<semaphore_mem>>, %arg14: memref<!tpu.dma_semaphore, #tpu.memory_space<semaphore_mem>>, %arg15: memref<!tpu.dma_semaphore, #tpu.memory_space<semaphore_mem>>, %arg16: memref<!tpu.dma_semaphore, #tpu.memory_space<semaphore_mem>>) attributes {dimension_semantics = [#tpu.dimension_semantics<core_parallel>, #tpu.dimension_semantics<subcore_parallel>], iteration_bounds = array<i64: 1, 16>, scalar_prefetch = 0 : i64, scratch_operands = 10 : i64, tpu.core_type = #tpu.core_type<sc_vector_subcore>, window_params = [{transform_indices = #map}, {transform_indices = #map}, {transform_indices = #map1}, {transform_indices = #map1}, {transform_indices = #map}]} {
    %dma_start3A = arith.constant 0 : i32
    %dma_start3A_0 = arith.constant 0 : i32
    %dma_start3A_1 = arith.constant 0 : i32
    %dma_start3A_2 = arith.constant 0 : i32
    %dma_start3A_3 = tpu.memref_slice %arg7[%dma_start3A_0, %dma_start3A_1, %dma_start3A_2] : memref<2x16x128xi32, #tpu.memory_space<vmem>> -> memref<1x16x128xi32, #tpu.memory_space<vmem>>
    %dma_start3A_4 = tpu.memref_squeeze %dma_start3A_3 : memref<1x16x128xi32, #tpu.memory_space<vmem>> -> memref<16x128xi32, #tpu.memory_space<vmem>>
    %dma_start3A_5 = arith.constant 0 : i32
    %dma_start3A_6 = arith.constant 0 : i32
    %dma_start3A_7 = tpu.memref_slice %arg4[%arg1, %dma_start3A, %dma_start3A_5, %dma_start3A_6] : memref<16x10x16x128xi32, #tpu.memory_space<hbm>> -> memref<1x1x16x128xi32, #tpu.memory_space<hbm>>
    %dma_start3A_8 = tpu.memref_squeeze %dma_start3A_7 : memref<1x1x16x128xi32, #tpu.memory_space<hbm>> -> memref<16x128xi32, #tpu.memory_space<hbm>>
    %dma_start3A_9 = arith.constant 0 : i32
    %dma_start3A_10 = arith.constant 0 : i32
    %dma_start3A_11 = tpu.memref_slice %arg7[%dma_start3A_0, %dma_start3A_9, %dma_start3A_10] : memref<2x16x128xi32, #tpu.memory_space<vmem>> -> memref<1x16x128xi32, #tpu.memory_space<vmem>>
    %dma_start3A_12 = tpu.memref_squeeze %dma_start3A_11 : memref<1x16x128xi32, #tpu.memory_space<vmem>> -> memref<16x128xi32, #tpu.memory_space<vmem>>
    %dma_start3A_13 = arith.constant 0 : i32
    %dma_start3A_14 = arith.constant 0 : i32
    %dma_start3A_15 = tpu.memref_slice %arg4[%arg1, %dma_start3A, %dma_start3A_13, %dma_start3A_14] : memref<16x10x16x128xi32, #tpu.memory_space<hbm>> -> memref<1x1x16x128xi32, #tpu.memory_space<hbm>>
    %dma_start3A_16 = tpu.memref_squeeze %dma_start3A_15 : memref<1x1x16x128xi32, #tpu.memory_space<hbm>> -> memref<16x128xi32, #tpu.memory_space<hbm>>
    tpu.enqueue_dma source(%dma_start3A_16 : memref<16x128xi32, #tpu.memory_space<hbm>>) target(%dma_start3A_12 : memref<16x128xi32, #tpu.memory_space<vmem>>) target_semaphore(%arg16 : memref<!tpu.dma_semaphore, #tpu.memory_space<semaphore_mem>>)
    %dma_start3A_17 = arith.constant 0 : i32
    %dma_start3A_18 = arith.constant 0 : i32
    %dma_start3A_19 = arith.constant 0 : i32
    %dma_start3A_20 = arith.constant 0 : i32
    %dma_start3A_21 = tpu.memref_slice %arg8[%dma_start3A_18, %dma_start3A_19, %dma_start3A_20] : memref<2x16x128xi32, #tpu.memory_space<vmem>> -> memref<1x16x128xi32, #tpu.memory_space<vmem>>
    %dma_start3A_22 = tpu.memref_squeeze %dma_start3A_21 : memref<1x16x128xi32, #tpu.memory_space<vmem>> -> memref<16x128xi32, #tpu.memory_space<vmem>>
    %dma_start3A_23 = arith.constant 0 : i32
    %dma_start3A_24 = arith.constant 0 : i32
    %dma_start3A_25 = tpu.memref_slice %arg5[%arg1, %dma_start3A_17, %dma_start3A_23, %dma_start3A_24] : memref<16x10x16x128xi32, #tpu.memory_space<hbm>> -> memref<1x1x16x128xi32, #tpu.memory_space<hbm>>
    %dma_start3A_26 = tpu.memref_squeeze %dma_start3A_25 : memref<1x1x16x128xi32, #tpu.memory_space<hbm>> -> memref<16x128xi32, #tpu.memory_space<hbm>>
    %dma_start3A_27 = arith.constant 0 : i32
    %dma_start3A_28 = arith.constant 0 : i32
    %dma_start3A_29 = tpu.memref_slice %arg8[%dma_start3A_18, %dma_start3A_27, %dma_start3A_28] : memref<2x16x128xi32, #tpu.memory_space<vmem>> -> memref<1x16x128xi32, #tpu.memory_space<vmem>>
    %dma_start3A_30 = tpu.memref_squeeze %dma_start3A_29 : memref<1x16x128xi32, #tpu.memory_space<vmem>> -> memref<16x128xi32, #tpu.memory_space<vmem>>
    %dma_start3A_31 = arith.constant 0 : i32
    %dma_start3A_32 = arith.constant 0 : i32
    %dma_start3A_33 = tpu.memref_slice %arg5[%arg1, %dma_start3A_17, %dma_start3A_31, %dma_start3A_32] : memref<16x10x16x128xi32, #tpu.memory_space<hbm>> -> memref<1x1x16x128xi32, #tpu.memory_space<hbm>>
    %dma_start3A_34 = tpu.memref_squeeze %dma_start3A_33 : memref<1x1x16x128xi32, #tpu.memory_space<hbm>> -> memref<16x128xi32, #tpu.memory_space<hbm>>
    tpu.enqueue_dma source(%dma_start3A_34 : memref<16x128xi32, #tpu.memory_space<hbm>>) target(%dma_start3A_30 : memref<16x128xi32, #tpu.memory_space<vmem>>) target_semaphore(%arg16 : memref<!tpu.dma_semaphore, #tpu.memory_space<semaphore_mem>>)
    %mul3A = arith.constant 640 : i32
    %mul3A_35 = arith.muli %arg1, %mul3A : i32
    %mul3A_36 = arith.constant 640 : i32
    %mul3A_37 = arith.muli %arg1, %mul3A_36 : i32
    "tpu.region"() ({
      %run_scoped3A = tpu.sem_alloc : memref<!tpu.dma_semaphore, #tpu.memory_space<semaphore_mem>>
      %dma_start3A_98 = arith.constant 0 : i32
      %dma_start3A_99 = tpu.memref_slice %arg11[%mul3A_37, %dma_start3A_98] : memref<10240x128xf32, #tpu.memory_space<vmem_shared>> -> memref<640x128xf32, #tpu.memory_space<vmem_shared>>
      %dma_start3A_100 = arith.constant 0 : i32
      %dma_start3A_101 = tpu.memref_slice %arg3[%mul3A_35, %dma_start3A_100] : memref<10240x128xf32, #tpu.memory_space<hbm>> -> memref<640x128xf32, #tpu.memory_space<hbm>>
      tpu.enqueue_dma source(%dma_start3A_101 : memref<640x128xf32, #tpu.memory_space<hbm>>) target(%dma_start3A_99 : memref<640x128xf32, #tpu.memory_space<vmem_shared>>) target_semaphore(%run_scoped3A : memref<!tpu.dma_semaphore, #tpu.memory_space<semaphore_mem>>)
      %dma_wait3A_102 = arith.constant 0 : i32
      %dma_wait3A_103 = tpu.memref_slice %arg11[%mul3A_37, %dma_wait3A_102] : memref<10240x128xf32, #tpu.memory_space<vmem_shared>> -> memref<640x128xf32, #tpu.memory_space<vmem_shared>>
      %dma_wait3A_104 = arith.constant 0 : i32
      %dma_wait3A_105 = tpu.memref_slice %arg3[%mul3A_35, %dma_wait3A_104] : memref<10240x128xf32, #tpu.memory_space<hbm>> -> memref<640x128xf32, #tpu.memory_space<hbm>>
      tpu.wait_dma2 semaphore(%run_scoped3A : memref<!tpu.dma_semaphore, #tpu.memory_space<semaphore_mem>>) src(%dma_wait3A_105 : memref<640x128xf32, #tpu.memory_space<hbm>>) dst(%dma_wait3A_103 : memref<640x128xf32, #tpu.memory_space<vmem_shared>>)
      tpu.yield
    }) : () -> ()
    %dma_wait3A = arith.constant 0 : i32
    %dma_wait3A_38 = arith.constant 0 : i32
    %dma_wait3A_39 = arith.constant 0 : i32
    %dma_wait3A_40 = arith.constant 0 : i32
    %dma_wait3A_41 = tpu.memref_slice %arg7[%dma_wait3A_38, %dma_wait3A_39, %dma_wait3A_40] : memref<2x16x128xi32, #tpu.memory_space<vmem>> -> memref<1x16x128xi32, #tpu.memory_space<vmem>>
    %dma_wait3A_42 = tpu.memref_squeeze %dma_wait3A_41 : memref<1x16x128xi32, #tpu.memory_space<vmem>> -> memref<16x128xi32, #tpu.memory_space<vmem>>
    %dma_wait3A_43 = arith.constant 0 : i32
    %dma_wait3A_44 = arith.constant 0 : i32
    %dma_wait3A_45 = tpu.memref_slice %arg4[%arg1, %dma_wait3A, %dma_wait3A_43, %dma_wait3A_44] : memref<16x10x16x128xi32, #tpu.memory_space<hbm>> -> memref<1x1x16x128xi32, #tpu.memory_space<hbm>>
    %dma_wait3A_46 = tpu.memref_squeeze %dma_wait3A_45 : memref<1x1x16x128xi32, #tpu.memory_space<hbm>> -> memref<16x128xi32, #tpu.memory_space<hbm>>
    %dma_wait3A_47 = arith.constant 0 : i32
    %dma_wait3A_48 = arith.constant 0 : i32
    %dma_wait3A_49 = tpu.memref_slice %arg7[%dma_wait3A_38, %dma_wait3A_47, %dma_wait3A_48] : memref<2x16x128xi32, #tpu.memory_space<vmem>> -> memref<1x16x128xi32, #tpu.memory_space<vmem>>
    %dma_wait3A_50 = tpu.memref_squeeze %dma_wait3A_49 : memref<1x16x128xi32, #tpu.memory_space<vmem>> -> memref<16x128xi32, #tpu.memory_space<vmem>>
    %dma_wait3A_51 = arith.constant 0 : i32
    %dma_wait3A_52 = arith.constant 0 : i32
    %dma_wait3A_53 = tpu.memref_slice %arg4[%arg1, %dma_wait3A, %dma_wait3A_51, %dma_wait3A_52] : memref<16x10x16x128xi32, #tpu.memory_space<hbm>> -> memref<1x1x16x128xi32, #tpu.memory_space<hbm>>
    %dma_wait3A_54 = tpu.memref_squeeze %dma_wait3A_53 : memref<1x1x16x128xi32, #tpu.memory_space<hbm>> -> memref<16x128xi32, #tpu.memory_space<hbm>>
    tpu.wait_dma2 semaphore(%arg16 : memref<!tpu.dma_semaphore, #tpu.memory_space<semaphore_mem>>) src(%dma_wait3A_54 : memref<16x128xi32, #tpu.memory_space<hbm>>) dst(%dma_wait3A_50 : memref<16x128xi32, #tpu.memory_space<vmem>>)
    %dma_wait3A_55 = arith.constant 0 : i32
    %dma_wait3A_56 = arith.constant 0 : i32
    %dma_wait3A_57 = arith.constant 0 : i32
    %dma_wait3A_58 = arith.constant 0 : i32
    %dma_wait3A_59 = tpu.memref_slice %arg8[%dma_wait3A_56, %dma_wait3A_57, %dma_wait3A_58] : memref<2x16x128xi32, #tpu.memory_space<vmem>> -> memref<1x16x128xi32, #tpu.memory_space<vmem>>
    %dma_wait3A_60 = tpu.memref_squeeze %dma_wait3A_59 : memref<1x16x128xi32, #tpu.memory_space<vmem>> -> memref<16x128xi32, #tpu.memory_space<vmem>>
    %dma_wait3A_61 = arith.constant 0 : i32
    %dma_wait3A_62 = arith.constant 0 : i32
    %dma_wait3A_63 = tpu.memref_slice %arg5[%arg1, %dma_wait3A_55, %dma_wait3A_61, %dma_wait3A_62] : memref<16x10x16x128xi32, #tpu.memory_space<hbm>> -> memref<1x1x16x128xi32, #tpu.memory_space<hbm>>
    %dma_wait3A_64 = tpu.memref_squeeze %dma_wait3A_63 : memref<1x1x16x128xi32, #tpu.memory_space<hbm>> -> memref<16x128xi32, #tpu.memory_space<hbm>>
    %dma_wait3A_65 = arith.constant 0 : i32
    %dma_wait3A_66 = arith.constant 0 : i32
    %dma_wait3A_67 = tpu.memref_slice %arg8[%dma_wait3A_56, %dma_wait3A_65, %dma_wait3A_66] : memref<2x16x128xi32, #tpu.memory_space<vmem>> -> memref<1x16x128xi32, #tpu.memory_space<vmem>>
    %dma_wait3A_68 = tpu.memref_squeeze %dma_wait3A_67 : memref<1x16x128xi32, #tpu.memory_space<vmem>> -> memref<16x128xi32, #tpu.memory_space<vmem>>
    %dma_wait3A_69 = arith.constant 0 : i32
    %dma_wait3A_70 = arith.constant 0 : i32
    %dma_wait3A_71 = tpu.memref_slice %arg5[%arg1, %dma_wait3A_55, %dma_wait3A_69, %dma_wait3A_70] : memref<16x10x16x128xi32, #tpu.memory_space<hbm>> -> memref<1x1x16x128xi32, #tpu.memory_space<hbm>>
    %dma_wait3A_72 = tpu.memref_squeeze %dma_wait3A_71 : memref<1x1x16x128xi32, #tpu.memory_space<hbm>> -> memref<16x128xi32, #tpu.memory_space<hbm>>
    tpu.wait_dma2 semaphore(%arg16 : memref<!tpu.dma_semaphore, #tpu.memory_space<semaphore_mem>>) src(%dma_wait3A_72 : memref<16x128xi32, #tpu.memory_space<hbm>>) dst(%dma_wait3A_68 : memref<16x128xi32, #tpu.memory_space<vmem>>)
    %barrier3A = arith.constant 0 : index
    tpu.barrier barrier_id(%barrier3A)
    %dma_start3A_73 = arith.constant 0 : i32
    %dma_start3A_74 = arith.constant 0 : i32
    %dma_start3A_75 = arith.constant 0 : i32
    %dma_start3A_76 = tpu.memref_slice %arg7[%dma_start3A_73, %dma_start3A_74, %dma_start3A_75] : memref<2x16x128xi32, #tpu.memory_space<vmem>> -> memref<1x1x128xi32, #tpu.memory_space<vmem>>
    %dma_start3A_77 = tpu.memref_squeeze %dma_start3A_76 : memref<1x1x128xi32, #tpu.memory_space<vmem>> -> memref<128xi32, #tpu.memory_space<vmem>>
    %dma_start3A_78 = arith.constant 0 : i32
    %dma_start3A_79 = arith.constant 0 : i32
    %dma_start3A_80 = tpu.memref_slice %arg2[%dma_start3A_78, %dma_start3A_79] : memref<10240x128xf32, #tpu.memory_space<hbm>> -> memref<10240x128xf32, #tpu.memory_space<hbm>>
    tpu.enqueue_indirect_dma source(%dma_start3A_80 : memref<10240x128xf32, #tpu.memory_space<hbm>>) target(%arg9 : memref<128x128xf32, #tpu.memory_space<vmem>>) offsets(%dma_start3A_77 : memref<128xi32, #tpu.memory_space<vmem>>) semaphore(%arg12 : memref<!tpu.dma_semaphore, #tpu.memory_space<semaphore_mem>>)
    %dma_start3A_81 = arith.constant 0 : i32
    %dma_start3A_82 = arith.constant 1 : i32
    %dma_start3A_83 = arith.constant 0 : i32
    %dma_start3A_84 = tpu.memref_slice %arg7[%dma_start3A_81, %dma_start3A_82, %dma_start3A_83] : memref<2x16x128xi32, #tpu.memory_space<vmem>> -> memref<1x1x128xi32, #tpu.memory_space<vmem>>
    %dma_start3A_85 = tpu.memref_squeeze %dma_start3A_84 : memref<1x1x128xi32, #tpu.memory_space<vmem>> -> memref<128xi32, #tpu.memory_space<vmem>>
    %dma_start3A_86 = arith.constant 0 : i32
    %dma_start3A_87 = arith.constant 0 : i32
    %dma_start3A_88 = tpu.memref_slice %arg2[%dma_start3A_86, %dma_start3A_87] : memref<10240x128xf32, #tpu.memory_space<hbm>> -> memref<10240x128xf32, #tpu.memory_space<hbm>>
    tpu.enqueue_indirect_dma source(%dma_start3A_88 : memref<10240x128xf32, #tpu.memory_space<hbm>>) target(%arg10 : memref<128x128xf32, #tpu.memory_space<vmem>>) offsets(%dma_start3A_85 : memref<128xi32, #tpu.memory_space<vmem>>) semaphore(%arg13 : memref<!tpu.dma_semaphore, #tpu.memory_space<semaphore_mem>>)
    %scan3A = arith.constant 0 : i32
    %scan3A_89 = arith.constant 80 : i32
    %scan3A_90 = arith.addi %scan3A, %scan3A_89 : i32
    %scan3A_91 = arith.constant 1 : i32
    scf.for %scan3A_98 = %scan3A to %scan3A_90 step %scan3A_91  : i32 {
      %mul3A_99 = arith.constant 2 : i32
      %mul3A_100 = arith.muli %scan3A_98, %mul3A_99 : i32
      %add3A = arith.constant 0 : i32
      %add3A_101 = arith.addi %add3A, %mul3A_100 : i32
      %jit3A = arith.constant 16 : i32
      %div3A = arith.divsi %add3A_101, %jit3A : i32
      %sign3A = arith.constant 0 : i32
      %sign3A_102 = arith.cmpi sgt, %add3A_101, %sign3A : i32
      %sign3A_103 = arith.extui %sign3A_102 : i1 to i32
      %sign3A_104 = arith.constant 0 : i32
      %sign3A_105 = arith.cmpi slt, %add3A_101, %sign3A_104 : i32
      %sign3A_106 = arith.extui %sign3A_105 : i1 to i32
      %sign3A_107 = arith.subi %sign3A_103, %sign3A_106 : i32
      %sign3A_108 = arith.constant 0 : i32
      %sign3A_109 = arith.cmpi sgt, %jit3A, %sign3A_108 : i32
      %sign3A_110 = arith.extui %sign3A_109 : i1 to i32
      %sign3A_111 = arith.constant 0 : i32
      %sign3A_112 = arith.cmpi slt, %jit3A, %sign3A_111 : i32
      %sign3A_113 = arith.extui %sign3A_112 : i1 to i32
      %sign3A_114 = arith.subi %sign3A_110, %sign3A_113 : i32
      %ne3A = arith.cmpi ne, %sign3A_107, %sign3A_114 : i32
      %rem3A = arith.remsi %add3A_101, %jit3A : i32
      %ne3A_115 = arith.constant 0 : i32
      %ne3A_116 = arith.cmpi ne, %rem3A, %ne3A_115 : i32
      %and3A = arith.andi %ne3A, %ne3A_116 : i1
      %sub3A = arith.constant 1 : i32
      %sub3A_117 = arith.subi %div3A, %sub3A : i32
      %select_n3A = arith.select %and3A, %sub3A_117, %div3A : i32
      %rem3A_118 = arith.constant 2 : i32
      %rem3A_119 = arith.remsi %select_n3A, %rem3A_118 : i32
      %rem3A_120 = arith.constant 16 : i32
      %rem3A_121 = arith.remsi %add3A_101, %rem3A_120 : i32
      %eq3A = arith.constant 0 : i32
      %eq3A_122 = arith.cmpi eq, %rem3A_121, %eq3A : i32
      %convert_element_type3A = arith.extui %eq3A_122 : i1 to i32
      %cond3A = arith.constant 0 : i32
      %cond3A_123 = arith.cmpi ne, %convert_element_type3A, %cond3A : i32
      scf.if %cond3A_123 {
        %add3A_187 = arith.constant 1 : i32
        %add3A_188 = arith.addi %select_n3A, %add3A_187 : i32
        %lt3A_189 = arith.constant 10 : i32
        %lt3A_190 = arith.cmpi slt, %add3A_188, %lt3A_189 : i32
        %convert_element_type3A_191 = arith.extui %lt3A_190 : i1 to i32
        %cond3A_192 = arith.constant 0 : i32
        %cond3A_193 = arith.cmpi ne, %convert_element_type3A_191, %cond3A_192 : i32
        scf.if %cond3A_193 {
          %add3A_194 = arith.constant 1 : i32
          %add3A_195 = arith.addi %select_n3A, %add3A_194 : i32
          %rem3A_196 = arith.constant 2 : i32
          %rem3A_197 = arith.remsi %add3A_195, %rem3A_196 : i32
          %add3A_198 = arith.constant 1 : i32
          %add3A_199 = arith.addi %select_n3A, %add3A_198 : i32
          %dma_start3A_200 = arith.constant 0 : i32
          %dma_start3A_201 = arith.constant 0 : i32
          %dma_start3A_202 = tpu.memref_slice %arg7[%rem3A_197, %dma_start3A_200, %dma_start3A_201] : memref<2x16x128xi32, #tpu.memory_space<vmem>> -> memref<1x16x128xi32, #tpu.memory_space<vmem>>
          %dma_start3A_203 = tpu.memref_squeeze %dma_start3A_202 : memref<1x16x128xi32, #tpu.memory_space<vmem>> -> memref<16x128xi32, #tpu.memory_space<vmem>>
          %dma_start3A_204 = arith.constant 0 : i32
          %dma_start3A_205 = arith.constant 0 : i32
          %dma_start3A_206 = tpu.memref_slice %arg4[%arg1, %add3A_199, %dma_start3A_204, %dma_start3A_205] : memref<16x10x16x128xi32, #tpu.memory_space<hbm>> -> memref<1x1x16x128xi32, #tpu.memory_space<hbm>>
          %dma_start3A_207 = tpu.memref_squeeze %dma_start3A_206 : memref<1x1x16x128xi32, #tpu.memory_space<hbm>> -> memref<16x128xi32, #tpu.memory_space<hbm>>
          %dma_start3A_208 = arith.constant 0 : i32
          %dma_start3A_209 = arith.constant 0 : i32
          %dma_start3A_210 = tpu.memref_slice %arg7[%rem3A_197, %dma_start3A_208, %dma_start3A_209] : memref<2x16x128xi32, #tpu.memory_space<vmem>> -> memref<1x16x128xi32, #tpu.memory_space<vmem>>
          %dma_start3A_211 = tpu.memref_squeeze %dma_start3A_210 : memref<1x16x128xi32, #tpu.memory_space<vmem>> -> memref<16x128xi32, #tpu.memory_space<vmem>>
          %dma_start3A_212 = arith.constant 0 : i32
          %dma_start3A_213 = arith.constant 0 : i32
          %dma_start3A_214 = tpu.memref_slice %arg4[%arg1, %add3A_199, %dma_start3A_212, %dma_start3A_213] : memref<16x10x16x128xi32, #tpu.memory_space<hbm>> -> memref<1x1x16x128xi32, #tpu.memory_space<hbm>>
          %dma_start3A_215 = tpu.memref_squeeze %dma_start3A_214 : memref<1x1x16x128xi32, #tpu.memory_space<hbm>> -> memref<16x128xi32, #tpu.memory_space<hbm>>
          tpu.enqueue_dma source(%dma_start3A_215 : memref<16x128xi32, #tpu.memory_space<hbm>>) target(%dma_start3A_211 : memref<16x128xi32, #tpu.memory_space<vmem>>) target_semaphore(%arg16 : memref<!tpu.dma_semaphore, #tpu.memory_space<semaphore_mem>>)
          %add3A_216 = arith.constant 1 : i32
          %add3A_217 = arith.addi %select_n3A, %add3A_216 : i32
          %dma_start3A_218 = arith.constant 0 : i32
          %dma_start3A_219 = arith.constant 0 : i32
          %dma_start3A_220 = tpu.memref_slice %arg8[%rem3A_197, %dma_start3A_218, %dma_start3A_219] : memref<2x16x128xi32, #tpu.memory_space<vmem>> -> memref<1x16x128xi32, #tpu.memory_space<vmem>>
          %dma_start3A_221 = tpu.memref_squeeze %dma_start3A_220 : memref<1x16x128xi32, #tpu.memory_space<vmem>> -> memref<16x128xi32, #tpu.memory_space<vmem>>
          %dma_start3A_222 = arith.constant 0 : i32
          %dma_start3A_223 = arith.constant 0 : i32
          %dma_start3A_224 = tpu.memref_slice %arg5[%arg1, %add3A_217, %dma_start3A_222, %dma_start3A_223] : memref<16x10x16x128xi32, #tpu.memory_space<hbm>> -> memref<1x1x16x128xi32, #tpu.memory_space<hbm>>
          %dma_start3A_225 = tpu.memref_squeeze %dma_start3A_224 : memref<1x1x16x128xi32, #tpu.memory_space<hbm>> -> memref<16x128xi32, #tpu.memory_space<hbm>>
          %dma_start3A_226 = arith.constant 0 : i32
          %dma_start3A_227 = arith.constant 0 : i32
          %dma_start3A_228 = tpu.memref_slice %arg8[%rem3A_197, %dma_start3A_226, %dma_start3A_227] : memref<2x16x128xi32, #tpu.memory_space<vmem>> -> memref<1x16x128xi32, #tpu.memory_space<vmem>>
          %dma_start3A_229 = tpu.memref_squeeze %dma_start3A_228 : memref<1x16x128xi32, #tpu.memory_space<vmem>> -> memref<16x128xi32, #tpu.memory_space<vmem>>
          %dma_start3A_230 = arith.constant 0 : i32
          %dma_start3A_231 = arith.constant 0 : i32
          %dma_start3A_232 = tpu.memref_slice %arg5[%arg1, %add3A_217, %dma_start3A_230, %dma_start3A_231] : memref<16x10x16x128xi32, #tpu.memory_space<hbm>> -> memref<1x1x16x128xi32, #tpu.memory_space<hbm>>
          %dma_start3A_233 = tpu.memref_squeeze %dma_start3A_232 : memref<1x1x16x128xi32, #tpu.memory_space<hbm>> -> memref<16x128xi32, #tpu.memory_space<hbm>>
          tpu.enqueue_dma source(%dma_start3A_233 : memref<16x128xi32, #tpu.memory_space<hbm>>) target(%dma_start3A_229 : memref<16x128xi32, #tpu.memory_space<vmem>>) target_semaphore(%arg16 : memref<!tpu.dma_semaphore, #tpu.memory_space<semaphore_mem>>)
        } else {
        }
      } else {
      }
      %dma_wait3A_124 = arith.constant 0 : i32
      %dma_wait3A_125 = arith.constant 0 : i32
      %dma_wait3A_126 = arith.constant 0 : i32
      %dma_wait3A_127 = tpu.memref_slice %arg7[%dma_wait3A_124, %dma_wait3A_125, %dma_wait3A_126] : memref<2x16x128xi32, #tpu.memory_space<vmem>> -> memref<1x1x128xi32, #tpu.memory_space<vmem>>
      %dma_wait3A_128 = tpu.memref_squeeze %dma_wait3A_127 : memref<1x1x128xi32, #tpu.memory_space<vmem>> -> memref<128xi32, #tpu.memory_space<vmem>>
      %dma_wait3A_129 = arith.constant 0 : i32
      %dma_wait3A_130 = arith.constant 0 : i32
      %dma_wait3A_131 = tpu.memref_slice %arg2[%dma_wait3A_129, %dma_wait3A_130] : memref<10240x128xf32, #tpu.memory_space<hbm>> -> memref<10240x128xf32, #tpu.memory_space<hbm>>
      tpu.wait_indirect_dma semaphore(%arg12 : memref<!tpu.dma_semaphore, #tpu.memory_space<semaphore_mem>>) src(%dma_wait3A_131 : memref<10240x128xf32, #tpu.memory_space<hbm>>) dst(%arg9 : memref<128x128xf32, #tpu.memory_space<vmem>>)
      %rem3A_132 = arith.constant 16 : i32
      %rem3A_133 = arith.remsi %add3A_101, %rem3A_132 : i32
      %dma_start3A_134 = arith.constant 0 : i32
      %dma_start3A_135 = tpu.memref_slice %arg8[%rem3A_119, %rem3A_133, %dma_start3A_134] : memref<2x16x128xi32, #tpu.memory_space<vmem>> -> memref<1x1x128xi32, #tpu.memory_space<vmem>>
      %dma_start3A_136 = tpu.memref_squeeze %dma_start3A_135 : memref<1x1x128xi32, #tpu.memory_space<vmem>> -> memref<128xi32, #tpu.memory_space<vmem>>
      %dma_start3A_137 = arith.constant 0 : i32
      %dma_start3A_138 = arith.constant 0 : i32
      %dma_start3A_139 = tpu.memref_slice %arg11[%dma_start3A_137, %dma_start3A_138] : memref<10240x128xf32, #tpu.memory_space<vmem_shared>> -> memref<10240x128xf32, #tpu.memory_space<vmem_shared>>
      tpu.enqueue_indirect_dma source(%arg9 : memref<128x128xf32, #tpu.memory_space<vmem>>) target(%dma_start3A_139 : memref<10240x128xf32, #tpu.memory_space<vmem_shared>>) offsets(%dma_start3A_136 : memref<128xi32, #tpu.memory_space<vmem>>) semaphore(%arg14 : memref<!tpu.dma_semaphore, #tpu.memory_space<semaphore_mem>>) {add = true}
      %dma_wait3A_140 = arith.constant 0 : i32
      %dma_wait3A_141 = arith.constant 0 : i32
      %dma_wait3A_142 = arith.constant 0 : i32
      %dma_wait3A_143 = tpu.memref_slice %arg7[%dma_wait3A_140, %dma_wait3A_141, %dma_wait3A_142] : memref<2x16x128xi32, #tpu.memory_space<vmem>> -> memref<1x1x128xi32, #tpu.memory_space<vmem>>
      %dma_wait3A_144 = tpu.memref_squeeze %dma_wait3A_143 : memref<1x1x128xi32, #tpu.memory_space<vmem>> -> memref<128xi32, #tpu.memory_space<vmem>>
      %dma_wait3A_145 = arith.constant 0 : i32
      %dma_wait3A_146 = arith.constant 0 : i32
      %dma_wait3A_147 = tpu.memref_slice %arg2[%dma_wait3A_145, %dma_wait3A_146] : memref<10240x128xf32, #tpu.memory_space<hbm>> -> memref<10240x128xf32, #tpu.memory_space<hbm>>
      tpu.wait_indirect_dma semaphore(%arg13 : memref<!tpu.dma_semaphore, #tpu.memory_space<semaphore_mem>>) src(%dma_wait3A_147 : memref<10240x128xf32, #tpu.memory_space<hbm>>) dst(%arg10 : memref<128x128xf32, #tpu.memory_space<vmem>>)
      %add3A_148 = arith.constant 1 : i32
      %add3A_149 = arith.addi %add3A_101, %add3A_148 : i32
      %rem3A_150 = arith.constant 16 : i32
      %rem3A_151 = arith.remsi %add3A_149, %rem3A_150 : i32
      %dma_start3A_152 = arith.constant 0 : i32
      %dma_start3A_153 = tpu.memref_slice %arg8[%rem3A_119, %rem3A_151, %dma_start3A_152] : memref<2x16x128xi32, #tpu.memory_space<vmem>> -> memref<1x1x128xi32, #tpu.memory_space<vmem>>
      %dma_start3A_154 = tpu.memref_squeeze %dma_start3A_153 : memref<1x1x128xi32, #tpu.memory_space<vmem>> -> memref<128xi32, #tpu.memory_space<vmem>>
      %dma_start3A_155 = arith.constant 0 : i32
      %dma_start3A_156 = arith.constant 0 : i32
      %dma_start3A_157 = tpu.memref_slice %arg11[%dma_start3A_155, %dma_start3A_156] : memref<10240x128xf32, #tpu.memory_space<vmem_shared>> -> memref<10240x128xf32, #tpu.memory_space<vmem_shared>>
      tpu.enqueue_indirect_dma source(%arg10 : memref<128x128xf32, #tpu.memory_space<vmem>>) target(%dma_start3A_157 : memref<10240x128xf32, #tpu.memory_space<vmem_shared>>) offsets(%dma_start3A_154 : memref<128xi32, #tpu.memory_space<vmem>>) semaphore(%arg15 : memref<!tpu.dma_semaphore, #tpu.memory_space<semaphore_mem>>) {add = true}
      %dma_wait3A_158 = arith.constant 0 : i32
      %dma_wait3A_159 = arith.constant 0 : i32
      %dma_wait3A_160 = arith.constant 0 : i32
      %dma_wait3A_161 = tpu.memref_slice %arg8[%dma_wait3A_158, %dma_wait3A_159, %dma_wait3A_160] : memref<2x16x128xi32, #tpu.memory_space<vmem>> -> memref<1x1x128xi32, #tpu.memory_space<vmem>>
      %dma_wait3A_162 = tpu.memref_squeeze %dma_wait3A_161 : memref<1x1x128xi32, #tpu.memory_space<vmem>> -> memref<128xi32, #tpu.memory_space<vmem>>
      %dma_wait3A_163 = arith.constant 0 : i32
      %dma_wait3A_164 = arith.constant 0 : i32
      %dma_wait3A_165 = tpu.memref_slice %arg11[%dma_wait3A_163, %dma_wait3A_164] : memref<10240x128xf32, #tpu.memory_space<vmem_shared>> -> memref<10240x128xf32, #tpu.memory_space<vmem_shared>>
      tpu.wait_indirect_dma semaphore(%arg14 : memref<!tpu.dma_semaphore, #tpu.memory_space<semaphore_mem>>) src(%arg9 : memref<128x128xf32, #tpu.memory_space<vmem>>) dst(%dma_wait3A_165 : memref<10240x128xf32, #tpu.memory_space<vmem_shared>>)
      %add3A_166 = arith.constant 2 : i32
      %add3A_167 = arith.addi %add3A_101, %add3A_166 : i32
      %lt3A = arith.constant 160 : i32
      %lt3A_168 = arith.cmpi slt, %add3A_167, %lt3A : i32
      %convert_element_type3A_169 = arith.extui %lt3A_168 : i1 to i32
      %cond3A_170 = arith.constant 0 : i32
      %cond3A_171 = arith.cmpi ne, %convert_element_type3A_169, %cond3A_170 : i32
      scf.if %cond3A_171 {
        %add3A_187 = arith.constant 2 : i32
        %add3A_188 = arith.addi %add3A_101, %add3A_187 : i32
        %rem3A_189 = arith.constant 16 : i32
        %rem3A_190 = arith.remsi %add3A_188, %rem3A_189 : i32
        %eq3A_191 = arith.constant 0 : i32
        %eq3A_192 = arith.cmpi eq, %rem3A_190, %eq3A_191 : i32
        %convert_element_type3A_193 = arith.extui %eq3A_192 : i1 to i32
        %cond3A_194 = arith.constant 0 : i32
        %cond3A_195 = arith.cmpi ne, %convert_element_type3A_193, %cond3A_194 : i32
        scf.if %cond3A_195 {
          %dma_wait3A_234 = arith.constant 0 : i32
          %dma_wait3A_235 = arith.constant 0 : i32
          %dma_wait3A_236 = arith.constant 0 : i32
          %dma_wait3A_237 = arith.constant 0 : i32
          %dma_wait3A_238 = tpu.memref_slice %arg7[%dma_wait3A_235, %dma_wait3A_236, %dma_wait3A_237] : memref<2x16x128xi32, #tpu.memory_space<vmem>> -> memref<1x16x128xi32, #tpu.memory_space<vmem>>
          %dma_wait3A_239 = tpu.memref_squeeze %dma_wait3A_238 : memref<1x16x128xi32, #tpu.memory_space<vmem>> -> memref<16x128xi32, #tpu.memory_space<vmem>>
          %dma_wait3A_240 = arith.constant 0 : i32
          %dma_wait3A_241 = arith.constant 0 : i32
          %dma_wait3A_242 = tpu.memref_slice %arg4[%arg1, %dma_wait3A_234, %dma_wait3A_240, %dma_wait3A_241] : memref<16x10x16x128xi32, #tpu.memory_space<hbm>> -> memref<1x1x16x128xi32, #tpu.memory_space<hbm>>
          %dma_wait3A_243 = tpu.memref_squeeze %dma_wait3A_242 : memref<1x1x16x128xi32, #tpu.memory_space<hbm>> -> memref<16x128xi32, #tpu.memory_space<hbm>>
          %dma_wait3A_244 = arith.constant 0 : i32
          %dma_wait3A_245 = arith.constant 0 : i32
          %dma_wait3A_246 = tpu.memref_slice %arg7[%dma_wait3A_235, %dma_wait3A_244, %dma_wait3A_245] : memref<2x16x128xi32, #tpu.memory_space<vmem>> -> memref<1x16x128xi32, #tpu.memory_space<vmem>>
          %dma_wait3A_247 = tpu.memref_squeeze %dma_wait3A_246 : memref<1x16x128xi32, #tpu.memory_space<vmem>> -> memref<16x128xi32, #tpu.memory_space<vmem>>
          %dma_wait3A_248 = arith.constant 0 : i32
          %dma_wait3A_249 = arith.constant 0 : i32
          %dma_wait3A_250 = tpu.memref_slice %arg4[%arg1, %dma_wait3A_234, %dma_wait3A_248, %dma_wait3A_249] : memref<16x10x16x128xi32, #tpu.memory_space<hbm>> -> memref<1x1x16x128xi32, #tpu.memory_space<hbm>>
          %dma_wait3A_251 = tpu.memref_squeeze %dma_wait3A_250 : memref<1x1x16x128xi32, #tpu.memory_space<hbm>> -> memref<16x128xi32, #tpu.memory_space<hbm>>
          tpu.wait_dma2 semaphore(%arg16 : memref<!tpu.dma_semaphore, #tpu.memory_space<semaphore_mem>>) src(%dma_wait3A_251 : memref<16x128xi32, #tpu.memory_space<hbm>>) dst(%dma_wait3A_247 : memref<16x128xi32, #tpu.memory_space<vmem>>)
          %dma_wait3A_252 = arith.constant 0 : i32
          %dma_wait3A_253 = arith.constant 0 : i32
          %dma_wait3A_254 = arith.constant 0 : i32
          %dma_wait3A_255 = arith.constant 0 : i32
          %dma_wait3A_256 = tpu.memref_slice %arg8[%dma_wait3A_253, %dma_wait3A_254, %dma_wait3A_255] : memref<2x16x128xi32, #tpu.memory_space<vmem>> -> memref<1x16x128xi32, #tpu.memory_space<vmem>>
          %dma_wait3A_257 = tpu.memref_squeeze %dma_wait3A_256 : memref<1x16x128xi32, #tpu.memory_space<vmem>> -> memref<16x128xi32, #tpu.memory_space<vmem>>
          %dma_wait3A_258 = arith.constant 0 : i32
          %dma_wait3A_259 = arith.constant 0 : i32
          %dma_wait3A_260 = tpu.memref_slice %arg5[%arg1, %dma_wait3A_252, %dma_wait3A_258, %dma_wait3A_259] : memref<16x10x16x128xi32, #tpu.memory_space<hbm>> -> memref<1x1x16x128xi32, #tpu.memory_space<hbm>>
          %dma_wait3A_261 = tpu.memref_squeeze %dma_wait3A_260 : memref<1x1x16x128xi32, #tpu.memory_space<hbm>> -> memref<16x128xi32, #tpu.memory_space<hbm>>
          %dma_wait3A_262 = arith.constant 0 : i32
          %dma_wait3A_263 = arith.constant 0 : i32
          %dma_wait3A_264 = tpu.memref_slice %arg8[%dma_wait3A_253, %dma_wait3A_262, %dma_wait3A_263] : memref<2x16x128xi32, #tpu.memory_space<vmem>> -> memref<1x16x128xi32, #tpu.memory_space<vmem>>
          %dma_wait3A_265 = tpu.memref_squeeze %dma_wait3A_264 : memref<1x16x128xi32, #tpu.memory_space<vmem>> -> memref<16x128xi32, #tpu.memory_space<vmem>>
          %dma_wait3A_266 = arith.constant 0 : i32
          %dma_wait3A_267 = arith.constant 0 : i32
          %dma_wait3A_268 = tpu.memref_slice %arg5[%arg1, %dma_wait3A_252, %dma_wait3A_266, %dma_wait3A_267] : memref<16x10x16x128xi32, #tpu.memory_space<hbm>> -> memref<1x1x16x128xi32, #tpu.memory_space<hbm>>
          %dma_wait3A_269 = tpu.memref_squeeze %dma_wait3A_268 : memref<1x1x16x128xi32, #tpu.memory_space<hbm>> -> memref<16x128xi32, #tpu.memory_space<hbm>>
          tpu.wait_dma2 semaphore(%arg16 : memref<!tpu.dma_semaphore, #tpu.memory_space<semaphore_mem>>) src(%dma_wait3A_269 : memref<16x128xi32, #tpu.memory_space<hbm>>) dst(%dma_wait3A_265 : memref<16x128xi32, #tpu.memory_space<vmem>>)
        } else {
        }
        %add3A_196 = arith.constant 2 : i32
        %add3A_197 = arith.addi %add3A_101, %add3A_196 : i32
        %jit3A_198 = arith.constant 16 : i32
        %div3A_199 = arith.divsi %add3A_197, %jit3A_198 : i32
        %sign3A_200 = arith.constant 0 : i32
        %sign3A_201 = arith.cmpi sgt, %add3A_197, %sign3A_200 : i32
        %sign3A_202 = arith.extui %sign3A_201 : i1 to i32
        %sign3A_203 = arith.constant 0 : i32
        %sign3A_204 = arith.cmpi slt, %add3A_197, %sign3A_203 : i32
        %sign3A_205 = arith.extui %sign3A_204 : i1 to i32
        %sign3A_206 = arith.subi %sign3A_202, %sign3A_205 : i32
        %sign3A_207 = arith.constant 0 : i32
        %sign3A_208 = arith.cmpi sgt, %jit3A_198, %sign3A_207 : i32
        %sign3A_209 = arith.extui %sign3A_208 : i1 to i32
        %sign3A_210 = arith.constant 0 : i32
        %sign3A_211 = arith.cmpi slt, %jit3A_198, %sign3A_210 : i32
        %sign3A_212 = arith.extui %sign3A_211 : i1 to i32
        %sign3A_213 = arith.subi %sign3A_209, %sign3A_212 : i32
        %ne3A_214 = arith.cmpi ne, %sign3A_206, %sign3A_213 : i32
        %rem3A_215 = arith.remsi %add3A_197, %jit3A_198 : i32
        %ne3A_216 = arith.constant 0 : i32
        %ne3A_217 = arith.cmpi ne, %rem3A_215, %ne3A_216 : i32
        %and3A_218 = arith.andi %ne3A_214, %ne3A_217 : i1
        %sub3A_219 = arith.constant 1 : i32
        %sub3A_220 = arith.subi %div3A_199, %sub3A_219 : i32
        %select_n3A_221 = arith.select %and3A_218, %sub3A_220, %div3A_199 : i32
        %rem3A_222 = arith.constant 2 : i32
        %rem3A_223 = arith.remsi %select_n3A_221, %rem3A_222 : i32
        %add3A_224 = arith.constant 2 : i32
        %add3A_225 = arith.addi %add3A_101, %add3A_224 : i32
        %rem3A_226 = arith.constant 16 : i32
        %rem3A_227 = arith.remsi %add3A_225, %rem3A_226 : i32
        %dma_start3A_228 = arith.constant 0 : i32
        %dma_start3A_229 = tpu.memref_slice %arg7[%rem3A_223, %rem3A_227, %dma_start3A_228] : memref<2x16x128xi32, #tpu.memory_space<vmem>> -> memref<1x1x128xi32, #tpu.memory_space<vmem>>
        %dma_start3A_230 = tpu.memref_squeeze %dma_start3A_229 : memref<1x1x128xi32, #tpu.memory_space<vmem>> -> memref<128xi32, #tpu.memory_space<vmem>>
        %dma_start3A_231 = arith.constant 0 : i32
        %dma_start3A_232 = arith.constant 0 : i32
        %dma_start3A_233 = tpu.memref_slice %arg2[%dma_start3A_231, %dma_start3A_232] : memref<10240x128xf32, #tpu.memory_space<hbm>> -> memref<10240x128xf32, #tpu.memory_space<hbm>>
        tpu.enqueue_indirect_dma source(%dma_start3A_233 : memref<10240x128xf32, #tpu.memory_space<hbm>>) target(%arg9 : memref<128x128xf32, #tpu.memory_space<vmem>>) offsets(%dma_start3A_230 : memref<128xi32, #tpu.memory_space<vmem>>) semaphore(%arg12 : memref<!tpu.dma_semaphore, #tpu.memory_space<semaphore_mem>>)
      } else {
      }
      %dma_wait3A_172 = arith.constant 0 : i32
      %dma_wait3A_173 = arith.constant 0 : i32
      %dma_wait3A_174 = arith.constant 0 : i32
      %dma_wait3A_175 = tpu.memref_slice %arg8[%dma_wait3A_172, %dma_wait3A_173, %dma_wait3A_174] : memref<2x16x128xi32, #tpu.memory_space<vmem>> -> memref<1x1x128xi32, #tpu.memory_space<vmem>>
      %dma_wait3A_176 = tpu.memref_squeeze %dma_wait3A_175 : memref<1x1x128xi32, #tpu.memory_space<vmem>> -> memref<128xi32, #tpu.memory_space<vmem>>
      %dma_wait3A_177 = arith.constant 0 : i32
      %dma_wait3A_178 = arith.constant 0 : i32
      %dma_wait3A_179 = tpu.memref_slice %arg11[%dma_wait3A_177, %dma_wait3A_178] : memref<10240x128xf32, #tpu.memory_space<vmem_shared>> -> memref<10240x128xf32, #tpu.memory_space<vmem_shared>>
      tpu.wait_indirect_dma semaphore(%arg15 : memref<!tpu.dma_semaphore, #tpu.memory_space<semaphore_mem>>) src(%arg10 : memref<128x128xf32, #tpu.memory_space<vmem>>) dst(%dma_wait3A_179 : memref<10240x128xf32, #tpu.memory_space<vmem_shared>>)
      %add3A_180 = arith.constant 3 : i32
      %add3A_181 = arith.addi %add3A_101, %add3A_180 : i32
      %lt3A_182 = arith.constant 160 : i32
      %lt3A_183 = arith.cmpi slt, %add3A_181, %lt3A_182 : i32
      %convert_element_type3A_184 = arith.extui %lt3A_183 : i1 to i32
      %cond3A_185 = arith.constant 0 : i32
      %cond3A_186 = arith.cmpi ne, %convert_element_type3A_184, %cond3A_185 : i32
      scf.if %cond3A_186 {
        %add3A_187 = arith.constant 3 : i32
        %add3A_188 = arith.addi %add3A_101, %add3A_187 : i32
        %jit3A_189 = arith.constant 16 : i32
        %div3A_190 = arith.divsi %add3A_188, %jit3A_189 : i32
        %sign3A_191 = arith.constant 0 : i32
        %sign3A_192 = arith.cmpi sgt, %add3A_188, %sign3A_191 : i32
        %sign3A_193 = arith.extui %sign3A_192 : i1 to i32
        %sign3A_194 = arith.constant 0 : i32
        %sign3A_195 = arith.cmpi slt, %add3A_188, %sign3A_194 : i32
        %sign3A_196 = arith.extui %sign3A_195 : i1 to i32
        %sign3A_197 = arith.subi %sign3A_193, %sign3A_196 : i32
        %sign3A_198 = arith.constant 0 : i32
        %sign3A_199 = arith.cmpi sgt, %jit3A_189, %sign3A_198 : i32
        %sign3A_200 = arith.extui %sign3A_199 : i1 to i32
        %sign3A_201 = arith.constant 0 : i32
        %sign3A_202 = arith.cmpi slt, %jit3A_189, %sign3A_201 : i32
        %sign3A_203 = arith.extui %sign3A_202 : i1 to i32
        %sign3A_204 = arith.subi %sign3A_200, %sign3A_203 : i32
        %ne3A_205 = arith.cmpi ne, %sign3A_197, %sign3A_204 : i32
        %rem3A_206 = arith.remsi %add3A_188, %jit3A_189 : i32
        %ne3A_207 = arith.constant 0 : i32
        %ne3A_208 = arith.cmpi ne, %rem3A_206, %ne3A_207 : i32
        %and3A_209 = arith.andi %ne3A_205, %ne3A_208 : i1
        %sub3A_210 = arith.constant 1 : i32
        %sub3A_211 = arith.subi %div3A_190, %sub3A_210 : i32
        %select_n3A_212 = arith.select %and3A_209, %sub3A_211, %div3A_190 : i32
        %rem3A_213 = arith.constant 2 : i32
        %rem3A_214 = arith.remsi %select_n3A_212, %rem3A_213 : i32
        %add3A_215 = arith.constant 3 : i32
        %add3A_216 = arith.addi %add3A_101, %add3A_215 : i32
        %rem3A_217 = arith.constant 16 : i32
        %rem3A_218 = arith.remsi %add3A_216, %rem3A_217 : i32
        %dma_start3A_219 = arith.constant 0 : i32
        %dma_start3A_220 = tpu.memref_slice %arg7[%rem3A_214, %rem3A_218, %dma_start3A_219] : memref<2x16x128xi32, #tpu.memory_space<vmem>> -> memref<1x1x128xi32, #tpu.memory_space<vmem>>
        %dma_start3A_221 = tpu.memref_squeeze %dma_start3A_220 : memref<1x1x128xi32, #tpu.memory_space<vmem>> -> memref<128xi32, #tpu.memory_space<vmem>>
        %dma_start3A_222 = arith.constant 0 : i32
        %dma_start3A_223 = arith.constant 0 : i32
        %dma_start3A_224 = tpu.memref_slice %arg2[%dma_start3A_222, %dma_start3A_223] : memref<10240x128xf32, #tpu.memory_space<hbm>> -> memref<10240x128xf32, #tpu.memory_space<hbm>>
        tpu.enqueue_indirect_dma source(%dma_start3A_224 : memref<10240x128xf32, #tpu.memory_space<hbm>>) target(%arg10 : memref<128x128xf32, #tpu.memory_space<vmem>>) offsets(%dma_start3A_221 : memref<128xi32, #tpu.memory_space<vmem>>) semaphore(%arg13 : memref<!tpu.dma_semaphore, #tpu.memory_space<semaphore_mem>>)
      } else {
      }
    }
    %scan3A_92 = arith.constant 80 : i32
    %barrier3A_93 = arith.constant 0 : index
    tpu.barrier barrier_id(%barrier3A_93)
    %mul3A_94 = arith.constant 640 : i32
    %mul3A_95 = arith.muli %arg1, %mul3A_94 : i32
    %mul3A_96 = arith.constant 640 : i32
    %mul3A_97 = arith.muli %arg1, %mul3A_96 : i32
    "tpu.region"() ({
      %run_scoped3A = tpu.sem_alloc : memref<!tpu.dma_semaphore, #tpu.memory_space<semaphore_mem>>
      %dma_start3A_98 = arith.constant 0 : i32
      %dma_start3A_99 = tpu.memref_slice %arg6[%mul3A_97, %dma_start3A_98] : memref<10240x128xf32, #tpu.memory_space<hbm>> -> memref<640x128xf32, #tpu.memory_space<hbm>>
      %dma_start3A_100 = arith.constant 0 : i32
      %dma_start3A_101 = tpu.memref_slice %arg11[%mul3A_95, %dma_start3A_100] : memref<10240x128xf32, #tpu.memory_space<vmem_shared>> -> memref<640x128xf32, #tpu.memory_space<vmem_shared>>
      tpu.enqueue_dma source(%dma_start3A_101 : memref<640x128xf32, #tpu.memory_space<vmem_shared>>) target(%dma_start3A_99 : memref<640x128xf32, #tpu.memory_space<hbm>>) target_semaphore(%run_scoped3A : memref<!tpu.dma_semaphore, #tpu.memory_space<semaphore_mem>>)
      %dma_wait3A_102 = arith.constant 0 : i32
      %dma_wait3A_103 = tpu.memref_slice %arg6[%mul3A_97, %dma_wait3A_102] : memref<10240x128xf32, #tpu.memory_space<hbm>> -> memref<640x128xf32, #tpu.memory_space<hbm>>
      %dma_wait3A_104 = arith.constant 0 : i32
      %dma_wait3A_105 = tpu.memref_slice %arg11[%mul3A_95, %dma_wait3A_104] : memref<10240x128xf32, #tpu.memory_space<vmem_shared>> -> memref<640x128xf32, #tpu.memory_space<vmem_shared>>
      tpu.wait_dma2 semaphore(%run_scoped3A : memref<!tpu.dma_semaphore, #tpu.memory_space<semaphore_mem>>) src(%dma_wait3A_105 : memref<640x128xf32, #tpu.memory_space<vmem_shared>>) dst(%dma_wait3A_103 : memref<640x128xf32, #tpu.memory_space<hbm>>)
      tpu.yield
    }) : () -> ()
    return
  }
}

#map = affine_map<(d0, d1) -> (0, 0)>
#map1 = affine_map<(d0, d1) -> (0, 0, 0, 0)>
module attributes {stable_mosaic.version = 14 : i64} {
  func.func @k(%arg0: i32, %arg1: i32, %arg2: memref<10240x128xf32, #tpu.memory_space<hbm>>, %arg3: memref<10240x128xf32, #tpu.memory_space<hbm>>, %arg4: memref<16x10x16x128xi32, #tpu.memory_space<hbm>>, %arg5: memref<16x10x16x128xi32, #tpu.memory_space<hbm>>, %arg6: memref<10240x128xf32, #tpu.memory_space<hbm>>, %arg7: memref<2x16x128xi32, #tpu.memory_space<vmem>>, %arg8: memref<2x16x128xi32, #tpu.memory_space<vmem>>, %arg9: memref<128x128xf32, #tpu.memory_space<vmem>>, %arg10: memref<128x128xf32, #tpu.memory_space<vmem>>, %arg11: memref<10240x128xf32, #tpu.memory_space<vmem_shared>>, %arg12: memref<!tpu.dma_semaphore, #tpu.memory_space<semaphore_mem>>, %arg13: memref<!tpu.dma_semaphore, #tpu.memory_space<semaphore_mem>>, %arg14: memref<!tpu.dma_semaphore, #tpu.memory_space<semaphore_mem>>, %arg15: memref<!tpu.dma_semaphore, #tpu.memory_space<semaphore_mem>>, %arg16: memref<!tpu.dma_semaphore, #tpu.memory_space<semaphore_mem>>) attributes {dimension_semantics = [#tpu.dimension_semantics<core_parallel>, #tpu.dimension_semantics<subcore_parallel>], iteration_bounds = array<i64: 1, 16>, scalar_prefetch = 0 : i64, scratch_operands = 10 : i64, tpu.core_type = #tpu.core_type<sc_vector_subcore>, window_params = [{transform_indices = #map}, {transform_indices = #map}, {transform_indices = #map1}, {transform_indices = #map1}, {transform_indices = #map}]} {
    %dma_start3A = arith.constant 0 : i32
    %dma_start3A_0 = arith.constant 0 : i32
    %dma_start3A_1 = arith.constant 0 : i32
    %dma_start3A_2 = arith.constant 0 : i32
    %dma_start3A_3 = tpu.memref_slice %arg7[%dma_start3A_0, %dma_start3A_1, %dma_start3A_2] : memref<2x16x128xi32, #tpu.memory_space<vmem>> -> memref<1x16x128xi32, #tpu.memory_space<vmem>>
    %dma_start3A_4 = tpu.memref_squeeze %dma_start3A_3 : memref<1x16x128xi32, #tpu.memory_space<vmem>> -> memref<16x128xi32, #tpu.memory_space<vmem>>
    %dma_start3A_5 = arith.constant 0 : i32
    %dma_start3A_6 = arith.constant 0 : i32
    %dma_start3A_7 = tpu.memref_slice %arg4[%arg1, %dma_start3A, %dma_start3A_5, %dma_start3A_6] : memref<16x10x16x128xi32, #tpu.memory_space<hbm>> -> memref<1x1x16x128xi32, #tpu.memory_space<hbm>>
    %dma_start3A_8 = tpu.memref_squeeze %dma_start3A_7 : memref<1x1x16x128xi32, #tpu.memory_space<hbm>> -> memref<16x128xi32, #tpu.memory_space<hbm>>
    %dma_start3A_9 = arith.constant 0 : i32
    %dma_start3A_10 = arith.constant 0 : i32
    %dma_start3A_11 = tpu.memref_slice %arg7[%dma_start3A_0, %dma_start3A_9, %dma_start3A_10] : memref<2x16x128xi32, #tpu.memory_space<vmem>> -> memref<1x16x128xi32, #tpu.memory_space<vmem>>
    %dma_start3A_12 = tpu.memref_squeeze %dma_start3A_11 : memref<1x16x128xi32, #tpu.memory_space<vmem>> -> memref<16x128xi32, #tpu.memory_space<vmem>>
    %dma_start3A_13 = arith.constant 0 : i32
    %dma_start3A_14 = arith.constant 0 : i32
    %dma_start3A_15 = tpu.memref_slice %arg4[%arg1, %dma_start3A, %dma_start3A_13, %dma_start3A_14] : memref<16x10x16x128xi32, #tpu.memory_space<hbm>> -> memref<1x1x16x128xi32, #tpu.memory_space<hbm>>
    %dma_start3A_16 = tpu.memref_squeeze %dma_start3A_15 : memref<1x1x16x128xi32, #tpu.memory_space<hbm>> -> memref<16x128xi32, #tpu.memory_space<hbm>>
    tpu.enqueue_dma source(%dma_start3A_16 : memref<16x128xi32, #tpu.memory_space<hbm>>) target(%dma_start3A_12 : memref<16x128xi32, #tpu.memory_space<vmem>>) target_semaphore(%arg16 : memref<!tpu.dma_semaphore, #tpu.memory_space<semaphore_mem>>)
    %dma_start3A_17 = arith.constant 0 : i32
    %dma_start3A_18 = arith.constant 0 : i32
    %dma_start3A_19 = arith.constant 0 : i32
    %dma_start3A_20 = arith.constant 0 : i32
    %dma_start3A_21 = tpu.memref_slice %arg8[%dma_start3A_18, %dma_start3A_19, %dma_start3A_20] : memref<2x16x128xi32, #tpu.memory_space<vmem>> -> memref<1x16x128xi32, #tpu.memory_space<vmem>>
    %dma_start3A_22 = tpu.memref_squeeze %dma_start3A_21 : memref<1x16x128xi32, #tpu.memory_space<vmem>> -> memref<16x128xi32, #tpu.memory_space<vmem>>
    %dma_start3A_23 = arith.constant 0 : i32
    %dma_start3A_24 = arith.constant 0 : i32
    %dma_start3A_25 = tpu.memref_slice %arg5[%arg1, %dma_start3A_17, %dma_start3A_23, %dma_start3A_24] : memref<16x10x16x128xi32, #tpu.memory_space<hbm>> -> memref<1x1x16x128xi32, #tpu.memory_space<hbm>>
    %dma_start3A_26 = tpu.memref_squeeze %dma_start3A_25 : memref<1x1x16x128xi32, #tpu.memory_space<hbm>> -> memref<16x128xi32, #tpu.memory_space<hbm>>
    %dma_start3A_27 = arith.constant 0 : i32
    %dma_start3A_28 = arith.constant 0 : i32
    %dma_start3A_29 = tpu.memref_slice %arg8[%dma_start3A_18, %dma_start3A_27, %dma_start3A_28] : memref<2x16x128xi32, #tpu.memory_space<vmem>> -> memref<1x16x128xi32, #tpu.memory_space<vmem>>
    %dma_start3A_30 = tpu.memref_squeeze %dma_start3A_29 : memref<1x16x128xi32, #tpu.memory_space<vmem>> -> memref<16x128xi32, #tpu.memory_space<vmem>>
    %dma_start3A_31 = arith.constant 0 : i32
    %dma_start3A_32 = arith.constant 0 : i32
    %dma_start3A_33 = tpu.memref_slice %arg5[%arg1, %dma_start3A_17, %dma_start3A_31, %dma_start3A_32] : memref<16x10x16x128xi32, #tpu.memory_space<hbm>> -> memref<1x1x16x128xi32, #tpu.memory_space<hbm>>
    %dma_start3A_34 = tpu.memref_squeeze %dma_start3A_33 : memref<1x1x16x128xi32, #tpu.memory_space<hbm>> -> memref<16x128xi32, #tpu.memory_space<hbm>>
    tpu.enqueue_dma source(%dma_start3A_34 : memref<16x128xi32, #tpu.memory_space<hbm>>) target(%dma_start3A_30 : memref<16x128xi32, #tpu.memory_space<vmem>>) target_semaphore(%arg16 : memref<!tpu.dma_semaphore, #tpu.memory_space<semaphore_mem>>)
    %mul3A = arith.constant 640 : i32
    %mul3A_35 = arith.muli %arg1, %mul3A : i32
    %mul3A_36 = arith.constant 640 : i32
    %mul3A_37 = arith.muli %arg1, %mul3A_36 : i32
    "tpu.region"() ({
      %run_scoped3A = tpu.sem_alloc : memref<!tpu.dma_semaphore, #tpu.memory_space<semaphore_mem>>
      %dma_start3A_98 = arith.constant 0 : i32
      %dma_start3A_99 = tpu.memref_slice %arg11[%mul3A_37, %dma_start3A_98] : memref<10240x128xf32, #tpu.memory_space<vmem_shared>> -> memref<640x128xf32, #tpu.memory_space<vmem_shared>>
      %dma_start3A_100 = arith.constant 0 : i32
      %dma_start3A_101 = tpu.memref_slice %arg3[%mul3A_35, %dma_start3A_100] : memref<10240x128xf32, #tpu.memory_space<hbm>> -> memref<640x128xf32, #tpu.memory_space<hbm>>
      tpu.enqueue_dma source(%dma_start3A_101 : memref<640x128xf32, #tpu.memory_space<hbm>>) target(%dma_start3A_99 : memref<640x128xf32, #tpu.memory_space<vmem_shared>>) target_semaphore(%run_scoped3A : memref<!tpu.dma_semaphore, #tpu.memory_space<semaphore_mem>>)
      %dma_wait3A_102 = arith.constant 0 : i32
      %dma_wait3A_103 = tpu.memref_slice %arg11[%mul3A_37, %dma_wait3A_102] : memref<10240x128xf32, #tpu.memory_space<vmem_shared>> -> memref<640x128xf32, #tpu.memory_space<vmem_shared>>
      %dma_wait3A_104 = arith.constant 0 : i32
      %dma_wait3A_105 = tpu.memref_slice %arg3[%mul3A_35, %dma_wait3A_104] : memref<10240x128xf32, #tpu.memory_space<hbm>> -> memref<640x128xf32, #tpu.memory_space<hbm>>
      tpu.wait_dma2 semaphore(%run_scoped3A : memref<!tpu.dma_semaphore, #tpu.memory_space<semaphore_mem>>) src(%dma_wait3A_105 : memref<640x128xf32, #tpu.memory_space<hbm>>) dst(%dma_wait3A_103 : memref<640x128xf32, #tpu.memory_space<vmem_shared>>)
      tpu.yield
    }) : () -> ()
    %dma_wait3A = arith.constant 0 : i32
    %dma_wait3A_38 = arith.constant 0 : i32
    %dma_wait3A_39 = arith.constant 0 : i32
    %dma_wait3A_40 = arith.constant 0 : i32
    %dma_wait3A_41 = tpu.memref_slice %arg7[%dma_wait3A_38, %dma_wait3A_39, %dma_wait3A_40] : memref<2x16x128xi32, #tpu.memory_space<vmem>> -> memref<1x16x128xi32, #tpu.memory_space<vmem>>
    %dma_wait3A_42 = tpu.memref_squeeze %dma_wait3A_41 : memref<1x16x128xi32, #tpu.memory_space<vmem>> -> memref<16x128xi32, #tpu.memory_space<vmem>>
    %dma_wait3A_43 = arith.constant 0 : i32
    %dma_wait3A_44 = arith.constant 0 : i32
    %dma_wait3A_45 = tpu.memref_slice %arg4[%arg1, %dma_wait3A, %dma_wait3A_43, %dma_wait3A_44] : memref<16x10x16x128xi32, #tpu.memory_space<hbm>> -> memref<1x1x16x128xi32, #tpu.memory_space<hbm>>
    %dma_wait3A_46 = tpu.memref_squeeze %dma_wait3A_45 : memref<1x1x16x128xi32, #tpu.memory_space<hbm>> -> memref<16x128xi32, #tpu.memory_space<hbm>>
    %dma_wait3A_47 = arith.constant 0 : i32
    %dma_wait3A_48 = arith.constant 0 : i32
    %dma_wait3A_49 = tpu.memref_slice %arg7[%dma_wait3A_38, %dma_wait3A_47, %dma_wait3A_48] : memref<2x16x128xi32, #tpu.memory_space<vmem>> -> memref<1x16x128xi32, #tpu.memory_space<vmem>>
    %dma_wait3A_50 = tpu.memref_squeeze %dma_wait3A_49 : memref<1x16x128xi32, #tpu.memory_space<vmem>> -> memref<16x128xi32, #tpu.memory_space<vmem>>
    %dma_wait3A_51 = arith.constant 0 : i32
    %dma_wait3A_52 = arith.constant 0 : i32
    %dma_wait3A_53 = tpu.memref_slice %arg4[%arg1, %dma_wait3A, %dma_wait3A_51, %dma_wait3A_52] : memref<16x10x16x128xi32, #tpu.memory_space<hbm>> -> memref<1x1x16x128xi32, #tpu.memory_space<hbm>>
    %dma_wait3A_54 = tpu.memref_squeeze %dma_wait3A_53 : memref<1x1x16x128xi32, #tpu.memory_space<hbm>> -> memref<16x128xi32, #tpu.memory_space<hbm>>
    tpu.wait_dma2 semaphore(%arg16 : memref<!tpu.dma_semaphore, #tpu.memory_space<semaphore_mem>>) src(%dma_wait3A_54 : memref<16x128xi32, #tpu.memory_space<hbm>>) dst(%dma_wait3A_50 : memref<16x128xi32, #tpu.memory_space<vmem>>)
    %dma_wait3A_55 = arith.constant 0 : i32
    %dma_wait3A_56 = arith.constant 0 : i32
    %dma_wait3A_57 = arith.constant 0 : i32
    %dma_wait3A_58 = arith.constant 0 : i32
    %dma_wait3A_59 = tpu.memref_slice %arg8[%dma_wait3A_56, %dma_wait3A_57, %dma_wait3A_58] : memref<2x16x128xi32, #tpu.memory_space<vmem>> -> memref<1x16x128xi32, #tpu.memory_space<vmem>>
    %dma_wait3A_60 = tpu.memref_squeeze %dma_wait3A_59 : memref<1x16x128xi32, #tpu.memory_space<vmem>> -> memref<16x128xi32, #tpu.memory_space<vmem>>
    %dma_wait3A_61 = arith.constant 0 : i32
    %dma_wait3A_62 = arith.constant 0 : i32
    %dma_wait3A_63 = tpu.memref_slice %arg5[%arg1, %dma_wait3A_55, %dma_wait3A_61, %dma_wait3A_62] : memref<16x10x16x128xi32, #tpu.memory_space<hbm>> -> memref<1x1x16x128xi32, #tpu.memory_space<hbm>>
    %dma_wait3A_64 = tpu.memref_squeeze %dma_wait3A_63 : memref<1x1x16x128xi32, #tpu.memory_space<hbm>> -> memref<16x128xi32, #tpu.memory_space<hbm>>
    %dma_wait3A_65 = arith.constant 0 : i32
    %dma_wait3A_66 = arith.constant 0 : i32
    %dma_wait3A_67 = tpu.memref_slice %arg8[%dma_wait3A_56, %dma_wait3A_65, %dma_wait3A_66] : memref<2x16x128xi32, #tpu.memory_space<vmem>> -> memref<1x16x128xi32, #tpu.memory_space<vmem>>
    %dma_wait3A_68 = tpu.memref_squeeze %dma_wait3A_67 : memref<1x16x128xi32, #tpu.memory_space<vmem>> -> memref<16x128xi32, #tpu.memory_space<vmem>>
    %dma_wait3A_69 = arith.constant 0 : i32
    %dma_wait3A_70 = arith.constant 0 : i32
    %dma_wait3A_71 = tpu.memref_slice %arg5[%arg1, %dma_wait3A_55, %dma_wait3A_69, %dma_wait3A_70] : memref<16x10x16x128xi32, #tpu.memory_space<hbm>> -> memref<1x1x16x128xi32, #tpu.memory_space<hbm>>
    %dma_wait3A_72 = tpu.memref_squeeze %dma_wait3A_71 : memref<1x1x16x128xi32, #tpu.memory_space<hbm>> -> memref<16x128xi32, #tpu.memory_space<hbm>>
    tpu.wait_dma2 semaphore(%arg16 : memref<!tpu.dma_semaphore, #tpu.memory_space<semaphore_mem>>) src(%dma_wait3A_72 : memref<16x128xi32, #tpu.memory_space<hbm>>) dst(%dma_wait3A_68 : memref<16x128xi32, #tpu.memory_space<vmem>>)
    %barrier3A = arith.constant 0 : index
    tpu.barrier barrier_id(%barrier3A)
    %dma_start3A_73 = arith.constant 0 : i32
    %dma_start3A_74 = arith.constant 0 : i32
    %dma_start3A_75 = arith.constant 0 : i32
    %dma_start3A_76 = tpu.memref_slice %arg7[%dma_start3A_73, %dma_start3A_74, %dma_start3A_75] : memref<2x16x128xi32, #tpu.memory_space<vmem>> -> memref<1x1x128xi32, #tpu.memory_space<vmem>>
    %dma_start3A_77 = tpu.memref_squeeze %dma_start3A_76 : memref<1x1x128xi32, #tpu.memory_space<vmem>> -> memref<128xi32, #tpu.memory_space<vmem>>
    %dma_start3A_78 = arith.constant 0 : i32
    %dma_start3A_79 = arith.constant 0 : i32
    %dma_start3A_80 = tpu.memref_slice %arg2[%dma_start3A_78, %dma_start3A_79] : memref<10240x128xf32, #tpu.memory_space<hbm>> -> memref<10240x128xf32, #tpu.memory_space<hbm>>
    tpu.enqueue_indirect_dma source(%dma_start3A_80 : memref<10240x128xf32, #tpu.memory_space<hbm>>) target(%arg9 : memref<128x128xf32, #tpu.memory_space<vmem>>) offsets(%dma_start3A_77 : memref<128xi32, #tpu.memory_space<vmem>>) semaphore(%arg12 : memref<!tpu.dma_semaphore, #tpu.memory_space<semaphore_mem>>)
    %dma_start3A_81 = arith.constant 0 : i32
    %dma_start3A_82 = arith.constant 1 : i32
    %dma_start3A_83 = arith.constant 0 : i32
    %dma_start3A_84 = tpu.memref_slice %arg7[%dma_start3A_81, %dma_start3A_82, %dma_start3A_83] : memref<2x16x128xi32, #tpu.memory_space<vmem>> -> memref<1x1x128xi32, #tpu.memory_space<vmem>>
    %dma_start3A_85 = tpu.memref_squeeze %dma_start3A_84 : memref<1x1x128xi32, #tpu.memory_space<vmem>> -> memref<128xi32, #tpu.memory_space<vmem>>
    %dma_start3A_86 = arith.constant 0 : i32
    %dma_start3A_87 = arith.constant 0 : i32
    %dma_start3A_88 = tpu.memref_slice %arg2[%dma_start3A_86, %dma_start3A_87] : memref<10240x128xf32, #tpu.memory_space<hbm>> -> memref<10240x128xf32, #tpu.memory_space<hbm>>
    tpu.enqueue_indirect_dma source(%dma_start3A_88 : memref<10240x128xf32, #tpu.memory_space<hbm>>) target(%arg10 : memref<128x128xf32, #tpu.memory_space<vmem>>) offsets(%dma_start3A_85 : memref<128xi32, #tpu.memory_space<vmem>>) semaphore(%arg13 : memref<!tpu.dma_semaphore, #tpu.memory_space<semaphore_mem>>)
    %scan3A = arith.constant 0 : i32
    %scan3A_89 = arith.constant 80 : i32
    %scan3A_90 = arith.addi %scan3A, %scan3A_89 : i32
    %scan3A_91 = arith.constant 1 : i32
    scf.for %scan3A_98 = %scan3A to %scan3A_90 step %scan3A_91  : i32 {
      %mul3A_99 = arith.constant 2 : i32
      %mul3A_100 = arith.muli %scan3A_98, %mul3A_99 : i32
      %add3A = arith.constant 0 : i32
      %add3A_101 = arith.addi %add3A, %mul3A_100 : i32
      %jit3A = arith.constant 16 : i32
      %div3A = arith.divsi %add3A_101, %jit3A : i32
      %sign3A = arith.constant 0 : i32
      %sign3A_102 = arith.cmpi sgt, %add3A_101, %sign3A : i32
      %sign3A_103 = arith.extui %sign3A_102 : i1 to i32
      %sign3A_104 = arith.constant 0 : i32
      %sign3A_105 = arith.cmpi slt, %add3A_101, %sign3A_104 : i32
      %sign3A_106 = arith.extui %sign3A_105 : i1 to i32
      %sign3A_107 = arith.subi %sign3A_103, %sign3A_106 : i32
      %sign3A_108 = arith.constant 0 : i32
      %sign3A_109 = arith.cmpi sgt, %jit3A, %sign3A_108 : i32
      %sign3A_110 = arith.extui %sign3A_109 : i1 to i32
      %sign3A_111 = arith.constant 0 : i32
      %sign3A_112 = arith.cmpi slt, %jit3A, %sign3A_111 : i32
      %sign3A_113 = arith.extui %sign3A_112 : i1 to i32
      %sign3A_114 = arith.subi %sign3A_110, %sign3A_113 : i32
      %ne3A = arith.cmpi ne, %sign3A_107, %sign3A_114 : i32
      %rem3A = arith.remsi %add3A_101, %jit3A : i32
      %ne3A_115 = arith.constant 0 : i32
      %ne3A_116 = arith.cmpi ne, %rem3A, %ne3A_115 : i32
      %and3A = arith.andi %ne3A, %ne3A_116 : i1
      %sub3A = arith.constant 1 : i32
      %sub3A_117 = arith.subi %div3A, %sub3A : i32
      %select_n3A = arith.select %and3A, %sub3A_117, %div3A : i32
      %rem3A_118 = arith.constant 2 : i32
      %rem3A_119 = arith.remsi %select_n3A, %rem3A_118 : i32
      %rem3A_120 = arith.constant 16 : i32
      %rem3A_121 = arith.remsi %add3A_101, %rem3A_120 : i32
      %eq3A = arith.constant 0 : i32
      %eq3A_122 = arith.cmpi eq, %rem3A_121, %eq3A : i32
      %convert_element_type3A = arith.extui %eq3A_122 : i1 to i32
      %cond3A = arith.constant 0 : i32
      %cond3A_123 = arith.cmpi ne, %convert_element_type3A, %cond3A : i32
      scf.if %cond3A_123 {
        %add3A_187 = arith.constant 1 : i32
        %add3A_188 = arith.addi %select_n3A, %add3A_187 : i32
        %lt3A_189 = arith.constant 10 : i32
        %lt3A_190 = arith.cmpi slt, %add3A_188, %lt3A_189 : i32
        %convert_element_type3A_191 = arith.extui %lt3A_190 : i1 to i32
        %cond3A_192 = arith.constant 0 : i32
        %cond3A_193 = arith.cmpi ne, %convert_element_type3A_191, %cond3A_192 : i32
        scf.if %cond3A_193 {
          %add3A_194 = arith.constant 1 : i32
          %add3A_195 = arith.addi %select_n3A, %add3A_194 : i32
          %rem3A_196 = arith.constant 2 : i32
          %rem3A_197 = arith.remsi %add3A_195, %rem3A_196 : i32
          %add3A_198 = arith.constant 1 : i32
          %add3A_199 = arith.addi %select_n3A, %add3A_198 : i32
          %dma_start3A_200 = arith.constant 0 : i32
          %dma_start3A_201 = arith.constant 0 : i32
          %dma_start3A_202 = tpu.memref_slice %arg7[%rem3A_197, %dma_start3A_200, %dma_start3A_201] : memref<2x16x128xi32, #tpu.memory_space<vmem>> -> memref<1x16x128xi32, #tpu.memory_space<vmem>>
          %dma_start3A_203 = tpu.memref_squeeze %dma_start3A_202 : memref<1x16x128xi32, #tpu.memory_space<vmem>> -> memref<16x128xi32, #tpu.memory_space<vmem>>
          %dma_start3A_204 = arith.constant 0 : i32
          %dma_start3A_205 = arith.constant 0 : i32
          %dma_start3A_206 = tpu.memref_slice %arg4[%arg1, %add3A_199, %dma_start3A_204, %dma_start3A_205] : memref<16x10x16x128xi32, #tpu.memory_space<hbm>> -> memref<1x1x16x128xi32, #tpu.memory_space<hbm>>
          %dma_start3A_207 = tpu.memref_squeeze %dma_start3A_206 : memref<1x1x16x128xi32, #tpu.memory_space<hbm>> -> memref<16x128xi32, #tpu.memory_space<hbm>>
          %dma_start3A_208 = arith.constant 0 : i32
          %dma_start3A_209 = arith.constant 0 : i32
          %dma_start3A_210 = tpu.memref_slice %arg7[%rem3A_197, %dma_start3A_208, %dma_start3A_209] : memref<2x16x128xi32, #tpu.memory_space<vmem>> -> memref<1x16x128xi32, #tpu.memory_space<vmem>>
          %dma_start3A_211 = tpu.memref_squeeze %dma_start3A_210 : memref<1x16x128xi32, #tpu.memory_space<vmem>> -> memref<16x128xi32, #tpu.memory_space<vmem>>
          %dma_start3A_212 = arith.constant 0 : i32
          %dma_start3A_213 = arith.constant 0 : i32
          %dma_start3A_214 = tpu.memref_slice %arg4[%arg1, %add3A_199, %dma_start3A_212, %dma_start3A_213] : memref<16x10x16x128xi32, #tpu.memory_space<hbm>> -> memref<1x1x16x128xi32, #tpu.memory_space<hbm>>
          %dma_start3A_215 = tpu.memref_squeeze %dma_start3A_214 : memref<1x1x16x128xi32, #tpu.memory_space<hbm>> -> memref<16x128xi32, #tpu.memory_space<hbm>>
          tpu.enqueue_dma source(%dma_start3A_215 : memref<16x128xi32, #tpu.memory_space<hbm>>) target(%dma_start3A_211 : memref<16x128xi32, #tpu.memory_space<vmem>>) target_semaphore(%arg16 : memref<!tpu.dma_semaphore, #tpu.memory_space<semaphore_mem>>)
          %add3A_216 = arith.constant 1 : i32
          %add3A_217 = arith.addi %select_n3A, %add3A_216 : i32
          %dma_start3A_218 = arith.constant 0 : i32
          %dma_start3A_219 = arith.constant 0 : i32
          %dma_start3A_220 = tpu.memref_slice %arg8[%rem3A_197, %dma_start3A_218, %dma_start3A_219] : memref<2x16x128xi32, #tpu.memory_space<vmem>> -> memref<1x16x128xi32, #tpu.memory_space<vmem>>
          %dma_start3A_221 = tpu.memref_squeeze %dma_start3A_220 : memref<1x16x128xi32, #tpu.memory_space<vmem>> -> memref<16x128xi32, #tpu.memory_space<vmem>>
          %dma_start3A_222 = arith.constant 0 : i32
          %dma_start3A_223 = arith.constant 0 : i32
          %dma_start3A_224 = tpu.memref_slice %arg5[%arg1, %add3A_217, %dma_start3A_222, %dma_start3A_223] : memref<16x10x16x128xi32, #tpu.memory_space<hbm>> -> memref<1x1x16x128xi32, #tpu.memory_space<hbm>>
          %dma_start3A_225 = tpu.memref_squeeze %dma_start3A_224 : memref<1x1x16x128xi32, #tpu.memory_space<hbm>> -> memref<16x128xi32, #tpu.memory_space<hbm>>
          %dma_start3A_226 = arith.constant 0 : i32
          %dma_start3A_227 = arith.constant 0 : i32
          %dma_start3A_228 = tpu.memref_slice %arg8[%rem3A_197, %dma_start3A_226, %dma_start3A_227] : memref<2x16x128xi32, #tpu.memory_space<vmem>> -> memref<1x16x128xi32, #tpu.memory_space<vmem>>
          %dma_start3A_229 = tpu.memref_squeeze %dma_start3A_228 : memref<1x16x128xi32, #tpu.memory_space<vmem>> -> memref<16x128xi32, #tpu.memory_space<vmem>>
          %dma_start3A_230 = arith.constant 0 : i32
          %dma_start3A_231 = arith.constant 0 : i32
          %dma_start3A_232 = tpu.memref_slice %arg5[%arg1, %add3A_217, %dma_start3A_230, %dma_start3A_231] : memref<16x10x16x128xi32, #tpu.memory_space<hbm>> -> memref<1x1x16x128xi32, #tpu.memory_space<hbm>>
          %dma_start3A_233 = tpu.memref_squeeze %dma_start3A_232 : memref<1x1x16x128xi32, #tpu.memory_space<hbm>> -> memref<16x128xi32, #tpu.memory_space<hbm>>
          tpu.enqueue_dma source(%dma_start3A_233 : memref<16x128xi32, #tpu.memory_space<hbm>>) target(%dma_start3A_229 : memref<16x128xi32, #tpu.memory_space<vmem>>) target_semaphore(%arg16 : memref<!tpu.dma_semaphore, #tpu.memory_space<semaphore_mem>>)
        } else {
        }
      } else {
      }
      %dma_wait3A_124 = arith.constant 0 : i32
      %dma_wait3A_125 = arith.constant 0 : i32
      %dma_wait3A_126 = arith.constant 0 : i32
      %dma_wait3A_127 = tpu.memref_slice %arg7[%dma_wait3A_124, %dma_wait3A_125, %dma_wait3A_126] : memref<2x16x128xi32, #tpu.memory_space<vmem>> -> memref<1x1x128xi32, #tpu.memory_space<vmem>>
      %dma_wait3A_128 = tpu.memref_squeeze %dma_wait3A_127 : memref<1x1x128xi32, #tpu.memory_space<vmem>> -> memref<128xi32, #tpu.memory_space<vmem>>
      %dma_wait3A_129 = arith.constant 0 : i32
      %dma_wait3A_130 = arith.constant 0 : i32
      %dma_wait3A_131 = tpu.memref_slice %arg2[%dma_wait3A_129, %dma_wait3A_130] : memref<10240x128xf32, #tpu.memory_space<hbm>> -> memref<10240x128xf32, #tpu.memory_space<hbm>>
      tpu.wait_indirect_dma semaphore(%arg12 : memref<!tpu.dma_semaphore, #tpu.memory_space<semaphore_mem>>) src(%dma_wait3A_131 : memref<10240x128xf32, #tpu.memory_space<hbm>>) dst(%arg9 : memref<128x128xf32, #tpu.memory_space<vmem>>)
      %rem3A_132 = arith.constant 16 : i32
      %rem3A_133 = arith.remsi %add3A_101, %rem3A_132 : i32
      %dma_start3A_134 = arith.constant 0 : i32
      %dma_start3A_135 = tpu.memref_slice %arg8[%rem3A_119, %rem3A_133, %dma_start3A_134] : memref<2x16x128xi32, #tpu.memory_space<vmem>> -> memref<1x1x128xi32, #tpu.memory_space<vmem>>
      %dma_start3A_136 = tpu.memref_squeeze %dma_start3A_135 : memref<1x1x128xi32, #tpu.memory_space<vmem>> -> memref<128xi32, #tpu.memory_space<vmem>>
      %dma_start3A_137 = arith.constant 0 : i32
      %dma_start3A_138 = arith.constant 0 : i32
      %dma_start3A_139 = tpu.memref_slice %arg11[%dma_start3A_137, %dma_start3A_138] : memref<10240x128xf32, #tpu.memory_space<vmem_shared>> -> memref<10240x128xf32, #tpu.memory_space<vmem_shared>>
      tpu.enqueue_indirect_dma source(%arg9 : memref<128x128xf32, #tpu.memory_space<vmem>>) target(%dma_start3A_139 : memref<10240x128xf32, #tpu.memory_space<vmem_shared>>) offsets(%dma_start3A_136 : memref<128xi32, #tpu.memory_space<vmem>>) semaphore(%arg14 : memref<!tpu.dma_semaphore, #tpu.memory_space<semaphore_mem>>) {add = true}
      %dma_wait3A_140 = arith.constant 0 : i32
      %dma_wait3A_141 = arith.constant 0 : i32
      %dma_wait3A_142 = arith.constant 0 : i32
      %dma_wait3A_143 = tpu.memref_slice %arg7[%dma_wait3A_140, %dma_wait3A_141, %dma_wait3A_142] : memref<2x16x128xi32, #tpu.memory_space<vmem>> -> memref<1x1x128xi32, #tpu.memory_space<vmem>>
      %dma_wait3A_144 = tpu.memref_squeeze %dma_wait3A_143 : memref<1x1x128xi32, #tpu.memory_space<vmem>> -> memref<128xi32, #tpu.memory_space<vmem>>
      %dma_wait3A_145 = arith.constant 0 : i32
      %dma_wait3A_146 = arith.constant 0 : i32
      %dma_wait3A_147 = tpu.memref_slice %arg2[%dma_wait3A_145, %dma_wait3A_146] : memref<10240x128xf32, #tpu.memory_space<hbm>> -> memref<10240x128xf32, #tpu.memory_space<hbm>>
      tpu.wait_indirect_dma semaphore(%arg13 : memref<!tpu.dma_semaphore, #tpu.memory_space<semaphore_mem>>) src(%dma_wait3A_147 : memref<10240x128xf32, #tpu.memory_space<hbm>>) dst(%arg10 : memref<128x128xf32, #tpu.memory_space<vmem>>)
      %add3A_148 = arith.constant 1 : i32
      %add3A_149 = arith.addi %add3A_101, %add3A_148 : i32
      %rem3A_150 = arith.constant 16 : i32
      %rem3A_151 = arith.remsi %add3A_149, %rem3A_150 : i32
      %dma_start3A_152 = arith.constant 0 : i32
      %dma_start3A_153 = tpu.memref_slice %arg8[%rem3A_119, %rem3A_151, %dma_start3A_152] : memref<2x16x128xi32, #tpu.memory_space<vmem>> -> memref<1x1x128xi32, #tpu.memory_space<vmem>>
      %dma_start3A_154 = tpu.memref_squeeze %dma_start3A_153 : memref<1x1x128xi32, #tpu.memory_space<vmem>> -> memref<128xi32, #tpu.memory_space<vmem>>
      %dma_start3A_155 = arith.constant 0 : i32
      %dma_start3A_156 = arith.constant 0 : i32
      %dma_start3A_157 = tpu.memref_slice %arg11[%dma_start3A_155, %dma_start3A_156] : memref<10240x128xf32, #tpu.memory_space<vmem_shared>> -> memref<10240x128xf32, #tpu.memory_space<vmem_shared>>
      tpu.enqueue_indirect_dma source(%arg10 : memref<128x128xf32, #tpu.memory_space<vmem>>) target(%dma_start3A_157 : memref<10240x128xf32, #tpu.memory_space<vmem_shared>>) offsets(%dma_start3A_154 : memref<128xi32, #tpu.memory_space<vmem>>) semaphore(%arg15 : memref<!tpu.dma_semaphore, #tpu.memory_space<semaphore_mem>>) {add = true}
      %dma_wait3A_158 = arith.constant 0 : i32
      %dma_wait3A_159 = arith.constant 0 : i32
      %dma_wait3A_160 = arith.constant 0 : i32
      %dma_wait3A_161 = tpu.memref_slice %arg8[%dma_wait3A_158, %dma_wait3A_159, %dma_wait3A_160] : memref<2x16x128xi32, #tpu.memory_space<vmem>> -> memref<1x1x128xi32, #tpu.memory_space<vmem>>
      %dma_wait3A_162 = tpu.memref_squeeze %dma_wait3A_161 : memref<1x1x128xi32, #tpu.memory_space<vmem>> -> memref<128xi32, #tpu.memory_space<vmem>>
      %dma_wait3A_163 = arith.constant 0 : i32
      %dma_wait3A_164 = arith.constant 0 : i32
      %dma_wait3A_165 = tpu.memref_slice %arg11[%dma_wait3A_163, %dma_wait3A_164] : memref<10240x128xf32, #tpu.memory_space<vmem_shared>> -> memref<10240x128xf32, #tpu.memory_space<vmem_shared>>
      tpu.wait_indirect_dma semaphore(%arg14 : memref<!tpu.dma_semaphore, #tpu.memory_space<semaphore_mem>>) src(%arg9 : memref<128x128xf32, #tpu.memory_space<vmem>>) dst(%dma_wait3A_165 : memref<10240x128xf32, #tpu.memory_space<vmem_shared>>)
      %add3A_166 = arith.constant 2 : i32
      %add3A_167 = arith.addi %add3A_101, %add3A_166 : i32
      %lt3A = arith.constant 160 : i32
      %lt3A_168 = arith.cmpi slt, %add3A_167, %lt3A : i32
      %convert_element_type3A_169 = arith.extui %lt3A_168 : i1 to i32
      %cond3A_170 = arith.constant 0 : i32
      %cond3A_171 = arith.cmpi ne, %convert_element_type3A_169, %cond3A_170 : i32
      scf.if %cond3A_171 {
        %add3A_187 = arith.constant 2 : i32
        %add3A_188 = arith.addi %add3A_101, %add3A_187 : i32
        %rem3A_189 = arith.constant 16 : i32
        %rem3A_190 = arith.remsi %add3A_188, %rem3A_189 : i32
        %eq3A_191 = arith.constant 0 : i32
        %eq3A_192 = arith.cmpi eq, %rem3A_190, %eq3A_191 : i32
        %convert_element_type3A_193 = arith.extui %eq3A_192 : i1 to i32
        %cond3A_194 = arith.constant 0 : i32
        %cond3A_195 = arith.cmpi ne, %convert_element_type3A_193, %cond3A_194 : i32
        scf.if %cond3A_195 {
          %dma_wait3A_234 = arith.constant 0 : i32
          %dma_wait3A_235 = arith.constant 0 : i32
          %dma_wait3A_236 = arith.constant 0 : i32
          %dma_wait3A_237 = arith.constant 0 : i32
          %dma_wait3A_238 = tpu.memref_slice %arg7[%dma_wait3A_235, %dma_wait3A_236, %dma_wait3A_237] : memref<2x16x128xi32, #tpu.memory_space<vmem>> -> memref<1x16x128xi32, #tpu.memory_space<vmem>>
          %dma_wait3A_239 = tpu.memref_squeeze %dma_wait3A_238 : memref<1x16x128xi32, #tpu.memory_space<vmem>> -> memref<16x128xi32, #tpu.memory_space<vmem>>
          %dma_wait3A_240 = arith.constant 0 : i32
          %dma_wait3A_241 = arith.constant 0 : i32
          %dma_wait3A_242 = tpu.memref_slice %arg4[%arg1, %dma_wait3A_234, %dma_wait3A_240, %dma_wait3A_241] : memref<16x10x16x128xi32, #tpu.memory_space<hbm>> -> memref<1x1x16x128xi32, #tpu.memory_space<hbm>>
          %dma_wait3A_243 = tpu.memref_squeeze %dma_wait3A_242 : memref<1x1x16x128xi32, #tpu.memory_space<hbm>> -> memref<16x128xi32, #tpu.memory_space<hbm>>
          %dma_wait3A_244 = arith.constant 0 : i32
          %dma_wait3A_245 = arith.constant 0 : i32
          %dma_wait3A_246 = tpu.memref_slice %arg7[%dma_wait3A_235, %dma_wait3A_244, %dma_wait3A_245] : memref<2x16x128xi32, #tpu.memory_space<vmem>> -> memref<1x16x128xi32, #tpu.memory_space<vmem>>
          %dma_wait3A_247 = tpu.memref_squeeze %dma_wait3A_246 : memref<1x16x128xi32, #tpu.memory_space<vmem>> -> memref<16x128xi32, #tpu.memory_space<vmem>>
          %dma_wait3A_248 = arith.constant 0 : i32
          %dma_wait3A_249 = arith.constant 0 : i32
          %dma_wait3A_250 = tpu.memref_slice %arg4[%arg1, %dma_wait3A_234, %dma_wait3A_248, %dma_wait3A_249] : memref<16x10x16x128xi32, #tpu.memory_space<hbm>> -> memref<1x1x16x128xi32, #tpu.memory_space<hbm>>
          %dma_wait3A_251 = tpu.memref_squeeze %dma_wait3A_250 : memref<1x1x16x128xi32, #tpu.memory_space<hbm>> -> memref<16x128xi32, #tpu.memory_space<hbm>>
          tpu.wait_dma2 semaphore(%arg16 : memref<!tpu.dma_semaphore, #tpu.memory_space<semaphore_mem>>) src(%dma_wait3A_251 : memref<16x128xi32, #tpu.memory_space<hbm>>) dst(%dma_wait3A_247 : memref<16x128xi32, #tpu.memory_space<vmem>>)
          %dma_wait3A_252 = arith.constant 0 : i32
          %dma_wait3A_253 = arith.constant 0 : i32
          %dma_wait3A_254 = arith.constant 0 : i32
          %dma_wait3A_255 = arith.constant 0 : i32
          %dma_wait3A_256 = tpu.memref_slice %arg8[%dma_wait3A_253, %dma_wait3A_254, %dma_wait3A_255] : memref<2x16x128xi32, #tpu.memory_space<vmem>> -> memref<1x16x128xi32, #tpu.memory_space<vmem>>
          %dma_wait3A_257 = tpu.memref_squeeze %dma_wait3A_256 : memref<1x16x128xi32, #tpu.memory_space<vmem>> -> memref<16x128xi32, #tpu.memory_space<vmem>>
          %dma_wait3A_258 = arith.constant 0 : i32
          %dma_wait3A_259 = arith.constant 0 : i32
          %dma_wait3A_260 = tpu.memref_slice %arg5[%arg1, %dma_wait3A_252, %dma_wait3A_258, %dma_wait3A_259] : memref<16x10x16x128xi32, #tpu.memory_space<hbm>> -> memref<1x1x16x128xi32, #tpu.memory_space<hbm>>
          %dma_wait3A_261 = tpu.memref_squeeze %dma_wait3A_260 : memref<1x1x16x128xi32, #tpu.memory_space<hbm>> -> memref<16x128xi32, #tpu.memory_space<hbm>>
          %dma_wait3A_262 = arith.constant 0 : i32
          %dma_wait3A_263 = arith.constant 0 : i32
          %dma_wait3A_264 = tpu.memref_slice %arg8[%dma_wait3A_253, %dma_wait3A_262, %dma_wait3A_263] : memref<2x16x128xi32, #tpu.memory_space<vmem>> -> memref<1x16x128xi32, #tpu.memory_space<vmem>>
          %dma_wait3A_265 = tpu.memref_squeeze %dma_wait3A_264 : memref<1x16x128xi32, #tpu.memory_space<vmem>> -> memref<16x128xi32, #tpu.memory_space<vmem>>
          %dma_wait3A_266 = arith.constant 0 : i32
          %dma_wait3A_267 = arith.constant 0 : i32
          %dma_wait3A_268 = tpu.memref_slice %arg5[%arg1, %dma_wait3A_252, %dma_wait3A_266, %dma_wait3A_267] : memref<16x10x16x128xi32, #tpu.memory_space<hbm>> -> memref<1x1x16x128xi32, #tpu.memory_space<hbm>>
          %dma_wait3A_269 = tpu.memref_squeeze %dma_wait3A_268 : memref<1x1x16x128xi32, #tpu.memory_space<hbm>> -> memref<16x128xi32, #tpu.memory_space<hbm>>
          tpu.wait_dma2 semaphore(%arg16 : memref<!tpu.dma_semaphore, #tpu.memory_space<semaphore_mem>>) src(%dma_wait3A_269 : memref<16x128xi32, #tpu.memory_space<hbm>>) dst(%dma_wait3A_265 : memref<16x128xi32, #tpu.memory_space<vmem>>)
        } else {
        }
        %add3A_196 = arith.constant 2 : i32
        %add3A_197 = arith.addi %add3A_101, %add3A_196 : i32
        %jit3A_198 = arith.constant 16 : i32
        %div3A_199 = arith.divsi %add3A_197, %jit3A_198 : i32
        %sign3A_200 = arith.constant 0 : i32
        %sign3A_201 = arith.cmpi sgt, %add3A_197, %sign3A_200 : i32
        %sign3A_202 = arith.extui %sign3A_201 : i1 to i32
        %sign3A_203 = arith.constant 0 : i32
        %sign3A_204 = arith.cmpi slt, %add3A_197, %sign3A_203 : i32
        %sign3A_205 = arith.extui %sign3A_204 : i1 to i32
        %sign3A_206 = arith.subi %sign3A_202, %sign3A_205 : i32
        %sign3A_207 = arith.constant 0 : i32
        %sign3A_208 = arith.cmpi sgt, %jit3A_198, %sign3A_207 : i32
        %sign3A_209 = arith.extui %sign3A_208 : i1 to i32
        %sign3A_210 = arith.constant 0 : i32
        %sign3A_211 = arith.cmpi slt, %jit3A_198, %sign3A_210 : i32
        %sign3A_212 = arith.extui %sign3A_211 : i1 to i32
        %sign3A_213 = arith.subi %sign3A_209, %sign3A_212 : i32
        %ne3A_214 = arith.cmpi ne, %sign3A_206, %sign3A_213 : i32
        %rem3A_215 = arith.remsi %add3A_197, %jit3A_198 : i32
        %ne3A_216 = arith.constant 0 : i32
        %ne3A_217 = arith.cmpi ne, %rem3A_215, %ne3A_216 : i32
        %and3A_218 = arith.andi %ne3A_214, %ne3A_217 : i1
        %sub3A_219 = arith.constant 1 : i32
        %sub3A_220 = arith.subi %div3A_199, %sub3A_219 : i32
        %select_n3A_221 = arith.select %and3A_218, %sub3A_220, %div3A_199 : i32
        %rem3A_222 = arith.constant 2 : i32
        %rem3A_223 = arith.remsi %select_n3A_221, %rem3A_222 : i32
        %add3A_224 = arith.constant 2 : i32
        %add3A_225 = arith.addi %add3A_101, %add3A_224 : i32
        %rem3A_226 = arith.constant 16 : i32
        %rem3A_227 = arith.remsi %add3A_225, %rem3A_226 : i32
        %dma_start3A_228 = arith.constant 0 : i32
        %dma_start3A_229 = tpu.memref_slice %arg7[%rem3A_223, %rem3A_227, %dma_start3A_228] : memref<2x16x128xi32, #tpu.memory_space<vmem>> -> memref<1x1x128xi32, #tpu.memory_space<vmem>>
        %dma_start3A_230 = tpu.memref_squeeze %dma_start3A_229 : memref<1x1x128xi32, #tpu.memory_space<vmem>> -> memref<128xi32, #tpu.memory_space<vmem>>
        %dma_start3A_231 = arith.constant 0 : i32
        %dma_start3A_232 = arith.constant 0 : i32
        %dma_start3A_233 = tpu.memref_slice %arg2[%dma_start3A_231, %dma_start3A_232] : memref<10240x128xf32, #tpu.memory_space<hbm>> -> memref<10240x128xf32, #tpu.memory_space<hbm>>
        tpu.enqueue_indirect_dma source(%dma_start3A_233 : memref<10240x128xf32, #tpu.memory_space<hbm>>) target(%arg9 : memref<128x128xf32, #tpu.memory_space<vmem>>) offsets(%dma_start3A_230 : memref<128xi32, #tpu.memory_space<vmem>>) semaphore(%arg12 : memref<!tpu.dma_semaphore, #tpu.memory_space<semaphore_mem>>)
      } else {
      }
      %dma_wait3A_172 = arith.constant 0 : i32
      %dma_wait3A_173 = arith.constant 0 : i32
      %dma_wait3A_174 = arith.constant 0 : i32
      %dma_wait3A_175 = tpu.memref_slice %arg8[%dma_wait3A_172, %dma_wait3A_173, %dma_wait3A_174] : memref<2x16x128xi32, #tpu.memory_space<vmem>> -> memref<1x1x128xi32, #tpu.memory_space<vmem>>
      %dma_wait3A_176 = tpu.memref_squeeze %dma_wait3A_175 : memref<1x1x128xi32, #tpu.memory_space<vmem>> -> memref<128xi32, #tpu.memory_space<vmem>>
      %dma_wait3A_177 = arith.constant 0 : i32
      %dma_wait3A_178 = arith.constant 0 : i32
      %dma_wait3A_179 = tpu.memref_slice %arg11[%dma_wait3A_177, %dma_wait3A_178] : memref<10240x128xf32, #tpu.memory_space<vmem_shared>> -> memref<10240x128xf32, #tpu.memory_space<vmem_shared>>
      tpu.wait_indirect_dma semaphore(%arg15 : memref<!tpu.dma_semaphore, #tpu.memory_space<semaphore_mem>>) src(%arg10 : memref<128x128xf32, #tpu.memory_space<vmem>>) dst(%dma_wait3A_179 : memref<10240x128xf32, #tpu.memory_space<vmem_shared>>)
      %add3A_180 = arith.constant 3 : i32
      %add3A_181 = arith.addi %add3A_101, %add3A_180 : i32
      %lt3A_182 = arith.constant 160 : i32
      %lt3A_183 = arith.cmpi slt, %add3A_181, %lt3A_182 : i32
      %convert_element_type3A_184 = arith.extui %lt3A_183 : i1 to i32
      %cond3A_185 = arith.constant 0 : i32
      %cond3A_186 = arith.cmpi ne, %convert_element_type3A_184, %cond3A_185 : i32
      scf.if %cond3A_186 {
        %add3A_187 = arith.constant 3 : i32
        %add3A_188 = arith.addi %add3A_101, %add3A_187 : i32
        %jit3A_189 = arith.constant 16 : i32
        %div3A_190 = arith.divsi %add3A_188, %jit3A_189 : i32
        %sign3A_191 = arith.constant 0 : i32
        %sign3A_192 = arith.cmpi sgt, %add3A_188, %sign3A_191 : i32
        %sign3A_193 = arith.extui %sign3A_192 : i1 to i32
        %sign3A_194 = arith.constant 0 : i32
        %sign3A_195 = arith.cmpi slt, %add3A_188, %sign3A_194 : i32
        %sign3A_196 = arith.extui %sign3A_195 : i1 to i32
        %sign3A_197 = arith.subi %sign3A_193, %sign3A_196 : i32
        %sign3A_198 = arith.constant 0 : i32
        %sign3A_199 = arith.cmpi sgt, %jit3A_189, %sign3A_198 : i32
        %sign3A_200 = arith.extui %sign3A_199 : i1 to i32
        %sign3A_201 = arith.constant 0 : i32
        %sign3A_202 = arith.cmpi slt, %jit3A_189, %sign3A_201 : i32
        %sign3A_203 = arith.extui %sign3A_202 : i1 to i32
        %sign3A_204 = arith.subi %sign3A_200, %sign3A_203 : i32
        %ne3A_205 = arith.cmpi ne, %sign3A_197, %sign3A_204 : i32
        %rem3A_206 = arith.remsi %add3A_188, %jit3A_189 : i32
        %ne3A_207 = arith.constant 0 : i32
        %ne3A_208 = arith.cmpi ne, %rem3A_206, %ne3A_207 : i32
        %and3A_209 = arith.andi %ne3A_205, %ne3A_208 : i1
        %sub3A_210 = arith.constant 1 : i32
        %sub3A_211 = arith.subi %div3A_190, %sub3A_210 : i32
        %select_n3A_212 = arith.select %and3A_209, %sub3A_211, %div3A_190 : i32
        %rem3A_213 = arith.constant 2 : i32
        %rem3A_214 = arith.remsi %select_n3A_212, %rem3A_213 : i32
        %add3A_215 = arith.constant 3 : i32
        %add3A_216 = arith.addi %add3A_101, %add3A_215 : i32
        %rem3A_217 = arith.constant 16 : i32
        %rem3A_218 = arith.remsi %add3A_216, %rem3A_217 : i32
        %dma_start3A_219 = arith.constant 0 : i32
        %dma_start3A_220 = tpu.memref_slice %arg7[%rem3A_214, %rem3A_218, %dma_start3A_219] : memref<2x16x128xi32, #tpu.memory_space<vmem>> -> memref<1x1x128xi32, #tpu.memory_space<vmem>>
        %dma_start3A_221 = tpu.memref_squeeze %dma_start3A_220 : memref<1x1x128xi32, #tpu.memory_space<vmem>> -> memref<128xi32, #tpu.memory_space<vmem>>
        %dma_start3A_222 = arith.constant 0 : i32
        %dma_start3A_223 = arith.constant 0 : i32
        %dma_start3A_224 = tpu.memref_slice %arg2[%dma_start3A_222, %dma_start3A_223] : memref<10240x128xf32, #tpu.memory_space<hbm>> -> memref<10240x128xf32, #tpu.memory_space<hbm>>
        tpu.enqueue_indirect_dma source(%dma_start3A_224 : memref<10240x128xf32, #tpu.memory_space<hbm>>) target(%arg10 : memref<128x128xf32, #tpu.memory_space<vmem>>) offsets(%dma_start3A_221 : memref<128xi32, #tpu.memory_space<vmem>>) semaphore(%arg13 : memref<!tpu.dma_semaphore, #tpu.memory_space<semaphore_mem>>)
      } else {
      }
    }
    %scan3A_92 = arith.constant 80 : i32
    %barrier3A_93 = arith.constant 0 : index
    tpu.barrier barrier_id(%barrier3A_93)
    %mul3A_94 = arith.constant 640 : i32
    %mul3A_95 = arith.muli %arg1, %mul3A_94 : i32
    %mul3A_96 = arith.constant 640 : i32
    %mul3A_97 = arith.muli %arg1, %mul3A_96 : i32
    "tpu.region"() ({
      %run_scoped3A = tpu.sem_alloc : memref<!tpu.dma_semaphore, #tpu.memory_space<semaphore_mem>>
      %dma_start3A_98 = arith.constant 0 : i32
      %dma_start3A_99 = tpu.memref_slice %arg6[%mul3A_97, %dma_start3A_98] : memref<10240x128xf32, #tpu.memory_space<hbm>> -> memref<640x128xf32, #tpu.memory_space<hbm>>
      %dma_start3A_100 = arith.constant 0 : i32
      %dma_start3A_101 = tpu.memref_slice %arg11[%mul3A_95, %dma_start3A_100] : memref<10240x128xf32, #tpu.memory_space<vmem_shared>> -> memref<640x128xf32, #tpu.memory_space<vmem_shared>>
      tpu.enqueue_dma source(%dma_start3A_101 : memref<640x128xf32, #tpu.memory_space<vmem_shared>>) target(%dma_start3A_99 : memref<640x128xf32, #tpu.memory_space<hbm>>) target_semaphore(%run_scoped3A : memref<!tpu.dma_semaphore, #tpu.memory_space<semaphore_mem>>)
      %dma_wait3A_102 = arith.constant 0 : i32
      %dma_wait3A_103 = tpu.memref_slice %arg6[%mul3A_97, %dma_wait3A_102] : memref<10240x128xf32, #tpu.memory_space<hbm>> -> memref<640x128xf32, #tpu.memory_space<hbm>>
      %dma_wait3A_104 = arith.constant 0 : i32
      %dma_wait3A_105 = tpu.memref_slice %arg11[%mul3A_95, %dma_wait3A_104] : memref<10240x128xf32, #tpu.memory_space<vmem_shared>> -> memref<640x128xf32, #tpu.memory_space<vmem_shared>>
      tpu.wait_dma2 semaphore(%run_scoped3A : memref<!tpu.dma_semaphore, #tpu.memory_space<semaphore_mem>>) src(%dma_wait3A_105 : memref<640x128xf32, #tpu.memory_space<vmem_shared>>) dst(%dma_wait3A_103 : memref<640x128xf32, #tpu.memory_space<hbm>>)
      tpu.yield
    }) : () -> ()
    return
  }
}

#map = affine_map<(d0, d1) -> (0, 0)>
#map1 = affine_map<(d0, d1) -> (0, 0, 0, 0)>
module attributes {stable_mosaic.version = 14 : i64} {
  func.func @k(%arg0: i32, %arg1: i32, %arg2: memref<10240x128xf32, #tpu.memory_space<hbm>>, %arg3: memref<10240x128xf32, #tpu.memory_space<hbm>>, %arg4: memref<16x10x16x128xi32, #tpu.memory_space<hbm>>, %arg5: memref<16x10x16x128xi32, #tpu.memory_space<hbm>>, %arg6: memref<10240x128xf32, #tpu.memory_space<hbm>>, %arg7: memref<2x16x128xi32, #tpu.memory_space<vmem>>, %arg8: memref<2x16x128xi32, #tpu.memory_space<vmem>>, %arg9: memref<128x128xf32, #tpu.memory_space<vmem>>, %arg10: memref<128x128xf32, #tpu.memory_space<vmem>>, %arg11: memref<10240x128xf32, #tpu.memory_space<vmem_shared>>, %arg12: memref<!tpu.dma_semaphore, #tpu.memory_space<semaphore_mem>>, %arg13: memref<!tpu.dma_semaphore, #tpu.memory_space<semaphore_mem>>, %arg14: memref<!tpu.dma_semaphore, #tpu.memory_space<semaphore_mem>>, %arg15: memref<!tpu.dma_semaphore, #tpu.memory_space<semaphore_mem>>, %arg16: memref<!tpu.dma_semaphore, #tpu.memory_space<semaphore_mem>>) attributes {dimension_semantics = [#tpu.dimension_semantics<core_parallel>, #tpu.dimension_semantics<subcore_parallel>], iteration_bounds = array<i64: 1, 16>, scalar_prefetch = 0 : i64, scratch_operands = 10 : i64, tpu.core_type = #tpu.core_type<sc_vector_subcore>, window_params = [{transform_indices = #map}, {transform_indices = #map}, {transform_indices = #map1}, {transform_indices = #map1}, {transform_indices = #map}]} {
    %dma_start3A = arith.constant 0 : i32
    %dma_start3A_0 = arith.constant 0 : i32
    %dma_start3A_1 = arith.constant 0 : i32
    %dma_start3A_2 = arith.constant 0 : i32
    %dma_start3A_3 = tpu.memref_slice %arg7[%dma_start3A_0, %dma_start3A_1, %dma_start3A_2] : memref<2x16x128xi32, #tpu.memory_space<vmem>> -> memref<1x16x128xi32, #tpu.memory_space<vmem>>
    %dma_start3A_4 = tpu.memref_squeeze %dma_start3A_3 : memref<1x16x128xi32, #tpu.memory_space<vmem>> -> memref<16x128xi32, #tpu.memory_space<vmem>>
    %dma_start3A_5 = arith.constant 0 : i32
    %dma_start3A_6 = arith.constant 0 : i32
    %dma_start3A_7 = tpu.memref_slice %arg4[%arg1, %dma_start3A, %dma_start3A_5, %dma_start3A_6] : memref<16x10x16x128xi32, #tpu.memory_space<hbm>> -> memref<1x1x16x128xi32, #tpu.memory_space<hbm>>
    %dma_start3A_8 = tpu.memref_squeeze %dma_start3A_7 : memref<1x1x16x128xi32, #tpu.memory_space<hbm>> -> memref<16x128xi32, #tpu.memory_space<hbm>>
    %dma_start3A_9 = arith.constant 0 : i32
    %dma_start3A_10 = arith.constant 0 : i32
    %dma_start3A_11 = tpu.memref_slice %arg7[%dma_start3A_0, %dma_start3A_9, %dma_start3A_10] : memref<2x16x128xi32, #tpu.memory_space<vmem>> -> memref<1x16x128xi32, #tpu.memory_space<vmem>>
    %dma_start3A_12 = tpu.memref_squeeze %dma_start3A_11 : memref<1x16x128xi32, #tpu.memory_space<vmem>> -> memref<16x128xi32, #tpu.memory_space<vmem>>
    %dma_start3A_13 = arith.constant 0 : i32
    %dma_start3A_14 = arith.constant 0 : i32
    %dma_start3A_15 = tpu.memref_slice %arg4[%arg1, %dma_start3A, %dma_start3A_13, %dma_start3A_14] : memref<16x10x16x128xi32, #tpu.memory_space<hbm>> -> memref<1x1x16x128xi32, #tpu.memory_space<hbm>>
    %dma_start3A_16 = tpu.memref_squeeze %dma_start3A_15 : memref<1x1x16x128xi32, #tpu.memory_space<hbm>> -> memref<16x128xi32, #tpu.memory_space<hbm>>
    tpu.enqueue_dma source(%dma_start3A_16 : memref<16x128xi32, #tpu.memory_space<hbm>>) target(%dma_start3A_12 : memref<16x128xi32, #tpu.memory_space<vmem>>) target_semaphore(%arg16 : memref<!tpu.dma_semaphore, #tpu.memory_space<semaphore_mem>>)
    %dma_start3A_17 = arith.constant 0 : i32
    %dma_start3A_18 = arith.constant 0 : i32
    %dma_start3A_19 = arith.constant 0 : i32
    %dma_start3A_20 = arith.constant 0 : i32
    %dma_start3A_21 = tpu.memref_slice %arg8[%dma_start3A_18, %dma_start3A_19, %dma_start3A_20] : memref<2x16x128xi32, #tpu.memory_space<vmem>> -> memref<1x16x128xi32, #tpu.memory_space<vmem>>
    %dma_start3A_22 = tpu.memref_squeeze %dma_start3A_21 : memref<1x16x128xi32, #tpu.memory_space<vmem>> -> memref<16x128xi32, #tpu.memory_space<vmem>>
    %dma_start3A_23 = arith.constant 0 : i32
    %dma_start3A_24 = arith.constant 0 : i32
    %dma_start3A_25 = tpu.memref_slice %arg5[%arg1, %dma_start3A_17, %dma_start3A_23, %dma_start3A_24] : memref<16x10x16x128xi32, #tpu.memory_space<hbm>> -> memref<1x1x16x128xi32, #tpu.memory_space<hbm>>
    %dma_start3A_26 = tpu.memref_squeeze %dma_start3A_25 : memref<1x1x16x128xi32, #tpu.memory_space<hbm>> -> memref<16x128xi32, #tpu.memory_space<hbm>>
    %dma_start3A_27 = arith.constant 0 : i32
    %dma_start3A_28 = arith.constant 0 : i32
    %dma_start3A_29 = tpu.memref_slice %arg8[%dma_start3A_18, %dma_start3A_27, %dma_start3A_28] : memref<2x16x128xi32, #tpu.memory_space<vmem>> -> memref<1x16x128xi32, #tpu.memory_space<vmem>>
    %dma_start3A_30 = tpu.memref_squeeze %dma_start3A_29 : memref<1x16x128xi32, #tpu.memory_space<vmem>> -> memref<16x128xi32, #tpu.memory_space<vmem>>
    %dma_start3A_31 = arith.constant 0 : i32
    %dma_start3A_32 = arith.constant 0 : i32
    %dma_start3A_33 = tpu.memref_slice %arg5[%arg1, %dma_start3A_17, %dma_start3A_31, %dma_start3A_32] : memref<16x10x16x128xi32, #tpu.memory_space<hbm>> -> memref<1x1x16x128xi32, #tpu.memory_space<hbm>>
    %dma_start3A_34 = tpu.memref_squeeze %dma_start3A_33 : memref<1x1x16x128xi32, #tpu.memory_space<hbm>> -> memref<16x128xi32, #tpu.memory_space<hbm>>
    tpu.enqueue_dma source(%dma_start3A_34 : memref<16x128xi32, #tpu.memory_space<hbm>>) target(%dma_start3A_30 : memref<16x128xi32, #tpu.memory_space<vmem>>) target_semaphore(%arg16 : memref<!tpu.dma_semaphore, #tpu.memory_space<semaphore_mem>>)
    %mul3A = arith.constant 640 : i32
    %mul3A_35 = arith.muli %arg1, %mul3A : i32
    %mul3A_36 = arith.constant 640 : i32
    %mul3A_37 = arith.muli %arg1, %mul3A_36 : i32
    "tpu.region"() ({
      %run_scoped3A = tpu.sem_alloc : memref<!tpu.dma_semaphore, #tpu.memory_space<semaphore_mem>>
      %dma_start3A_98 = arith.constant 0 : i32
      %dma_start3A_99 = tpu.memref_slice %arg11[%mul3A_37, %dma_start3A_98] : memref<10240x128xf32, #tpu.memory_space<vmem_shared>> -> memref<640x128xf32, #tpu.memory_space<vmem_shared>>
      %dma_start3A_100 = arith.constant 0 : i32
      %dma_start3A_101 = tpu.memref_slice %arg3[%mul3A_35, %dma_start3A_100] : memref<10240x128xf32, #tpu.memory_space<hbm>> -> memref<640x128xf32, #tpu.memory_space<hbm>>
      tpu.enqueue_dma source(%dma_start3A_101 : memref<640x128xf32, #tpu.memory_space<hbm>>) target(%dma_start3A_99 : memref<640x128xf32, #tpu.memory_space<vmem_shared>>) target_semaphore(%run_scoped3A : memref<!tpu.dma_semaphore, #tpu.memory_space<semaphore_mem>>)
      %dma_wait3A_102 = arith.constant 0 : i32
      %dma_wait3A_103 = tpu.memref_slice %arg11[%mul3A_37, %dma_wait3A_102] : memref<10240x128xf32, #tpu.memory_space<vmem_shared>> -> memref<640x128xf32, #tpu.memory_space<vmem_shared>>
      %dma_wait3A_104 = arith.constant 0 : i32
      %dma_wait3A_105 = tpu.memref_slice %arg3[%mul3A_35, %dma_wait3A_104] : memref<10240x128xf32, #tpu.memory_space<hbm>> -> memref<640x128xf32, #tpu.memory_space<hbm>>
      tpu.wait_dma2 semaphore(%run_scoped3A : memref<!tpu.dma_semaphore, #tpu.memory_space<semaphore_mem>>) src(%dma_wait3A_105 : memref<640x128xf32, #tpu.memory_space<hbm>>) dst(%dma_wait3A_103 : memref<640x128xf32, #tpu.memory_space<vmem_shared>>)
      tpu.yield
    }) : () -> ()
    %dma_wait3A = arith.constant 0 : i32
    %dma_wait3A_38 = arith.constant 0 : i32
    %dma_wait3A_39 = arith.constant 0 : i32
    %dma_wait3A_40 = arith.constant 0 : i32
    %dma_wait3A_41 = tpu.memref_slice %arg7[%dma_wait3A_38, %dma_wait3A_39, %dma_wait3A_40] : memref<2x16x128xi32, #tpu.memory_space<vmem>> -> memref<1x16x128xi32, #tpu.memory_space<vmem>>
    %dma_wait3A_42 = tpu.memref_squeeze %dma_wait3A_41 : memref<1x16x128xi32, #tpu.memory_space<vmem>> -> memref<16x128xi32, #tpu.memory_space<vmem>>
    %dma_wait3A_43 = arith.constant 0 : i32
    %dma_wait3A_44 = arith.constant 0 : i32
    %dma_wait3A_45 = tpu.memref_slice %arg4[%arg1, %dma_wait3A, %dma_wait3A_43, %dma_wait3A_44] : memref<16x10x16x128xi32, #tpu.memory_space<hbm>> -> memref<1x1x16x128xi32, #tpu.memory_space<hbm>>
    %dma_wait3A_46 = tpu.memref_squeeze %dma_wait3A_45 : memref<1x1x16x128xi32, #tpu.memory_space<hbm>> -> memref<16x128xi32, #tpu.memory_space<hbm>>
    %dma_wait3A_47 = arith.constant 0 : i32
    %dma_wait3A_48 = arith.constant 0 : i32
    %dma_wait3A_49 = tpu.memref_slice %arg7[%dma_wait3A_38, %dma_wait3A_47, %dma_wait3A_48] : memref<2x16x128xi32, #tpu.memory_space<vmem>> -> memref<1x16x128xi32, #tpu.memory_space<vmem>>
    %dma_wait3A_50 = tpu.memref_squeeze %dma_wait3A_49 : memref<1x16x128xi32, #tpu.memory_space<vmem>> -> memref<16x128xi32, #tpu.memory_space<vmem>>
    %dma_wait3A_51 = arith.constant 0 : i32
    %dma_wait3A_52 = arith.constant 0 : i32
    %dma_wait3A_53 = tpu.memref_slice %arg4[%arg1, %dma_wait3A, %dma_wait3A_51, %dma_wait3A_52] : memref<16x10x16x128xi32, #tpu.memory_space<hbm>> -> memref<1x1x16x128xi32, #tpu.memory_space<hbm>>
    %dma_wait3A_54 = tpu.memref_squeeze %dma_wait3A_53 : memref<1x1x16x128xi32, #tpu.memory_space<hbm>> -> memref<16x128xi32, #tpu.memory_space<hbm>>
    tpu.wait_dma2 semaphore(%arg16 : memref<!tpu.dma_semaphore, #tpu.memory_space<semaphore_mem>>) src(%dma_wait3A_54 : memref<16x128xi32, #tpu.memory_space<hbm>>) dst(%dma_wait3A_50 : memref<16x128xi32, #tpu.memory_space<vmem>>)
    %dma_wait3A_55 = arith.constant 0 : i32
    %dma_wait3A_56 = arith.constant 0 : i32
    %dma_wait3A_57 = arith.constant 0 : i32
    %dma_wait3A_58 = arith.constant 0 : i32
    %dma_wait3A_59 = tpu.memref_slice %arg8[%dma_wait3A_56, %dma_wait3A_57, %dma_wait3A_58] : memref<2x16x128xi32, #tpu.memory_space<vmem>> -> memref<1x16x128xi32, #tpu.memory_space<vmem>>
    %dma_wait3A_60 = tpu.memref_squeeze %dma_wait3A_59 : memref<1x16x128xi32, #tpu.memory_space<vmem>> -> memref<16x128xi32, #tpu.memory_space<vmem>>
    %dma_wait3A_61 = arith.constant 0 : i32
    %dma_wait3A_62 = arith.constant 0 : i32
    %dma_wait3A_63 = tpu.memref_slice %arg5[%arg1, %dma_wait3A_55, %dma_wait3A_61, %dma_wait3A_62] : memref<16x10x16x128xi32, #tpu.memory_space<hbm>> -> memref<1x1x16x128xi32, #tpu.memory_space<hbm>>
    %dma_wait3A_64 = tpu.memref_squeeze %dma_wait3A_63 : memref<1x1x16x128xi32, #tpu.memory_space<hbm>> -> memref<16x128xi32, #tpu.memory_space<hbm>>
    %dma_wait3A_65 = arith.constant 0 : i32
    %dma_wait3A_66 = arith.constant 0 : i32
    %dma_wait3A_67 = tpu.memref_slice %arg8[%dma_wait3A_56, %dma_wait3A_65, %dma_wait3A_66] : memref<2x16x128xi32, #tpu.memory_space<vmem>> -> memref<1x16x128xi32, #tpu.memory_space<vmem>>
    %dma_wait3A_68 = tpu.memref_squeeze %dma_wait3A_67 : memref<1x16x128xi32, #tpu.memory_space<vmem>> -> memref<16x128xi32, #tpu.memory_space<vmem>>
    %dma_wait3A_69 = arith.constant 0 : i32
    %dma_wait3A_70 = arith.constant 0 : i32
    %dma_wait3A_71 = tpu.memref_slice %arg5[%arg1, %dma_wait3A_55, %dma_wait3A_69, %dma_wait3A_70] : memref<16x10x16x128xi32, #tpu.memory_space<hbm>> -> memref<1x1x16x128xi32, #tpu.memory_space<hbm>>
    %dma_wait3A_72 = tpu.memref_squeeze %dma_wait3A_71 : memref<1x1x16x128xi32, #tpu.memory_space<hbm>> -> memref<16x128xi32, #tpu.memory_space<hbm>>
    tpu.wait_dma2 semaphore(%arg16 : memref<!tpu.dma_semaphore, #tpu.memory_space<semaphore_mem>>) src(%dma_wait3A_72 : memref<16x128xi32, #tpu.memory_space<hbm>>) dst(%dma_wait3A_68 : memref<16x128xi32, #tpu.memory_space<vmem>>)
    %barrier3A = arith.constant 0 : index
    tpu.barrier barrier_id(%barrier3A)
    %dma_start3A_73 = arith.constant 0 : i32
    %dma_start3A_74 = arith.constant 0 : i32
    %dma_start3A_75 = arith.constant 0 : i32
    %dma_start3A_76 = tpu.memref_slice %arg7[%dma_start3A_73, %dma_start3A_74, %dma_start3A_75] : memref<2x16x128xi32, #tpu.memory_space<vmem>> -> memref<1x1x128xi32, #tpu.memory_space<vmem>>
    %dma_start3A_77 = tpu.memref_squeeze %dma_start3A_76 : memref<1x1x128xi32, #tpu.memory_space<vmem>> -> memref<128xi32, #tpu.memory_space<vmem>>
    %dma_start3A_78 = arith.constant 0 : i32
    %dma_start3A_79 = arith.constant 0 : i32
    %dma_start3A_80 = tpu.memref_slice %arg2[%dma_start3A_78, %dma_start3A_79] : memref<10240x128xf32, #tpu.memory_space<hbm>> -> memref<10240x128xf32, #tpu.memory_space<hbm>>
    tpu.enqueue_indirect_dma source(%dma_start3A_80 : memref<10240x128xf32, #tpu.memory_space<hbm>>) target(%arg9 : memref<128x128xf32, #tpu.memory_space<vmem>>) offsets(%dma_start3A_77 : memref<128xi32, #tpu.memory_space<vmem>>) semaphore(%arg12 : memref<!tpu.dma_semaphore, #tpu.memory_space<semaphore_mem>>)
    %dma_start3A_81 = arith.constant 0 : i32
    %dma_start3A_82 = arith.constant 1 : i32
    %dma_start3A_83 = arith.constant 0 : i32
    %dma_start3A_84 = tpu.memref_slice %arg7[%dma_start3A_81, %dma_start3A_82, %dma_start3A_83] : memref<2x16x128xi32, #tpu.memory_space<vmem>> -> memref<1x1x128xi32, #tpu.memory_space<vmem>>
    %dma_start3A_85 = tpu.memref_squeeze %dma_start3A_84 : memref<1x1x128xi32, #tpu.memory_space<vmem>> -> memref<128xi32, #tpu.memory_space<vmem>>
    %dma_start3A_86 = arith.constant 0 : i32
    %dma_start3A_87 = arith.constant 0 : i32
    %dma_start3A_88 = tpu.memref_slice %arg2[%dma_start3A_86, %dma_start3A_87] : memref<10240x128xf32, #tpu.memory_space<hbm>> -> memref<10240x128xf32, #tpu.memory_space<hbm>>
    tpu.enqueue_indirect_dma source(%dma_start3A_88 : memref<10240x128xf32, #tpu.memory_space<hbm>>) target(%arg10 : memref<128x128xf32, #tpu.memory_space<vmem>>) offsets(%dma_start3A_85 : memref<128xi32, #tpu.memory_space<vmem>>) semaphore(%arg13 : memref<!tpu.dma_semaphore, #tpu.memory_space<semaphore_mem>>)
    %scan3A = arith.constant 0 : i32
    %scan3A_89 = arith.constant 80 : i32
    %scan3A_90 = arith.addi %scan3A, %scan3A_89 : i32
    %scan3A_91 = arith.constant 1 : i32
    scf.for %scan3A_98 = %scan3A to %scan3A_90 step %scan3A_91  : i32 {
      %mul3A_99 = arith.constant 2 : i32
      %mul3A_100 = arith.muli %scan3A_98, %mul3A_99 : i32
      %add3A = arith.constant 0 : i32
      %add3A_101 = arith.addi %add3A, %mul3A_100 : i32
      %jit3A = arith.constant 16 : i32
      %div3A = arith.divsi %add3A_101, %jit3A : i32
      %sign3A = arith.constant 0 : i32
      %sign3A_102 = arith.cmpi sgt, %add3A_101, %sign3A : i32
      %sign3A_103 = arith.extui %sign3A_102 : i1 to i32
      %sign3A_104 = arith.constant 0 : i32
      %sign3A_105 = arith.cmpi slt, %add3A_101, %sign3A_104 : i32
      %sign3A_106 = arith.extui %sign3A_105 : i1 to i32
      %sign3A_107 = arith.subi %sign3A_103, %sign3A_106 : i32
      %sign3A_108 = arith.constant 0 : i32
      %sign3A_109 = arith.cmpi sgt, %jit3A, %sign3A_108 : i32
      %sign3A_110 = arith.extui %sign3A_109 : i1 to i32
      %sign3A_111 = arith.constant 0 : i32
      %sign3A_112 = arith.cmpi slt, %jit3A, %sign3A_111 : i32
      %sign3A_113 = arith.extui %sign3A_112 : i1 to i32
      %sign3A_114 = arith.subi %sign3A_110, %sign3A_113 : i32
      %ne3A = arith.cmpi ne, %sign3A_107, %sign3A_114 : i32
      %rem3A = arith.remsi %add3A_101, %jit3A : i32
      %ne3A_115 = arith.constant 0 : i32
      %ne3A_116 = arith.cmpi ne, %rem3A, %ne3A_115 : i32
      %and3A = arith.andi %ne3A, %ne3A_116 : i1
      %sub3A = arith.constant 1 : i32
      %sub3A_117 = arith.subi %div3A, %sub3A : i32
      %select_n3A = arith.select %and3A, %sub3A_117, %div3A : i32
      %rem3A_118 = arith.constant 2 : i32
      %rem3A_119 = arith.remsi %select_n3A, %rem3A_118 : i32
      %rem3A_120 = arith.constant 16 : i32
      %rem3A_121 = arith.remsi %add3A_101, %rem3A_120 : i32
      %eq3A = arith.constant 0 : i32
      %eq3A_122 = arith.cmpi eq, %rem3A_121, %eq3A : i32
      %convert_element_type3A = arith.extui %eq3A_122 : i1 to i32
      %cond3A = arith.constant 0 : i32
      %cond3A_123 = arith.cmpi ne, %convert_element_type3A, %cond3A : i32
      scf.if %cond3A_123 {
        %add3A_187 = arith.constant 1 : i32
        %add3A_188 = arith.addi %select_n3A, %add3A_187 : i32
        %lt3A_189 = arith.constant 10 : i32
        %lt3A_190 = arith.cmpi slt, %add3A_188, %lt3A_189 : i32
        %convert_element_type3A_191 = arith.extui %lt3A_190 : i1 to i32
        %cond3A_192 = arith.constant 0 : i32
        %cond3A_193 = arith.cmpi ne, %convert_element_type3A_191, %cond3A_192 : i32
        scf.if %cond3A_193 {
          %add3A_194 = arith.constant 1 : i32
          %add3A_195 = arith.addi %select_n3A, %add3A_194 : i32
          %rem3A_196 = arith.constant 2 : i32
          %rem3A_197 = arith.remsi %add3A_195, %rem3A_196 : i32
          %add3A_198 = arith.constant 1 : i32
          %add3A_199 = arith.addi %select_n3A, %add3A_198 : i32
          %dma_start3A_200 = arith.constant 0 : i32
          %dma_start3A_201 = arith.constant 0 : i32
          %dma_start3A_202 = tpu.memref_slice %arg7[%rem3A_197, %dma_start3A_200, %dma_start3A_201] : memref<2x16x128xi32, #tpu.memory_space<vmem>> -> memref<1x16x128xi32, #tpu.memory_space<vmem>>
          %dma_start3A_203 = tpu.memref_squeeze %dma_start3A_202 : memref<1x16x128xi32, #tpu.memory_space<vmem>> -> memref<16x128xi32, #tpu.memory_space<vmem>>
          %dma_start3A_204 = arith.constant 0 : i32
          %dma_start3A_205 = arith.constant 0 : i32
          %dma_start3A_206 = tpu.memref_slice %arg4[%arg1, %add3A_199, %dma_start3A_204, %dma_start3A_205] : memref<16x10x16x128xi32, #tpu.memory_space<hbm>> -> memref<1x1x16x128xi32, #tpu.memory_space<hbm>>
          %dma_start3A_207 = tpu.memref_squeeze %dma_start3A_206 : memref<1x1x16x128xi32, #tpu.memory_space<hbm>> -> memref<16x128xi32, #tpu.memory_space<hbm>>
          %dma_start3A_208 = arith.constant 0 : i32
          %dma_start3A_209 = arith.constant 0 : i32
          %dma_start3A_210 = tpu.memref_slice %arg7[%rem3A_197, %dma_start3A_208, %dma_start3A_209] : memref<2x16x128xi32, #tpu.memory_space<vmem>> -> memref<1x16x128xi32, #tpu.memory_space<vmem>>
          %dma_start3A_211 = tpu.memref_squeeze %dma_start3A_210 : memref<1x16x128xi32, #tpu.memory_space<vmem>> -> memref<16x128xi32, #tpu.memory_space<vmem>>
          %dma_start3A_212 = arith.constant 0 : i32
          %dma_start3A_213 = arith.constant 0 : i32
          %dma_start3A_214 = tpu.memref_slice %arg4[%arg1, %add3A_199, %dma_start3A_212, %dma_start3A_213] : memref<16x10x16x128xi32, #tpu.memory_space<hbm>> -> memref<1x1x16x128xi32, #tpu.memory_space<hbm>>
          %dma_start3A_215 = tpu.memref_squeeze %dma_start3A_214 : memref<1x1x16x128xi32, #tpu.memory_space<hbm>> -> memref<16x128xi32, #tpu.memory_space<hbm>>
          tpu.enqueue_dma source(%dma_start3A_215 : memref<16x128xi32, #tpu.memory_space<hbm>>) target(%dma_start3A_211 : memref<16x128xi32, #tpu.memory_space<vmem>>) target_semaphore(%arg16 : memref<!tpu.dma_semaphore, #tpu.memory_space<semaphore_mem>>)
          %add3A_216 = arith.constant 1 : i32
          %add3A_217 = arith.addi %select_n3A, %add3A_216 : i32
          %dma_start3A_218 = arith.constant 0 : i32
          %dma_start3A_219 = arith.constant 0 : i32
          %dma_start3A_220 = tpu.memref_slice %arg8[%rem3A_197, %dma_start3A_218, %dma_start3A_219] : memref<2x16x128xi32, #tpu.memory_space<vmem>> -> memref<1x16x128xi32, #tpu.memory_space<vmem>>
          %dma_start3A_221 = tpu.memref_squeeze %dma_start3A_220 : memref<1x16x128xi32, #tpu.memory_space<vmem>> -> memref<16x128xi32, #tpu.memory_space<vmem>>
          %dma_start3A_222 = arith.constant 0 : i32
          %dma_start3A_223 = arith.constant 0 : i32
          %dma_start3A_224 = tpu.memref_slice %arg5[%arg1, %add3A_217, %dma_start3A_222, %dma_start3A_223] : memref<16x10x16x128xi32, #tpu.memory_space<hbm>> -> memref<1x1x16x128xi32, #tpu.memory_space<hbm>>
          %dma_start3A_225 = tpu.memref_squeeze %dma_start3A_224 : memref<1x1x16x128xi32, #tpu.memory_space<hbm>> -> memref<16x128xi32, #tpu.memory_space<hbm>>
          %dma_start3A_226 = arith.constant 0 : i32
          %dma_start3A_227 = arith.constant 0 : i32
          %dma_start3A_228 = tpu.memref_slice %arg8[%rem3A_197, %dma_start3A_226, %dma_start3A_227] : memref<2x16x128xi32, #tpu.memory_space<vmem>> -> memref<1x16x128xi32, #tpu.memory_space<vmem>>
          %dma_start3A_229 = tpu.memref_squeeze %dma_start3A_228 : memref<1x16x128xi32, #tpu.memory_space<vmem>> -> memref<16x128xi32, #tpu.memory_space<vmem>>
          %dma_start3A_230 = arith.constant 0 : i32
          %dma_start3A_231 = arith.constant 0 : i32
          %dma_start3A_232 = tpu.memref_slice %arg5[%arg1, %add3A_217, %dma_start3A_230, %dma_start3A_231] : memref<16x10x16x128xi32, #tpu.memory_space<hbm>> -> memref<1x1x16x128xi32, #tpu.memory_space<hbm>>
          %dma_start3A_233 = tpu.memref_squeeze %dma_start3A_232 : memref<1x1x16x128xi32, #tpu.memory_space<hbm>> -> memref<16x128xi32, #tpu.memory_space<hbm>>
          tpu.enqueue_dma source(%dma_start3A_233 : memref<16x128xi32, #tpu.memory_space<hbm>>) target(%dma_start3A_229 : memref<16x128xi32, #tpu.memory_space<vmem>>) target_semaphore(%arg16 : memref<!tpu.dma_semaphore, #tpu.memory_space<semaphore_mem>>)
        } else {
        }
      } else {
      }
      %dma_wait3A_124 = arith.constant 0 : i32
      %dma_wait3A_125 = arith.constant 0 : i32
      %dma_wait3A_126 = arith.constant 0 : i32
      %dma_wait3A_127 = tpu.memref_slice %arg7[%dma_wait3A_124, %dma_wait3A_125, %dma_wait3A_126] : memref<2x16x128xi32, #tpu.memory_space<vmem>> -> memref<1x1x128xi32, #tpu.memory_space<vmem>>
      %dma_wait3A_128 = tpu.memref_squeeze %dma_wait3A_127 : memref<1x1x128xi32, #tpu.memory_space<vmem>> -> memref<128xi32, #tpu.memory_space<vmem>>
      %dma_wait3A_129 = arith.constant 0 : i32
      %dma_wait3A_130 = arith.constant 0 : i32
      %dma_wait3A_131 = tpu.memref_slice %arg2[%dma_wait3A_129, %dma_wait3A_130] : memref<10240x128xf32, #tpu.memory_space<hbm>> -> memref<10240x128xf32, #tpu.memory_space<hbm>>
      tpu.wait_indirect_dma semaphore(%arg12 : memref<!tpu.dma_semaphore, #tpu.memory_space<semaphore_mem>>) src(%dma_wait3A_131 : memref<10240x128xf32, #tpu.memory_space<hbm>>) dst(%arg9 : memref<128x128xf32, #tpu.memory_space<vmem>>)
      %rem3A_132 = arith.constant 16 : i32
      %rem3A_133 = arith.remsi %add3A_101, %rem3A_132 : i32
      %dma_start3A_134 = arith.constant 0 : i32
      %dma_start3A_135 = tpu.memref_slice %arg8[%rem3A_119, %rem3A_133, %dma_start3A_134] : memref<2x16x128xi32, #tpu.memory_space<vmem>> -> memref<1x1x128xi32, #tpu.memory_space<vmem>>
      %dma_start3A_136 = tpu.memref_squeeze %dma_start3A_135 : memref<1x1x128xi32, #tpu.memory_space<vmem>> -> memref<128xi32, #tpu.memory_space<vmem>>
      %dma_start3A_137 = arith.constant 0 : i32
      %dma_start3A_138 = arith.constant 0 : i32
      %dma_start3A_139 = tpu.memref_slice %arg11[%dma_start3A_137, %dma_start3A_138] : memref<10240x128xf32, #tpu.memory_space<vmem_shared>> -> memref<10240x128xf32, #tpu.memory_space<vmem_shared>>
      tpu.enqueue_indirect_dma source(%arg9 : memref<128x128xf32, #tpu.memory_space<vmem>>) target(%dma_start3A_139 : memref<10240x128xf32, #tpu.memory_space<vmem_shared>>) offsets(%dma_start3A_136 : memref<128xi32, #tpu.memory_space<vmem>>) semaphore(%arg14 : memref<!tpu.dma_semaphore, #tpu.memory_space<semaphore_mem>>) {add = true}
      %dma_wait3A_140 = arith.constant 0 : i32
      %dma_wait3A_141 = arith.constant 0 : i32
      %dma_wait3A_142 = arith.constant 0 : i32
      %dma_wait3A_143 = tpu.memref_slice %arg7[%dma_wait3A_140, %dma_wait3A_141, %dma_wait3A_142] : memref<2x16x128xi32, #tpu.memory_space<vmem>> -> memref<1x1x128xi32, #tpu.memory_space<vmem>>
      %dma_wait3A_144 = tpu.memref_squeeze %dma_wait3A_143 : memref<1x1x128xi32, #tpu.memory_space<vmem>> -> memref<128xi32, #tpu.memory_space<vmem>>
      %dma_wait3A_145 = arith.constant 0 : i32
      %dma_wait3A_146 = arith.constant 0 : i32
      %dma_wait3A_147 = tpu.memref_slice %arg2[%dma_wait3A_145, %dma_wait3A_146] : memref<10240x128xf32, #tpu.memory_space<hbm>> -> memref<10240x128xf32, #tpu.memory_space<hbm>>
      tpu.wait_indirect_dma semaphore(%arg13 : memref<!tpu.dma_semaphore, #tpu.memory_space<semaphore_mem>>) src(%dma_wait3A_147 : memref<10240x128xf32, #tpu.memory_space<hbm>>) dst(%arg10 : memref<128x128xf32, #tpu.memory_space<vmem>>)
      %add3A_148 = arith.constant 1 : i32
      %add3A_149 = arith.addi %add3A_101, %add3A_148 : i32
      %rem3A_150 = arith.constant 16 : i32
      %rem3A_151 = arith.remsi %add3A_149, %rem3A_150 : i32
      %dma_start3A_152 = arith.constant 0 : i32
      %dma_start3A_153 = tpu.memref_slice %arg8[%rem3A_119, %rem3A_151, %dma_start3A_152] : memref<2x16x128xi32, #tpu.memory_space<vmem>> -> memref<1x1x128xi32, #tpu.memory_space<vmem>>
      %dma_start3A_154 = tpu.memref_squeeze %dma_start3A_153 : memref<1x1x128xi32, #tpu.memory_space<vmem>> -> memref<128xi32, #tpu.memory_space<vmem>>
      %dma_start3A_155 = arith.constant 0 : i32
      %dma_start3A_156 = arith.constant 0 : i32
      %dma_start3A_157 = tpu.memref_slice %arg11[%dma_start3A_155, %dma_start3A_156] : memref<10240x128xf32, #tpu.memory_space<vmem_shared>> -> memref<10240x128xf32, #tpu.memory_space<vmem_shared>>
      tpu.enqueue_indirect_dma source(%arg10 : memref<128x128xf32, #tpu.memory_space<vmem>>) target(%dma_start3A_157 : memref<10240x128xf32, #tpu.memory_space<vmem_shared>>) offsets(%dma_start3A_154 : memref<128xi32, #tpu.memory_space<vmem>>) semaphore(%arg15 : memref<!tpu.dma_semaphore, #tpu.memory_space<semaphore_mem>>) {add = true}
      %dma_wait3A_158 = arith.constant 0 : i32
      %dma_wait3A_159 = arith.constant 0 : i32
      %dma_wait3A_160 = arith.constant 0 : i32
      %dma_wait3A_161 = tpu.memref_slice %arg8[%dma_wait3A_158, %dma_wait3A_159, %dma_wait3A_160] : memref<2x16x128xi32, #tpu.memory_space<vmem>> -> memref<1x1x128xi32, #tpu.memory_space<vmem>>
      %dma_wait3A_162 = tpu.memref_squeeze %dma_wait3A_161 : memref<1x1x128xi32, #tpu.memory_space<vmem>> -> memref<128xi32, #tpu.memory_space<vmem>>
      %dma_wait3A_163 = arith.constant 0 : i32
      %dma_wait3A_164 = arith.constant 0 : i32
      %dma_wait3A_165 = tpu.memref_slice %arg11[%dma_wait3A_163, %dma_wait3A_164] : memref<10240x128xf32, #tpu.memory_space<vmem_shared>> -> memref<10240x128xf32, #tpu.memory_space<vmem_shared>>
      tpu.wait_indirect_dma semaphore(%arg14 : memref<!tpu.dma_semaphore, #tpu.memory_space<semaphore_mem>>) src(%arg9 : memref<128x128xf32, #tpu.memory_space<vmem>>) dst(%dma_wait3A_165 : memref<10240x128xf32, #tpu.memory_space<vmem_shared>>)
      %add3A_166 = arith.constant 2 : i32
      %add3A_167 = arith.addi %add3A_101, %add3A_166 : i32
      %lt3A = arith.constant 160 : i32
      %lt3A_168 = arith.cmpi slt, %add3A_167, %lt3A : i32
      %convert_element_type3A_169 = arith.extui %lt3A_168 : i1 to i32
      %cond3A_170 = arith.constant 0 : i32
      %cond3A_171 = arith.cmpi ne, %convert_element_type3A_169, %cond3A_170 : i32
      scf.if %cond3A_171 {
        %add3A_187 = arith.constant 2 : i32
        %add3A_188 = arith.addi %add3A_101, %add3A_187 : i32
        %rem3A_189 = arith.constant 16 : i32
        %rem3A_190 = arith.remsi %add3A_188, %rem3A_189 : i32
        %eq3A_191 = arith.constant 0 : i32
        %eq3A_192 = arith.cmpi eq, %rem3A_190, %eq3A_191 : i32
        %convert_element_type3A_193 = arith.extui %eq3A_192 : i1 to i32
        %cond3A_194 = arith.constant 0 : i32
        %cond3A_195 = arith.cmpi ne, %convert_element_type3A_193, %cond3A_194 : i32
        scf.if %cond3A_195 {
          %dma_wait3A_234 = arith.constant 0 : i32
          %dma_wait3A_235 = arith.constant 0 : i32
          %dma_wait3A_236 = arith.constant 0 : i32
          %dma_wait3A_237 = arith.constant 0 : i32
          %dma_wait3A_238 = tpu.memref_slice %arg7[%dma_wait3A_235, %dma_wait3A_236, %dma_wait3A_237] : memref<2x16x128xi32, #tpu.memory_space<vmem>> -> memref<1x16x128xi32, #tpu.memory_space<vmem>>
          %dma_wait3A_239 = tpu.memref_squeeze %dma_wait3A_238 : memref<1x16x128xi32, #tpu.memory_space<vmem>> -> memref<16x128xi32, #tpu.memory_space<vmem>>
          %dma_wait3A_240 = arith.constant 0 : i32
          %dma_wait3A_241 = arith.constant 0 : i32
          %dma_wait3A_242 = tpu.memref_slice %arg4[%arg1, %dma_wait3A_234, %dma_wait3A_240, %dma_wait3A_241] : memref<16x10x16x128xi32, #tpu.memory_space<hbm>> -> memref<1x1x16x128xi32, #tpu.memory_space<hbm>>
          %dma_wait3A_243 = tpu.memref_squeeze %dma_wait3A_242 : memref<1x1x16x128xi32, #tpu.memory_space<hbm>> -> memref<16x128xi32, #tpu.memory_space<hbm>>
          %dma_wait3A_244 = arith.constant 0 : i32
          %dma_wait3A_245 = arith.constant 0 : i32
          %dma_wait3A_246 = tpu.memref_slice %arg7[%dma_wait3A_235, %dma_wait3A_244, %dma_wait3A_245] : memref<2x16x128xi32, #tpu.memory_space<vmem>> -> memref<1x16x128xi32, #tpu.memory_space<vmem>>
          %dma_wait3A_247 = tpu.memref_squeeze %dma_wait3A_246 : memref<1x16x128xi32, #tpu.memory_space<vmem>> -> memref<16x128xi32, #tpu.memory_space<vmem>>
          %dma_wait3A_248 = arith.constant 0 : i32
          %dma_wait3A_249 = arith.constant 0 : i32
          %dma_wait3A_250 = tpu.memref_slice %arg4[%arg1, %dma_wait3A_234, %dma_wait3A_248, %dma_wait3A_249] : memref<16x10x16x128xi32, #tpu.memory_space<hbm>> -> memref<1x1x16x128xi32, #tpu.memory_space<hbm>>
          %dma_wait3A_251 = tpu.memref_squeeze %dma_wait3A_250 : memref<1x1x16x128xi32, #tpu.memory_space<hbm>> -> memref<16x128xi32, #tpu.memory_space<hbm>>
          tpu.wait_dma2 semaphore(%arg16 : memref<!tpu.dma_semaphore, #tpu.memory_space<semaphore_mem>>) src(%dma_wait3A_251 : memref<16x128xi32, #tpu.memory_space<hbm>>) dst(%dma_wait3A_247 : memref<16x128xi32, #tpu.memory_space<vmem>>)
          %dma_wait3A_252 = arith.constant 0 : i32
          %dma_wait3A_253 = arith.constant 0 : i32
          %dma_wait3A_254 = arith.constant 0 : i32
          %dma_wait3A_255 = arith.constant 0 : i32
          %dma_wait3A_256 = tpu.memref_slice %arg8[%dma_wait3A_253, %dma_wait3A_254, %dma_wait3A_255] : memref<2x16x128xi32, #tpu.memory_space<vmem>> -> memref<1x16x128xi32, #tpu.memory_space<vmem>>
          %dma_wait3A_257 = tpu.memref_squeeze %dma_wait3A_256 : memref<1x16x128xi32, #tpu.memory_space<vmem>> -> memref<16x128xi32, #tpu.memory_space<vmem>>
          %dma_wait3A_258 = arith.constant 0 : i32
          %dma_wait3A_259 = arith.constant 0 : i32
          %dma_wait3A_260 = tpu.memref_slice %arg5[%arg1, %dma_wait3A_252, %dma_wait3A_258, %dma_wait3A_259] : memref<16x10x16x128xi32, #tpu.memory_space<hbm>> -> memref<1x1x16x128xi32, #tpu.memory_space<hbm>>
          %dma_wait3A_261 = tpu.memref_squeeze %dma_wait3A_260 : memref<1x1x16x128xi32, #tpu.memory_space<hbm>> -> memref<16x128xi32, #tpu.memory_space<hbm>>
          %dma_wait3A_262 = arith.constant 0 : i32
          %dma_wait3A_263 = arith.constant 0 : i32
          %dma_wait3A_264 = tpu.memref_slice %arg8[%dma_wait3A_253, %dma_wait3A_262, %dma_wait3A_263] : memref<2x16x128xi32, #tpu.memory_space<vmem>> -> memref<1x16x128xi32, #tpu.memory_space<vmem>>
          %dma_wait3A_265 = tpu.memref_squeeze %dma_wait3A_264 : memref<1x16x128xi32, #tpu.memory_space<vmem>> -> memref<16x128xi32, #tpu.memory_space<vmem>>
          %dma_wait3A_266 = arith.constant 0 : i32
          %dma_wait3A_267 = arith.constant 0 : i32
          %dma_wait3A_268 = tpu.memref_slice %arg5[%arg1, %dma_wait3A_252, %dma_wait3A_266, %dma_wait3A_267] : memref<16x10x16x128xi32, #tpu.memory_space<hbm>> -> memref<1x1x16x128xi32, #tpu.memory_space<hbm>>
          %dma_wait3A_269 = tpu.memref_squeeze %dma_wait3A_268 : memref<1x1x16x128xi32, #tpu.memory_space<hbm>> -> memref<16x128xi32, #tpu.memory_space<hbm>>
          tpu.wait_dma2 semaphore(%arg16 : memref<!tpu.dma_semaphore, #tpu.memory_space<semaphore_mem>>) src(%dma_wait3A_269 : memref<16x128xi32, #tpu.memory_space<hbm>>) dst(%dma_wait3A_265 : memref<16x128xi32, #tpu.memory_space<vmem>>)
        } else {
        }
        %add3A_196 = arith.constant 2 : i32
        %add3A_197 = arith.addi %add3A_101, %add3A_196 : i32
        %jit3A_198 = arith.constant 16 : i32
        %div3A_199 = arith.divsi %add3A_197, %jit3A_198 : i32
        %sign3A_200 = arith.constant 0 : i32
        %sign3A_201 = arith.cmpi sgt, %add3A_197, %sign3A_200 : i32
        %sign3A_202 = arith.extui %sign3A_201 : i1 to i32
        %sign3A_203 = arith.constant 0 : i32
        %sign3A_204 = arith.cmpi slt, %add3A_197, %sign3A_203 : i32
        %sign3A_205 = arith.extui %sign3A_204 : i1 to i32
        %sign3A_206 = arith.subi %sign3A_202, %sign3A_205 : i32
        %sign3A_207 = arith.constant 0 : i32
        %sign3A_208 = arith.cmpi sgt, %jit3A_198, %sign3A_207 : i32
        %sign3A_209 = arith.extui %sign3A_208 : i1 to i32
        %sign3A_210 = arith.constant 0 : i32
        %sign3A_211 = arith.cmpi slt, %jit3A_198, %sign3A_210 : i32
        %sign3A_212 = arith.extui %sign3A_211 : i1 to i32
        %sign3A_213 = arith.subi %sign3A_209, %sign3A_212 : i32
        %ne3A_214 = arith.cmpi ne, %sign3A_206, %sign3A_213 : i32
        %rem3A_215 = arith.remsi %add3A_197, %jit3A_198 : i32
        %ne3A_216 = arith.constant 0 : i32
        %ne3A_217 = arith.cmpi ne, %rem3A_215, %ne3A_216 : i32
        %and3A_218 = arith.andi %ne3A_214, %ne3A_217 : i1
        %sub3A_219 = arith.constant 1 : i32
        %sub3A_220 = arith.subi %div3A_199, %sub3A_219 : i32
        %select_n3A_221 = arith.select %and3A_218, %sub3A_220, %div3A_199 : i32
        %rem3A_222 = arith.constant 2 : i32
        %rem3A_223 = arith.remsi %select_n3A_221, %rem3A_222 : i32
        %add3A_224 = arith.constant 2 : i32
        %add3A_225 = arith.addi %add3A_101, %add3A_224 : i32
        %rem3A_226 = arith.constant 16 : i32
        %rem3A_227 = arith.remsi %add3A_225, %rem3A_226 : i32
        %dma_start3A_228 = arith.constant 0 : i32
        %dma_start3A_229 = tpu.memref_slice %arg7[%rem3A_223, %rem3A_227, %dma_start3A_228] : memref<2x16x128xi32, #tpu.memory_space<vmem>> -> memref<1x1x128xi32, #tpu.memory_space<vmem>>
        %dma_start3A_230 = tpu.memref_squeeze %dma_start3A_229 : memref<1x1x128xi32, #tpu.memory_space<vmem>> -> memref<128xi32, #tpu.memory_space<vmem>>
        %dma_start3A_231 = arith.constant 0 : i32
        %dma_start3A_232 = arith.constant 0 : i32
        %dma_start3A_233 = tpu.memref_slice %arg2[%dma_start3A_231, %dma_start3A_232] : memref<10240x128xf32, #tpu.memory_space<hbm>> -> memref<10240x128xf32, #tpu.memory_space<hbm>>
        tpu.enqueue_indirect_dma source(%dma_start3A_233 : memref<10240x128xf32, #tpu.memory_space<hbm>>) target(%arg9 : memref<128x128xf32, #tpu.memory_space<vmem>>) offsets(%dma_start3A_230 : memref<128xi32, #tpu.memory_space<vmem>>) semaphore(%arg12 : memref<!tpu.dma_semaphore, #tpu.memory_space<semaphore_mem>>)
      } else {
      }
      %dma_wait3A_172 = arith.constant 0 : i32
      %dma_wait3A_173 = arith.constant 0 : i32
      %dma_wait3A_174 = arith.constant 0 : i32
      %dma_wait3A_175 = tpu.memref_slice %arg8[%dma_wait3A_172, %dma_wait3A_173, %dma_wait3A_174] : memref<2x16x128xi32, #tpu.memory_space<vmem>> -> memref<1x1x128xi32, #tpu.memory_space<vmem>>
      %dma_wait3A_176 = tpu.memref_squeeze %dma_wait3A_175 : memref<1x1x128xi32, #tpu.memory_space<vmem>> -> memref<128xi32, #tpu.memory_space<vmem>>
      %dma_wait3A_177 = arith.constant 0 : i32
      %dma_wait3A_178 = arith.constant 0 : i32
      %dma_wait3A_179 = tpu.memref_slice %arg11[%dma_wait3A_177, %dma_wait3A_178] : memref<10240x128xf32, #tpu.memory_space<vmem_shared>> -> memref<10240x128xf32, #tpu.memory_space<vmem_shared>>
      tpu.wait_indirect_dma semaphore(%arg15 : memref<!tpu.dma_semaphore, #tpu.memory_space<semaphore_mem>>) src(%arg10 : memref<128x128xf32, #tpu.memory_space<vmem>>) dst(%dma_wait3A_179 : memref<10240x128xf32, #tpu.memory_space<vmem_shared>>)
      %add3A_180 = arith.constant 3 : i32
      %add3A_181 = arith.addi %add3A_101, %add3A_180 : i32
      %lt3A_182 = arith.constant 160 : i32
      %lt3A_183 = arith.cmpi slt, %add3A_181, %lt3A_182 : i32
      %convert_element_type3A_184 = arith.extui %lt3A_183 : i1 to i32
      %cond3A_185 = arith.constant 0 : i32
      %cond3A_186 = arith.cmpi ne, %convert_element_type3A_184, %cond3A_185 : i32
      scf.if %cond3A_186 {
        %add3A_187 = arith.constant 3 : i32
        %add3A_188 = arith.addi %add3A_101, %add3A_187 : i32
        %jit3A_189 = arith.constant 16 : i32
        %div3A_190 = arith.divsi %add3A_188, %jit3A_189 : i32
        %sign3A_191 = arith.constant 0 : i32
        %sign3A_192 = arith.cmpi sgt, %add3A_188, %sign3A_191 : i32
        %sign3A_193 = arith.extui %sign3A_192 : i1 to i32
        %sign3A_194 = arith.constant 0 : i32
        %sign3A_195 = arith.cmpi slt, %add3A_188, %sign3A_194 : i32
        %sign3A_196 = arith.extui %sign3A_195 : i1 to i32
        %sign3A_197 = arith.subi %sign3A_193, %sign3A_196 : i32
        %sign3A_198 = arith.constant 0 : i32
        %sign3A_199 = arith.cmpi sgt, %jit3A_189, %sign3A_198 : i32
        %sign3A_200 = arith.extui %sign3A_199 : i1 to i32
        %sign3A_201 = arith.constant 0 : i32
        %sign3A_202 = arith.cmpi slt, %jit3A_189, %sign3A_201 : i32
        %sign3A_203 = arith.extui %sign3A_202 : i1 to i32
        %sign3A_204 = arith.subi %sign3A_200, %sign3A_203 : i32
        %ne3A_205 = arith.cmpi ne, %sign3A_197, %sign3A_204 : i32
        %rem3A_206 = arith.remsi %add3A_188, %jit3A_189 : i32
        %ne3A_207 = arith.constant 0 : i32
        %ne3A_208 = arith.cmpi ne, %rem3A_206, %ne3A_207 : i32
        %and3A_209 = arith.andi %ne3A_205, %ne3A_208 : i1
        %sub3A_210 = arith.constant 1 : i32
        %sub3A_211 = arith.subi %div3A_190, %sub3A_210 : i32
        %select_n3A_212 = arith.select %and3A_209, %sub3A_211, %div3A_190 : i32
        %rem3A_213 = arith.constant 2 : i32
        %rem3A_214 = arith.remsi %select_n3A_212, %rem3A_213 : i32
        %add3A_215 = arith.constant 3 : i32
        %add3A_216 = arith.addi %add3A_101, %add3A_215 : i32
        %rem3A_217 = arith.constant 16 : i32
        %rem3A_218 = arith.remsi %add3A_216, %rem3A_217 : i32
        %dma_start3A_219 = arith.constant 0 : i32
        %dma_start3A_220 = tpu.memref_slice %arg7[%rem3A_214, %rem3A_218, %dma_start3A_219] : memref<2x16x128xi32, #tpu.memory_space<vmem>> -> memref<1x1x128xi32, #tpu.memory_space<vmem>>
        %dma_start3A_221 = tpu.memref_squeeze %dma_start3A_220 : memref<1x1x128xi32, #tpu.memory_space<vmem>> -> memref<128xi32, #tpu.memory_space<vmem>>
        %dma_start3A_222 = arith.constant 0 : i32
        %dma_start3A_223 = arith.constant 0 : i32
        %dma_start3A_224 = tpu.memref_slice %arg2[%dma_start3A_222, %dma_start3A_223] : memref<10240x128xf32, #tpu.memory_space<hbm>> -> memref<10240x128xf32, #tpu.memory_space<hbm>>
        tpu.enqueue_indirect_dma source(%dma_start3A_224 : memref<10240x128xf32, #tpu.memory_space<hbm>>) target(%arg10 : memref<128x128xf32, #tpu.memory_space<vmem>>) offsets(%dma_start3A_221 : memref<128xi32, #tpu.memory_space<vmem>>) semaphore(%arg13 : memref<!tpu.dma_semaphore, #tpu.memory_space<semaphore_mem>>)
      } else {
      }
    }
    %scan3A_92 = arith.constant 80 : i32
    %barrier3A_93 = arith.constant 0 : index
    tpu.barrier barrier_id(%barrier3A_93)
    %mul3A_94 = arith.constant 640 : i32
    %mul3A_95 = arith.muli %arg1, %mul3A_94 : i32
    %mul3A_96 = arith.constant 640 : i32
    %mul3A_97 = arith.muli %arg1, %mul3A_96 : i32
    "tpu.region"() ({
      %run_scoped3A = tpu.sem_alloc : memref<!tpu.dma_semaphore, #tpu.memory_space<semaphore_mem>>
      %dma_start3A_98 = arith.constant 0 : i32
      %dma_start3A_99 = tpu.memref_slice %arg6[%mul3A_97, %dma_start3A_98] : memref<10240x128xf32, #tpu.memory_space<hbm>> -> memref<640x128xf32, #tpu.memory_space<hbm>>
      %dma_start3A_100 = arith.constant 0 : i32
      %dma_start3A_101 = tpu.memref_slice %arg11[%mul3A_95, %dma_start3A_100] : memref<10240x128xf32, #tpu.memory_space<vmem_shared>> -> memref<640x128xf32, #tpu.memory_space<vmem_shared>>
      tpu.enqueue_dma source(%dma_start3A_101 : memref<640x128xf32, #tpu.memory_space<vmem_shared>>) target(%dma_start3A_99 : memref<640x128xf32, #tpu.memory_space<hbm>>) target_semaphore(%run_scoped3A : memref<!tpu.dma_semaphore, #tpu.memory_space<semaphore_mem>>)
      %dma_wait3A_102 = arith.constant 0 : i32
      %dma_wait3A_103 = tpu.memref_slice %arg6[%mul3A_97, %dma_wait3A_102] : memref<10240x128xf32, #tpu.memory_space<hbm>> -> memref<640x128xf32, #tpu.memory_space<hbm>>
      %dma_wait3A_104 = arith.constant 0 : i32
      %dma_wait3A_105 = tpu.memref_slice %arg11[%mul3A_95, %dma_wait3A_104] : memref<10240x128xf32, #tpu.memory_space<vmem_shared>> -> memref<640x128xf32, #tpu.memory_space<vmem_shared>>
      tpu.wait_dma2 semaphore(%run_scoped3A : memref<!tpu.dma_semaphore, #tpu.memory_space<semaphore_mem>>) src(%dma_wait3A_105 : memref<640x128xf32, #tpu.memory_space<vmem_shared>>) dst(%dma_wait3A_103 : memref<640x128xf32, #tpu.memory_space<hbm>>)
      tpu.yield
    }) : () -> ()
    return
  }
}

#map = affine_map<(d0, d1) -> (0, 0)>
#map1 = affine_map<(d0, d1) -> (0, 0, 0, 0)>
module attributes {stable_mosaic.version = 14 : i64} {
  func.func @k(%arg0: i32, %arg1: i32, %arg2: memref<10240x128xf32, #tpu.memory_space<hbm>>, %arg3: memref<10240x128xf32, #tpu.memory_space<hbm>>, %arg4: memref<16x10x16x128xi32, #tpu.memory_space<hbm>>, %arg5: memref<16x10x16x128xi32, #tpu.memory_space<hbm>>, %arg6: memref<10240x128xf32, #tpu.memory_space<hbm>>, %arg7: memref<2x16x128xi32, #tpu.memory_space<vmem>>, %arg8: memref<2x16x128xi32, #tpu.memory_space<vmem>>, %arg9: memref<128x128xf32, #tpu.memory_space<vmem>>, %arg10: memref<128x128xf32, #tpu.memory_space<vmem>>, %arg11: memref<10240x128xf32, #tpu.memory_space<vmem_shared>>, %arg12: memref<!tpu.dma_semaphore, #tpu.memory_space<semaphore_mem>>, %arg13: memref<!tpu.dma_semaphore, #tpu.memory_space<semaphore_mem>>, %arg14: memref<!tpu.dma_semaphore, #tpu.memory_space<semaphore_mem>>, %arg15: memref<!tpu.dma_semaphore, #tpu.memory_space<semaphore_mem>>, %arg16: memref<!tpu.dma_semaphore, #tpu.memory_space<semaphore_mem>>) attributes {dimension_semantics = [#tpu.dimension_semantics<core_parallel>, #tpu.dimension_semantics<subcore_parallel>], iteration_bounds = array<i64: 1, 16>, scalar_prefetch = 0 : i64, scratch_operands = 10 : i64, tpu.core_type = #tpu.core_type<sc_vector_subcore>, window_params = [{transform_indices = #map}, {transform_indices = #map}, {transform_indices = #map1}, {transform_indices = #map1}, {transform_indices = #map}]} {
    %dma_start3A = arith.constant 0 : i32
    %dma_start3A_0 = arith.constant 0 : i32
    %dma_start3A_1 = arith.constant 0 : i32
    %dma_start3A_2 = arith.constant 0 : i32
    %dma_start3A_3 = tpu.memref_slice %arg7[%dma_start3A_0, %dma_start3A_1, %dma_start3A_2] : memref<2x16x128xi32, #tpu.memory_space<vmem>> -> memref<1x16x128xi32, #tpu.memory_space<vmem>>
    %dma_start3A_4 = tpu.memref_squeeze %dma_start3A_3 : memref<1x16x128xi32, #tpu.memory_space<vmem>> -> memref<16x128xi32, #tpu.memory_space<vmem>>
    %dma_start3A_5 = arith.constant 0 : i32
    %dma_start3A_6 = arith.constant 0 : i32
    %dma_start3A_7 = tpu.memref_slice %arg4[%arg1, %dma_start3A, %dma_start3A_5, %dma_start3A_6] : memref<16x10x16x128xi32, #tpu.memory_space<hbm>> -> memref<1x1x16x128xi32, #tpu.memory_space<hbm>>
    %dma_start3A_8 = tpu.memref_squeeze %dma_start3A_7 : memref<1x1x16x128xi32, #tpu.memory_space<hbm>> -> memref<16x128xi32, #tpu.memory_space<hbm>>
    %dma_start3A_9 = arith.constant 0 : i32
    %dma_start3A_10 = arith.constant 0 : i32
    %dma_start3A_11 = tpu.memref_slice %arg7[%dma_start3A_0, %dma_start3A_9, %dma_start3A_10] : memref<2x16x128xi32, #tpu.memory_space<vmem>> -> memref<1x16x128xi32, #tpu.memory_space<vmem>>
    %dma_start3A_12 = tpu.memref_squeeze %dma_start3A_11 : memref<1x16x128xi32, #tpu.memory_space<vmem>> -> memref<16x128xi32, #tpu.memory_space<vmem>>
    %dma_start3A_13 = arith.constant 0 : i32
    %dma_start3A_14 = arith.constant 0 : i32
    %dma_start3A_15 = tpu.memref_slice %arg4[%arg1, %dma_start3A, %dma_start3A_13, %dma_start3A_14] : memref<16x10x16x128xi32, #tpu.memory_space<hbm>> -> memref<1x1x16x128xi32, #tpu.memory_space<hbm>>
    %dma_start3A_16 = tpu.memref_squeeze %dma_start3A_15 : memref<1x1x16x128xi32, #tpu.memory_space<hbm>> -> memref<16x128xi32, #tpu.memory_space<hbm>>
    tpu.enqueue_dma source(%dma_start3A_16 : memref<16x128xi32, #tpu.memory_space<hbm>>) target(%dma_start3A_12 : memref<16x128xi32, #tpu.memory_space<vmem>>) target_semaphore(%arg16 : memref<!tpu.dma_semaphore, #tpu.memory_space<semaphore_mem>>)
    %dma_start3A_17 = arith.constant 0 : i32
    %dma_start3A_18 = arith.constant 0 : i32
    %dma_start3A_19 = arith.constant 0 : i32
    %dma_start3A_20 = arith.constant 0 : i32
    %dma_start3A_21 = tpu.memref_slice %arg8[%dma_start3A_18, %dma_start3A_19, %dma_start3A_20] : memref<2x16x128xi32, #tpu.memory_space<vmem>> -> memref<1x16x128xi32, #tpu.memory_space<vmem>>
    %dma_start3A_22 = tpu.memref_squeeze %dma_start3A_21 : memref<1x16x128xi32, #tpu.memory_space<vmem>> -> memref<16x128xi32, #tpu.memory_space<vmem>>
    %dma_start3A_23 = arith.constant 0 : i32
    %dma_start3A_24 = arith.constant 0 : i32
    %dma_start3A_25 = tpu.memref_slice %arg5[%arg1, %dma_start3A_17, %dma_start3A_23, %dma_start3A_24] : memref<16x10x16x128xi32, #tpu.memory_space<hbm>> -> memref<1x1x16x128xi32, #tpu.memory_space<hbm>>
    %dma_start3A_26 = tpu.memref_squeeze %dma_start3A_25 : memref<1x1x16x128xi32, #tpu.memory_space<hbm>> -> memref<16x128xi32, #tpu.memory_space<hbm>>
    %dma_start3A_27 = arith.constant 0 : i32
    %dma_start3A_28 = arith.constant 0 : i32
    %dma_start3A_29 = tpu.memref_slice %arg8[%dma_start3A_18, %dma_start3A_27, %dma_start3A_28] : memref<2x16x128xi32, #tpu.memory_space<vmem>> -> memref<1x16x128xi32, #tpu.memory_space<vmem>>
    %dma_start3A_30 = tpu.memref_squeeze %dma_start3A_29 : memref<1x16x128xi32, #tpu.memory_space<vmem>> -> memref<16x128xi32, #tpu.memory_space<vmem>>
    %dma_start3A_31 = arith.constant 0 : i32
    %dma_start3A_32 = arith.constant 0 : i32
    %dma_start3A_33 = tpu.memref_slice %arg5[%arg1, %dma_start3A_17, %dma_start3A_31, %dma_start3A_32] : memref<16x10x16x128xi32, #tpu.memory_space<hbm>> -> memref<1x1x16x128xi32, #tpu.memory_space<hbm>>
    %dma_start3A_34 = tpu.memref_squeeze %dma_start3A_33 : memref<1x1x16x128xi32, #tpu.memory_space<hbm>> -> memref<16x128xi32, #tpu.memory_space<hbm>>
    tpu.enqueue_dma source(%dma_start3A_34 : memref<16x128xi32, #tpu.memory_space<hbm>>) target(%dma_start3A_30 : memref<16x128xi32, #tpu.memory_space<vmem>>) target_semaphore(%arg16 : memref<!tpu.dma_semaphore, #tpu.memory_space<semaphore_mem>>)
    %mul3A = arith.constant 640 : i32
    %mul3A_35 = arith.muli %arg1, %mul3A : i32
    %mul3A_36 = arith.constant 640 : i32
    %mul3A_37 = arith.muli %arg1, %mul3A_36 : i32
    "tpu.region"() ({
      %run_scoped3A = tpu.sem_alloc : memref<!tpu.dma_semaphore, #tpu.memory_space<semaphore_mem>>
      %dma_start3A_98 = arith.constant 0 : i32
      %dma_start3A_99 = tpu.memref_slice %arg11[%mul3A_37, %dma_start3A_98] : memref<10240x128xf32, #tpu.memory_space<vmem_shared>> -> memref<640x128xf32, #tpu.memory_space<vmem_shared>>
      %dma_start3A_100 = arith.constant 0 : i32
      %dma_start3A_101 = tpu.memref_slice %arg3[%mul3A_35, %dma_start3A_100] : memref<10240x128xf32, #tpu.memory_space<hbm>> -> memref<640x128xf32, #tpu.memory_space<hbm>>
      tpu.enqueue_dma source(%dma_start3A_101 : memref<640x128xf32, #tpu.memory_space<hbm>>) target(%dma_start3A_99 : memref<640x128xf32, #tpu.memory_space<vmem_shared>>) target_semaphore(%run_scoped3A : memref<!tpu.dma_semaphore, #tpu.memory_space<semaphore_mem>>)
      %dma_wait3A_102 = arith.constant 0 : i32
      %dma_wait3A_103 = tpu.memref_slice %arg11[%mul3A_37, %dma_wait3A_102] : memref<10240x128xf32, #tpu.memory_space<vmem_shared>> -> memref<640x128xf32, #tpu.memory_space<vmem_shared>>
      %dma_wait3A_104 = arith.constant 0 : i32
      %dma_wait3A_105 = tpu.memref_slice %arg3[%mul3A_35, %dma_wait3A_104] : memref<10240x128xf32, #tpu.memory_space<hbm>> -> memref<640x128xf32, #tpu.memory_space<hbm>>
      tpu.wait_dma2 semaphore(%run_scoped3A : memref<!tpu.dma_semaphore, #tpu.memory_space<semaphore_mem>>) src(%dma_wait3A_105 : memref<640x128xf32, #tpu.memory_space<hbm>>) dst(%dma_wait3A_103 : memref<640x128xf32, #tpu.memory_space<vmem_shared>>)
      tpu.yield
    }) : () -> ()
    %dma_wait3A = arith.constant 0 : i32
    %dma_wait3A_38 = arith.constant 0 : i32
    %dma_wait3A_39 = arith.constant 0 : i32
    %dma_wait3A_40 = arith.constant 0 : i32
    %dma_wait3A_41 = tpu.memref_slice %arg7[%dma_wait3A_38, %dma_wait3A_39, %dma_wait3A_40] : memref<2x16x128xi32, #tpu.memory_space<vmem>> -> memref<1x16x128xi32, #tpu.memory_space<vmem>>
    %dma_wait3A_42 = tpu.memref_squeeze %dma_wait3A_41 : memref<1x16x128xi32, #tpu.memory_space<vmem>> -> memref<16x128xi32, #tpu.memory_space<vmem>>
    %dma_wait3A_43 = arith.constant 0 : i32
    %dma_wait3A_44 = arith.constant 0 : i32
    %dma_wait3A_45 = tpu.memref_slice %arg4[%arg1, %dma_wait3A, %dma_wait3A_43, %dma_wait3A_44] : memref<16x10x16x128xi32, #tpu.memory_space<hbm>> -> memref<1x1x16x128xi32, #tpu.memory_space<hbm>>
    %dma_wait3A_46 = tpu.memref_squeeze %dma_wait3A_45 : memref<1x1x16x128xi32, #tpu.memory_space<hbm>> -> memref<16x128xi32, #tpu.memory_space<hbm>>
    %dma_wait3A_47 = arith.constant 0 : i32
    %dma_wait3A_48 = arith.constant 0 : i32
    %dma_wait3A_49 = tpu.memref_slice %arg7[%dma_wait3A_38, %dma_wait3A_47, %dma_wait3A_48] : memref<2x16x128xi32, #tpu.memory_space<vmem>> -> memref<1x16x128xi32, #tpu.memory_space<vmem>>
    %dma_wait3A_50 = tpu.memref_squeeze %dma_wait3A_49 : memref<1x16x128xi32, #tpu.memory_space<vmem>> -> memref<16x128xi32, #tpu.memory_space<vmem>>
    %dma_wait3A_51 = arith.constant 0 : i32
    %dma_wait3A_52 = arith.constant 0 : i32
    %dma_wait3A_53 = tpu.memref_slice %arg4[%arg1, %dma_wait3A, %dma_wait3A_51, %dma_wait3A_52] : memref<16x10x16x128xi32, #tpu.memory_space<hbm>> -> memref<1x1x16x128xi32, #tpu.memory_space<hbm>>
    %dma_wait3A_54 = tpu.memref_squeeze %dma_wait3A_53 : memref<1x1x16x128xi32, #tpu.memory_space<hbm>> -> memref<16x128xi32, #tpu.memory_space<hbm>>
    tpu.wait_dma2 semaphore(%arg16 : memref<!tpu.dma_semaphore, #tpu.memory_space<semaphore_mem>>) src(%dma_wait3A_54 : memref<16x128xi32, #tpu.memory_space<hbm>>) dst(%dma_wait3A_50 : memref<16x128xi32, #tpu.memory_space<vmem>>)
    %dma_wait3A_55 = arith.constant 0 : i32
    %dma_wait3A_56 = arith.constant 0 : i32
    %dma_wait3A_57 = arith.constant 0 : i32
    %dma_wait3A_58 = arith.constant 0 : i32
    %dma_wait3A_59 = tpu.memref_slice %arg8[%dma_wait3A_56, %dma_wait3A_57, %dma_wait3A_58] : memref<2x16x128xi32, #tpu.memory_space<vmem>> -> memref<1x16x128xi32, #tpu.memory_space<vmem>>
    %dma_wait3A_60 = tpu.memref_squeeze %dma_wait3A_59 : memref<1x16x128xi32, #tpu.memory_space<vmem>> -> memref<16x128xi32, #tpu.memory_space<vmem>>
    %dma_wait3A_61 = arith.constant 0 : i32
    %dma_wait3A_62 = arith.constant 0 : i32
    %dma_wait3A_63 = tpu.memref_slice %arg5[%arg1, %dma_wait3A_55, %dma_wait3A_61, %dma_wait3A_62] : memref<16x10x16x128xi32, #tpu.memory_space<hbm>> -> memref<1x1x16x128xi32, #tpu.memory_space<hbm>>
    %dma_wait3A_64 = tpu.memref_squeeze %dma_wait3A_63 : memref<1x1x16x128xi32, #tpu.memory_space<hbm>> -> memref<16x128xi32, #tpu.memory_space<hbm>>
    %dma_wait3A_65 = arith.constant 0 : i32
    %dma_wait3A_66 = arith.constant 0 : i32
    %dma_wait3A_67 = tpu.memref_slice %arg8[%dma_wait3A_56, %dma_wait3A_65, %dma_wait3A_66] : memref<2x16x128xi32, #tpu.memory_space<vmem>> -> memref<1x16x128xi32, #tpu.memory_space<vmem>>
    %dma_wait3A_68 = tpu.memref_squeeze %dma_wait3A_67 : memref<1x16x128xi32, #tpu.memory_space<vmem>> -> memref<16x128xi32, #tpu.memory_space<vmem>>
    %dma_wait3A_69 = arith.constant 0 : i32
    %dma_wait3A_70 = arith.constant 0 : i32
    %dma_wait3A_71 = tpu.memref_slice %arg5[%arg1, %dma_wait3A_55, %dma_wait3A_69, %dma_wait3A_70] : memref<16x10x16x128xi32, #tpu.memory_space<hbm>> -> memref<1x1x16x128xi32, #tpu.memory_space<hbm>>
    %dma_wait3A_72 = tpu.memref_squeeze %dma_wait3A_71 : memref<1x1x16x128xi32, #tpu.memory_space<hbm>> -> memref<16x128xi32, #tpu.memory_space<hbm>>
    tpu.wait_dma2 semaphore(%arg16 : memref<!tpu.dma_semaphore, #tpu.memory_space<semaphore_mem>>) src(%dma_wait3A_72 : memref<16x128xi32, #tpu.memory_space<hbm>>) dst(%dma_wait3A_68 : memref<16x128xi32, #tpu.memory_space<vmem>>)
    %barrier3A = arith.constant 0 : index
    tpu.barrier barrier_id(%barrier3A)
    %dma_start3A_73 = arith.constant 0 : i32
    %dma_start3A_74 = arith.constant 0 : i32
    %dma_start3A_75 = arith.constant 0 : i32
    %dma_start3A_76 = tpu.memref_slice %arg7[%dma_start3A_73, %dma_start3A_74, %dma_start3A_75] : memref<2x16x128xi32, #tpu.memory_space<vmem>> -> memref<1x1x128xi32, #tpu.memory_space<vmem>>
    %dma_start3A_77 = tpu.memref_squeeze %dma_start3A_76 : memref<1x1x128xi32, #tpu.memory_space<vmem>> -> memref<128xi32, #tpu.memory_space<vmem>>
    %dma_start3A_78 = arith.constant 0 : i32
    %dma_start3A_79 = arith.constant 0 : i32
    %dma_start3A_80 = tpu.memref_slice %arg2[%dma_start3A_78, %dma_start3A_79] : memref<10240x128xf32, #tpu.memory_space<hbm>> -> memref<10240x128xf32, #tpu.memory_space<hbm>>
    tpu.enqueue_indirect_dma source(%dma_start3A_80 : memref<10240x128xf32, #tpu.memory_space<hbm>>) target(%arg9 : memref<128x128xf32, #tpu.memory_space<vmem>>) offsets(%dma_start3A_77 : memref<128xi32, #tpu.memory_space<vmem>>) semaphore(%arg12 : memref<!tpu.dma_semaphore, #tpu.memory_space<semaphore_mem>>)
    %dma_start3A_81 = arith.constant 0 : i32
    %dma_start3A_82 = arith.constant 1 : i32
    %dma_start3A_83 = arith.constant 0 : i32
    %dma_start3A_84 = tpu.memref_slice %arg7[%dma_start3A_81, %dma_start3A_82, %dma_start3A_83] : memref<2x16x128xi32, #tpu.memory_space<vmem>> -> memref<1x1x128xi32, #tpu.memory_space<vmem>>
    %dma_start3A_85 = tpu.memref_squeeze %dma_start3A_84 : memref<1x1x128xi32, #tpu.memory_space<vmem>> -> memref<128xi32, #tpu.memory_space<vmem>>
    %dma_start3A_86 = arith.constant 0 : i32
    %dma_start3A_87 = arith.constant 0 : i32
    %dma_start3A_88 = tpu.memref_slice %arg2[%dma_start3A_86, %dma_start3A_87] : memref<10240x128xf32, #tpu.memory_space<hbm>> -> memref<10240x128xf32, #tpu.memory_space<hbm>>
    tpu.enqueue_indirect_dma source(%dma_start3A_88 : memref<10240x128xf32, #tpu.memory_space<hbm>>) target(%arg10 : memref<128x128xf32, #tpu.memory_space<vmem>>) offsets(%dma_start3A_85 : memref<128xi32, #tpu.memory_space<vmem>>) semaphore(%arg13 : memref<!tpu.dma_semaphore, #tpu.memory_space<semaphore_mem>>)
    %scan3A = arith.constant 0 : i32
    %scan3A_89 = arith.constant 80 : i32
    %scan3A_90 = arith.addi %scan3A, %scan3A_89 : i32
    %scan3A_91 = arith.constant 1 : i32
    scf.for %scan3A_98 = %scan3A to %scan3A_90 step %scan3A_91  : i32 {
      %mul3A_99 = arith.constant 2 : i32
      %mul3A_100 = arith.muli %scan3A_98, %mul3A_99 : i32
      %add3A = arith.constant 0 : i32
      %add3A_101 = arith.addi %add3A, %mul3A_100 : i32
      %jit3A = arith.constant 16 : i32
      %div3A = arith.divsi %add3A_101, %jit3A : i32
      %sign3A = arith.constant 0 : i32
      %sign3A_102 = arith.cmpi sgt, %add3A_101, %sign3A : i32
      %sign3A_103 = arith.extui %sign3A_102 : i1 to i32
      %sign3A_104 = arith.constant 0 : i32
      %sign3A_105 = arith.cmpi slt, %add3A_101, %sign3A_104 : i32
      %sign3A_106 = arith.extui %sign3A_105 : i1 to i32
      %sign3A_107 = arith.subi %sign3A_103, %sign3A_106 : i32
      %sign3A_108 = arith.constant 0 : i32
      %sign3A_109 = arith.cmpi sgt, %jit3A, %sign3A_108 : i32
      %sign3A_110 = arith.extui %sign3A_109 : i1 to i32
      %sign3A_111 = arith.constant 0 : i32
      %sign3A_112 = arith.cmpi slt, %jit3A, %sign3A_111 : i32
      %sign3A_113 = arith.extui %sign3A_112 : i1 to i32
      %sign3A_114 = arith.subi %sign3A_110, %sign3A_113 : i32
      %ne3A = arith.cmpi ne, %sign3A_107, %sign3A_114 : i32
      %rem3A = arith.remsi %add3A_101, %jit3A : i32
      %ne3A_115 = arith.constant 0 : i32
      %ne3A_116 = arith.cmpi ne, %rem3A, %ne3A_115 : i32
      %and3A = arith.andi %ne3A, %ne3A_116 : i1
      %sub3A = arith.constant 1 : i32
      %sub3A_117 = arith.subi %div3A, %sub3A : i32
      %select_n3A = arith.select %and3A, %sub3A_117, %div3A : i32
      %rem3A_118 = arith.constant 2 : i32
      %rem3A_119 = arith.remsi %select_n3A, %rem3A_118 : i32
      %rem3A_120 = arith.constant 16 : i32
      %rem3A_121 = arith.remsi %add3A_101, %rem3A_120 : i32
      %eq3A = arith.constant 0 : i32
      %eq3A_122 = arith.cmpi eq, %rem3A_121, %eq3A : i32
      %convert_element_type3A = arith.extui %eq3A_122 : i1 to i32
      %cond3A = arith.constant 0 : i32
      %cond3A_123 = arith.cmpi ne, %convert_element_type3A, %cond3A : i32
      scf.if %cond3A_123 {
        %add3A_187 = arith.constant 1 : i32
        %add3A_188 = arith.addi %select_n3A, %add3A_187 : i32
        %lt3A_189 = arith.constant 10 : i32
        %lt3A_190 = arith.cmpi slt, %add3A_188, %lt3A_189 : i32
        %convert_element_type3A_191 = arith.extui %lt3A_190 : i1 to i32
        %cond3A_192 = arith.constant 0 : i32
        %cond3A_193 = arith.cmpi ne, %convert_element_type3A_191, %cond3A_192 : i32
        scf.if %cond3A_193 {
          %add3A_194 = arith.constant 1 : i32
          %add3A_195 = arith.addi %select_n3A, %add3A_194 : i32
          %rem3A_196 = arith.constant 2 : i32
          %rem3A_197 = arith.remsi %add3A_195, %rem3A_196 : i32
          %add3A_198 = arith.constant 1 : i32
          %add3A_199 = arith.addi %select_n3A, %add3A_198 : i32
          %dma_start3A_200 = arith.constant 0 : i32
          %dma_start3A_201 = arith.constant 0 : i32
          %dma_start3A_202 = tpu.memref_slice %arg7[%rem3A_197, %dma_start3A_200, %dma_start3A_201] : memref<2x16x128xi32, #tpu.memory_space<vmem>> -> memref<1x16x128xi32, #tpu.memory_space<vmem>>
          %dma_start3A_203 = tpu.memref_squeeze %dma_start3A_202 : memref<1x16x128xi32, #tpu.memory_space<vmem>> -> memref<16x128xi32, #tpu.memory_space<vmem>>
          %dma_start3A_204 = arith.constant 0 : i32
          %dma_start3A_205 = arith.constant 0 : i32
          %dma_start3A_206 = tpu.memref_slice %arg4[%arg1, %add3A_199, %dma_start3A_204, %dma_start3A_205] : memref<16x10x16x128xi32, #tpu.memory_space<hbm>> -> memref<1x1x16x128xi32, #tpu.memory_space<hbm>>
          %dma_start3A_207 = tpu.memref_squeeze %dma_start3A_206 : memref<1x1x16x128xi32, #tpu.memory_space<hbm>> -> memref<16x128xi32, #tpu.memory_space<hbm>>
          %dma_start3A_208 = arith.constant 0 : i32
          %dma_start3A_209 = arith.constant 0 : i32
          %dma_start3A_210 = tpu.memref_slice %arg7[%rem3A_197, %dma_start3A_208, %dma_start3A_209] : memref<2x16x128xi32, #tpu.memory_space<vmem>> -> memref<1x16x128xi32, #tpu.memory_space<vmem>>
          %dma_start3A_211 = tpu.memref_squeeze %dma_start3A_210 : memref<1x16x128xi32, #tpu.memory_space<vmem>> -> memref<16x128xi32, #tpu.memory_space<vmem>>
          %dma_start3A_212 = arith.constant 0 : i32
          %dma_start3A_213 = arith.constant 0 : i32
          %dma_start3A_214 = tpu.memref_slice %arg4[%arg1, %add3A_199, %dma_start3A_212, %dma_start3A_213] : memref<16x10x16x128xi32, #tpu.memory_space<hbm>> -> memref<1x1x16x128xi32, #tpu.memory_space<hbm>>
          %dma_start3A_215 = tpu.memref_squeeze %dma_start3A_214 : memref<1x1x16x128xi32, #tpu.memory_space<hbm>> -> memref<16x128xi32, #tpu.memory_space<hbm>>
          tpu.enqueue_dma source(%dma_start3A_215 : memref<16x128xi32, #tpu.memory_space<hbm>>) target(%dma_start3A_211 : memref<16x128xi32, #tpu.memory_space<vmem>>) target_semaphore(%arg16 : memref<!tpu.dma_semaphore, #tpu.memory_space<semaphore_mem>>)
          %add3A_216 = arith.constant 1 : i32
          %add3A_217 = arith.addi %select_n3A, %add3A_216 : i32
          %dma_start3A_218 = arith.constant 0 : i32
          %dma_start3A_219 = arith.constant 0 : i32
          %dma_start3A_220 = tpu.memref_slice %arg8[%rem3A_197, %dma_start3A_218, %dma_start3A_219] : memref<2x16x128xi32, #tpu.memory_space<vmem>> -> memref<1x16x128xi32, #tpu.memory_space<vmem>>
          %dma_start3A_221 = tpu.memref_squeeze %dma_start3A_220 : memref<1x16x128xi32, #tpu.memory_space<vmem>> -> memref<16x128xi32, #tpu.memory_space<vmem>>
          %dma_start3A_222 = arith.constant 0 : i32
          %dma_start3A_223 = arith.constant 0 : i32
          %dma_start3A_224 = tpu.memref_slice %arg5[%arg1, %add3A_217, %dma_start3A_222, %dma_start3A_223] : memref<16x10x16x128xi32, #tpu.memory_space<hbm>> -> memref<1x1x16x128xi32, #tpu.memory_space<hbm>>
          %dma_start3A_225 = tpu.memref_squeeze %dma_start3A_224 : memref<1x1x16x128xi32, #tpu.memory_space<hbm>> -> memref<16x128xi32, #tpu.memory_space<hbm>>
          %dma_start3A_226 = arith.constant 0 : i32
          %dma_start3A_227 = arith.constant 0 : i32
          %dma_start3A_228 = tpu.memref_slice %arg8[%rem3A_197, %dma_start3A_226, %dma_start3A_227] : memref<2x16x128xi32, #tpu.memory_space<vmem>> -> memref<1x16x128xi32, #tpu.memory_space<vmem>>
          %dma_start3A_229 = tpu.memref_squeeze %dma_start3A_228 : memref<1x16x128xi32, #tpu.memory_space<vmem>> -> memref<16x128xi32, #tpu.memory_space<vmem>>
          %dma_start3A_230 = arith.constant 0 : i32
          %dma_start3A_231 = arith.constant 0 : i32
          %dma_start3A_232 = tpu.memref_slice %arg5[%arg1, %add3A_217, %dma_start3A_230, %dma_start3A_231] : memref<16x10x16x128xi32, #tpu.memory_space<hbm>> -> memref<1x1x16x128xi32, #tpu.memory_space<hbm>>
          %dma_start3A_233 = tpu.memref_squeeze %dma_start3A_232 : memref<1x1x16x128xi32, #tpu.memory_space<hbm>> -> memref<16x128xi32, #tpu.memory_space<hbm>>
          tpu.enqueue_dma source(%dma_start3A_233 : memref<16x128xi32, #tpu.memory_space<hbm>>) target(%dma_start3A_229 : memref<16x128xi32, #tpu.memory_space<vmem>>) target_semaphore(%arg16 : memref<!tpu.dma_semaphore, #tpu.memory_space<semaphore_mem>>)
        } else {
        }
      } else {
      }
      %dma_wait3A_124 = arith.constant 0 : i32
      %dma_wait3A_125 = arith.constant 0 : i32
      %dma_wait3A_126 = arith.constant 0 : i32
      %dma_wait3A_127 = tpu.memref_slice %arg7[%dma_wait3A_124, %dma_wait3A_125, %dma_wait3A_126] : memref<2x16x128xi32, #tpu.memory_space<vmem>> -> memref<1x1x128xi32, #tpu.memory_space<vmem>>
      %dma_wait3A_128 = tpu.memref_squeeze %dma_wait3A_127 : memref<1x1x128xi32, #tpu.memory_space<vmem>> -> memref<128xi32, #tpu.memory_space<vmem>>
      %dma_wait3A_129 = arith.constant 0 : i32
      %dma_wait3A_130 = arith.constant 0 : i32
      %dma_wait3A_131 = tpu.memref_slice %arg2[%dma_wait3A_129, %dma_wait3A_130] : memref<10240x128xf32, #tpu.memory_space<hbm>> -> memref<10240x128xf32, #tpu.memory_space<hbm>>
      tpu.wait_indirect_dma semaphore(%arg12 : memref<!tpu.dma_semaphore, #tpu.memory_space<semaphore_mem>>) src(%dma_wait3A_131 : memref<10240x128xf32, #tpu.memory_space<hbm>>) dst(%arg9 : memref<128x128xf32, #tpu.memory_space<vmem>>)
      %rem3A_132 = arith.constant 16 : i32
      %rem3A_133 = arith.remsi %add3A_101, %rem3A_132 : i32
      %dma_start3A_134 = arith.constant 0 : i32
      %dma_start3A_135 = tpu.memref_slice %arg8[%rem3A_119, %rem3A_133, %dma_start3A_134] : memref<2x16x128xi32, #tpu.memory_space<vmem>> -> memref<1x1x128xi32, #tpu.memory_space<vmem>>
      %dma_start3A_136 = tpu.memref_squeeze %dma_start3A_135 : memref<1x1x128xi32, #tpu.memory_space<vmem>> -> memref<128xi32, #tpu.memory_space<vmem>>
      %dma_start3A_137 = arith.constant 0 : i32
      %dma_start3A_138 = arith.constant 0 : i32
      %dma_start3A_139 = tpu.memref_slice %arg11[%dma_start3A_137, %dma_start3A_138] : memref<10240x128xf32, #tpu.memory_space<vmem_shared>> -> memref<10240x128xf32, #tpu.memory_space<vmem_shared>>
      tpu.enqueue_indirect_dma source(%arg9 : memref<128x128xf32, #tpu.memory_space<vmem>>) target(%dma_start3A_139 : memref<10240x128xf32, #tpu.memory_space<vmem_shared>>) offsets(%dma_start3A_136 : memref<128xi32, #tpu.memory_space<vmem>>) semaphore(%arg14 : memref<!tpu.dma_semaphore, #tpu.memory_space<semaphore_mem>>) {add = true}
      %dma_wait3A_140 = arith.constant 0 : i32
      %dma_wait3A_141 = arith.constant 0 : i32
      %dma_wait3A_142 = arith.constant 0 : i32
      %dma_wait3A_143 = tpu.memref_slice %arg7[%dma_wait3A_140, %dma_wait3A_141, %dma_wait3A_142] : memref<2x16x128xi32, #tpu.memory_space<vmem>> -> memref<1x1x128xi32, #tpu.memory_space<vmem>>
      %dma_wait3A_144 = tpu.memref_squeeze %dma_wait3A_143 : memref<1x1x128xi32, #tpu.memory_space<vmem>> -> memref<128xi32, #tpu.memory_space<vmem>>
      %dma_wait3A_145 = arith.constant 0 : i32
      %dma_wait3A_146 = arith.constant 0 : i32
      %dma_wait3A_147 = tpu.memref_slice %arg2[%dma_wait3A_145, %dma_wait3A_146] : memref<10240x128xf32, #tpu.memory_space<hbm>> -> memref<10240x128xf32, #tpu.memory_space<hbm>>
      tpu.wait_indirect_dma semaphore(%arg13 : memref<!tpu.dma_semaphore, #tpu.memory_space<semaphore_mem>>) src(%dma_wait3A_147 : memref<10240x128xf32, #tpu.memory_space<hbm>>) dst(%arg10 : memref<128x128xf32, #tpu.memory_space<vmem>>)
      %add3A_148 = arith.constant 1 : i32
      %add3A_149 = arith.addi %add3A_101, %add3A_148 : i32
      %rem3A_150 = arith.constant 16 : i32
      %rem3A_151 = arith.remsi %add3A_149, %rem3A_150 : i32
      %dma_start3A_152 = arith.constant 0 : i32
      %dma_start3A_153 = tpu.memref_slice %arg8[%rem3A_119, %rem3A_151, %dma_start3A_152] : memref<2x16x128xi32, #tpu.memory_space<vmem>> -> memref<1x1x128xi32, #tpu.memory_space<vmem>>
      %dma_start3A_154 = tpu.memref_squeeze %dma_start3A_153 : memref<1x1x128xi32, #tpu.memory_space<vmem>> -> memref<128xi32, #tpu.memory_space<vmem>>
      %dma_start3A_155 = arith.constant 0 : i32
      %dma_start3A_156 = arith.constant 0 : i32
      %dma_start3A_157 = tpu.memref_slice %arg11[%dma_start3A_155, %dma_start3A_156] : memref<10240x128xf32, #tpu.memory_space<vmem_shared>> -> memref<10240x128xf32, #tpu.memory_space<vmem_shared>>
      tpu.enqueue_indirect_dma source(%arg10 : memref<128x128xf32, #tpu.memory_space<vmem>>) target(%dma_start3A_157 : memref<10240x128xf32, #tpu.memory_space<vmem_shared>>) offsets(%dma_start3A_154 : memref<128xi32, #tpu.memory_space<vmem>>) semaphore(%arg15 : memref<!tpu.dma_semaphore, #tpu.memory_space<semaphore_mem>>) {add = true}
      %dma_wait3A_158 = arith.constant 0 : i32
      %dma_wait3A_159 = arith.constant 0 : i32
      %dma_wait3A_160 = arith.constant 0 : i32
      %dma_wait3A_161 = tpu.memref_slice %arg8[%dma_wait3A_158, %dma_wait3A_159, %dma_wait3A_160] : memref<2x16x128xi32, #tpu.memory_space<vmem>> -> memref<1x1x128xi32, #tpu.memory_space<vmem>>
      %dma_wait3A_162 = tpu.memref_squeeze %dma_wait3A_161 : memref<1x1x128xi32, #tpu.memory_space<vmem>> -> memref<128xi32, #tpu.memory_space<vmem>>
      %dma_wait3A_163 = arith.constant 0 : i32
      %dma_wait3A_164 = arith.constant 0 : i32
      %dma_wait3A_165 = tpu.memref_slice %arg11[%dma_wait3A_163, %dma_wait3A_164] : memref<10240x128xf32, #tpu.memory_space<vmem_shared>> -> memref<10240x128xf32, #tpu.memory_space<vmem_shared>>
      tpu.wait_indirect_dma semaphore(%arg14 : memref<!tpu.dma_semaphore, #tpu.memory_space<semaphore_mem>>) src(%arg9 : memref<128x128xf32, #tpu.memory_space<vmem>>) dst(%dma_wait3A_165 : memref<10240x128xf32, #tpu.memory_space<vmem_shared>>)
      %add3A_166 = arith.constant 2 : i32
      %add3A_167 = arith.addi %add3A_101, %add3A_166 : i32
      %lt3A = arith.constant 160 : i32
      %lt3A_168 = arith.cmpi slt, %add3A_167, %lt3A : i32
      %convert_element_type3A_169 = arith.extui %lt3A_168 : i1 to i32
      %cond3A_170 = arith.constant 0 : i32
      %cond3A_171 = arith.cmpi ne, %convert_element_type3A_169, %cond3A_170 : i32
      scf.if %cond3A_171 {
        %add3A_187 = arith.constant 2 : i32
        %add3A_188 = arith.addi %add3A_101, %add3A_187 : i32
        %rem3A_189 = arith.constant 16 : i32
        %rem3A_190 = arith.remsi %add3A_188, %rem3A_189 : i32
        %eq3A_191 = arith.constant 0 : i32
        %eq3A_192 = arith.cmpi eq, %rem3A_190, %eq3A_191 : i32
        %convert_element_type3A_193 = arith.extui %eq3A_192 : i1 to i32
        %cond3A_194 = arith.constant 0 : i32
        %cond3A_195 = arith.cmpi ne, %convert_element_type3A_193, %cond3A_194 : i32
        scf.if %cond3A_195 {
          %dma_wait3A_234 = arith.constant 0 : i32
          %dma_wait3A_235 = arith.constant 0 : i32
          %dma_wait3A_236 = arith.constant 0 : i32
          %dma_wait3A_237 = arith.constant 0 : i32
          %dma_wait3A_238 = tpu.memref_slice %arg7[%dma_wait3A_235, %dma_wait3A_236, %dma_wait3A_237] : memref<2x16x128xi32, #tpu.memory_space<vmem>> -> memref<1x16x128xi32, #tpu.memory_space<vmem>>
          %dma_wait3A_239 = tpu.memref_squeeze %dma_wait3A_238 : memref<1x16x128xi32, #tpu.memory_space<vmem>> -> memref<16x128xi32, #tpu.memory_space<vmem>>
          %dma_wait3A_240 = arith.constant 0 : i32
          %dma_wait3A_241 = arith.constant 0 : i32
          %dma_wait3A_242 = tpu.memref_slice %arg4[%arg1, %dma_wait3A_234, %dma_wait3A_240, %dma_wait3A_241] : memref<16x10x16x128xi32, #tpu.memory_space<hbm>> -> memref<1x1x16x128xi32, #tpu.memory_space<hbm>>
          %dma_wait3A_243 = tpu.memref_squeeze %dma_wait3A_242 : memref<1x1x16x128xi32, #tpu.memory_space<hbm>> -> memref<16x128xi32, #tpu.memory_space<hbm>>
          %dma_wait3A_244 = arith.constant 0 : i32
          %dma_wait3A_245 = arith.constant 0 : i32
          %dma_wait3A_246 = tpu.memref_slice %arg7[%dma_wait3A_235, %dma_wait3A_244, %dma_wait3A_245] : memref<2x16x128xi32, #tpu.memory_space<vmem>> -> memref<1x16x128xi32, #tpu.memory_space<vmem>>
          %dma_wait3A_247 = tpu.memref_squeeze %dma_wait3A_246 : memref<1x16x128xi32, #tpu.memory_space<vmem>> -> memref<16x128xi32, #tpu.memory_space<vmem>>
          %dma_wait3A_248 = arith.constant 0 : i32
          %dma_wait3A_249 = arith.constant 0 : i32
          %dma_wait3A_250 = tpu.memref_slice %arg4[%arg1, %dma_wait3A_234, %dma_wait3A_248, %dma_wait3A_249] : memref<16x10x16x128xi32, #tpu.memory_space<hbm>> -> memref<1x1x16x128xi32, #tpu.memory_space<hbm>>
          %dma_wait3A_251 = tpu.memref_squeeze %dma_wait3A_250 : memref<1x1x16x128xi32, #tpu.memory_space<hbm>> -> memref<16x128xi32, #tpu.memory_space<hbm>>
          tpu.wait_dma2 semaphore(%arg16 : memref<!tpu.dma_semaphore, #tpu.memory_space<semaphore_mem>>) src(%dma_wait3A_251 : memref<16x128xi32, #tpu.memory_space<hbm>>) dst(%dma_wait3A_247 : memref<16x128xi32, #tpu.memory_space<vmem>>)
          %dma_wait3A_252 = arith.constant 0 : i32
          %dma_wait3A_253 = arith.constant 0 : i32
          %dma_wait3A_254 = arith.constant 0 : i32
          %dma_wait3A_255 = arith.constant 0 : i32
          %dma_wait3A_256 = tpu.memref_slice %arg8[%dma_wait3A_253, %dma_wait3A_254, %dma_wait3A_255] : memref<2x16x128xi32, #tpu.memory_space<vmem>> -> memref<1x16x128xi32, #tpu.memory_space<vmem>>
          %dma_wait3A_257 = tpu.memref_squeeze %dma_wait3A_256 : memref<1x16x128xi32, #tpu.memory_space<vmem>> -> memref<16x128xi32, #tpu.memory_space<vmem>>
          %dma_wait3A_258 = arith.constant 0 : i32
          %dma_wait3A_259 = arith.constant 0 : i32
          %dma_wait3A_260 = tpu.memref_slice %arg5[%arg1, %dma_wait3A_252, %dma_wait3A_258, %dma_wait3A_259] : memref<16x10x16x128xi32, #tpu.memory_space<hbm>> -> memref<1x1x16x128xi32, #tpu.memory_space<hbm>>
          %dma_wait3A_261 = tpu.memref_squeeze %dma_wait3A_260 : memref<1x1x16x128xi32, #tpu.memory_space<hbm>> -> memref<16x128xi32, #tpu.memory_space<hbm>>
          %dma_wait3A_262 = arith.constant 0 : i32
          %dma_wait3A_263 = arith.constant 0 : i32
          %dma_wait3A_264 = tpu.memref_slice %arg8[%dma_wait3A_253, %dma_wait3A_262, %dma_wait3A_263] : memref<2x16x128xi32, #tpu.memory_space<vmem>> -> memref<1x16x128xi32, #tpu.memory_space<vmem>>
          %dma_wait3A_265 = tpu.memref_squeeze %dma_wait3A_264 : memref<1x16x128xi32, #tpu.memory_space<vmem>> -> memref<16x128xi32, #tpu.memory_space<vmem>>
          %dma_wait3A_266 = arith.constant 0 : i32
          %dma_wait3A_267 = arith.constant 0 : i32
          %dma_wait3A_268 = tpu.memref_slice %arg5[%arg1, %dma_wait3A_252, %dma_wait3A_266, %dma_wait3A_267] : memref<16x10x16x128xi32, #tpu.memory_space<hbm>> -> memref<1x1x16x128xi32, #tpu.memory_space<hbm>>
          %dma_wait3A_269 = tpu.memref_squeeze %dma_wait3A_268 : memref<1x1x16x128xi32, #tpu.memory_space<hbm>> -> memref<16x128xi32, #tpu.memory_space<hbm>>
          tpu.wait_dma2 semaphore(%arg16 : memref<!tpu.dma_semaphore, #tpu.memory_space<semaphore_mem>>) src(%dma_wait3A_269 : memref<16x128xi32, #tpu.memory_space<hbm>>) dst(%dma_wait3A_265 : memref<16x128xi32, #tpu.memory_space<vmem>>)
        } else {
        }
        %add3A_196 = arith.constant 2 : i32
        %add3A_197 = arith.addi %add3A_101, %add3A_196 : i32
        %jit3A_198 = arith.constant 16 : i32
        %div3A_199 = arith.divsi %add3A_197, %jit3A_198 : i32
        %sign3A_200 = arith.constant 0 : i32
        %sign3A_201 = arith.cmpi sgt, %add3A_197, %sign3A_200 : i32
        %sign3A_202 = arith.extui %sign3A_201 : i1 to i32
        %sign3A_203 = arith.constant 0 : i32
        %sign3A_204 = arith.cmpi slt, %add3A_197, %sign3A_203 : i32
        %sign3A_205 = arith.extui %sign3A_204 : i1 to i32
        %sign3A_206 = arith.subi %sign3A_202, %sign3A_205 : i32
        %sign3A_207 = arith.constant 0 : i32
        %sign3A_208 = arith.cmpi sgt, %jit3A_198, %sign3A_207 : i32
        %sign3A_209 = arith.extui %sign3A_208 : i1 to i32
        %sign3A_210 = arith.constant 0 : i32
        %sign3A_211 = arith.cmpi slt, %jit3A_198, %sign3A_210 : i32
        %sign3A_212 = arith.extui %sign3A_211 : i1 to i32
        %sign3A_213 = arith.subi %sign3A_209, %sign3A_212 : i32
        %ne3A_214 = arith.cmpi ne, %sign3A_206, %sign3A_213 : i32
        %rem3A_215 = arith.remsi %add3A_197, %jit3A_198 : i32
        %ne3A_216 = arith.constant 0 : i32
        %ne3A_217 = arith.cmpi ne, %rem3A_215, %ne3A_216 : i32
        %and3A_218 = arith.andi %ne3A_214, %ne3A_217 : i1
        %sub3A_219 = arith.constant 1 : i32
        %sub3A_220 = arith.subi %div3A_199, %sub3A_219 : i32
        %select_n3A_221 = arith.select %and3A_218, %sub3A_220, %div3A_199 : i32
        %rem3A_222 = arith.constant 2 : i32
        %rem3A_223 = arith.remsi %select_n3A_221, %rem3A_222 : i32
        %add3A_224 = arith.constant 2 : i32
        %add3A_225 = arith.addi %add3A_101, %add3A_224 : i32
        %rem3A_226 = arith.constant 16 : i32
        %rem3A_227 = arith.remsi %add3A_225, %rem3A_226 : i32
        %dma_start3A_228 = arith.constant 0 : i32
        %dma_start3A_229 = tpu.memref_slice %arg7[%rem3A_223, %rem3A_227, %dma_start3A_228] : memref<2x16x128xi32, #tpu.memory_space<vmem>> -> memref<1x1x128xi32, #tpu.memory_space<vmem>>
        %dma_start3A_230 = tpu.memref_squeeze %dma_start3A_229 : memref<1x1x128xi32, #tpu.memory_space<vmem>> -> memref<128xi32, #tpu.memory_space<vmem>>
        %dma_start3A_231 = arith.constant 0 : i32
        %dma_start3A_232 = arith.constant 0 : i32
        %dma_start3A_233 = tpu.memref_slice %arg2[%dma_start3A_231, %dma_start3A_232] : memref<10240x128xf32, #tpu.memory_space<hbm>> -> memref<10240x128xf32, #tpu.memory_space<hbm>>
        tpu.enqueue_indirect_dma source(%dma_start3A_233 : memref<10240x128xf32, #tpu.memory_space<hbm>>) target(%arg9 : memref<128x128xf32, #tpu.memory_space<vmem>>) offsets(%dma_start3A_230 : memref<128xi32, #tpu.memory_space<vmem>>) semaphore(%arg12 : memref<!tpu.dma_semaphore, #tpu.memory_space<semaphore_mem>>)
      } else {
      }
      %dma_wait3A_172 = arith.constant 0 : i32
      %dma_wait3A_173 = arith.constant 0 : i32
      %dma_wait3A_174 = arith.constant 0 : i32
      %dma_wait3A_175 = tpu.memref_slice %arg8[%dma_wait3A_172, %dma_wait3A_173, %dma_wait3A_174] : memref<2x16x128xi32, #tpu.memory_space<vmem>> -> memref<1x1x128xi32, #tpu.memory_space<vmem>>
      %dma_wait3A_176 = tpu.memref_squeeze %dma_wait3A_175 : memref<1x1x128xi32, #tpu.memory_space<vmem>> -> memref<128xi32, #tpu.memory_space<vmem>>
      %dma_wait3A_177 = arith.constant 0 : i32
      %dma_wait3A_178 = arith.constant 0 : i32
      %dma_wait3A_179 = tpu.memref_slice %arg11[%dma_wait3A_177, %dma_wait3A_178] : memref<10240x128xf32, #tpu.memory_space<vmem_shared>> -> memref<10240x128xf32, #tpu.memory_space<vmem_shared>>
      tpu.wait_indirect_dma semaphore(%arg15 : memref<!tpu.dma_semaphore, #tpu.memory_space<semaphore_mem>>) src(%arg10 : memref<128x128xf32, #tpu.memory_space<vmem>>) dst(%dma_wait3A_179 : memref<10240x128xf32, #tpu.memory_space<vmem_shared>>)
      %add3A_180 = arith.constant 3 : i32
      %add3A_181 = arith.addi %add3A_101, %add3A_180 : i32
      %lt3A_182 = arith.constant 160 : i32
      %lt3A_183 = arith.cmpi slt, %add3A_181, %lt3A_182 : i32
      %convert_element_type3A_184 = arith.extui %lt3A_183 : i1 to i32
      %cond3A_185 = arith.constant 0 : i32
      %cond3A_186 = arith.cmpi ne, %convert_element_type3A_184, %cond3A_185 : i32
      scf.if %cond3A_186 {
        %add3A_187 = arith.constant 3 : i32
        %add3A_188 = arith.addi %add3A_101, %add3A_187 : i32
        %jit3A_189 = arith.constant 16 : i32
        %div3A_190 = arith.divsi %add3A_188, %jit3A_189 : i32
        %sign3A_191 = arith.constant 0 : i32
        %sign3A_192 = arith.cmpi sgt, %add3A_188, %sign3A_191 : i32
        %sign3A_193 = arith.extui %sign3A_192 : i1 to i32
        %sign3A_194 = arith.constant 0 : i32
        %sign3A_195 = arith.cmpi slt, %add3A_188, %sign3A_194 : i32
        %sign3A_196 = arith.extui %sign3A_195 : i1 to i32
        %sign3A_197 = arith.subi %sign3A_193, %sign3A_196 : i32
        %sign3A_198 = arith.constant 0 : i32
        %sign3A_199 = arith.cmpi sgt, %jit3A_189, %sign3A_198 : i32
        %sign3A_200 = arith.extui %sign3A_199 : i1 to i32
        %sign3A_201 = arith.constant 0 : i32
        %sign3A_202 = arith.cmpi slt, %jit3A_189, %sign3A_201 : i32
        %sign3A_203 = arith.extui %sign3A_202 : i1 to i32
        %sign3A_204 = arith.subi %sign3A_200, %sign3A_203 : i32
        %ne3A_205 = arith.cmpi ne, %sign3A_197, %sign3A_204 : i32
        %rem3A_206 = arith.remsi %add3A_188, %jit3A_189 : i32
        %ne3A_207 = arith.constant 0 : i32
        %ne3A_208 = arith.cmpi ne, %rem3A_206, %ne3A_207 : i32
        %and3A_209 = arith.andi %ne3A_205, %ne3A_208 : i1
        %sub3A_210 = arith.constant 1 : i32
        %sub3A_211 = arith.subi %div3A_190, %sub3A_210 : i32
        %select_n3A_212 = arith.select %and3A_209, %sub3A_211, %div3A_190 : i32
        %rem3A_213 = arith.constant 2 : i32
        %rem3A_214 = arith.remsi %select_n3A_212, %rem3A_213 : i32
        %add3A_215 = arith.constant 3 : i32
        %add3A_216 = arith.addi %add3A_101, %add3A_215 : i32
        %rem3A_217 = arith.constant 16 : i32
        %rem3A_218 = arith.remsi %add3A_216, %rem3A_217 : i32
        %dma_start3A_219 = arith.constant 0 : i32
        %dma_start3A_220 = tpu.memref_slice %arg7[%rem3A_214, %rem3A_218, %dma_start3A_219] : memref<2x16x128xi32, #tpu.memory_space<vmem>> -> memref<1x1x128xi32, #tpu.memory_space<vmem>>
        %dma_start3A_221 = tpu.memref_squeeze %dma_start3A_220 : memref<1x1x128xi32, #tpu.memory_space<vmem>> -> memref<128xi32, #tpu.memory_space<vmem>>
        %dma_start3A_222 = arith.constant 0 : i32
        %dma_start3A_223 = arith.constant 0 : i32
        %dma_start3A_224 = tpu.memref_slice %arg2[%dma_start3A_222, %dma_start3A_223] : memref<10240x128xf32, #tpu.memory_space<hbm>> -> memref<10240x128xf32, #tpu.memory_space<hbm>>
        tpu.enqueue_indirect_dma source(%dma_start3A_224 : memref<10240x128xf32, #tpu.memory_space<hbm>>) target(%arg10 : memref<128x128xf32, #tpu.memory_space<vmem>>) offsets(%dma_start3A_221 : memref<128xi32, #tpu.memory_space<vmem>>) semaphore(%arg13 : memref<!tpu.dma_semaphore, #tpu.memory_space<semaphore_mem>>)
      } else {
      }
    }
    %scan3A_92 = arith.constant 80 : i32
    %barrier3A_93 = arith.constant 0 : index
    tpu.barrier barrier_id(%barrier3A_93)
    %mul3A_94 = arith.constant 640 : i32
    %mul3A_95 = arith.muli %arg1, %mul3A_94 : i32
    %mul3A_96 = arith.constant 640 : i32
    %mul3A_97 = arith.muli %arg1, %mul3A_96 : i32
    "tpu.region"() ({
      %run_scoped3A = tpu.sem_alloc : memref<!tpu.dma_semaphore, #tpu.memory_space<semaphore_mem>>
      %dma_start3A_98 = arith.constant 0 : i32
      %dma_start3A_99 = tpu.memref_slice %arg6[%mul3A_97, %dma_start3A_98] : memref<10240x128xf32, #tpu.memory_space<hbm>> -> memref<640x128xf32, #tpu.memory_space<hbm>>
      %dma_start3A_100 = arith.constant 0 : i32
      %dma_start3A_101 = tpu.memref_slice %arg11[%mul3A_95, %dma_start3A_100] : memref<10240x128xf32, #tpu.memory_space<vmem_shared>> -> memref<640x128xf32, #tpu.memory_space<vmem_shared>>
      tpu.enqueue_dma source(%dma_start3A_101 : memref<640x128xf32, #tpu.memory_space<vmem_shared>>) target(%dma_start3A_99 : memref<640x128xf32, #tpu.memory_space<hbm>>) target_semaphore(%run_scoped3A : memref<!tpu.dma_semaphore, #tpu.memory_space<semaphore_mem>>)
      %dma_wait3A_102 = arith.constant 0 : i32
      %dma_wait3A_103 = tpu.memref_slice %arg6[%mul3A_97, %dma_wait3A_102] : memref<10240x128xf32, #tpu.memory_space<hbm>> -> memref<640x128xf32, #tpu.memory_space<hbm>>
      %dma_wait3A_104 = arith.constant 0 : i32
      %dma_wait3A_105 = tpu.memref_slice %arg11[%mul3A_95, %dma_wait3A_104] : memref<10240x128xf32, #tpu.memory_space<vmem_shared>> -> memref<640x128xf32, #tpu.memory_space<vmem_shared>>
      tpu.wait_dma2 semaphore(%run_scoped3A : memref<!tpu.dma_semaphore, #tpu.memory_space<semaphore_mem>>) src(%dma_wait3A_105 : memref<640x128xf32, #tpu.memory_space<vmem_shared>>) dst(%dma_wait3A_103 : memref<640x128xf32, #tpu.memory_space<hbm>>)
      tpu.yield
    }) : () -> ()
    return
  }
}

#map = affine_map<(d0, d1) -> (0, 0)>
#map1 = affine_map<(d0, d1) -> (0, 0, 0, 0)>
module attributes {stable_mosaic.version = 14 : i64} {
  func.func @k(%arg0: i32, %arg1: i32, %arg2: memref<10240x128xf32, #tpu.memory_space<hbm>>, %arg3: memref<10240x128xf32, #tpu.memory_space<hbm>>, %arg4: memref<16x10x16x128xi32, #tpu.memory_space<hbm>>, %arg5: memref<16x10x16x128xi32, #tpu.memory_space<hbm>>, %arg6: memref<10240x128xf32, #tpu.memory_space<hbm>>, %arg7: memref<2x16x128xi32, #tpu.memory_space<vmem>>, %arg8: memref<2x16x128xi32, #tpu.memory_space<vmem>>, %arg9: memref<128x128xf32, #tpu.memory_space<vmem>>, %arg10: memref<128x128xf32, #tpu.memory_space<vmem>>, %arg11: memref<10240x128xf32, #tpu.memory_space<vmem_shared>>, %arg12: memref<!tpu.dma_semaphore, #tpu.memory_space<semaphore_mem>>, %arg13: memref<!tpu.dma_semaphore, #tpu.memory_space<semaphore_mem>>, %arg14: memref<!tpu.dma_semaphore, #tpu.memory_space<semaphore_mem>>, %arg15: memref<!tpu.dma_semaphore, #tpu.memory_space<semaphore_mem>>, %arg16: memref<!tpu.dma_semaphore, #tpu.memory_space<semaphore_mem>>) attributes {dimension_semantics = [#tpu.dimension_semantics<core_parallel>, #tpu.dimension_semantics<subcore_parallel>], iteration_bounds = array<i64: 1, 16>, scalar_prefetch = 0 : i64, scratch_operands = 10 : i64, tpu.core_type = #tpu.core_type<sc_vector_subcore>, window_params = [{transform_indices = #map}, {transform_indices = #map}, {transform_indices = #map1}, {transform_indices = #map1}, {transform_indices = #map}]} {
    %dma_start3A = arith.constant 0 : i32
    %dma_start3A_0 = arith.constant 0 : i32
    %dma_start3A_1 = arith.constant 0 : i32
    %dma_start3A_2 = arith.constant 0 : i32
    %dma_start3A_3 = tpu.memref_slice %arg7[%dma_start3A_0, %dma_start3A_1, %dma_start3A_2] : memref<2x16x128xi32, #tpu.memory_space<vmem>> -> memref<1x16x128xi32, #tpu.memory_space<vmem>>
    %dma_start3A_4 = tpu.memref_squeeze %dma_start3A_3 : memref<1x16x128xi32, #tpu.memory_space<vmem>> -> memref<16x128xi32, #tpu.memory_space<vmem>>
    %dma_start3A_5 = arith.constant 0 : i32
    %dma_start3A_6 = arith.constant 0 : i32
    %dma_start3A_7 = tpu.memref_slice %arg4[%arg1, %dma_start3A, %dma_start3A_5, %dma_start3A_6] : memref<16x10x16x128xi32, #tpu.memory_space<hbm>> -> memref<1x1x16x128xi32, #tpu.memory_space<hbm>>
    %dma_start3A_8 = tpu.memref_squeeze %dma_start3A_7 : memref<1x1x16x128xi32, #tpu.memory_space<hbm>> -> memref<16x128xi32, #tpu.memory_space<hbm>>
    %dma_start3A_9 = arith.constant 0 : i32
    %dma_start3A_10 = arith.constant 0 : i32
    %dma_start3A_11 = tpu.memref_slice %arg7[%dma_start3A_0, %dma_start3A_9, %dma_start3A_10] : memref<2x16x128xi32, #tpu.memory_space<vmem>> -> memref<1x16x128xi32, #tpu.memory_space<vmem>>
    %dma_start3A_12 = tpu.memref_squeeze %dma_start3A_11 : memref<1x16x128xi32, #tpu.memory_space<vmem>> -> memref<16x128xi32, #tpu.memory_space<vmem>>
    %dma_start3A_13 = arith.constant 0 : i32
    %dma_start3A_14 = arith.constant 0 : i32
    %dma_start3A_15 = tpu.memref_slice %arg4[%arg1, %dma_start3A, %dma_start3A_13, %dma_start3A_14] : memref<16x10x16x128xi32, #tpu.memory_space<hbm>> -> memref<1x1x16x128xi32, #tpu.memory_space<hbm>>
    %dma_start3A_16 = tpu.memref_squeeze %dma_start3A_15 : memref<1x1x16x128xi32, #tpu.memory_space<hbm>> -> memref<16x128xi32, #tpu.memory_space<hbm>>
    tpu.enqueue_dma source(%dma_start3A_16 : memref<16x128xi32, #tpu.memory_space<hbm>>) target(%dma_start3A_12 : memref<16x128xi32, #tpu.memory_space<vmem>>) target_semaphore(%arg16 : memref<!tpu.dma_semaphore, #tpu.memory_space<semaphore_mem>>)
    %dma_start3A_17 = arith.constant 0 : i32
    %dma_start3A_18 = arith.constant 0 : i32
    %dma_start3A_19 = arith.constant 0 : i32
    %dma_start3A_20 = arith.constant 0 : i32
    %dma_start3A_21 = tpu.memref_slice %arg8[%dma_start3A_18, %dma_start3A_19, %dma_start3A_20] : memref<2x16x128xi32, #tpu.memory_space<vmem>> -> memref<1x16x128xi32, #tpu.memory_space<vmem>>
    %dma_start3A_22 = tpu.memref_squeeze %dma_start3A_21 : memref<1x16x128xi32, #tpu.memory_space<vmem>> -> memref<16x128xi32, #tpu.memory_space<vmem>>
    %dma_start3A_23 = arith.constant 0 : i32
    %dma_start3A_24 = arith.constant 0 : i32
    %dma_start3A_25 = tpu.memref_slice %arg5[%arg1, %dma_start3A_17, %dma_start3A_23, %dma_start3A_24] : memref<16x10x16x128xi32, #tpu.memory_space<hbm>> -> memref<1x1x16x128xi32, #tpu.memory_space<hbm>>
    %dma_start3A_26 = tpu.memref_squeeze %dma_start3A_25 : memref<1x1x16x128xi32, #tpu.memory_space<hbm>> -> memref<16x128xi32, #tpu.memory_space<hbm>>
    %dma_start3A_27 = arith.constant 0 : i32
    %dma_start3A_28 = arith.constant 0 : i32
    %dma_start3A_29 = tpu.memref_slice %arg8[%dma_start3A_18, %dma_start3A_27, %dma_start3A_28] : memref<2x16x128xi32, #tpu.memory_space<vmem>> -> memref<1x16x128xi32, #tpu.memory_space<vmem>>
    %dma_start3A_30 = tpu.memref_squeeze %dma_start3A_29 : memref<1x16x128xi32, #tpu.memory_space<vmem>> -> memref<16x128xi32, #tpu.memory_space<vmem>>
    %dma_start3A_31 = arith.constant 0 : i32
    %dma_start3A_32 = arith.constant 0 : i32
    %dma_start3A_33 = tpu.memref_slice %arg5[%arg1, %dma_start3A_17, %dma_start3A_31, %dma_start3A_32] : memref<16x10x16x128xi32, #tpu.memory_space<hbm>> -> memref<1x1x16x128xi32, #tpu.memory_space<hbm>>
    %dma_start3A_34 = tpu.memref_squeeze %dma_start3A_33 : memref<1x1x16x128xi32, #tpu.memory_space<hbm>> -> memref<16x128xi32, #tpu.memory_space<hbm>>
    tpu.enqueue_dma source(%dma_start3A_34 : memref<16x128xi32, #tpu.memory_space<hbm>>) target(%dma_start3A_30 : memref<16x128xi32, #tpu.memory_space<vmem>>) target_semaphore(%arg16 : memref<!tpu.dma_semaphore, #tpu.memory_space<semaphore_mem>>)
    %mul3A = arith.constant 640 : i32
    %mul3A_35 = arith.muli %arg1, %mul3A : i32
    %mul3A_36 = arith.constant 640 : i32
    %mul3A_37 = arith.muli %arg1, %mul3A_36 : i32
    "tpu.region"() ({
      %run_scoped3A = tpu.sem_alloc : memref<!tpu.dma_semaphore, #tpu.memory_space<semaphore_mem>>
      %dma_start3A_98 = arith.constant 0 : i32
      %dma_start3A_99 = tpu.memref_slice %arg11[%mul3A_37, %dma_start3A_98] : memref<10240x128xf32, #tpu.memory_space<vmem_shared>> -> memref<640x128xf32, #tpu.memory_space<vmem_shared>>
      %dma_start3A_100 = arith.constant 0 : i32
      %dma_start3A_101 = tpu.memref_slice %arg3[%mul3A_35, %dma_start3A_100] : memref<10240x128xf32, #tpu.memory_space<hbm>> -> memref<640x128xf32, #tpu.memory_space<hbm>>
      tpu.enqueue_dma source(%dma_start3A_101 : memref<640x128xf32, #tpu.memory_space<hbm>>) target(%dma_start3A_99 : memref<640x128xf32, #tpu.memory_space<vmem_shared>>) target_semaphore(%run_scoped3A : memref<!tpu.dma_semaphore, #tpu.memory_space<semaphore_mem>>)
      %dma_wait3A_102 = arith.constant 0 : i32
      %dma_wait3A_103 = tpu.memref_slice %arg11[%mul3A_37, %dma_wait3A_102] : memref<10240x128xf32, #tpu.memory_space<vmem_shared>> -> memref<640x128xf32, #tpu.memory_space<vmem_shared>>
      %dma_wait3A_104 = arith.constant 0 : i32
      %dma_wait3A_105 = tpu.memref_slice %arg3[%mul3A_35, %dma_wait3A_104] : memref<10240x128xf32, #tpu.memory_space<hbm>> -> memref<640x128xf32, #tpu.memory_space<hbm>>
      tpu.wait_dma2 semaphore(%run_scoped3A : memref<!tpu.dma_semaphore, #tpu.memory_space<semaphore_mem>>) src(%dma_wait3A_105 : memref<640x128xf32, #tpu.memory_space<hbm>>) dst(%dma_wait3A_103 : memref<640x128xf32, #tpu.memory_space<vmem_shared>>)
      tpu.yield
    }) : () -> ()
    %dma_wait3A = arith.constant 0 : i32
    %dma_wait3A_38 = arith.constant 0 : i32
    %dma_wait3A_39 = arith.constant 0 : i32
    %dma_wait3A_40 = arith.constant 0 : i32
    %dma_wait3A_41 = tpu.memref_slice %arg7[%dma_wait3A_38, %dma_wait3A_39, %dma_wait3A_40] : memref<2x16x128xi32, #tpu.memory_space<vmem>> -> memref<1x16x128xi32, #tpu.memory_space<vmem>>
    %dma_wait3A_42 = tpu.memref_squeeze %dma_wait3A_41 : memref<1x16x128xi32, #tpu.memory_space<vmem>> -> memref<16x128xi32, #tpu.memory_space<vmem>>
    %dma_wait3A_43 = arith.constant 0 : i32
    %dma_wait3A_44 = arith.constant 0 : i32
    %dma_wait3A_45 = tpu.memref_slice %arg4[%arg1, %dma_wait3A, %dma_wait3A_43, %dma_wait3A_44] : memref<16x10x16x128xi32, #tpu.memory_space<hbm>> -> memref<1x1x16x128xi32, #tpu.memory_space<hbm>>
    %dma_wait3A_46 = tpu.memref_squeeze %dma_wait3A_45 : memref<1x1x16x128xi32, #tpu.memory_space<hbm>> -> memref<16x128xi32, #tpu.memory_space<hbm>>
    %dma_wait3A_47 = arith.constant 0 : i32
    %dma_wait3A_48 = arith.constant 0 : i32
    %dma_wait3A_49 = tpu.memref_slice %arg7[%dma_wait3A_38, %dma_wait3A_47, %dma_wait3A_48] : memref<2x16x128xi32, #tpu.memory_space<vmem>> -> memref<1x16x128xi32, #tpu.memory_space<vmem>>
    %dma_wait3A_50 = tpu.memref_squeeze %dma_wait3A_49 : memref<1x16x128xi32, #tpu.memory_space<vmem>> -> memref<16x128xi32, #tpu.memory_space<vmem>>
    %dma_wait3A_51 = arith.constant 0 : i32
    %dma_wait3A_52 = arith.constant 0 : i32
    %dma_wait3A_53 = tpu.memref_slice %arg4[%arg1, %dma_wait3A, %dma_wait3A_51, %dma_wait3A_52] : memref<16x10x16x128xi32, #tpu.memory_space<hbm>> -> memref<1x1x16x128xi32, #tpu.memory_space<hbm>>
    %dma_wait3A_54 = tpu.memref_squeeze %dma_wait3A_53 : memref<1x1x16x128xi32, #tpu.memory_space<hbm>> -> memref<16x128xi32, #tpu.memory_space<hbm>>
    tpu.wait_dma2 semaphore(%arg16 : memref<!tpu.dma_semaphore, #tpu.memory_space<semaphore_mem>>) src(%dma_wait3A_54 : memref<16x128xi32, #tpu.memory_space<hbm>>) dst(%dma_wait3A_50 : memref<16x128xi32, #tpu.memory_space<vmem>>)
    %dma_wait3A_55 = arith.constant 0 : i32
    %dma_wait3A_56 = arith.constant 0 : i32
    %dma_wait3A_57 = arith.constant 0 : i32
    %dma_wait3A_58 = arith.constant 0 : i32
    %dma_wait3A_59 = tpu.memref_slice %arg8[%dma_wait3A_56, %dma_wait3A_57, %dma_wait3A_58] : memref<2x16x128xi32, #tpu.memory_space<vmem>> -> memref<1x16x128xi32, #tpu.memory_space<vmem>>
    %dma_wait3A_60 = tpu.memref_squeeze %dma_wait3A_59 : memref<1x16x128xi32, #tpu.memory_space<vmem>> -> memref<16x128xi32, #tpu.memory_space<vmem>>
    %dma_wait3A_61 = arith.constant 0 : i32
    %dma_wait3A_62 = arith.constant 0 : i32
    %dma_wait3A_63 = tpu.memref_slice %arg5[%arg1, %dma_wait3A_55, %dma_wait3A_61, %dma_wait3A_62] : memref<16x10x16x128xi32, #tpu.memory_space<hbm>> -> memref<1x1x16x128xi32, #tpu.memory_space<hbm>>
    %dma_wait3A_64 = tpu.memref_squeeze %dma_wait3A_63 : memref<1x1x16x128xi32, #tpu.memory_space<hbm>> -> memref<16x128xi32, #tpu.memory_space<hbm>>
    %dma_wait3A_65 = arith.constant 0 : i32
    %dma_wait3A_66 = arith.constant 0 : i32
    %dma_wait3A_67 = tpu.memref_slice %arg8[%dma_wait3A_56, %dma_wait3A_65, %dma_wait3A_66] : memref<2x16x128xi32, #tpu.memory_space<vmem>> -> memref<1x16x128xi32, #tpu.memory_space<vmem>>
    %dma_wait3A_68 = tpu.memref_squeeze %dma_wait3A_67 : memref<1x16x128xi32, #tpu.memory_space<vmem>> -> memref<16x128xi32, #tpu.memory_space<vmem>>
    %dma_wait3A_69 = arith.constant 0 : i32
    %dma_wait3A_70 = arith.constant 0 : i32
    %dma_wait3A_71 = tpu.memref_slice %arg5[%arg1, %dma_wait3A_55, %dma_wait3A_69, %dma_wait3A_70] : memref<16x10x16x128xi32, #tpu.memory_space<hbm>> -> memref<1x1x16x128xi32, #tpu.memory_space<hbm>>
    %dma_wait3A_72 = tpu.memref_squeeze %dma_wait3A_71 : memref<1x1x16x128xi32, #tpu.memory_space<hbm>> -> memref<16x128xi32, #tpu.memory_space<hbm>>
    tpu.wait_dma2 semaphore(%arg16 : memref<!tpu.dma_semaphore, #tpu.memory_space<semaphore_mem>>) src(%dma_wait3A_72 : memref<16x128xi32, #tpu.memory_space<hbm>>) dst(%dma_wait3A_68 : memref<16x128xi32, #tpu.memory_space<vmem>>)
    %barrier3A = arith.constant 0 : index
    tpu.barrier barrier_id(%barrier3A)
    %dma_start3A_73 = arith.constant 0 : i32
    %dma_start3A_74 = arith.constant 0 : i32
    %dma_start3A_75 = arith.constant 0 : i32
    %dma_start3A_76 = tpu.memref_slice %arg7[%dma_start3A_73, %dma_start3A_74, %dma_start3A_75] : memref<2x16x128xi32, #tpu.memory_space<vmem>> -> memref<1x1x128xi32, #tpu.memory_space<vmem>>
    %dma_start3A_77 = tpu.memref_squeeze %dma_start3A_76 : memref<1x1x128xi32, #tpu.memory_space<vmem>> -> memref<128xi32, #tpu.memory_space<vmem>>
    %dma_start3A_78 = arith.constant 0 : i32
    %dma_start3A_79 = arith.constant 0 : i32
    %dma_start3A_80 = tpu.memref_slice %arg2[%dma_start3A_78, %dma_start3A_79] : memref<10240x128xf32, #tpu.memory_space<hbm>> -> memref<10240x128xf32, #tpu.memory_space<hbm>>
    tpu.enqueue_indirect_dma source(%dma_start3A_80 : memref<10240x128xf32, #tpu.memory_space<hbm>>) target(%arg9 : memref<128x128xf32, #tpu.memory_space<vmem>>) offsets(%dma_start3A_77 : memref<128xi32, #tpu.memory_space<vmem>>) semaphore(%arg12 : memref<!tpu.dma_semaphore, #tpu.memory_space<semaphore_mem>>)
    %dma_start3A_81 = arith.constant 0 : i32
    %dma_start3A_82 = arith.constant 1 : i32
    %dma_start3A_83 = arith.constant 0 : i32
    %dma_start3A_84 = tpu.memref_slice %arg7[%dma_start3A_81, %dma_start3A_82, %dma_start3A_83] : memref<2x16x128xi32, #tpu.memory_space<vmem>> -> memref<1x1x128xi32, #tpu.memory_space<vmem>>
    %dma_start3A_85 = tpu.memref_squeeze %dma_start3A_84 : memref<1x1x128xi32, #tpu.memory_space<vmem>> -> memref<128xi32, #tpu.memory_space<vmem>>
    %dma_start3A_86 = arith.constant 0 : i32
    %dma_start3A_87 = arith.constant 0 : i32
    %dma_start3A_88 = tpu.memref_slice %arg2[%dma_start3A_86, %dma_start3A_87] : memref<10240x128xf32, #tpu.memory_space<hbm>> -> memref<10240x128xf32, #tpu.memory_space<hbm>>
    tpu.enqueue_indirect_dma source(%dma_start3A_88 : memref<10240x128xf32, #tpu.memory_space<hbm>>) target(%arg10 : memref<128x128xf32, #tpu.memory_space<vmem>>) offsets(%dma_start3A_85 : memref<128xi32, #tpu.memory_space<vmem>>) semaphore(%arg13 : memref<!tpu.dma_semaphore, #tpu.memory_space<semaphore_mem>>)
    %scan3A = arith.constant 0 : i32
    %scan3A_89 = arith.constant 80 : i32
    %scan3A_90 = arith.addi %scan3A, %scan3A_89 : i32
    %scan3A_91 = arith.constant 1 : i32
    scf.for %scan3A_98 = %scan3A to %scan3A_90 step %scan3A_91  : i32 {
      %mul3A_99 = arith.constant 2 : i32
      %mul3A_100 = arith.muli %scan3A_98, %mul3A_99 : i32
      %add3A = arith.constant 0 : i32
      %add3A_101 = arith.addi %add3A, %mul3A_100 : i32
      %jit3A = arith.constant 16 : i32
      %div3A = arith.divsi %add3A_101, %jit3A : i32
      %sign3A = arith.constant 0 : i32
      %sign3A_102 = arith.cmpi sgt, %add3A_101, %sign3A : i32
      %sign3A_103 = arith.extui %sign3A_102 : i1 to i32
      %sign3A_104 = arith.constant 0 : i32
      %sign3A_105 = arith.cmpi slt, %add3A_101, %sign3A_104 : i32
      %sign3A_106 = arith.extui %sign3A_105 : i1 to i32
      %sign3A_107 = arith.subi %sign3A_103, %sign3A_106 : i32
      %sign3A_108 = arith.constant 0 : i32
      %sign3A_109 = arith.cmpi sgt, %jit3A, %sign3A_108 : i32
      %sign3A_110 = arith.extui %sign3A_109 : i1 to i32
      %sign3A_111 = arith.constant 0 : i32
      %sign3A_112 = arith.cmpi slt, %jit3A, %sign3A_111 : i32
      %sign3A_113 = arith.extui %sign3A_112 : i1 to i32
      %sign3A_114 = arith.subi %sign3A_110, %sign3A_113 : i32
      %ne3A = arith.cmpi ne, %sign3A_107, %sign3A_114 : i32
      %rem3A = arith.remsi %add3A_101, %jit3A : i32
      %ne3A_115 = arith.constant 0 : i32
      %ne3A_116 = arith.cmpi ne, %rem3A, %ne3A_115 : i32
      %and3A = arith.andi %ne3A, %ne3A_116 : i1
      %sub3A = arith.constant 1 : i32
      %sub3A_117 = arith.subi %div3A, %sub3A : i32
      %select_n3A = arith.select %and3A, %sub3A_117, %div3A : i32
      %rem3A_118 = arith.constant 2 : i32
      %rem3A_119 = arith.remsi %select_n3A, %rem3A_118 : i32
      %rem3A_120 = arith.constant 16 : i32
      %rem3A_121 = arith.remsi %add3A_101, %rem3A_120 : i32
      %eq3A = arith.constant 0 : i32
      %eq3A_122 = arith.cmpi eq, %rem3A_121, %eq3A : i32
      %convert_element_type3A = arith.extui %eq3A_122 : i1 to i32
      %cond3A = arith.constant 0 : i32
      %cond3A_123 = arith.cmpi ne, %convert_element_type3A, %cond3A : i32
      scf.if %cond3A_123 {
        %add3A_187 = arith.constant 1 : i32
        %add3A_188 = arith.addi %select_n3A, %add3A_187 : i32
        %lt3A_189 = arith.constant 10 : i32
        %lt3A_190 = arith.cmpi slt, %add3A_188, %lt3A_189 : i32
        %convert_element_type3A_191 = arith.extui %lt3A_190 : i1 to i32
        %cond3A_192 = arith.constant 0 : i32
        %cond3A_193 = arith.cmpi ne, %convert_element_type3A_191, %cond3A_192 : i32
        scf.if %cond3A_193 {
          %add3A_194 = arith.constant 1 : i32
          %add3A_195 = arith.addi %select_n3A, %add3A_194 : i32
          %rem3A_196 = arith.constant 2 : i32
          %rem3A_197 = arith.remsi %add3A_195, %rem3A_196 : i32
          %add3A_198 = arith.constant 1 : i32
          %add3A_199 = arith.addi %select_n3A, %add3A_198 : i32
          %dma_start3A_200 = arith.constant 0 : i32
          %dma_start3A_201 = arith.constant 0 : i32
          %dma_start3A_202 = tpu.memref_slice %arg7[%rem3A_197, %dma_start3A_200, %dma_start3A_201] : memref<2x16x128xi32, #tpu.memory_space<vmem>> -> memref<1x16x128xi32, #tpu.memory_space<vmem>>
          %dma_start3A_203 = tpu.memref_squeeze %dma_start3A_202 : memref<1x16x128xi32, #tpu.memory_space<vmem>> -> memref<16x128xi32, #tpu.memory_space<vmem>>
          %dma_start3A_204 = arith.constant 0 : i32
          %dma_start3A_205 = arith.constant 0 : i32
          %dma_start3A_206 = tpu.memref_slice %arg4[%arg1, %add3A_199, %dma_start3A_204, %dma_start3A_205] : memref<16x10x16x128xi32, #tpu.memory_space<hbm>> -> memref<1x1x16x128xi32, #tpu.memory_space<hbm>>
          %dma_start3A_207 = tpu.memref_squeeze %dma_start3A_206 : memref<1x1x16x128xi32, #tpu.memory_space<hbm>> -> memref<16x128xi32, #tpu.memory_space<hbm>>
          %dma_start3A_208 = arith.constant 0 : i32
          %dma_start3A_209 = arith.constant 0 : i32
          %dma_start3A_210 = tpu.memref_slice %arg7[%rem3A_197, %dma_start3A_208, %dma_start3A_209] : memref<2x16x128xi32, #tpu.memory_space<vmem>> -> memref<1x16x128xi32, #tpu.memory_space<vmem>>
          %dma_start3A_211 = tpu.memref_squeeze %dma_start3A_210 : memref<1x16x128xi32, #tpu.memory_space<vmem>> -> memref<16x128xi32, #tpu.memory_space<vmem>>
          %dma_start3A_212 = arith.constant 0 : i32
          %dma_start3A_213 = arith.constant 0 : i32
          %dma_start3A_214 = tpu.memref_slice %arg4[%arg1, %add3A_199, %dma_start3A_212, %dma_start3A_213] : memref<16x10x16x128xi32, #tpu.memory_space<hbm>> -> memref<1x1x16x128xi32, #tpu.memory_space<hbm>>
          %dma_start3A_215 = tpu.memref_squeeze %dma_start3A_214 : memref<1x1x16x128xi32, #tpu.memory_space<hbm>> -> memref<16x128xi32, #tpu.memory_space<hbm>>
          tpu.enqueue_dma source(%dma_start3A_215 : memref<16x128xi32, #tpu.memory_space<hbm>>) target(%dma_start3A_211 : memref<16x128xi32, #tpu.memory_space<vmem>>) target_semaphore(%arg16 : memref<!tpu.dma_semaphore, #tpu.memory_space<semaphore_mem>>)
          %add3A_216 = arith.constant 1 : i32
          %add3A_217 = arith.addi %select_n3A, %add3A_216 : i32
          %dma_start3A_218 = arith.constant 0 : i32
          %dma_start3A_219 = arith.constant 0 : i32
          %dma_start3A_220 = tpu.memref_slice %arg8[%rem3A_197, %dma_start3A_218, %dma_start3A_219] : memref<2x16x128xi32, #tpu.memory_space<vmem>> -> memref<1x16x128xi32, #tpu.memory_space<vmem>>
          %dma_start3A_221 = tpu.memref_squeeze %dma_start3A_220 : memref<1x16x128xi32, #tpu.memory_space<vmem>> -> memref<16x128xi32, #tpu.memory_space<vmem>>
          %dma_start3A_222 = arith.constant 0 : i32
          %dma_start3A_223 = arith.constant 0 : i32
          %dma_start3A_224 = tpu.memref_slice %arg5[%arg1, %add3A_217, %dma_start3A_222, %dma_start3A_223] : memref<16x10x16x128xi32, #tpu.memory_space<hbm>> -> memref<1x1x16x128xi32, #tpu.memory_space<hbm>>
          %dma_start3A_225 = tpu.memref_squeeze %dma_start3A_224 : memref<1x1x16x128xi32, #tpu.memory_space<hbm>> -> memref<16x128xi32, #tpu.memory_space<hbm>>
          %dma_start3A_226 = arith.constant 0 : i32
          %dma_start3A_227 = arith.constant 0 : i32
          %dma_start3A_228 = tpu.memref_slice %arg8[%rem3A_197, %dma_start3A_226, %dma_start3A_227] : memref<2x16x128xi32, #tpu.memory_space<vmem>> -> memref<1x16x128xi32, #tpu.memory_space<vmem>>
          %dma_start3A_229 = tpu.memref_squeeze %dma_start3A_228 : memref<1x16x128xi32, #tpu.memory_space<vmem>> -> memref<16x128xi32, #tpu.memory_space<vmem>>
          %dma_start3A_230 = arith.constant 0 : i32
          %dma_start3A_231 = arith.constant 0 : i32
          %dma_start3A_232 = tpu.memref_slice %arg5[%arg1, %add3A_217, %dma_start3A_230, %dma_start3A_231] : memref<16x10x16x128xi32, #tpu.memory_space<hbm>> -> memref<1x1x16x128xi32, #tpu.memory_space<hbm>>
          %dma_start3A_233 = tpu.memref_squeeze %dma_start3A_232 : memref<1x1x16x128xi32, #tpu.memory_space<hbm>> -> memref<16x128xi32, #tpu.memory_space<hbm>>
          tpu.enqueue_dma source(%dma_start3A_233 : memref<16x128xi32, #tpu.memory_space<hbm>>) target(%dma_start3A_229 : memref<16x128xi32, #tpu.memory_space<vmem>>) target_semaphore(%arg16 : memref<!tpu.dma_semaphore, #tpu.memory_space<semaphore_mem>>)
        } else {
        }
      } else {
      }
      %dma_wait3A_124 = arith.constant 0 : i32
      %dma_wait3A_125 = arith.constant 0 : i32
      %dma_wait3A_126 = arith.constant 0 : i32
      %dma_wait3A_127 = tpu.memref_slice %arg7[%dma_wait3A_124, %dma_wait3A_125, %dma_wait3A_126] : memref<2x16x128xi32, #tpu.memory_space<vmem>> -> memref<1x1x128xi32, #tpu.memory_space<vmem>>
      %dma_wait3A_128 = tpu.memref_squeeze %dma_wait3A_127 : memref<1x1x128xi32, #tpu.memory_space<vmem>> -> memref<128xi32, #tpu.memory_space<vmem>>
      %dma_wait3A_129 = arith.constant 0 : i32
      %dma_wait3A_130 = arith.constant 0 : i32
      %dma_wait3A_131 = tpu.memref_slice %arg2[%dma_wait3A_129, %dma_wait3A_130] : memref<10240x128xf32, #tpu.memory_space<hbm>> -> memref<10240x128xf32, #tpu.memory_space<hbm>>
      tpu.wait_indirect_dma semaphore(%arg12 : memref<!tpu.dma_semaphore, #tpu.memory_space<semaphore_mem>>) src(%dma_wait3A_131 : memref<10240x128xf32, #tpu.memory_space<hbm>>) dst(%arg9 : memref<128x128xf32, #tpu.memory_space<vmem>>)
      %rem3A_132 = arith.constant 16 : i32
      %rem3A_133 = arith.remsi %add3A_101, %rem3A_132 : i32
      %dma_start3A_134 = arith.constant 0 : i32
      %dma_start3A_135 = tpu.memref_slice %arg8[%rem3A_119, %rem3A_133, %dma_start3A_134] : memref<2x16x128xi32, #tpu.memory_space<vmem>> -> memref<1x1x128xi32, #tpu.memory_space<vmem>>
      %dma_start3A_136 = tpu.memref_squeeze %dma_start3A_135 : memref<1x1x128xi32, #tpu.memory_space<vmem>> -> memref<128xi32, #tpu.memory_space<vmem>>
      %dma_start3A_137 = arith.constant 0 : i32
      %dma_start3A_138 = arith.constant 0 : i32
      %dma_start3A_139 = tpu.memref_slice %arg11[%dma_start3A_137, %dma_start3A_138] : memref<10240x128xf32, #tpu.memory_space<vmem_shared>> -> memref<10240x128xf32, #tpu.memory_space<vmem_shared>>
      tpu.enqueue_indirect_dma source(%arg9 : memref<128x128xf32, #tpu.memory_space<vmem>>) target(%dma_start3A_139 : memref<10240x128xf32, #tpu.memory_space<vmem_shared>>) offsets(%dma_start3A_136 : memref<128xi32, #tpu.memory_space<vmem>>) semaphore(%arg14 : memref<!tpu.dma_semaphore, #tpu.memory_space<semaphore_mem>>) {add = true}
      %dma_wait3A_140 = arith.constant 0 : i32
      %dma_wait3A_141 = arith.constant 0 : i32
      %dma_wait3A_142 = arith.constant 0 : i32
      %dma_wait3A_143 = tpu.memref_slice %arg7[%dma_wait3A_140, %dma_wait3A_141, %dma_wait3A_142] : memref<2x16x128xi32, #tpu.memory_space<vmem>> -> memref<1x1x128xi32, #tpu.memory_space<vmem>>
      %dma_wait3A_144 = tpu.memref_squeeze %dma_wait3A_143 : memref<1x1x128xi32, #tpu.memory_space<vmem>> -> memref<128xi32, #tpu.memory_space<vmem>>
      %dma_wait3A_145 = arith.constant 0 : i32
      %dma_wait3A_146 = arith.constant 0 : i32
      %dma_wait3A_147 = tpu.memref_slice %arg2[%dma_wait3A_145, %dma_wait3A_146] : memref<10240x128xf32, #tpu.memory_space<hbm>> -> memref<10240x128xf32, #tpu.memory_space<hbm>>
      tpu.wait_indirect_dma semaphore(%arg13 : memref<!tpu.dma_semaphore, #tpu.memory_space<semaphore_mem>>) src(%dma_wait3A_147 : memref<10240x128xf32, #tpu.memory_space<hbm>>) dst(%arg10 : memref<128x128xf32, #tpu.memory_space<vmem>>)
      %add3A_148 = arith.constant 1 : i32
      %add3A_149 = arith.addi %add3A_101, %add3A_148 : i32
      %rem3A_150 = arith.constant 16 : i32
      %rem3A_151 = arith.remsi %add3A_149, %rem3A_150 : i32
      %dma_start3A_152 = arith.constant 0 : i32
      %dma_start3A_153 = tpu.memref_slice %arg8[%rem3A_119, %rem3A_151, %dma_start3A_152] : memref<2x16x128xi32, #tpu.memory_space<vmem>> -> memref<1x1x128xi32, #tpu.memory_space<vmem>>
      %dma_start3A_154 = tpu.memref_squeeze %dma_start3A_153 : memref<1x1x128xi32, #tpu.memory_space<vmem>> -> memref<128xi32, #tpu.memory_space<vmem>>
      %dma_start3A_155 = arith.constant 0 : i32
      %dma_start3A_156 = arith.constant 0 : i32
      %dma_start3A_157 = tpu.memref_slice %arg11[%dma_start3A_155, %dma_start3A_156] : memref<10240x128xf32, #tpu.memory_space<vmem_shared>> -> memref<10240x128xf32, #tpu.memory_space<vmem_shared>>
      tpu.enqueue_indirect_dma source(%arg10 : memref<128x128xf32, #tpu.memory_space<vmem>>) target(%dma_start3A_157 : memref<10240x128xf32, #tpu.memory_space<vmem_shared>>) offsets(%dma_start3A_154 : memref<128xi32, #tpu.memory_space<vmem>>) semaphore(%arg15 : memref<!tpu.dma_semaphore, #tpu.memory_space<semaphore_mem>>) {add = true}
      %dma_wait3A_158 = arith.constant 0 : i32
      %dma_wait3A_159 = arith.constant 0 : i32
      %dma_wait3A_160 = arith.constant 0 : i32
      %dma_wait3A_161 = tpu.memref_slice %arg8[%dma_wait3A_158, %dma_wait3A_159, %dma_wait3A_160] : memref<2x16x128xi32, #tpu.memory_space<vmem>> -> memref<1x1x128xi32, #tpu.memory_space<vmem>>
      %dma_wait3A_162 = tpu.memref_squeeze %dma_wait3A_161 : memref<1x1x128xi32, #tpu.memory_space<vmem>> -> memref<128xi32, #tpu.memory_space<vmem>>
      %dma_wait3A_163 = arith.constant 0 : i32
      %dma_wait3A_164 = arith.constant 0 : i32
      %dma_wait3A_165 = tpu.memref_slice %arg11[%dma_wait3A_163, %dma_wait3A_164] : memref<10240x128xf32, #tpu.memory_space<vmem_shared>> -> memref<10240x128xf32, #tpu.memory_space<vmem_shared>>
      tpu.wait_indirect_dma semaphore(%arg14 : memref<!tpu.dma_semaphore, #tpu.memory_space<semaphore_mem>>) src(%arg9 : memref<128x128xf32, #tpu.memory_space<vmem>>) dst(%dma_wait3A_165 : memref<10240x128xf32, #tpu.memory_space<vmem_shared>>)
      %add3A_166 = arith.constant 2 : i32
      %add3A_167 = arith.addi %add3A_101, %add3A_166 : i32
      %lt3A = arith.constant 160 : i32
      %lt3A_168 = arith.cmpi slt, %add3A_167, %lt3A : i32
      %convert_element_type3A_169 = arith.extui %lt3A_168 : i1 to i32
      %cond3A_170 = arith.constant 0 : i32
      %cond3A_171 = arith.cmpi ne, %convert_element_type3A_169, %cond3A_170 : i32
      scf.if %cond3A_171 {
        %add3A_187 = arith.constant 2 : i32
        %add3A_188 = arith.addi %add3A_101, %add3A_187 : i32
        %rem3A_189 = arith.constant 16 : i32
        %rem3A_190 = arith.remsi %add3A_188, %rem3A_189 : i32
        %eq3A_191 = arith.constant 0 : i32
        %eq3A_192 = arith.cmpi eq, %rem3A_190, %eq3A_191 : i32
        %convert_element_type3A_193 = arith.extui %eq3A_192 : i1 to i32
        %cond3A_194 = arith.constant 0 : i32
        %cond3A_195 = arith.cmpi ne, %convert_element_type3A_193, %cond3A_194 : i32
        scf.if %cond3A_195 {
          %dma_wait3A_234 = arith.constant 0 : i32
          %dma_wait3A_235 = arith.constant 0 : i32
          %dma_wait3A_236 = arith.constant 0 : i32
          %dma_wait3A_237 = arith.constant 0 : i32
          %dma_wait3A_238 = tpu.memref_slice %arg7[%dma_wait3A_235, %dma_wait3A_236, %dma_wait3A_237] : memref<2x16x128xi32, #tpu.memory_space<vmem>> -> memref<1x16x128xi32, #tpu.memory_space<vmem>>
          %dma_wait3A_239 = tpu.memref_squeeze %dma_wait3A_238 : memref<1x16x128xi32, #tpu.memory_space<vmem>> -> memref<16x128xi32, #tpu.memory_space<vmem>>
          %dma_wait3A_240 = arith.constant 0 : i32
          %dma_wait3A_241 = arith.constant 0 : i32
          %dma_wait3A_242 = tpu.memref_slice %arg4[%arg1, %dma_wait3A_234, %dma_wait3A_240, %dma_wait3A_241] : memref<16x10x16x128xi32, #tpu.memory_space<hbm>> -> memref<1x1x16x128xi32, #tpu.memory_space<hbm>>
          %dma_wait3A_243 = tpu.memref_squeeze %dma_wait3A_242 : memref<1x1x16x128xi32, #tpu.memory_space<hbm>> -> memref<16x128xi32, #tpu.memory_space<hbm>>
          %dma_wait3A_244 = arith.constant 0 : i32
          %dma_wait3A_245 = arith.constant 0 : i32
          %dma_wait3A_246 = tpu.memref_slice %arg7[%dma_wait3A_235, %dma_wait3A_244, %dma_wait3A_245] : memref<2x16x128xi32, #tpu.memory_space<vmem>> -> memref<1x16x128xi32, #tpu.memory_space<vmem>>
          %dma_wait3A_247 = tpu.memref_squeeze %dma_wait3A_246 : memref<1x16x128xi32, #tpu.memory_space<vmem>> -> memref<16x128xi32, #tpu.memory_space<vmem>>
          %dma_wait3A_248 = arith.constant 0 : i32
          %dma_wait3A_249 = arith.constant 0 : i32
          %dma_wait3A_250 = tpu.memref_slice %arg4[%arg1, %dma_wait3A_234, %dma_wait3A_248, %dma_wait3A_249] : memref<16x10x16x128xi32, #tpu.memory_space<hbm>> -> memref<1x1x16x128xi32, #tpu.memory_space<hbm>>
          %dma_wait3A_251 = tpu.memref_squeeze %dma_wait3A_250 : memref<1x1x16x128xi32, #tpu.memory_space<hbm>> -> memref<16x128xi32, #tpu.memory_space<hbm>>
          tpu.wait_dma2 semaphore(%arg16 : memref<!tpu.dma_semaphore, #tpu.memory_space<semaphore_mem>>) src(%dma_wait3A_251 : memref<16x128xi32, #tpu.memory_space<hbm>>) dst(%dma_wait3A_247 : memref<16x128xi32, #tpu.memory_space<vmem>>)
          %dma_wait3A_252 = arith.constant 0 : i32
          %dma_wait3A_253 = arith.constant 0 : i32
          %dma_wait3A_254 = arith.constant 0 : i32
          %dma_wait3A_255 = arith.constant 0 : i32
          %dma_wait3A_256 = tpu.memref_slice %arg8[%dma_wait3A_253, %dma_wait3A_254, %dma_wait3A_255] : memref<2x16x128xi32, #tpu.memory_space<vmem>> -> memref<1x16x128xi32, #tpu.memory_space<vmem>>
          %dma_wait3A_257 = tpu.memref_squeeze %dma_wait3A_256 : memref<1x16x128xi32, #tpu.memory_space<vmem>> -> memref<16x128xi32, #tpu.memory_space<vmem>>
          %dma_wait3A_258 = arith.constant 0 : i32
          %dma_wait3A_259 = arith.constant 0 : i32
          %dma_wait3A_260 = tpu.memref_slice %arg5[%arg1, %dma_wait3A_252, %dma_wait3A_258, %dma_wait3A_259] : memref<16x10x16x128xi32, #tpu.memory_space<hbm>> -> memref<1x1x16x128xi32, #tpu.memory_space<hbm>>
          %dma_wait3A_261 = tpu.memref_squeeze %dma_wait3A_260 : memref<1x1x16x128xi32, #tpu.memory_space<hbm>> -> memref<16x128xi32, #tpu.memory_space<hbm>>
          %dma_wait3A_262 = arith.constant 0 : i32
          %dma_wait3A_263 = arith.constant 0 : i32
          %dma_wait3A_264 = tpu.memref_slice %arg8[%dma_wait3A_253, %dma_wait3A_262, %dma_wait3A_263] : memref<2x16x128xi32, #tpu.memory_space<vmem>> -> memref<1x16x128xi32, #tpu.memory_space<vmem>>
          %dma_wait3A_265 = tpu.memref_squeeze %dma_wait3A_264 : memref<1x16x128xi32, #tpu.memory_space<vmem>> -> memref<16x128xi32, #tpu.memory_space<vmem>>
          %dma_wait3A_266 = arith.constant 0 : i32
          %dma_wait3A_267 = arith.constant 0 : i32
          %dma_wait3A_268 = tpu.memref_slice %arg5[%arg1, %dma_wait3A_252, %dma_wait3A_266, %dma_wait3A_267] : memref<16x10x16x128xi32, #tpu.memory_space<hbm>> -> memref<1x1x16x128xi32, #tpu.memory_space<hbm>>
          %dma_wait3A_269 = tpu.memref_squeeze %dma_wait3A_268 : memref<1x1x16x128xi32, #tpu.memory_space<hbm>> -> memref<16x128xi32, #tpu.memory_space<hbm>>
          tpu.wait_dma2 semaphore(%arg16 : memref<!tpu.dma_semaphore, #tpu.memory_space<semaphore_mem>>) src(%dma_wait3A_269 : memref<16x128xi32, #tpu.memory_space<hbm>>) dst(%dma_wait3A_265 : memref<16x128xi32, #tpu.memory_space<vmem>>)
        } else {
        }
        %add3A_196 = arith.constant 2 : i32
        %add3A_197 = arith.addi %add3A_101, %add3A_196 : i32
        %jit3A_198 = arith.constant 16 : i32
        %div3A_199 = arith.divsi %add3A_197, %jit3A_198 : i32
        %sign3A_200 = arith.constant 0 : i32
        %sign3A_201 = arith.cmpi sgt, %add3A_197, %sign3A_200 : i32
        %sign3A_202 = arith.extui %sign3A_201 : i1 to i32
        %sign3A_203 = arith.constant 0 : i32
        %sign3A_204 = arith.cmpi slt, %add3A_197, %sign3A_203 : i32
        %sign3A_205 = arith.extui %sign3A_204 : i1 to i32
        %sign3A_206 = arith.subi %sign3A_202, %sign3A_205 : i32
        %sign3A_207 = arith.constant 0 : i32
        %sign3A_208 = arith.cmpi sgt, %jit3A_198, %sign3A_207 : i32
        %sign3A_209 = arith.extui %sign3A_208 : i1 to i32
        %sign3A_210 = arith.constant 0 : i32
        %sign3A_211 = arith.cmpi slt, %jit3A_198, %sign3A_210 : i32
        %sign3A_212 = arith.extui %sign3A_211 : i1 to i32
        %sign3A_213 = arith.subi %sign3A_209, %sign3A_212 : i32
        %ne3A_214 = arith.cmpi ne, %sign3A_206, %sign3A_213 : i32
        %rem3A_215 = arith.remsi %add3A_197, %jit3A_198 : i32
        %ne3A_216 = arith.constant 0 : i32
        %ne3A_217 = arith.cmpi ne, %rem3A_215, %ne3A_216 : i32
        %and3A_218 = arith.andi %ne3A_214, %ne3A_217 : i1
        %sub3A_219 = arith.constant 1 : i32
        %sub3A_220 = arith.subi %div3A_199, %sub3A_219 : i32
        %select_n3A_221 = arith.select %and3A_218, %sub3A_220, %div3A_199 : i32
        %rem3A_222 = arith.constant 2 : i32
        %rem3A_223 = arith.remsi %select_n3A_221, %rem3A_222 : i32
        %add3A_224 = arith.constant 2 : i32
        %add3A_225 = arith.addi %add3A_101, %add3A_224 : i32
        %rem3A_226 = arith.constant 16 : i32
        %rem3A_227 = arith.remsi %add3A_225, %rem3A_226 : i32
        %dma_start3A_228 = arith.constant 0 : i32
        %dma_start3A_229 = tpu.memref_slice %arg7[%rem3A_223, %rem3A_227, %dma_start3A_228] : memref<2x16x128xi32, #tpu.memory_space<vmem>> -> memref<1x1x128xi32, #tpu.memory_space<vmem>>
        %dma_start3A_230 = tpu.memref_squeeze %dma_start3A_229 : memref<1x1x128xi32, #tpu.memory_space<vmem>> -> memref<128xi32, #tpu.memory_space<vmem>>
        %dma_start3A_231 = arith.constant 0 : i32
        %dma_start3A_232 = arith.constant 0 : i32
        %dma_start3A_233 = tpu.memref_slice %arg2[%dma_start3A_231, %dma_start3A_232] : memref<10240x128xf32, #tpu.memory_space<hbm>> -> memref<10240x128xf32, #tpu.memory_space<hbm>>
        tpu.enqueue_indirect_dma source(%dma_start3A_233 : memref<10240x128xf32, #tpu.memory_space<hbm>>) target(%arg9 : memref<128x128xf32, #tpu.memory_space<vmem>>) offsets(%dma_start3A_230 : memref<128xi32, #tpu.memory_space<vmem>>) semaphore(%arg12 : memref<!tpu.dma_semaphore, #tpu.memory_space<semaphore_mem>>)
      } else {
      }
      %dma_wait3A_172 = arith.constant 0 : i32
      %dma_wait3A_173 = arith.constant 0 : i32
      %dma_wait3A_174 = arith.constant 0 : i32
      %dma_wait3A_175 = tpu.memref_slice %arg8[%dma_wait3A_172, %dma_wait3A_173, %dma_wait3A_174] : memref<2x16x128xi32, #tpu.memory_space<vmem>> -> memref<1x1x128xi32, #tpu.memory_space<vmem>>
      %dma_wait3A_176 = tpu.memref_squeeze %dma_wait3A_175 : memref<1x1x128xi32, #tpu.memory_space<vmem>> -> memref<128xi32, #tpu.memory_space<vmem>>
      %dma_wait3A_177 = arith.constant 0 : i32
      %dma_wait3A_178 = arith.constant 0 : i32
      %dma_wait3A_179 = tpu.memref_slice %arg11[%dma_wait3A_177, %dma_wait3A_178] : memref<10240x128xf32, #tpu.memory_space<vmem_shared>> -> memref<10240x128xf32, #tpu.memory_space<vmem_shared>>
      tpu.wait_indirect_dma semaphore(%arg15 : memref<!tpu.dma_semaphore, #tpu.memory_space<semaphore_mem>>) src(%arg10 : memref<128x128xf32, #tpu.memory_space<vmem>>) dst(%dma_wait3A_179 : memref<10240x128xf32, #tpu.memory_space<vmem_shared>>)
      %add3A_180 = arith.constant 3 : i32
      %add3A_181 = arith.addi %add3A_101, %add3A_180 : i32
      %lt3A_182 = arith.constant 160 : i32
      %lt3A_183 = arith.cmpi slt, %add3A_181, %lt3A_182 : i32
      %convert_element_type3A_184 = arith.extui %lt3A_183 : i1 to i32
      %cond3A_185 = arith.constant 0 : i32
      %cond3A_186 = arith.cmpi ne, %convert_element_type3A_184, %cond3A_185 : i32
      scf.if %cond3A_186 {
        %add3A_187 = arith.constant 3 : i32
        %add3A_188 = arith.addi %add3A_101, %add3A_187 : i32
        %jit3A_189 = arith.constant 16 : i32
        %div3A_190 = arith.divsi %add3A_188, %jit3A_189 : i32
        %sign3A_191 = arith.constant 0 : i32
        %sign3A_192 = arith.cmpi sgt, %add3A_188, %sign3A_191 : i32
        %sign3A_193 = arith.extui %sign3A_192 : i1 to i32
        %sign3A_194 = arith.constant 0 : i32
        %sign3A_195 = arith.cmpi slt, %add3A_188, %sign3A_194 : i32
        %sign3A_196 = arith.extui %sign3A_195 : i1 to i32
        %sign3A_197 = arith.subi %sign3A_193, %sign3A_196 : i32
        %sign3A_198 = arith.constant 0 : i32
        %sign3A_199 = arith.cmpi sgt, %jit3A_189, %sign3A_198 : i32
        %sign3A_200 = arith.extui %sign3A_199 : i1 to i32
        %sign3A_201 = arith.constant 0 : i32
        %sign3A_202 = arith.cmpi slt, %jit3A_189, %sign3A_201 : i32
        %sign3A_203 = arith.extui %sign3A_202 : i1 to i32
        %sign3A_204 = arith.subi %sign3A_200, %sign3A_203 : i32
        %ne3A_205 = arith.cmpi ne, %sign3A_197, %sign3A_204 : i32
        %rem3A_206 = arith.remsi %add3A_188, %jit3A_189 : i32
        %ne3A_207 = arith.constant 0 : i32
        %ne3A_208 = arith.cmpi ne, %rem3A_206, %ne3A_207 : i32
        %and3A_209 = arith.andi %ne3A_205, %ne3A_208 : i1
        %sub3A_210 = arith.constant 1 : i32
        %sub3A_211 = arith.subi %div3A_190, %sub3A_210 : i32
        %select_n3A_212 = arith.select %and3A_209, %sub3A_211, %div3A_190 : i32
        %rem3A_213 = arith.constant 2 : i32
        %rem3A_214 = arith.remsi %select_n3A_212, %rem3A_213 : i32
        %add3A_215 = arith.constant 3 : i32
        %add3A_216 = arith.addi %add3A_101, %add3A_215 : i32
        %rem3A_217 = arith.constant 16 : i32
        %rem3A_218 = arith.remsi %add3A_216, %rem3A_217 : i32
        %dma_start3A_219 = arith.constant 0 : i32
        %dma_start3A_220 = tpu.memref_slice %arg7[%rem3A_214, %rem3A_218, %dma_start3A_219] : memref<2x16x128xi32, #tpu.memory_space<vmem>> -> memref<1x1x128xi32, #tpu.memory_space<vmem>>
        %dma_start3A_221 = tpu.memref_squeeze %dma_start3A_220 : memref<1x1x128xi32, #tpu.memory_space<vmem>> -> memref<128xi32, #tpu.memory_space<vmem>>
        %dma_start3A_222 = arith.constant 0 : i32
        %dma_start3A_223 = arith.constant 0 : i32
        %dma_start3A_224 = tpu.memref_slice %arg2[%dma_start3A_222, %dma_start3A_223] : memref<10240x128xf32, #tpu.memory_space<hbm>> -> memref<10240x128xf32, #tpu.memory_space<hbm>>
        tpu.enqueue_indirect_dma source(%dma_start3A_224 : memref<10240x128xf32, #tpu.memory_space<hbm>>) target(%arg10 : memref<128x128xf32, #tpu.memory_space<vmem>>) offsets(%dma_start3A_221 : memref<128xi32, #tpu.memory_space<vmem>>) semaphore(%arg13 : memref<!tpu.dma_semaphore, #tpu.memory_space<semaphore_mem>>)
      } else {
      }
    }
    %scan3A_92 = arith.constant 80 : i32
    %barrier3A_93 = arith.constant 0 : index
    tpu.barrier barrier_id(%barrier3A_93)
    %mul3A_94 = arith.constant 640 : i32
    %mul3A_95 = arith.muli %arg1, %mul3A_94 : i32
    %mul3A_96 = arith.constant 640 : i32
    %mul3A_97 = arith.muli %arg1, %mul3A_96 : i32
    "tpu.region"() ({
      %run_scoped3A = tpu.sem_alloc : memref<!tpu.dma_semaphore, #tpu.memory_space<semaphore_mem>>
      %dma_start3A_98 = arith.constant 0 : i32
      %dma_start3A_99 = tpu.memref_slice %arg6[%mul3A_97, %dma_start3A_98] : memref<10240x128xf32, #tpu.memory_space<hbm>> -> memref<640x128xf32, #tpu.memory_space<hbm>>
      %dma_start3A_100 = arith.constant 0 : i32
      %dma_start3A_101 = tpu.memref_slice %arg11[%mul3A_95, %dma_start3A_100] : memref<10240x128xf32, #tpu.memory_space<vmem_shared>> -> memref<640x128xf32, #tpu.memory_space<vmem_shared>>
      tpu.enqueue_dma source(%dma_start3A_101 : memref<640x128xf32, #tpu.memory_space<vmem_shared>>) target(%dma_start3A_99 : memref<640x128xf32, #tpu.memory_space<hbm>>) target_semaphore(%run_scoped3A : memref<!tpu.dma_semaphore, #tpu.memory_space<semaphore_mem>>)
      %dma_wait3A_102 = arith.constant 0 : i32
      %dma_wait3A_103 = tpu.memref_slice %arg6[%mul3A_97, %dma_wait3A_102] : memref<10240x128xf32, #tpu.memory_space<hbm>> -> memref<640x128xf32, #tpu.memory_space<hbm>>
      %dma_wait3A_104 = arith.constant 0 : i32
      %dma_wait3A_105 = tpu.memref_slice %arg11[%mul3A_95, %dma_wait3A_104] : memref<10240x128xf32, #tpu.memory_space<vmem_shared>> -> memref<640x128xf32, #tpu.memory_space<vmem_shared>>
      tpu.wait_dma2 semaphore(%run_scoped3A : memref<!tpu.dma_semaphore, #tpu.memory_space<semaphore_mem>>) src(%dma_wait3A_105 : memref<640x128xf32, #tpu.memory_space<vmem_shared>>) dst(%dma_wait3A_103 : memref<640x128xf32, #tpu.memory_space<hbm>>)
      tpu.yield
    }) : () -> ()
    return
  }
}

#map = affine_map<(d0, d1) -> (0, 0)>
#map1 = affine_map<(d0, d1) -> (0, 0, 0, 0)>
module attributes {stable_mosaic.version = 14 : i64} {
  func.func @k(%arg0: i32, %arg1: i32, %arg2: memref<10240x128xf32, #tpu.memory_space<hbm>>, %arg3: memref<10240x128xf32, #tpu.memory_space<hbm>>, %arg4: memref<16x10x16x128xi32, #tpu.memory_space<hbm>>, %arg5: memref<16x10x16x128xi32, #tpu.memory_space<hbm>>, %arg6: memref<10240x128xf32, #tpu.memory_space<hbm>>, %arg7: memref<2x16x128xi32, #tpu.memory_space<vmem>>, %arg8: memref<2x16x128xi32, #tpu.memory_space<vmem>>, %arg9: memref<128x128xf32, #tpu.memory_space<vmem>>, %arg10: memref<128x128xf32, #tpu.memory_space<vmem>>, %arg11: memref<10240x128xf32, #tpu.memory_space<vmem_shared>>, %arg12: memref<!tpu.dma_semaphore, #tpu.memory_space<semaphore_mem>>, %arg13: memref<!tpu.dma_semaphore, #tpu.memory_space<semaphore_mem>>, %arg14: memref<!tpu.dma_semaphore, #tpu.memory_space<semaphore_mem>>, %arg15: memref<!tpu.dma_semaphore, #tpu.memory_space<semaphore_mem>>, %arg16: memref<!tpu.dma_semaphore, #tpu.memory_space<semaphore_mem>>) attributes {dimension_semantics = [#tpu.dimension_semantics<core_parallel>, #tpu.dimension_semantics<subcore_parallel>], iteration_bounds = array<i64: 1, 16>, scalar_prefetch = 0 : i64, scratch_operands = 10 : i64, tpu.core_type = #tpu.core_type<sc_vector_subcore>, window_params = [{transform_indices = #map}, {transform_indices = #map}, {transform_indices = #map1}, {transform_indices = #map1}, {transform_indices = #map}]} {
    %dma_start3A = arith.constant 0 : i32
    %dma_start3A_0 = arith.constant 0 : i32
    %dma_start3A_1 = arith.constant 0 : i32
    %dma_start3A_2 = arith.constant 0 : i32
    %dma_start3A_3 = tpu.memref_slice %arg7[%dma_start3A_0, %dma_start3A_1, %dma_start3A_2] : memref<2x16x128xi32, #tpu.memory_space<vmem>> -> memref<1x16x128xi32, #tpu.memory_space<vmem>>
    %dma_start3A_4 = tpu.memref_squeeze %dma_start3A_3 : memref<1x16x128xi32, #tpu.memory_space<vmem>> -> memref<16x128xi32, #tpu.memory_space<vmem>>
    %dma_start3A_5 = arith.constant 0 : i32
    %dma_start3A_6 = arith.constant 0 : i32
    %dma_start3A_7 = tpu.memref_slice %arg4[%arg1, %dma_start3A, %dma_start3A_5, %dma_start3A_6] : memref<16x10x16x128xi32, #tpu.memory_space<hbm>> -> memref<1x1x16x128xi32, #tpu.memory_space<hbm>>
    %dma_start3A_8 = tpu.memref_squeeze %dma_start3A_7 : memref<1x1x16x128xi32, #tpu.memory_space<hbm>> -> memref<16x128xi32, #tpu.memory_space<hbm>>
    %dma_start3A_9 = arith.constant 0 : i32
    %dma_start3A_10 = arith.constant 0 : i32
    %dma_start3A_11 = tpu.memref_slice %arg7[%dma_start3A_0, %dma_start3A_9, %dma_start3A_10] : memref<2x16x128xi32, #tpu.memory_space<vmem>> -> memref<1x16x128xi32, #tpu.memory_space<vmem>>
    %dma_start3A_12 = tpu.memref_squeeze %dma_start3A_11 : memref<1x16x128xi32, #tpu.memory_space<vmem>> -> memref<16x128xi32, #tpu.memory_space<vmem>>
    %dma_start3A_13 = arith.constant 0 : i32
    %dma_start3A_14 = arith.constant 0 : i32
    %dma_start3A_15 = tpu.memref_slice %arg4[%arg1, %dma_start3A, %dma_start3A_13, %dma_start3A_14] : memref<16x10x16x128xi32, #tpu.memory_space<hbm>> -> memref<1x1x16x128xi32, #tpu.memory_space<hbm>>
    %dma_start3A_16 = tpu.memref_squeeze %dma_start3A_15 : memref<1x1x16x128xi32, #tpu.memory_space<hbm>> -> memref<16x128xi32, #tpu.memory_space<hbm>>
    tpu.enqueue_dma source(%dma_start3A_16 : memref<16x128xi32, #tpu.memory_space<hbm>>) target(%dma_start3A_12 : memref<16x128xi32, #tpu.memory_space<vmem>>) target_semaphore(%arg16 : memref<!tpu.dma_semaphore, #tpu.memory_space<semaphore_mem>>)
    %dma_start3A_17 = arith.constant 0 : i32
    %dma_start3A_18 = arith.constant 0 : i32
    %dma_start3A_19 = arith.constant 0 : i32
    %dma_start3A_20 = arith.constant 0 : i32
    %dma_start3A_21 = tpu.memref_slice %arg8[%dma_start3A_18, %dma_start3A_19, %dma_start3A_20] : memref<2x16x128xi32, #tpu.memory_space<vmem>> -> memref<1x16x128xi32, #tpu.memory_space<vmem>>
    %dma_start3A_22 = tpu.memref_squeeze %dma_start3A_21 : memref<1x16x128xi32, #tpu.memory_space<vmem>> -> memref<16x128xi32, #tpu.memory_space<vmem>>
    %dma_start3A_23 = arith.constant 0 : i32
    %dma_start3A_24 = arith.constant 0 : i32
    %dma_start3A_25 = tpu.memref_slice %arg5[%arg1, %dma_start3A_17, %dma_start3A_23, %dma_start3A_24] : memref<16x10x16x128xi32, #tpu.memory_space<hbm>> -> memref<1x1x16x128xi32, #tpu.memory_space<hbm>>
    %dma_start3A_26 = tpu.memref_squeeze %dma_start3A_25 : memref<1x1x16x128xi32, #tpu.memory_space<hbm>> -> memref<16x128xi32, #tpu.memory_space<hbm>>
    %dma_start3A_27 = arith.constant 0 : i32
    %dma_start3A_28 = arith.constant 0 : i32
    %dma_start3A_29 = tpu.memref_slice %arg8[%dma_start3A_18, %dma_start3A_27, %dma_start3A_28] : memref<2x16x128xi32, #tpu.memory_space<vmem>> -> memref<1x16x128xi32, #tpu.memory_space<vmem>>
    %dma_start3A_30 = tpu.memref_squeeze %dma_start3A_29 : memref<1x16x128xi32, #tpu.memory_space<vmem>> -> memref<16x128xi32, #tpu.memory_space<vmem>>
    %dma_start3A_31 = arith.constant 0 : i32
    %dma_start3A_32 = arith.constant 0 : i32
    %dma_start3A_33 = tpu.memref_slice %arg5[%arg1, %dma_start3A_17, %dma_start3A_31, %dma_start3A_32] : memref<16x10x16x128xi32, #tpu.memory_space<hbm>> -> memref<1x1x16x128xi32, #tpu.memory_space<hbm>>
    %dma_start3A_34 = tpu.memref_squeeze %dma_start3A_33 : memref<1x1x16x128xi32, #tpu.memory_space<hbm>> -> memref<16x128xi32, #tpu.memory_space<hbm>>
    tpu.enqueue_dma source(%dma_start3A_34 : memref<16x128xi32, #tpu.memory_space<hbm>>) target(%dma_start3A_30 : memref<16x128xi32, #tpu.memory_space<vmem>>) target_semaphore(%arg16 : memref<!tpu.dma_semaphore, #tpu.memory_space<semaphore_mem>>)
    %mul3A = arith.constant 640 : i32
    %mul3A_35 = arith.muli %arg1, %mul3A : i32
    %mul3A_36 = arith.constant 640 : i32
    %mul3A_37 = arith.muli %arg1, %mul3A_36 : i32
    "tpu.region"() ({
      %run_scoped3A = tpu.sem_alloc : memref<!tpu.dma_semaphore, #tpu.memory_space<semaphore_mem>>
      %dma_start3A_98 = arith.constant 0 : i32
      %dma_start3A_99 = tpu.memref_slice %arg11[%mul3A_37, %dma_start3A_98] : memref<10240x128xf32, #tpu.memory_space<vmem_shared>> -> memref<640x128xf32, #tpu.memory_space<vmem_shared>>
      %dma_start3A_100 = arith.constant 0 : i32
      %dma_start3A_101 = tpu.memref_slice %arg3[%mul3A_35, %dma_start3A_100] : memref<10240x128xf32, #tpu.memory_space<hbm>> -> memref<640x128xf32, #tpu.memory_space<hbm>>
      tpu.enqueue_dma source(%dma_start3A_101 : memref<640x128xf32, #tpu.memory_space<hbm>>) target(%dma_start3A_99 : memref<640x128xf32, #tpu.memory_space<vmem_shared>>) target_semaphore(%run_scoped3A : memref<!tpu.dma_semaphore, #tpu.memory_space<semaphore_mem>>)
      %dma_wait3A_102 = arith.constant 0 : i32
      %dma_wait3A_103 = tpu.memref_slice %arg11[%mul3A_37, %dma_wait3A_102] : memref<10240x128xf32, #tpu.memory_space<vmem_shared>> -> memref<640x128xf32, #tpu.memory_space<vmem_shared>>
      %dma_wait3A_104 = arith.constant 0 : i32
      %dma_wait3A_105 = tpu.memref_slice %arg3[%mul3A_35, %dma_wait3A_104] : memref<10240x128xf32, #tpu.memory_space<hbm>> -> memref<640x128xf32, #tpu.memory_space<hbm>>
      tpu.wait_dma2 semaphore(%run_scoped3A : memref<!tpu.dma_semaphore, #tpu.memory_space<semaphore_mem>>) src(%dma_wait3A_105 : memref<640x128xf32, #tpu.memory_space<hbm>>) dst(%dma_wait3A_103 : memref<640x128xf32, #tpu.memory_space<vmem_shared>>)
      tpu.yield
    }) : () -> ()
    %dma_wait3A = arith.constant 0 : i32
    %dma_wait3A_38 = arith.constant 0 : i32
    %dma_wait3A_39 = arith.constant 0 : i32
    %dma_wait3A_40 = arith.constant 0 : i32
    %dma_wait3A_41 = tpu.memref_slice %arg7[%dma_wait3A_38, %dma_wait3A_39, %dma_wait3A_40] : memref<2x16x128xi32, #tpu.memory_space<vmem>> -> memref<1x16x128xi32, #tpu.memory_space<vmem>>
    %dma_wait3A_42 = tpu.memref_squeeze %dma_wait3A_41 : memref<1x16x128xi32, #tpu.memory_space<vmem>> -> memref<16x128xi32, #tpu.memory_space<vmem>>
    %dma_wait3A_43 = arith.constant 0 : i32
    %dma_wait3A_44 = arith.constant 0 : i32
    %dma_wait3A_45 = tpu.memref_slice %arg4[%arg1, %dma_wait3A, %dma_wait3A_43, %dma_wait3A_44] : memref<16x10x16x128xi32, #tpu.memory_space<hbm>> -> memref<1x1x16x128xi32, #tpu.memory_space<hbm>>
    %dma_wait3A_46 = tpu.memref_squeeze %dma_wait3A_45 : memref<1x1x16x128xi32, #tpu.memory_space<hbm>> -> memref<16x128xi32, #tpu.memory_space<hbm>>
    %dma_wait3A_47 = arith.constant 0 : i32
    %dma_wait3A_48 = arith.constant 0 : i32
    %dma_wait3A_49 = tpu.memref_slice %arg7[%dma_wait3A_38, %dma_wait3A_47, %dma_wait3A_48] : memref<2x16x128xi32, #tpu.memory_space<vmem>> -> memref<1x16x128xi32, #tpu.memory_space<vmem>>
    %dma_wait3A_50 = tpu.memref_squeeze %dma_wait3A_49 : memref<1x16x128xi32, #tpu.memory_space<vmem>> -> memref<16x128xi32, #tpu.memory_space<vmem>>
    %dma_wait3A_51 = arith.constant 0 : i32
    %dma_wait3A_52 = arith.constant 0 : i32
    %dma_wait3A_53 = tpu.memref_slice %arg4[%arg1, %dma_wait3A, %dma_wait3A_51, %dma_wait3A_52] : memref<16x10x16x128xi32, #tpu.memory_space<hbm>> -> memref<1x1x16x128xi32, #tpu.memory_space<hbm>>
    %dma_wait3A_54 = tpu.memref_squeeze %dma_wait3A_53 : memref<1x1x16x128xi32, #tpu.memory_space<hbm>> -> memref<16x128xi32, #tpu.memory_space<hbm>>
    tpu.wait_dma2 semaphore(%arg16 : memref<!tpu.dma_semaphore, #tpu.memory_space<semaphore_mem>>) src(%dma_wait3A_54 : memref<16x128xi32, #tpu.memory_space<hbm>>) dst(%dma_wait3A_50 : memref<16x128xi32, #tpu.memory_space<vmem>>)
    %dma_wait3A_55 = arith.constant 0 : i32
    %dma_wait3A_56 = arith.constant 0 : i32
    %dma_wait3A_57 = arith.constant 0 : i32
    %dma_wait3A_58 = arith.constant 0 : i32
    %dma_wait3A_59 = tpu.memref_slice %arg8[%dma_wait3A_56, %dma_wait3A_57, %dma_wait3A_58] : memref<2x16x128xi32, #tpu.memory_space<vmem>> -> memref<1x16x128xi32, #tpu.memory_space<vmem>>
    %dma_wait3A_60 = tpu.memref_squeeze %dma_wait3A_59 : memref<1x16x128xi32, #tpu.memory_space<vmem>> -> memref<16x128xi32, #tpu.memory_space<vmem>>
    %dma_wait3A_61 = arith.constant 0 : i32
    %dma_wait3A_62 = arith.constant 0 : i32
    %dma_wait3A_63 = tpu.memref_slice %arg5[%arg1, %dma_wait3A_55, %dma_wait3A_61, %dma_wait3A_62] : memref<16x10x16x128xi32, #tpu.memory_space<hbm>> -> memref<1x1x16x128xi32, #tpu.memory_space<hbm>>
    %dma_wait3A_64 = tpu.memref_squeeze %dma_wait3A_63 : memref<1x1x16x128xi32, #tpu.memory_space<hbm>> -> memref<16x128xi32, #tpu.memory_space<hbm>>
    %dma_wait3A_65 = arith.constant 0 : i32
    %dma_wait3A_66 = arith.constant 0 : i32
    %dma_wait3A_67 = tpu.memref_slice %arg8[%dma_wait3A_56, %dma_wait3A_65, %dma_wait3A_66] : memref<2x16x128xi32, #tpu.memory_space<vmem>> -> memref<1x16x128xi32, #tpu.memory_space<vmem>>
    %dma_wait3A_68 = tpu.memref_squeeze %dma_wait3A_67 : memref<1x16x128xi32, #tpu.memory_space<vmem>> -> memref<16x128xi32, #tpu.memory_space<vmem>>
    %dma_wait3A_69 = arith.constant 0 : i32
    %dma_wait3A_70 = arith.constant 0 : i32
    %dma_wait3A_71 = tpu.memref_slice %arg5[%arg1, %dma_wait3A_55, %dma_wait3A_69, %dma_wait3A_70] : memref<16x10x16x128xi32, #tpu.memory_space<hbm>> -> memref<1x1x16x128xi32, #tpu.memory_space<hbm>>
    %dma_wait3A_72 = tpu.memref_squeeze %dma_wait3A_71 : memref<1x1x16x128xi32, #tpu.memory_space<hbm>> -> memref<16x128xi32, #tpu.memory_space<hbm>>
    tpu.wait_dma2 semaphore(%arg16 : memref<!tpu.dma_semaphore, #tpu.memory_space<semaphore_mem>>) src(%dma_wait3A_72 : memref<16x128xi32, #tpu.memory_space<hbm>>) dst(%dma_wait3A_68 : memref<16x128xi32, #tpu.memory_space<vmem>>)
    %barrier3A = arith.constant 0 : index
    tpu.barrier barrier_id(%barrier3A)
    %dma_start3A_73 = arith.constant 0 : i32
    %dma_start3A_74 = arith.constant 0 : i32
    %dma_start3A_75 = arith.constant 0 : i32
    %dma_start3A_76 = tpu.memref_slice %arg7[%dma_start3A_73, %dma_start3A_74, %dma_start3A_75] : memref<2x16x128xi32, #tpu.memory_space<vmem>> -> memref<1x1x128xi32, #tpu.memory_space<vmem>>
    %dma_start3A_77 = tpu.memref_squeeze %dma_start3A_76 : memref<1x1x128xi32, #tpu.memory_space<vmem>> -> memref<128xi32, #tpu.memory_space<vmem>>
    %dma_start3A_78 = arith.constant 0 : i32
    %dma_start3A_79 = arith.constant 0 : i32
    %dma_start3A_80 = tpu.memref_slice %arg2[%dma_start3A_78, %dma_start3A_79] : memref<10240x128xf32, #tpu.memory_space<hbm>> -> memref<10240x128xf32, #tpu.memory_space<hbm>>
    tpu.enqueue_indirect_dma source(%dma_start3A_80 : memref<10240x128xf32, #tpu.memory_space<hbm>>) target(%arg9 : memref<128x128xf32, #tpu.memory_space<vmem>>) offsets(%dma_start3A_77 : memref<128xi32, #tpu.memory_space<vmem>>) semaphore(%arg12 : memref<!tpu.dma_semaphore, #tpu.memory_space<semaphore_mem>>)
    %dma_start3A_81 = arith.constant 0 : i32
    %dma_start3A_82 = arith.constant 1 : i32
    %dma_start3A_83 = arith.constant 0 : i32
    %dma_start3A_84 = tpu.memref_slice %arg7[%dma_start3A_81, %dma_start3A_82, %dma_start3A_83] : memref<2x16x128xi32, #tpu.memory_space<vmem>> -> memref<1x1x128xi32, #tpu.memory_space<vmem>>
    %dma_start3A_85 = tpu.memref_squeeze %dma_start3A_84 : memref<1x1x128xi32, #tpu.memory_space<vmem>> -> memref<128xi32, #tpu.memory_space<vmem>>
    %dma_start3A_86 = arith.constant 0 : i32
    %dma_start3A_87 = arith.constant 0 : i32
    %dma_start3A_88 = tpu.memref_slice %arg2[%dma_start3A_86, %dma_start3A_87] : memref<10240x128xf32, #tpu.memory_space<hbm>> -> memref<10240x128xf32, #tpu.memory_space<hbm>>
    tpu.enqueue_indirect_dma source(%dma_start3A_88 : memref<10240x128xf32, #tpu.memory_space<hbm>>) target(%arg10 : memref<128x128xf32, #tpu.memory_space<vmem>>) offsets(%dma_start3A_85 : memref<128xi32, #tpu.memory_space<vmem>>) semaphore(%arg13 : memref<!tpu.dma_semaphore, #tpu.memory_space<semaphore_mem>>)
    %scan3A = arith.constant 0 : i32
    %scan3A_89 = arith.constant 80 : i32
    %scan3A_90 = arith.addi %scan3A, %scan3A_89 : i32
    %scan3A_91 = arith.constant 1 : i32
    scf.for %scan3A_98 = %scan3A to %scan3A_90 step %scan3A_91  : i32 {
      %mul3A_99 = arith.constant 2 : i32
      %mul3A_100 = arith.muli %scan3A_98, %mul3A_99 : i32
      %add3A = arith.constant 0 : i32
      %add3A_101 = arith.addi %add3A, %mul3A_100 : i32
      %jit3A = arith.constant 16 : i32
      %div3A = arith.divsi %add3A_101, %jit3A : i32
      %sign3A = arith.constant 0 : i32
      %sign3A_102 = arith.cmpi sgt, %add3A_101, %sign3A : i32
      %sign3A_103 = arith.extui %sign3A_102 : i1 to i32
      %sign3A_104 = arith.constant 0 : i32
      %sign3A_105 = arith.cmpi slt, %add3A_101, %sign3A_104 : i32
      %sign3A_106 = arith.extui %sign3A_105 : i1 to i32
      %sign3A_107 = arith.subi %sign3A_103, %sign3A_106 : i32
      %sign3A_108 = arith.constant 0 : i32
      %sign3A_109 = arith.cmpi sgt, %jit3A, %sign3A_108 : i32
      %sign3A_110 = arith.extui %sign3A_109 : i1 to i32
      %sign3A_111 = arith.constant 0 : i32
      %sign3A_112 = arith.cmpi slt, %jit3A, %sign3A_111 : i32
      %sign3A_113 = arith.extui %sign3A_112 : i1 to i32
      %sign3A_114 = arith.subi %sign3A_110, %sign3A_113 : i32
      %ne3A = arith.cmpi ne, %sign3A_107, %sign3A_114 : i32
      %rem3A = arith.remsi %add3A_101, %jit3A : i32
      %ne3A_115 = arith.constant 0 : i32
      %ne3A_116 = arith.cmpi ne, %rem3A, %ne3A_115 : i32
      %and3A = arith.andi %ne3A, %ne3A_116 : i1
      %sub3A = arith.constant 1 : i32
      %sub3A_117 = arith.subi %div3A, %sub3A : i32
      %select_n3A = arith.select %and3A, %sub3A_117, %div3A : i32
      %rem3A_118 = arith.constant 2 : i32
      %rem3A_119 = arith.remsi %select_n3A, %rem3A_118 : i32
      %rem3A_120 = arith.constant 16 : i32
      %rem3A_121 = arith.remsi %add3A_101, %rem3A_120 : i32
      %eq3A = arith.constant 0 : i32
      %eq3A_122 = arith.cmpi eq, %rem3A_121, %eq3A : i32
      %convert_element_type3A = arith.extui %eq3A_122 : i1 to i32
      %cond3A = arith.constant 0 : i32
      %cond3A_123 = arith.cmpi ne, %convert_element_type3A, %cond3A : i32
      scf.if %cond3A_123 {
        %add3A_187 = arith.constant 1 : i32
        %add3A_188 = arith.addi %select_n3A, %add3A_187 : i32
        %lt3A_189 = arith.constant 10 : i32
        %lt3A_190 = arith.cmpi slt, %add3A_188, %lt3A_189 : i32
        %convert_element_type3A_191 = arith.extui %lt3A_190 : i1 to i32
        %cond3A_192 = arith.constant 0 : i32
        %cond3A_193 = arith.cmpi ne, %convert_element_type3A_191, %cond3A_192 : i32
        scf.if %cond3A_193 {
          %add3A_194 = arith.constant 1 : i32
          %add3A_195 = arith.addi %select_n3A, %add3A_194 : i32
          %rem3A_196 = arith.constant 2 : i32
          %rem3A_197 = arith.remsi %add3A_195, %rem3A_196 : i32
          %add3A_198 = arith.constant 1 : i32
          %add3A_199 = arith.addi %select_n3A, %add3A_198 : i32
          %dma_start3A_200 = arith.constant 0 : i32
          %dma_start3A_201 = arith.constant 0 : i32
          %dma_start3A_202 = tpu.memref_slice %arg7[%rem3A_197, %dma_start3A_200, %dma_start3A_201] : memref<2x16x128xi32, #tpu.memory_space<vmem>> -> memref<1x16x128xi32, #tpu.memory_space<vmem>>
          %dma_start3A_203 = tpu.memref_squeeze %dma_start3A_202 : memref<1x16x128xi32, #tpu.memory_space<vmem>> -> memref<16x128xi32, #tpu.memory_space<vmem>>
          %dma_start3A_204 = arith.constant 0 : i32
          %dma_start3A_205 = arith.constant 0 : i32
          %dma_start3A_206 = tpu.memref_slice %arg4[%arg1, %add3A_199, %dma_start3A_204, %dma_start3A_205] : memref<16x10x16x128xi32, #tpu.memory_space<hbm>> -> memref<1x1x16x128xi32, #tpu.memory_space<hbm>>
          %dma_start3A_207 = tpu.memref_squeeze %dma_start3A_206 : memref<1x1x16x128xi32, #tpu.memory_space<hbm>> -> memref<16x128xi32, #tpu.memory_space<hbm>>
          %dma_start3A_208 = arith.constant 0 : i32
          %dma_start3A_209 = arith.constant 0 : i32
          %dma_start3A_210 = tpu.memref_slice %arg7[%rem3A_197, %dma_start3A_208, %dma_start3A_209] : memref<2x16x128xi32, #tpu.memory_space<vmem>> -> memref<1x16x128xi32, #tpu.memory_space<vmem>>
          %dma_start3A_211 = tpu.memref_squeeze %dma_start3A_210 : memref<1x16x128xi32, #tpu.memory_space<vmem>> -> memref<16x128xi32, #tpu.memory_space<vmem>>
          %dma_start3A_212 = arith.constant 0 : i32
          %dma_start3A_213 = arith.constant 0 : i32
          %dma_start3A_214 = tpu.memref_slice %arg4[%arg1, %add3A_199, %dma_start3A_212, %dma_start3A_213] : memref<16x10x16x128xi32, #tpu.memory_space<hbm>> -> memref<1x1x16x128xi32, #tpu.memory_space<hbm>>
          %dma_start3A_215 = tpu.memref_squeeze %dma_start3A_214 : memref<1x1x16x128xi32, #tpu.memory_space<hbm>> -> memref<16x128xi32, #tpu.memory_space<hbm>>
          tpu.enqueue_dma source(%dma_start3A_215 : memref<16x128xi32, #tpu.memory_space<hbm>>) target(%dma_start3A_211 : memref<16x128xi32, #tpu.memory_space<vmem>>) target_semaphore(%arg16 : memref<!tpu.dma_semaphore, #tpu.memory_space<semaphore_mem>>)
          %add3A_216 = arith.constant 1 : i32
          %add3A_217 = arith.addi %select_n3A, %add3A_216 : i32
          %dma_start3A_218 = arith.constant 0 : i32
          %dma_start3A_219 = arith.constant 0 : i32
          %dma_start3A_220 = tpu.memref_slice %arg8[%rem3A_197, %dma_start3A_218, %dma_start3A_219] : memref<2x16x128xi32, #tpu.memory_space<vmem>> -> memref<1x16x128xi32, #tpu.memory_space<vmem>>
          %dma_start3A_221 = tpu.memref_squeeze %dma_start3A_220 : memref<1x16x128xi32, #tpu.memory_space<vmem>> -> memref<16x128xi32, #tpu.memory_space<vmem>>
          %dma_start3A_222 = arith.constant 0 : i32
          %dma_start3A_223 = arith.constant 0 : i32
          %dma_start3A_224 = tpu.memref_slice %arg5[%arg1, %add3A_217, %dma_start3A_222, %dma_start3A_223] : memref<16x10x16x128xi32, #tpu.memory_space<hbm>> -> memref<1x1x16x128xi32, #tpu.memory_space<hbm>>
          %dma_start3A_225 = tpu.memref_squeeze %dma_start3A_224 : memref<1x1x16x128xi32, #tpu.memory_space<hbm>> -> memref<16x128xi32, #tpu.memory_space<hbm>>
          %dma_start3A_226 = arith.constant 0 : i32
          %dma_start3A_227 = arith.constant 0 : i32
          %dma_start3A_228 = tpu.memref_slice %arg8[%rem3A_197, %dma_start3A_226, %dma_start3A_227] : memref<2x16x128xi32, #tpu.memory_space<vmem>> -> memref<1x16x128xi32, #tpu.memory_space<vmem>>
          %dma_start3A_229 = tpu.memref_squeeze %dma_start3A_228 : memref<1x16x128xi32, #tpu.memory_space<vmem>> -> memref<16x128xi32, #tpu.memory_space<vmem>>
          %dma_start3A_230 = arith.constant 0 : i32
          %dma_start3A_231 = arith.constant 0 : i32
          %dma_start3A_232 = tpu.memref_slice %arg5[%arg1, %add3A_217, %dma_start3A_230, %dma_start3A_231] : memref<16x10x16x128xi32, #tpu.memory_space<hbm>> -> memref<1x1x16x128xi32, #tpu.memory_space<hbm>>
          %dma_start3A_233 = tpu.memref_squeeze %dma_start3A_232 : memref<1x1x16x128xi32, #tpu.memory_space<hbm>> -> memref<16x128xi32, #tpu.memory_space<hbm>>
          tpu.enqueue_dma source(%dma_start3A_233 : memref<16x128xi32, #tpu.memory_space<hbm>>) target(%dma_start3A_229 : memref<16x128xi32, #tpu.memory_space<vmem>>) target_semaphore(%arg16 : memref<!tpu.dma_semaphore, #tpu.memory_space<semaphore_mem>>)
        } else {
        }
      } else {
      }
      %dma_wait3A_124 = arith.constant 0 : i32
      %dma_wait3A_125 = arith.constant 0 : i32
      %dma_wait3A_126 = arith.constant 0 : i32
      %dma_wait3A_127 = tpu.memref_slice %arg7[%dma_wait3A_124, %dma_wait3A_125, %dma_wait3A_126] : memref<2x16x128xi32, #tpu.memory_space<vmem>> -> memref<1x1x128xi32, #tpu.memory_space<vmem>>
      %dma_wait3A_128 = tpu.memref_squeeze %dma_wait3A_127 : memref<1x1x128xi32, #tpu.memory_space<vmem>> -> memref<128xi32, #tpu.memory_space<vmem>>
      %dma_wait3A_129 = arith.constant 0 : i32
      %dma_wait3A_130 = arith.constant 0 : i32
      %dma_wait3A_131 = tpu.memref_slice %arg2[%dma_wait3A_129, %dma_wait3A_130] : memref<10240x128xf32, #tpu.memory_space<hbm>> -> memref<10240x128xf32, #tpu.memory_space<hbm>>
      tpu.wait_indirect_dma semaphore(%arg12 : memref<!tpu.dma_semaphore, #tpu.memory_space<semaphore_mem>>) src(%dma_wait3A_131 : memref<10240x128xf32, #tpu.memory_space<hbm>>) dst(%arg9 : memref<128x128xf32, #tpu.memory_space<vmem>>)
      %rem3A_132 = arith.constant 16 : i32
      %rem3A_133 = arith.remsi %add3A_101, %rem3A_132 : i32
      %dma_start3A_134 = arith.constant 0 : i32
      %dma_start3A_135 = tpu.memref_slice %arg8[%rem3A_119, %rem3A_133, %dma_start3A_134] : memref<2x16x128xi32, #tpu.memory_space<vmem>> -> memref<1x1x128xi32, #tpu.memory_space<vmem>>
      %dma_start3A_136 = tpu.memref_squeeze %dma_start3A_135 : memref<1x1x128xi32, #tpu.memory_space<vmem>> -> memref<128xi32, #tpu.memory_space<vmem>>
      %dma_start3A_137 = arith.constant 0 : i32
      %dma_start3A_138 = arith.constant 0 : i32
      %dma_start3A_139 = tpu.memref_slice %arg11[%dma_start3A_137, %dma_start3A_138] : memref<10240x128xf32, #tpu.memory_space<vmem_shared>> -> memref<10240x128xf32, #tpu.memory_space<vmem_shared>>
      tpu.enqueue_indirect_dma source(%arg9 : memref<128x128xf32, #tpu.memory_space<vmem>>) target(%dma_start3A_139 : memref<10240x128xf32, #tpu.memory_space<vmem_shared>>) offsets(%dma_start3A_136 : memref<128xi32, #tpu.memory_space<vmem>>) semaphore(%arg14 : memref<!tpu.dma_semaphore, #tpu.memory_space<semaphore_mem>>) {add = true}
      %dma_wait3A_140 = arith.constant 0 : i32
      %dma_wait3A_141 = arith.constant 0 : i32
      %dma_wait3A_142 = arith.constant 0 : i32
      %dma_wait3A_143 = tpu.memref_slice %arg7[%dma_wait3A_140, %dma_wait3A_141, %dma_wait3A_142] : memref<2x16x128xi32, #tpu.memory_space<vmem>> -> memref<1x1x128xi32, #tpu.memory_space<vmem>>
      %dma_wait3A_144 = tpu.memref_squeeze %dma_wait3A_143 : memref<1x1x128xi32, #tpu.memory_space<vmem>> -> memref<128xi32, #tpu.memory_space<vmem>>
      %dma_wait3A_145 = arith.constant 0 : i32
      %dma_wait3A_146 = arith.constant 0 : i32
      %dma_wait3A_147 = tpu.memref_slice %arg2[%dma_wait3A_145, %dma_wait3A_146] : memref<10240x128xf32, #tpu.memory_space<hbm>> -> memref<10240x128xf32, #tpu.memory_space<hbm>>
      tpu.wait_indirect_dma semaphore(%arg13 : memref<!tpu.dma_semaphore, #tpu.memory_space<semaphore_mem>>) src(%dma_wait3A_147 : memref<10240x128xf32, #tpu.memory_space<hbm>>) dst(%arg10 : memref<128x128xf32, #tpu.memory_space<vmem>>)
      %add3A_148 = arith.constant 1 : i32
      %add3A_149 = arith.addi %add3A_101, %add3A_148 : i32
      %rem3A_150 = arith.constant 16 : i32
      %rem3A_151 = arith.remsi %add3A_149, %rem3A_150 : i32
      %dma_start3A_152 = arith.constant 0 : i32
      %dma_start3A_153 = tpu.memref_slice %arg8[%rem3A_119, %rem3A_151, %dma_start3A_152] : memref<2x16x128xi32, #tpu.memory_space<vmem>> -> memref<1x1x128xi32, #tpu.memory_space<vmem>>
      %dma_start3A_154 = tpu.memref_squeeze %dma_start3A_153 : memref<1x1x128xi32, #tpu.memory_space<vmem>> -> memref<128xi32, #tpu.memory_space<vmem>>
      %dma_start3A_155 = arith.constant 0 : i32
      %dma_start3A_156 = arith.constant 0 : i32
      %dma_start3A_157 = tpu.memref_slice %arg11[%dma_start3A_155, %dma_start3A_156] : memref<10240x128xf32, #tpu.memory_space<vmem_shared>> -> memref<10240x128xf32, #tpu.memory_space<vmem_shared>>
      tpu.enqueue_indirect_dma source(%arg10 : memref<128x128xf32, #tpu.memory_space<vmem>>) target(%dma_start3A_157 : memref<10240x128xf32, #tpu.memory_space<vmem_shared>>) offsets(%dma_start3A_154 : memref<128xi32, #tpu.memory_space<vmem>>) semaphore(%arg15 : memref<!tpu.dma_semaphore, #tpu.memory_space<semaphore_mem>>) {add = true}
      %dma_wait3A_158 = arith.constant 0 : i32
      %dma_wait3A_159 = arith.constant 0 : i32
      %dma_wait3A_160 = arith.constant 0 : i32
      %dma_wait3A_161 = tpu.memref_slice %arg8[%dma_wait3A_158, %dma_wait3A_159, %dma_wait3A_160] : memref<2x16x128xi32, #tpu.memory_space<vmem>> -> memref<1x1x128xi32, #tpu.memory_space<vmem>>
      %dma_wait3A_162 = tpu.memref_squeeze %dma_wait3A_161 : memref<1x1x128xi32, #tpu.memory_space<vmem>> -> memref<128xi32, #tpu.memory_space<vmem>>
      %dma_wait3A_163 = arith.constant 0 : i32
      %dma_wait3A_164 = arith.constant 0 : i32
      %dma_wait3A_165 = tpu.memref_slice %arg11[%dma_wait3A_163, %dma_wait3A_164] : memref<10240x128xf32, #tpu.memory_space<vmem_shared>> -> memref<10240x128xf32, #tpu.memory_space<vmem_shared>>
      tpu.wait_indirect_dma semaphore(%arg14 : memref<!tpu.dma_semaphore, #tpu.memory_space<semaphore_mem>>) src(%arg9 : memref<128x128xf32, #tpu.memory_space<vmem>>) dst(%dma_wait3A_165 : memref<10240x128xf32, #tpu.memory_space<vmem_shared>>)
      %add3A_166 = arith.constant 2 : i32
      %add3A_167 = arith.addi %add3A_101, %add3A_166 : i32
      %lt3A = arith.constant 160 : i32
      %lt3A_168 = arith.cmpi slt, %add3A_167, %lt3A : i32
      %convert_element_type3A_169 = arith.extui %lt3A_168 : i1 to i32
      %cond3A_170 = arith.constant 0 : i32
      %cond3A_171 = arith.cmpi ne, %convert_element_type3A_169, %cond3A_170 : i32
      scf.if %cond3A_171 {
        %add3A_187 = arith.constant 2 : i32
        %add3A_188 = arith.addi %add3A_101, %add3A_187 : i32
        %rem3A_189 = arith.constant 16 : i32
        %rem3A_190 = arith.remsi %add3A_188, %rem3A_189 : i32
        %eq3A_191 = arith.constant 0 : i32
        %eq3A_192 = arith.cmpi eq, %rem3A_190, %eq3A_191 : i32
        %convert_element_type3A_193 = arith.extui %eq3A_192 : i1 to i32
        %cond3A_194 = arith.constant 0 : i32
        %cond3A_195 = arith.cmpi ne, %convert_element_type3A_193, %cond3A_194 : i32
        scf.if %cond3A_195 {
          %dma_wait3A_234 = arith.constant 0 : i32
          %dma_wait3A_235 = arith.constant 0 : i32
          %dma_wait3A_236 = arith.constant 0 : i32
          %dma_wait3A_237 = arith.constant 0 : i32
          %dma_wait3A_238 = tpu.memref_slice %arg7[%dma_wait3A_235, %dma_wait3A_236, %dma_wait3A_237] : memref<2x16x128xi32, #tpu.memory_space<vmem>> -> memref<1x16x128xi32, #tpu.memory_space<vmem>>
          %dma_wait3A_239 = tpu.memref_squeeze %dma_wait3A_238 : memref<1x16x128xi32, #tpu.memory_space<vmem>> -> memref<16x128xi32, #tpu.memory_space<vmem>>
          %dma_wait3A_240 = arith.constant 0 : i32
          %dma_wait3A_241 = arith.constant 0 : i32
          %dma_wait3A_242 = tpu.memref_slice %arg4[%arg1, %dma_wait3A_234, %dma_wait3A_240, %dma_wait3A_241] : memref<16x10x16x128xi32, #tpu.memory_space<hbm>> -> memref<1x1x16x128xi32, #tpu.memory_space<hbm>>
          %dma_wait3A_243 = tpu.memref_squeeze %dma_wait3A_242 : memref<1x1x16x128xi32, #tpu.memory_space<hbm>> -> memref<16x128xi32, #tpu.memory_space<hbm>>
          %dma_wait3A_244 = arith.constant 0 : i32
          %dma_wait3A_245 = arith.constant 0 : i32
          %dma_wait3A_246 = tpu.memref_slice %arg7[%dma_wait3A_235, %dma_wait3A_244, %dma_wait3A_245] : memref<2x16x128xi32, #tpu.memory_space<vmem>> -> memref<1x16x128xi32, #tpu.memory_space<vmem>>
          %dma_wait3A_247 = tpu.memref_squeeze %dma_wait3A_246 : memref<1x16x128xi32, #tpu.memory_space<vmem>> -> memref<16x128xi32, #tpu.memory_space<vmem>>
          %dma_wait3A_248 = arith.constant 0 : i32
          %dma_wait3A_249 = arith.constant 0 : i32
          %dma_wait3A_250 = tpu.memref_slice %arg4[%arg1, %dma_wait3A_234, %dma_wait3A_248, %dma_wait3A_249] : memref<16x10x16x128xi32, #tpu.memory_space<hbm>> -> memref<1x1x16x128xi32, #tpu.memory_space<hbm>>
          %dma_wait3A_251 = tpu.memref_squeeze %dma_wait3A_250 : memref<1x1x16x128xi32, #tpu.memory_space<hbm>> -> memref<16x128xi32, #tpu.memory_space<hbm>>
          tpu.wait_dma2 semaphore(%arg16 : memref<!tpu.dma_semaphore, #tpu.memory_space<semaphore_mem>>) src(%dma_wait3A_251 : memref<16x128xi32, #tpu.memory_space<hbm>>) dst(%dma_wait3A_247 : memref<16x128xi32, #tpu.memory_space<vmem>>)
          %dma_wait3A_252 = arith.constant 0 : i32
          %dma_wait3A_253 = arith.constant 0 : i32
          %dma_wait3A_254 = arith.constant 0 : i32
          %dma_wait3A_255 = arith.constant 0 : i32
          %dma_wait3A_256 = tpu.memref_slice %arg8[%dma_wait3A_253, %dma_wait3A_254, %dma_wait3A_255] : memref<2x16x128xi32, #tpu.memory_space<vmem>> -> memref<1x16x128xi32, #tpu.memory_space<vmem>>
          %dma_wait3A_257 = tpu.memref_squeeze %dma_wait3A_256 : memref<1x16x128xi32, #tpu.memory_space<vmem>> -> memref<16x128xi32, #tpu.memory_space<vmem>>
          %dma_wait3A_258 = arith.constant 0 : i32
          %dma_wait3A_259 = arith.constant 0 : i32
          %dma_wait3A_260 = tpu.memref_slice %arg5[%arg1, %dma_wait3A_252, %dma_wait3A_258, %dma_wait3A_259] : memref<16x10x16x128xi32, #tpu.memory_space<hbm>> -> memref<1x1x16x128xi32, #tpu.memory_space<hbm>>
          %dma_wait3A_261 = tpu.memref_squeeze %dma_wait3A_260 : memref<1x1x16x128xi32, #tpu.memory_space<hbm>> -> memref<16x128xi32, #tpu.memory_space<hbm>>
          %dma_wait3A_262 = arith.constant 0 : i32
          %dma_wait3A_263 = arith.constant 0 : i32
          %dma_wait3A_264 = tpu.memref_slice %arg8[%dma_wait3A_253, %dma_wait3A_262, %dma_wait3A_263] : memref<2x16x128xi32, #tpu.memory_space<vmem>> -> memref<1x16x128xi32, #tpu.memory_space<vmem>>
          %dma_wait3A_265 = tpu.memref_squeeze %dma_wait3A_264 : memref<1x16x128xi32, #tpu.memory_space<vmem>> -> memref<16x128xi32, #tpu.memory_space<vmem>>
          %dma_wait3A_266 = arith.constant 0 : i32
          %dma_wait3A_267 = arith.constant 0 : i32
          %dma_wait3A_268 = tpu.memref_slice %arg5[%arg1, %dma_wait3A_252, %dma_wait3A_266, %dma_wait3A_267] : memref<16x10x16x128xi32, #tpu.memory_space<hbm>> -> memref<1x1x16x128xi32, #tpu.memory_space<hbm>>
          %dma_wait3A_269 = tpu.memref_squeeze %dma_wait3A_268 : memref<1x1x16x128xi32, #tpu.memory_space<hbm>> -> memref<16x128xi32, #tpu.memory_space<hbm>>
          tpu.wait_dma2 semaphore(%arg16 : memref<!tpu.dma_semaphore, #tpu.memory_space<semaphore_mem>>) src(%dma_wait3A_269 : memref<16x128xi32, #tpu.memory_space<hbm>>) dst(%dma_wait3A_265 : memref<16x128xi32, #tpu.memory_space<vmem>>)
        } else {
        }
        %add3A_196 = arith.constant 2 : i32
        %add3A_197 = arith.addi %add3A_101, %add3A_196 : i32
        %jit3A_198 = arith.constant 16 : i32
        %div3A_199 = arith.divsi %add3A_197, %jit3A_198 : i32
        %sign3A_200 = arith.constant 0 : i32
        %sign3A_201 = arith.cmpi sgt, %add3A_197, %sign3A_200 : i32
        %sign3A_202 = arith.extui %sign3A_201 : i1 to i32
        %sign3A_203 = arith.constant 0 : i32
        %sign3A_204 = arith.cmpi slt, %add3A_197, %sign3A_203 : i32
        %sign3A_205 = arith.extui %sign3A_204 : i1 to i32
        %sign3A_206 = arith.subi %sign3A_202, %sign3A_205 : i32
        %sign3A_207 = arith.constant 0 : i32
        %sign3A_208 = arith.cmpi sgt, %jit3A_198, %sign3A_207 : i32
        %sign3A_209 = arith.extui %sign3A_208 : i1 to i32
        %sign3A_210 = arith.constant 0 : i32
        %sign3A_211 = arith.cmpi slt, %jit3A_198, %sign3A_210 : i32
        %sign3A_212 = arith.extui %sign3A_211 : i1 to i32
        %sign3A_213 = arith.subi %sign3A_209, %sign3A_212 : i32
        %ne3A_214 = arith.cmpi ne, %sign3A_206, %sign3A_213 : i32
        %rem3A_215 = arith.remsi %add3A_197, %jit3A_198 : i32
        %ne3A_216 = arith.constant 0 : i32
        %ne3A_217 = arith.cmpi ne, %rem3A_215, %ne3A_216 : i32
        %and3A_218 = arith.andi %ne3A_214, %ne3A_217 : i1
        %sub3A_219 = arith.constant 1 : i32
        %sub3A_220 = arith.subi %div3A_199, %sub3A_219 : i32
        %select_n3A_221 = arith.select %and3A_218, %sub3A_220, %div3A_199 : i32
        %rem3A_222 = arith.constant 2 : i32
        %rem3A_223 = arith.remsi %select_n3A_221, %rem3A_222 : i32
        %add3A_224 = arith.constant 2 : i32
        %add3A_225 = arith.addi %add3A_101, %add3A_224 : i32
        %rem3A_226 = arith.constant 16 : i32
        %rem3A_227 = arith.remsi %add3A_225, %rem3A_226 : i32
        %dma_start3A_228 = arith.constant 0 : i32
        %dma_start3A_229 = tpu.memref_slice %arg7[%rem3A_223, %rem3A_227, %dma_start3A_228] : memref<2x16x128xi32, #tpu.memory_space<vmem>> -> memref<1x1x128xi32, #tpu.memory_space<vmem>>
        %dma_start3A_230 = tpu.memref_squeeze %dma_start3A_229 : memref<1x1x128xi32, #tpu.memory_space<vmem>> -> memref<128xi32, #tpu.memory_space<vmem>>
        %dma_start3A_231 = arith.constant 0 : i32
        %dma_start3A_232 = arith.constant 0 : i32
        %dma_start3A_233 = tpu.memref_slice %arg2[%dma_start3A_231, %dma_start3A_232] : memref<10240x128xf32, #tpu.memory_space<hbm>> -> memref<10240x128xf32, #tpu.memory_space<hbm>>
        tpu.enqueue_indirect_dma source(%dma_start3A_233 : memref<10240x128xf32, #tpu.memory_space<hbm>>) target(%arg9 : memref<128x128xf32, #tpu.memory_space<vmem>>) offsets(%dma_start3A_230 : memref<128xi32, #tpu.memory_space<vmem>>) semaphore(%arg12 : memref<!tpu.dma_semaphore, #tpu.memory_space<semaphore_mem>>)
      } else {
      }
      %dma_wait3A_172 = arith.constant 0 : i32
      %dma_wait3A_173 = arith.constant 0 : i32
      %dma_wait3A_174 = arith.constant 0 : i32
      %dma_wait3A_175 = tpu.memref_slice %arg8[%dma_wait3A_172, %dma_wait3A_173, %dma_wait3A_174] : memref<2x16x128xi32, #tpu.memory_space<vmem>> -> memref<1x1x128xi32, #tpu.memory_space<vmem>>
      %dma_wait3A_176 = tpu.memref_squeeze %dma_wait3A_175 : memref<1x1x128xi32, #tpu.memory_space<vmem>> -> memref<128xi32, #tpu.memory_space<vmem>>
      %dma_wait3A_177 = arith.constant 0 : i32
      %dma_wait3A_178 = arith.constant 0 : i32
      %dma_wait3A_179 = tpu.memref_slice %arg11[%dma_wait3A_177, %dma_wait3A_178] : memref<10240x128xf32, #tpu.memory_space<vmem_shared>> -> memref<10240x128xf32, #tpu.memory_space<vmem_shared>>
      tpu.wait_indirect_dma semaphore(%arg15 : memref<!tpu.dma_semaphore, #tpu.memory_space<semaphore_mem>>) src(%arg10 : memref<128x128xf32, #tpu.memory_space<vmem>>) dst(%dma_wait3A_179 : memref<10240x128xf32, #tpu.memory_space<vmem_shared>>)
      %add3A_180 = arith.constant 3 : i32
      %add3A_181 = arith.addi %add3A_101, %add3A_180 : i32
      %lt3A_182 = arith.constant 160 : i32
      %lt3A_183 = arith.cmpi slt, %add3A_181, %lt3A_182 : i32
      %convert_element_type3A_184 = arith.extui %lt3A_183 : i1 to i32
      %cond3A_185 = arith.constant 0 : i32
      %cond3A_186 = arith.cmpi ne, %convert_element_type3A_184, %cond3A_185 : i32
      scf.if %cond3A_186 {
        %add3A_187 = arith.constant 3 : i32
        %add3A_188 = arith.addi %add3A_101, %add3A_187 : i32
        %jit3A_189 = arith.constant 16 : i32
        %div3A_190 = arith.divsi %add3A_188, %jit3A_189 : i32
        %sign3A_191 = arith.constant 0 : i32
        %sign3A_192 = arith.cmpi sgt, %add3A_188, %sign3A_191 : i32
        %sign3A_193 = arith.extui %sign3A_192 : i1 to i32
        %sign3A_194 = arith.constant 0 : i32
        %sign3A_195 = arith.cmpi slt, %add3A_188, %sign3A_194 : i32
        %sign3A_196 = arith.extui %sign3A_195 : i1 to i32
        %sign3A_197 = arith.subi %sign3A_193, %sign3A_196 : i32
        %sign3A_198 = arith.constant 0 : i32
        %sign3A_199 = arith.cmpi sgt, %jit3A_189, %sign3A_198 : i32
        %sign3A_200 = arith.extui %sign3A_199 : i1 to i32
        %sign3A_201 = arith.constant 0 : i32
        %sign3A_202 = arith.cmpi slt, %jit3A_189, %sign3A_201 : i32
        %sign3A_203 = arith.extui %sign3A_202 : i1 to i32
        %sign3A_204 = arith.subi %sign3A_200, %sign3A_203 : i32
        %ne3A_205 = arith.cmpi ne, %sign3A_197, %sign3A_204 : i32
        %rem3A_206 = arith.remsi %add3A_188, %jit3A_189 : i32
        %ne3A_207 = arith.constant 0 : i32
        %ne3A_208 = arith.cmpi ne, %rem3A_206, %ne3A_207 : i32
        %and3A_209 = arith.andi %ne3A_205, %ne3A_208 : i1
        %sub3A_210 = arith.constant 1 : i32
        %sub3A_211 = arith.subi %div3A_190, %sub3A_210 : i32
        %select_n3A_212 = arith.select %and3A_209, %sub3A_211, %div3A_190 : i32
        %rem3A_213 = arith.constant 2 : i32
        %rem3A_214 = arith.remsi %select_n3A_212, %rem3A_213 : i32
        %add3A_215 = arith.constant 3 : i32
        %add3A_216 = arith.addi %add3A_101, %add3A_215 : i32
        %rem3A_217 = arith.constant 16 : i32
        %rem3A_218 = arith.remsi %add3A_216, %rem3A_217 : i32
        %dma_start3A_219 = arith.constant 0 : i32
        %dma_start3A_220 = tpu.memref_slice %arg7[%rem3A_214, %rem3A_218, %dma_start3A_219] : memref<2x16x128xi32, #tpu.memory_space<vmem>> -> memref<1x1x128xi32, #tpu.memory_space<vmem>>
        %dma_start3A_221 = tpu.memref_squeeze %dma_start3A_220 : memref<1x1x128xi32, #tpu.memory_space<vmem>> -> memref<128xi32, #tpu.memory_space<vmem>>
        %dma_start3A_222 = arith.constant 0 : i32
        %dma_start3A_223 = arith.constant 0 : i32
        %dma_start3A_224 = tpu.memref_slice %arg2[%dma_start3A_222, %dma_start3A_223] : memref<10240x128xf32, #tpu.memory_space<hbm>> -> memref<10240x128xf32, #tpu.memory_space<hbm>>
        tpu.enqueue_indirect_dma source(%dma_start3A_224 : memref<10240x128xf32, #tpu.memory_space<hbm>>) target(%arg10 : memref<128x128xf32, #tpu.memory_space<vmem>>) offsets(%dma_start3A_221 : memref<128xi32, #tpu.memory_space<vmem>>) semaphore(%arg13 : memref<!tpu.dma_semaphore, #tpu.memory_space<semaphore_mem>>)
      } else {
      }
    }
    %scan3A_92 = arith.constant 80 : i32
    %barrier3A_93 = arith.constant 0 : index
    tpu.barrier barrier_id(%barrier3A_93)
    %mul3A_94 = arith.constant 640 : i32
    %mul3A_95 = arith.muli %arg1, %mul3A_94 : i32
    %mul3A_96 = arith.constant 640 : i32
    %mul3A_97 = arith.muli %arg1, %mul3A_96 : i32
    "tpu.region"() ({
      %run_scoped3A = tpu.sem_alloc : memref<!tpu.dma_semaphore, #tpu.memory_space<semaphore_mem>>
      %dma_start3A_98 = arith.constant 0 : i32
      %dma_start3A_99 = tpu.memref_slice %arg6[%mul3A_97, %dma_start3A_98] : memref<10240x128xf32, #tpu.memory_space<hbm>> -> memref<640x128xf32, #tpu.memory_space<hbm>>
      %dma_start3A_100 = arith.constant 0 : i32
      %dma_start3A_101 = tpu.memref_slice %arg11[%mul3A_95, %dma_start3A_100] : memref<10240x128xf32, #tpu.memory_space<vmem_shared>> -> memref<640x128xf32, #tpu.memory_space<vmem_shared>>
      tpu.enqueue_dma source(%dma_start3A_101 : memref<640x128xf32, #tpu.memory_space<vmem_shared>>) target(%dma_start3A_99 : memref<640x128xf32, #tpu.memory_space<hbm>>) target_semaphore(%run_scoped3A : memref<!tpu.dma_semaphore, #tpu.memory_space<semaphore_mem>>)
      %dma_wait3A_102 = arith.constant 0 : i32
      %dma_wait3A_103 = tpu.memref_slice %arg6[%mul3A_97, %dma_wait3A_102] : memref<10240x128xf32, #tpu.memory_space<hbm>> -> memref<640x128xf32, #tpu.memory_space<hbm>>
      %dma_wait3A_104 = arith.constant 0 : i32
      %dma_wait3A_105 = tpu.memref_slice %arg11[%mul3A_95, %dma_wait3A_104] : memref<10240x128xf32, #tpu.memory_space<vmem_shared>> -> memref<640x128xf32, #tpu.memory_space<vmem_shared>>
      tpu.wait_dma2 semaphore(%run_scoped3A : memref<!tpu.dma_semaphore, #tpu.memory_space<semaphore_mem>>) src(%dma_wait3A_105 : memref<640x128xf32, #tpu.memory_space<vmem_shared>>) dst(%dma_wait3A_103 : memref<640x128xf32, #tpu.memory_space<hbm>>)
      tpu.yield
    }) : () -> ()
    return
  }
}

module attributes {stable_mosaic.version = 14 : i64} {
  func.func @body(%arg0: i32, %arg1: memref<1x1x512xi32, #tpu.memory_space<vmem>>, %arg2: memref<16x8xf32, #tpu.memory_space<vmem>>, %arg3: memref<3x8x128xf32, #tpu.memory_space<vmem>>, %arg4: memref<3x128xf32, #tpu.memory_space<vmem>>, %arg5: memref<3x512x128xf32, #tpu.memory_space<vmem>>) attributes {dimension_semantics = [#tpu.dimension_semantics<arbitrary>], iteration_bounds = array<i64: 20>, scalar_prefetch = 0 : i64, scratch_operands = 0 : i64, tpu.core_type = #tpu.core_type<tc>, window_params = [{transform_indices = @transform_0, window_bounds = array<i64: 1, 1, 512>}, {pipeline_mode = #tpu.pipeline_mode<synchronous>, transform_indices = @transform_1, window_bounds = array<i64: 16, 8>}, {pipeline_mode = #tpu.pipeline_mode<synchronous>, transform_indices = @transform_2, window_bounds = array<i64: 3, 8, 128>}, {pipeline_mode = #tpu.pipeline_mode<synchronous>, transform_indices = @transform_3, window_bounds = array<i64: 3, 128>}, {transform_indices = @transform_4, window_bounds = array<i64: 3, 512, 128>}]} {
    %get3A = arith.constant 0 : index
    %get3A_0 = arith.constant 0 : index
    %get3A_1 = vector.load %arg2[%get3A, %get3A_0] : memref<16x8xf32, #tpu.memory_space<vmem>>, vector<16x8xf32>
    %jit3A = arith.constant -1.000000e+02 : f32
    %ne3A = arith.cmpf one, %get3A_1, %get3A_1 : vector<16x8xf32>
    %broadcast_in_dim3A = vector.broadcast %jit3A : f32 to vector<16x8xf32>
    %select_n3A = arith.select %ne3A, %broadcast_in_dim3A, %get3A_1 : vector<16x8xi1>, vector<16x8xf32>
    %eq3A = arith.constant 0x7F800000 : f32
    %eq3A_2 = vector.broadcast %eq3A : f32 to vector<16x8xf32>
    %eq3A_3 = arith.cmpf oeq, %select_n3A, %eq3A_2 : vector<16x8xf32>
    %jit3A_4 = arith.constant 3.40282347E+38 : f32
    %broadcast_in_dim3A_5 = vector.broadcast %jit3A_4 : f32 to vector<16x8xf32>
    %select_n3A_6 = arith.select %eq3A_3, %broadcast_in_dim3A_5, %select_n3A : vector<16x8xi1>, vector<16x8xf32>
    %eq3A_7 = arith.constant 0xFF800000 : f32
    %eq3A_8 = vector.broadcast %eq3A_7 : f32 to vector<16x8xf32>
    %eq3A_9 = arith.cmpf oeq, %select_n3A_6, %eq3A_8 : vector<16x8xf32>
    %jit3A_10 = arith.constant -3.40282347E+38 : f32
    %broadcast_in_dim3A_11 = vector.broadcast %jit3A_10 : f32 to vector<16x8xf32>
    %select_n3A_12 = arith.select %eq3A_9, %broadcast_in_dim3A_11, %select_n3A_6 : vector<16x8xi1>, vector<16x8xf32>
    %get3A_13 = arith.constant 0 : index
    %get3A_14 = arith.constant 0 : index
    %get3A_15 = arith.constant 0 : index
    %get3A_16 = vector.load %arg1[%get3A_13, %get3A_14, %get3A_15] : memref<1x1x512xi32, #tpu.memory_space<vmem>>, vector<1x1x512xi32>
    %get3A_17 = vector.shape_cast %get3A_16 : vector<1x1x512xi32> to vector<512xi32>
    %broadcast_in_dim3A_18 = vector.shape_cast %get3A_17 : vector<512xi32> to vector<512x1xi32>
    %iota3A = tpu.iota {dimensions = array<i32: 1>} : vector<512x16xi32>
    %eq3A_19 = vector.broadcast %broadcast_in_dim3A_18 : vector<512x1xi32> to vector<512x16xi32>
    %eq3A_20 = arith.cmpi eq, %eq3A_19, %iota3A : vector<512x16xi32>
    %convert_element_type3A = arith.extui %eq3A_20 : vector<512x16xi1> to vector<512x16xi32>
    %convert_element_type3A_21 = arith.sitofp %convert_element_type3A : vector<512x16xi32> to vector<512x16xf32>
    %get3A_22 = arith.constant 0 : index
    %get3A_23 = arith.constant 0 : index
    %get3A_24 = arith.constant 0 : index
    %get3A_25 = vector.load %arg3[%get3A_22, %get3A_23, %get3A_24] : memref<3x8x128xf32, #tpu.memory_space<vmem>>, vector<1x8x128xf32>
    %get3A_26 = vector.shape_cast %get3A_25 : vector<1x8x128xf32> to vector<8x128xf32>
    %dot_general3A = arith.constant dense<0.000000e+00> : vector<16x128xf32>
    %dot_general3A_27 = tpu.matmul %select_n3A_12, %get3A_26, %dot_general3A {dimension_numbers = #tpu.dot_dimension_numbers<[1], [0], [0], [1], [0, 0, 1, 1], [], []>, precision = #tpu.contract_precision<fp32>, transpose_lhs_hint = false} : vector<16x8xf32>, vector<8x128xf32>, vector<16x128xf32> -> vector<16x128xf32>
    %get3A_28 = arith.constant 0 : index
    %get3A_29 = arith.constant 0 : index
    %get3A_30 = vector.load %arg4[%get3A_28, %get3A_29] : memref<3x128xf32, #tpu.memory_space<vmem>>, vector<1x128xf32>
    %get3A_31 = vector.shape_cast %get3A_30 : vector<1x128xf32> to vector<128xf32>
    %broadcast_in_dim3A_32 = vector.shape_cast %get3A_31 : vector<128xf32> to vector<1x128xf32>
    %add3A = vector.broadcast %broadcast_in_dim3A_32 : vector<1x128xf32> to vector<16x128xf32>
    %add3A_33 = arith.addf %dot_general3A_27, %add3A : vector<16x128xf32>
    %dot_general3A_34 = arith.constant dense<0.000000e+00> : vector<512x128xf32>
    %dot_general3A_35 = tpu.matmul %convert_element_type3A_21, %add3A_33, %dot_general3A_34 {dimension_numbers = #tpu.dot_dimension_numbers<[1], [0], [0], [1], [0, 0, 1, 1], [], []>, precision = #tpu.contract_precision<fp32>, transpose_lhs_hint = false} : vector<512x16xf32>, vector<16x128xf32>, vector<512x128xf32> -> vector<512x128xf32>
    %swap3A = arith.constant 0 : index
    %swap3A_36 = arith.constant 0 : index
    %swap3A_37 = arith.constant 0 : index
    %swap3A_38 = vector.load %arg5[%swap3A, %swap3A_36, %swap3A_37] : memref<3x512x128xf32, #tpu.memory_space<vmem>>, vector<1x512x128xf32>
    %swap3A_39 = vector.shape_cast %swap3A_38 : vector<1x512x128xf32> to vector<512x128xf32>
    %swap3A_40 = vector.shape_cast %dot_general3A_35 : vector<512x128xf32> to vector<1x512x128xf32>
    tpu.vector_store %arg5[%swap3A, %swap3A_36, %swap3A_37], %swap3A_40 {strides = array<i32>} : memref<3x512x128xf32, #tpu.memory_space<vmem>>, vector<1x512x128xf32>,
    %get3A_41 = arith.constant 1 : index
    %get3A_42 = arith.constant 0 : index
    %get3A_43 = arith.constant 0 : index
    %get3A_44 = vector.load %arg3[%get3A_41, %get3A_42, %get3A_43] : memref<3x8x128xf32, #tpu.memory_space<vmem>>, vector<1x8x128xf32>
    %get3A_45 = vector.shape_cast %get3A_44 : vector<1x8x128xf32> to vector<8x128xf32>
    %dot_general3A_46 = arith.constant dense<0.000000e+00> : vector<16x128xf32>
    %dot_general3A_47 = tpu.matmul %select_n3A_12, %get3A_45, %dot_general3A_46 {dimension_numbers = #tpu.dot_dimension_numbers<[1], [0], [0], [1], [0, 0, 1, 1], [], []>, precision = #tpu.contract_precision<fp32>, transpose_lhs_hint = false} : vector<16x8xf32>, vector<8x128xf32>, vector<16x128xf32> -> vector<16x128xf32>
    %get3A_48 = arith.constant 1 : index
    %get3A_49 = arith.constant 0 : index
    %get3A_50 = vector.load %arg4[%get3A_48, %get3A_49] : memref<3x128xf32, #tpu.memory_space<vmem>>, vector<1x128xf32>
    %get3A_51 = vector.shape_cast %get3A_50 : vector<1x128xf32> to vector<128xf32>
    %broadcast_in_dim3A_52 = vector.shape_cast %get3A_51 : vector<128xf32> to vector<1x128xf32>
    %add3A_53 = vector.broadcast %broadcast_in_dim3A_52 : vector<1x128xf32> to vector<16x128xf32>
    %add3A_54 = arith.addf %dot_general3A_47, %add3A_53 : vector<16x128xf32>
    %dot_general3A_55 = arith.constant dense<0.000000e+00> : vector<512x128xf32>
    %dot_general3A_56 = tpu.matmul %convert_element_type3A_21, %add3A_54, %dot_general3A_55 {dimension_numbers = #tpu.dot_dimension_numbers<[1], [0], [0], [1], [0, 0, 1, 1], [], []>, precision = #tpu.contract_precision<fp32>, transpose_lhs_hint = false} : vector<512x16xf32>, vector<16x128xf32>, vector<512x128xf32> -> vector<512x128xf32>
    %swap3A_57 = arith.constant 1 : index
    %swap3A_58 = arith.constant 0 : index
    %swap3A_59 = arith.constant 0 : index
    %swap3A_60 = vector.load %arg5[%swap3A_57, %swap3A_58, %swap3A_59] : memref<3x512x128xf32, #tpu.memory_space<vmem>>, vector<1x512x128xf32>
    %swap3A_61 = vector.shape_cast %swap3A_60 : vector<1x512x128xf32> to vector<512x128xf32>
    %swap3A_62 = vector.shape_cast %dot_general3A_56 : vector<512x128xf32> to vector<1x512x128xf32>
    tpu.vector_store %arg5[%swap3A_57, %swap3A_58, %swap3A_59], %swap3A_62 {strides = array<i32>} : memref<3x512x128xf32, #tpu.memory_space<vmem>>, vector<1x512x128xf32>,
    %get3A_63 = arith.constant 2 : index
    %get3A_64 = arith.constant 0 : index
    %get3A_65 = arith.constant 0 : index
    %get3A_66 = vector.load %arg3[%get3A_63, %get3A_64, %get3A_65] : memref<3x8x128xf32, #tpu.memory_space<vmem>>, vector<1x8x128xf32>
    %get3A_67 = vector.shape_cast %get3A_66 : vector<1x8x128xf32> to vector<8x128xf32>
    %dot_general3A_68 = arith.constant dense<0.000000e+00> : vector<16x128xf32>
    %dot_general3A_69 = tpu.matmul %select_n3A_12, %get3A_67, %dot_general3A_68 {dimension_numbers = #tpu.dot_dimension_numbers<[1], [0], [0], [1], [0, 0, 1, 1], [], []>, precision = #tpu.contract_precision<fp32>, transpose_lhs_hint = false} : vector<16x8xf32>, vector<8x128xf32>, vector<16x128xf32> -> vector<16x128xf32>
    %get3A_70 = arith.constant 2 : index
    %get3A_71 = arith.constant 0 : index
    %get3A_72 = vector.load %arg4[%get3A_70, %get3A_71] : memref<3x128xf32, #tpu.memory_space<vmem>>, vector<1x128xf32>
    %get3A_73 = vector.shape_cast %get3A_72 : vector<1x128xf32> to vector<128xf32>
    %broadcast_in_dim3A_74 = vector.shape_cast %get3A_73 : vector<128xf32> to vector<1x128xf32>
    %add3A_75 = vector.broadcast %broadcast_in_dim3A_74 : vector<1x128xf32> to vector<16x128xf32>
    %add3A_76 = arith.addf %dot_general3A_69, %add3A_75 : vector<16x128xf32>
    %dot_general3A_77 = arith.constant dense<0.000000e+00> : vector<512x128xf32>
    %dot_general3A_78 = tpu.matmul %convert_element_type3A_21, %add3A_76, %dot_general3A_77 {dimension_numbers = #tpu.dot_dimension_numbers<[1], [0], [0], [1], [0, 0, 1, 1], [], []>, precision = #tpu.contract_precision<fp32>, transpose_lhs_hint = false} : vector<512x16xf32>, vector<16x128xf32>, vector<512x128xf32> -> vector<512x128xf32>
    %swap3A_79 = arith.constant 2 : index
    %swap3A_80 = arith.constant 0 : index
    %swap3A_81 = arith.constant 0 : index
    %swap3A_82 = vector.load %arg5[%swap3A_79, %swap3A_80, %swap3A_81] : memref<3x512x128xf32, #tpu.memory_space<vmem>>, vector<1x512x128xf32>
    %swap3A_83 = vector.shape_cast %swap3A_82 : vector<1x512x128xf32> to vector<512x128xf32>
    %swap3A_84 = vector.shape_cast %dot_general3A_78 : vector<512x128xf32> to vector<1x512x128xf32>
    tpu.vector_store %arg5[%swap3A_79, %swap3A_80, %swap3A_81], %swap3A_84 {strides = array<i32>} : memref<3x512x128xf32, #tpu.memory_space<vmem>>, vector<1x512x128xf32>,
    return
  }
  func.func @transform_0(%arg0: i32) -> (i32, i32, i32) {
    %c0_i32 = arith.constant 0 : i32
    %c0_i32_0 = arith.constant 0 : i32
    %c0_i32_1 = arith.constant 0 : i32
    return %arg0, %c0_i32, %c0_i32_0 : i32, i32, i32
  }
  func.func @transform_1(%arg0: i32) -> (i32, i32) {
    %c0_i32 = arith.constant 0 : i32
    %c0_i32_0 = arith.constant 0 : i32
    %c0_i32_1 = arith.constant 0 : i32
    return %c0_i32, %c0_i32_0 : i32, i32
  }
  func.func @transform_2(%arg0: i32) -> (i32, i32, i32) {
    %c0_i32 = arith.constant 0 : i32
    %c0_i32_0 = arith.constant 0 : i32
    %c0_i32_1 = arith.constant 0 : i32
    %c0_i32_2 = arith.constant 0 : i32
    return %c0_i32, %c0_i32_0, %c0_i32_1 : i32, i32, i32
  }
  func.func @transform_3(%arg0: i32) -> (i32, i32) {
    %c0_i32 = arith.constant 0 : i32
    %c0_i32_0 = arith.constant 0 : i32
    %c0_i32_1 = arith.constant 0 : i32
    return %c0_i32, %c0_i32_0 : i32, i32
  }
  func.func @transform_4(%arg0: i32) -> (i32, i32, i32) {
    %c0_i32 = arith.constant 0 : i32
    %c0_i32_0 = arith.constant 0 : i32
    %c0_i32_1 = arith.constant 0 : i32
    return %c0_i32, %arg0, %c0_i32_0 : i32, i32, i32
  }
}

module attributes {stable_mosaic.version = 14 : i64} {
  func.func @body(%arg0: i32, %arg1: memref<512x128xf32, #tpu.memory_space<vmem>>, %arg2: memref<512x128xf32, #tpu.memory_space<vmem>>, %arg3: memref<512x128xf32, #tpu.memory_space<vmem>>, %arg4: memref<128x128xf32, #tpu.memory_space<vmem>>, %arg5: memref<1x128xf32, #tpu.memory_space<vmem>>, %arg6: memref<1x128xf32, #tpu.memory_space<vmem>>, %arg7: memref<1x128xf32, #tpu.memory_space<vmem>>, %arg8: memref<128x128xf32, #tpu.memory_space<vmem>>, %arg9: memref<1x128xf32, #tpu.memory_space<vmem>>, %arg10: memref<128x128xf32, #tpu.memory_space<vmem>>, %arg11: memref<1x128xf32, #tpu.memory_space<vmem>>, %arg12: memref<512x128xf32, #tpu.memory_space<vmem>>) attributes {dimension_semantics = [#tpu.dimension_semantics<arbitrary>], iteration_bounds = array<i64: 20>, scalar_prefetch = 0 : i64, scratch_operands = 0 : i64, tpu.core_type = #tpu.core_type<tc>, window_params = [{transform_indices = @transform_0, window_bounds = array<i64: 512, 128>}, {transform_indices = @transform_1, window_bounds = array<i64: 512, 128>}, {transform_indices = @transform_2, window_bounds = array<i64: 512, 128>}, {pipeline_mode = #tpu.pipeline_mode<synchronous>, transform_indices = @transform_3, window_bounds = array<i64: 128, 128>}, {pipeline_mode = #tpu.pipeline_mode<synchronous>, transform_indices = @transform_4, window_bounds = array<i64: 1, 128>}, {pipeline_mode = #tpu.pipeline_mode<synchronous>, transform_indices = @transform_5, window_bounds = array<i64: 1, 128>}, {pipeline_mode = #tpu.pipeline_mode<synchronous>, transform_indices = @transform_6, window_bounds = array<i64: 1, 128>}, {pipeline_mode = #tpu.pipeline_mode<synchronous>, transform_indices = @transform_7, window_bounds = array<i64: 128, 128>}, {pipeline_mode = #tpu.pipeline_mode<synchronous>, transform_indices = @transform_8, window_bounds = array<i64: 1, 128>}, {pipeline_mode = #tpu.pipeline_mode<synchronous>, transform_indices = @transform_9, window_bounds = array<i64: 128, 128>}, {pipeline_mode = #tpu.pipeline_mode<synchronous>, transform_indices = @transform_10, window_bounds = array<i64: 1, 128>}, {transform_indices = @transform_11, window_bounds = array<i64: 512, 128>}]} {
    %get3A = arith.constant 0 : index
    %get3A_0 = arith.constant 0 : index
    %get3A_1 = vector.load %arg1[%get3A, %get3A_0] : memref<512x128xf32, #tpu.memory_space<vmem>>, vector<512x128xf32>
    %get3A_2 = arith.constant 0 : index
    %get3A_3 = arith.constant 0 : index
    %get3A_4 = vector.load %arg2[%get3A_2, %get3A_3] : memref<512x128xf32, #tpu.memory_space<vmem>>, vector<512x128xf32>
    %add3A = arith.addf %get3A_1, %get3A_4 : vector<512x128xf32>
    %get3A_5 = arith.constant 0 : index
    %get3A_6 = arith.constant 0 : index
    %get3A_7 = vector.load %arg4[%get3A_5, %get3A_6] : memref<128x128xf32, #tpu.memory_space<vmem>>, vector<128x128xf32>
    %dot_general3A = arith.constant dense<0.000000e+00> : vector<512x128xf32>
    %dot_general3A_8 = tpu.matmul %add3A, %get3A_7, %dot_general3A {dimension_numbers = #tpu.dot_dimension_numbers<[1], [0], [0], [1], [0, 0, 1, 1], [], []>, precision = #tpu.contract_precision<fp32>, transpose_lhs_hint = false} : vector<512x128xf32>, vector<128x128xf32>, vector<512x128xf32> -> vector<512x128xf32>
    %get3A_9 = arith.constant 0 : index
    %get3A_10 = arith.constant 0 : index
    %get3A_11 = vector.load %arg5[%get3A_9, %get3A_10] : memref<1x128xf32, #tpu.memory_space<vmem>>, vector<1x128xf32>
    %add3A_12 = vector.broadcast %get3A_11 : vector<1x128xf32> to vector<512x128xf32>
    %add3A_13 = arith.addf %dot_general3A_8, %add3A_12 : vector<512x128xf32>
    %ge3A = arith.constant 0.000000e+00 : f32
    %ge3A_14 = vector.broadcast %ge3A : f32 to vector<512x128xf32>
    %ge3A_15 = arith.cmpf oge, %add3A_13, %ge3A_14 : vector<512x128xf32>
    %mul3A = arith.constant 2.000000e-01 : f32
    %mul3A_16 = vector.broadcast %mul3A : f32 to vector<512x128xf32>
    %mul3A_17 = arith.mulf %mul3A_16, %add3A_13 : vector<512x128xf32>
    %select_n3A = arith.select %ge3A_15, %add3A_13, %mul3A_17 : vector<512x128xi1>, vector<512x128xf32>
    %get3A_18 = arith.constant 0 : index
    %get3A_19 = arith.constant 0 : index
    %get3A_20 = vector.load %arg6[%get3A_18, %get3A_19] : memref<1x128xf32, #tpu.memory_space<vmem>>, vector<1x128xf32>
    %mul3A_21 = vector.broadcast %get3A_20 : vector<1x128xf32> to vector<512x128xf32>
    %mul3A_22 = arith.mulf %select_n3A, %mul3A_21 : vector<512x128xf32>
    %get3A_23 = arith.constant 0 : index
    %get3A_24 = arith.constant 0 : index
    %get3A_25 = vector.load %arg7[%get3A_23, %get3A_24] : memref<1x128xf32, #tpu.memory_space<vmem>>, vector<1x128xf32>
    %add3A_26 = vector.broadcast %get3A_25 : vector<1x128xf32> to vector<512x128xf32>
    %add3A_27 = arith.addf %mul3A_22, %add3A_26 : vector<512x128xf32>
    %get3A_28 = arith.constant 0 : index
    %get3A_29 = arith.constant 0 : index
    %get3A_30 = vector.load %arg8[%get3A_28, %get3A_29] : memref<128x128xf32, #tpu.memory_space<vmem>>, vector<128x128xf32>
    %dot_general3A_31 = arith.constant dense<0.000000e+00> : vector<512x128xf32>
    %dot_general3A_32 = tpu.matmul %add3A_27, %get3A_30, %dot_general3A_31 {dimension_numbers = #tpu.dot_dimension_numbers<[1], [0], [0], [1], [0, 0, 1, 1], [], []>, precision = #tpu.contract_precision<fp32>, transpose_lhs_hint = false} : vector<512x128xf32>, vector<128x128xf32>, vector<512x128xf32> -> vector<512x128xf32>
    %get3A_33 = arith.constant 0 : index
    %get3A_34 = arith.constant 0 : index
    %get3A_35 = vector.load %arg9[%get3A_33, %get3A_34] : memref<1x128xf32, #tpu.memory_space<vmem>>, vector<1x128xf32>
    %add3A_36 = vector.broadcast %get3A_35 : vector<1x128xf32> to vector<512x128xf32>
    %add3A_37 = arith.addf %dot_general3A_32, %add3A_36 : vector<512x128xf32>
    %ge3A_38 = arith.constant 0.000000e+00 : f32
    %ge3A_39 = vector.broadcast %ge3A_38 : f32 to vector<512x128xf32>
    %ge3A_40 = arith.cmpf oge, %add3A_37, %ge3A_39 : vector<512x128xf32>
    %mul3A_41 = arith.constant 2.000000e-01 : f32
    %mul3A_42 = vector.broadcast %mul3A_41 : f32 to vector<512x128xf32>
    %mul3A_43 = arith.mulf %mul3A_42, %add3A_37 : vector<512x128xf32>
    %select_n3A_44 = arith.select %ge3A_40, %add3A_37, %mul3A_43 : vector<512x128xi1>, vector<512x128xf32>
    %get3A_45 = arith.constant 0 : index
    %get3A_46 = arith.constant 0 : index
    %get3A_47 = vector.load %arg3[%get3A_45, %get3A_46] : memref<512x128xf32, #tpu.memory_space<vmem>>, vector<512x128xf32>
    %add3A_48 = arith.addf %select_n3A_44, %get3A_47 : vector<512x128xf32>
    %swap3A = arith.constant 0 : index
    %swap3A_49 = arith.constant 0 : index
    %swap3A_50 = vector.load %arg12[%swap3A, %swap3A_49] : memref<512x128xf32, #tpu.memory_space<vmem>>, vector<512x128xf32>
    tpu.vector_store %arg12[%swap3A, %swap3A_49], %add3A_48 {strides = array<i32>} : memref<512x128xf32, #tpu.memory_space<vmem>>, vector<512x128xf32>,
    return
  }
  func.func @transform_0(%arg0: i32) -> (i32, i32) {
    %c0_i32 = arith.constant 0 : i32
    %c0_i32_0 = arith.constant 0 : i32
    return %arg0, %c0_i32 : i32, i32
  }
  func.func @transform_1(%arg0: i32) -> (i32, i32) {
    %c0_i32 = arith.constant 0 : i32
    %c0_i32_0 = arith.constant 0 : i32
    return %arg0, %c0_i32 : i32, i32
  }
  func.func @transform_2(%arg0: i32) -> (i32, i32) {
    %c0_i32 = arith.constant 0 : i32
    %c0_i32_0 = arith.constant 0 : i32
    return %arg0, %c0_i32 : i32, i32
  }
  func.func @transform_3(%arg0: i32) -> (i32, i32) {
    %c0_i32 = arith.constant 0 : i32
    %c0_i32_0 = arith.constant 0 : i32
    %c0_i32_1 = arith.constant 0 : i32
    return %c0_i32, %c0_i32_0 : i32, i32
  }
  func.func @transform_4(%arg0: i32) -> (i32, i32) {
    %c0_i32 = arith.constant 0 : i32
    %c0_i32_0 = arith.constant 0 : i32
    %c0_i32_1 = arith.constant 0 : i32
    return %c0_i32, %c0_i32_0 : i32, i32
  }
  func.func @transform_5(%arg0: i32) -> (i32, i32) {
    %c0_i32 = arith.constant 0 : i32
    %c0_i32_0 = arith.constant 0 : i32
    %c0_i32_1 = arith.constant 0 : i32
    return %c0_i32, %c0_i32_0 : i32, i32
  }
  func.func @transform_6(%arg0: i32) -> (i32, i32) {
    %c0_i32 = arith.constant 0 : i32
    %c0_i32_0 = arith.constant 0 : i32
    %c0_i32_1 = arith.constant 0 : i32
    return %c0_i32, %c0_i32_0 : i32, i32
  }
  func.func @transform_7(%arg0: i32) -> (i32, i32) {
    %c0_i32 = arith.constant 0 : i32
    %c0_i32_0 = arith.constant 0 : i32
    %c0_i32_1 = arith.constant 0 : i32
    return %c0_i32, %c0_i32_0 : i32, i32
  }
  func.func @transform_8(%arg0: i32) -> (i32, i32) {
    %c0_i32 = arith.constant 0 : i32
    %c0_i32_0 = arith.constant 0 : i32
    %c0_i32_1 = arith.constant 0 : i32
    return %c0_i32, %c0_i32_0 : i32, i32
  }
  func.func @transform_9(%arg0: i32) -> (i32, i32) {
    %c0_i32 = arith.constant 0 : i32
    %c0_i32_0 = arith.constant 0 : i32
    %c0_i32_1 = arith.constant 0 : i32
    return %c0_i32, %c0_i32_0 : i32, i32
  }
  func.func @transform_10(%arg0: i32) -> (i32, i32) {
    %c0_i32 = arith.constant 0 : i32
    %c0_i32_0 = arith.constant 0 : i32
    %c0_i32_1 = arith.constant 0 : i32
    return %c0_i32, %c0_i32_0 : i32, i32
  }
  func.func @transform_11(%arg0: i32) -> (i32, i32) {
    %c0_i32 = arith.constant 0 : i32
    %c0_i32_0 = arith.constant 0 : i32
    return %arg0, %c0_i32 : i32, i32
  }
}

module attributes {stable_mosaic.version = 14 : i64} {
  func.func @body(%arg0: i32, %arg1: memref<512x128xf32, #tpu.memory_space<vmem>>, %arg2: memref<512x128xf32, #tpu.memory_space<vmem>>, %arg3: memref<512x128xf32, #tpu.memory_space<vmem>>, %arg4: memref<128x128xf32, #tpu.memory_space<vmem>>, %arg5: memref<1x128xf32, #tpu.memory_space<vmem>>, %arg6: memref<1x128xf32, #tpu.memory_space<vmem>>, %arg7: memref<1x128xf32, #tpu.memory_space<vmem>>, %arg8: memref<128x128xf32, #tpu.memory_space<vmem>>, %arg9: memref<1x128xf32, #tpu.memory_space<vmem>>, %arg10: memref<128x128xf32, #tpu.memory_space<vmem>>, %arg11: memref<1x128xf32, #tpu.memory_space<vmem>>, %arg12: memref<512x128xf32, #tpu.memory_space<vmem>>) attributes {dimension_semantics = [#tpu.dimension_semantics<arbitrary>], iteration_bounds = array<i64: 20>, scalar_prefetch = 0 : i64, scratch_operands = 0 : i64, tpu.core_type = #tpu.core_type<tc>, window_params = [{transform_indices = @transform_0, window_bounds = array<i64: 512, 128>}, {transform_indices = @transform_1, window_bounds = array<i64: 512, 128>}, {transform_indices = @transform_2, window_bounds = array<i64: 512, 128>}, {pipeline_mode = #tpu.pipeline_mode<synchronous>, transform_indices = @transform_3, window_bounds = array<i64: 128, 128>}, {pipeline_mode = #tpu.pipeline_mode<synchronous>, transform_indices = @transform_4, window_bounds = array<i64: 1, 128>}, {pipeline_mode = #tpu.pipeline_mode<synchronous>, transform_indices = @transform_5, window_bounds = array<i64: 1, 128>}, {pipeline_mode = #tpu.pipeline_mode<synchronous>, transform_indices = @transform_6, window_bounds = array<i64: 1, 128>}, {pipeline_mode = #tpu.pipeline_mode<synchronous>, transform_indices = @transform_7, window_bounds = array<i64: 128, 128>}, {pipeline_mode = #tpu.pipeline_mode<synchronous>, transform_indices = @transform_8, window_bounds = array<i64: 1, 128>}, {pipeline_mode = #tpu.pipeline_mode<synchronous>, transform_indices = @transform_9, window_bounds = array<i64: 128, 128>}, {pipeline_mode = #tpu.pipeline_mode<synchronous>, transform_indices = @transform_10, window_bounds = array<i64: 1, 128>}, {transform_indices = @transform_11, window_bounds = array<i64: 512, 128>}]} {
    %get3A = arith.constant 0 : index
    %get3A_0 = arith.constant 0 : index
    %get3A_1 = vector.load %arg1[%get3A, %get3A_0] : memref<512x128xf32, #tpu.memory_space<vmem>>, vector<512x128xf32>
    %get3A_2 = arith.constant 0 : index
    %get3A_3 = arith.constant 0 : index
    %get3A_4 = vector.load %arg2[%get3A_2, %get3A_3] : memref<512x128xf32, #tpu.memory_space<vmem>>, vector<512x128xf32>
    %add3A = arith.addf %get3A_1, %get3A_4 : vector<512x128xf32>
    %get3A_5 = arith.constant 0 : index
    %get3A_6 = arith.constant 0 : index
    %get3A_7 = vector.load %arg4[%get3A_5, %get3A_6] : memref<128x128xf32, #tpu.memory_space<vmem>>, vector<128x128xf32>
    %dot_general3A = arith.constant dense<0.000000e+00> : vector<512x128xf32>
    %dot_general3A_8 = tpu.matmul %add3A, %get3A_7, %dot_general3A {dimension_numbers = #tpu.dot_dimension_numbers<[1], [0], [0], [1], [0, 0, 1, 1], [], []>, precision = #tpu.contract_precision<fp32>, transpose_lhs_hint = false} : vector<512x128xf32>, vector<128x128xf32>, vector<512x128xf32> -> vector<512x128xf32>
    %get3A_9 = arith.constant 0 : index
    %get3A_10 = arith.constant 0 : index
    %get3A_11 = vector.load %arg5[%get3A_9, %get3A_10] : memref<1x128xf32, #tpu.memory_space<vmem>>, vector<1x128xf32>
    %add3A_12 = vector.broadcast %get3A_11 : vector<1x128xf32> to vector<512x128xf32>
    %add3A_13 = arith.addf %dot_general3A_8, %add3A_12 : vector<512x128xf32>
    %ge3A = arith.constant 0.000000e+00 : f32
    %ge3A_14 = vector.broadcast %ge3A : f32 to vector<512x128xf32>
    %ge3A_15 = arith.cmpf oge, %add3A_13, %ge3A_14 : vector<512x128xf32>
    %mul3A = arith.constant 2.000000e-01 : f32
    %mul3A_16 = vector.broadcast %mul3A : f32 to vector<512x128xf32>
    %mul3A_17 = arith.mulf %mul3A_16, %add3A_13 : vector<512x128xf32>
    %select_n3A = arith.select %ge3A_15, %add3A_13, %mul3A_17 : vector<512x128xi1>, vector<512x128xf32>
    %get3A_18 = arith.constant 0 : index
    %get3A_19 = arith.constant 0 : index
    %get3A_20 = vector.load %arg6[%get3A_18, %get3A_19] : memref<1x128xf32, #tpu.memory_space<vmem>>, vector<1x128xf32>
    %mul3A_21 = vector.broadcast %get3A_20 : vector<1x128xf32> to vector<512x128xf32>
    %mul3A_22 = arith.mulf %select_n3A, %mul3A_21 : vector<512x128xf32>
    %get3A_23 = arith.constant 0 : index
    %get3A_24 = arith.constant 0 : index
    %get3A_25 = vector.load %arg7[%get3A_23, %get3A_24] : memref<1x128xf32, #tpu.memory_space<vmem>>, vector<1x128xf32>
    %add3A_26 = vector.broadcast %get3A_25 : vector<1x128xf32> to vector<512x128xf32>
    %add3A_27 = arith.addf %mul3A_22, %add3A_26 : vector<512x128xf32>
    %get3A_28 = arith.constant 0 : index
    %get3A_29 = arith.constant 0 : index
    %get3A_30 = vector.load %arg8[%get3A_28, %get3A_29] : memref<128x128xf32, #tpu.memory_space<vmem>>, vector<128x128xf32>
    %dot_general3A_31 = arith.constant dense<0.000000e+00> : vector<512x128xf32>
    %dot_general3A_32 = tpu.matmul %add3A_27, %get3A_30, %dot_general3A_31 {dimension_numbers = #tpu.dot_dimension_numbers<[1], [0], [0], [1], [0, 0, 1, 1], [], []>, precision = #tpu.contract_precision<fp32>, transpose_lhs_hint = false} : vector<512x128xf32>, vector<128x128xf32>, vector<512x128xf32> -> vector<512x128xf32>
    %get3A_33 = arith.constant 0 : index
    %get3A_34 = arith.constant 0 : index
    %get3A_35 = vector.load %arg9[%get3A_33, %get3A_34] : memref<1x128xf32, #tpu.memory_space<vmem>>, vector<1x128xf32>
    %add3A_36 = vector.broadcast %get3A_35 : vector<1x128xf32> to vector<512x128xf32>
    %add3A_37 = arith.addf %dot_general3A_32, %add3A_36 : vector<512x128xf32>
    %ge3A_38 = arith.constant 0.000000e+00 : f32
    %ge3A_39 = vector.broadcast %ge3A_38 : f32 to vector<512x128xf32>
    %ge3A_40 = arith.cmpf oge, %add3A_37, %ge3A_39 : vector<512x128xf32>
    %mul3A_41 = arith.constant 2.000000e-01 : f32
    %mul3A_42 = vector.broadcast %mul3A_41 : f32 to vector<512x128xf32>
    %mul3A_43 = arith.mulf %mul3A_42, %add3A_37 : vector<512x128xf32>
    %select_n3A_44 = arith.select %ge3A_40, %add3A_37, %mul3A_43 : vector<512x128xi1>, vector<512x128xf32>
    %get3A_45 = arith.constant 0 : index
    %get3A_46 = arith.constant 0 : index
    %get3A_47 = vector.load %arg3[%get3A_45, %get3A_46] : memref<512x128xf32, #tpu.memory_space<vmem>>, vector<512x128xf32>
    %add3A_48 = arith.addf %select_n3A_44, %get3A_47 : vector<512x128xf32>
    %get3A_49 = arith.constant 0 : index
    %get3A_50 = arith.constant 0 : index
    %get3A_51 = vector.load %arg10[%get3A_49, %get3A_50] : memref<128x128xf32, #tpu.memory_space<vmem>>, vector<128x128xf32>
    %dot_general3A_52 = arith.constant dense<0.000000e+00> : vector<512x128xf32>
    %dot_general3A_53 = tpu.matmul %add3A_48, %get3A_51, %dot_general3A_52 {dimension_numbers = #tpu.dot_dimension_numbers<[1], [0], [0], [1], [0, 0, 1, 1], [], []>, precision = #tpu.contract_precision<fp32>, transpose_lhs_hint = false} : vector<512x128xf32>, vector<128x128xf32>, vector<512x128xf32> -> vector<512x128xf32>
    %get3A_54 = arith.constant 0 : index
    %get3A_55 = arith.constant 0 : index
    %get3A_56 = vector.load %arg11[%get3A_54, %get3A_55] : memref<1x128xf32, #tpu.memory_space<vmem>>, vector<1x128xf32>
    %add3A_57 = vector.broadcast %get3A_56 : vector<1x128xf32> to vector<512x128xf32>
    %add3A_58 = arith.addf %dot_general3A_53, %add3A_57 : vector<512x128xf32>
    %swap3A = arith.constant 0 : index
    %swap3A_59 = arith.constant 0 : index
    %swap3A_60 = vector.load %arg12[%swap3A, %swap3A_59] : memref<512x128xf32, #tpu.memory_space<vmem>>, vector<512x128xf32>
    tpu.vector_store %arg12[%swap3A, %swap3A_59], %add3A_58 {strides = array<i32>} : memref<512x128xf32, #tpu.memory_space<vmem>>, vector<512x128xf32>,
    return
  }
  func.func @transform_0(%arg0: i32) -> (i32, i32) {
    %c0_i32 = arith.constant 0 : i32
    %c0_i32_0 = arith.constant 0 : i32
    return %arg0, %c0_i32 : i32, i32
  }
  func.func @transform_1(%arg0: i32) -> (i32, i32) {
    %c0_i32 = arith.constant 0 : i32
    %c0_i32_0 = arith.constant 0 : i32
    return %arg0, %c0_i32 : i32, i32
  }
  func.func @transform_2(%arg0: i32) -> (i32, i32) {
    %c0_i32 = arith.constant 0 : i32
    %c0_i32_0 = arith.constant 0 : i32
    return %arg0, %c0_i32 : i32, i32
  }
  func.func @transform_3(%arg0: i32) -> (i32, i32) {
    %c0_i32 = arith.constant 0 : i32
    %c0_i32_0 = arith.constant 0 : i32
    %c0_i32_1 = arith.constant 0 : i32
    return %c0_i32, %c0_i32_0 : i32, i32
  }
  func.func @transform_4(%arg0: i32) -> (i32, i32) {
    %c0_i32 = arith.constant 0 : i32
    %c0_i32_0 = arith.constant 0 : i32
    %c0_i32_1 = arith.constant 0 : i32
    return %c0_i32, %c0_i32_0 : i32, i32
  }
  func.func @transform_5(%arg0: i32) -> (i32, i32) {
    %c0_i32 = arith.constant 0 : i32
    %c0_i32_0 = arith.constant 0 : i32
    %c0_i32_1 = arith.constant 0 : i32
    return %c0_i32, %c0_i32_0 : i32, i32
  }
  func.func @transform_6(%arg0: i32) -> (i32, i32) {
    %c0_i32 = arith.constant 0 : i32
    %c0_i32_0 = arith.constant 0 : i32
    %c0_i32_1 = arith.constant 0 : i32
    return %c0_i32, %c0_i32_0 : i32, i32
  }
  func.func @transform_7(%arg0: i32) -> (i32, i32) {
    %c0_i32 = arith.constant 0 : i32
    %c0_i32_0 = arith.constant 0 : i32
    %c0_i32_1 = arith.constant 0 : i32
    return %c0_i32, %c0_i32_0 : i32, i32
  }
  func.func @transform_8(%arg0: i32) -> (i32, i32) {
    %c0_i32 = arith.constant 0 : i32
    %c0_i32_0 = arith.constant 0 : i32
    %c0_i32_1 = arith.constant 0 : i32
    return %c0_i32, %c0_i32_0 : i32, i32
  }
  func.func @transform_9(%arg0: i32) -> (i32, i32) {
    %c0_i32 = arith.constant 0 : i32
    %c0_i32_0 = arith.constant 0 : i32
    %c0_i32_1 = arith.constant 0 : i32
    return %c0_i32, %c0_i32_0 : i32, i32
  }
  func.func @transform_10(%arg0: i32) -> (i32, i32) {
    %c0_i32 = arith.constant 0 : i32
    %c0_i32_0 = arith.constant 0 : i32
    %c0_i32_1 = arith.constant 0 : i32
    return %c0_i32, %c0_i32_0 : i32, i32
  }
  func.func @transform_11(%arg0: i32) -> (i32, i32) {
    %c0_i32 = arith.constant 0 : i32
    %c0_i32_0 = arith.constant 0 : i32
    return %arg0, %c0_i32 : i32, i32
  }
}

</mosaic_0001>

<sc_bundles>
// kernel: kernel.12.cloned.1.call-start
scs
__scs_entry_jumppad:
0x0: {  	(pc) =	sbr.rel $0x88, $3  }
0x1: {  	(tag) =	ssettag $0x0;
	lr =	simm.s32 $0x1  }
0x2: {  	[smem:$0x3F93] =	sst lr;
	_ =	strace $0xD0000000  }
0x3: {  	_ = 	snop  }
0x4: {  	_ = 	snop  }
0x5: {  	_ = 	snop  }
0x6: {  	_ = 	snop  }
0x7: {  	_ = 	snop  }
__scs_overlays_trampoline_lowered:
0x8: {  	[smem:$0x3FA2] =	sst s0  }
0x9: {  	[smem:$0x3FA3] =	sst s1  }
0xa: {  	[smem:$0x3FA4] =	sst s2  }
0xb: {  	[smem:$0x3FA5] =	sst s3  }
0xc: {  	[smem:$0x3FA6] =	sst s4  }
0xd: {  	[smem:$0x3FA7] =	sst s5  }
0xe: {  	[smem:$0x3FA8] =	sst s6  }
0xf: {  	[smem:$0x3FA9] =	sst s7  }
0x10: {  	[smem:$0x3FAA] =	sst s8  }
0x11: {  	[smem:$0x3FAB] =	sst s9;
	s0 =	simm.s32 @!p0 $0x0  }
0x12: {  	s1 =	sld [smem:$0x3F91];
	s0 =	simm.s32 @p0 $0x1  }
0x13: {  	[smem:$0x3FAC] =	sst s0;
	s0 =	simm.s32 @!p1 $0x0  }
0x14: {  	s2 =	sld [smem:$0x3F90];
	s0 =	simm.s32 @p1 $0x1  }
0x15: {  	[smem:$0x3FAD] =	sst s0;
	s0 =	simm.s32 @!p2 $0x0  }
0x16: {  	s3 =	sld [smem:$0x3FDB];
	s0 =	simm.s32 @p2 $0x1  }
0x17: {  	s4 =	simm.s32 $0x1BF5;
	[smem:$0x3FAF] =	sst s0  }
0x18: {  	s0 =	sld [smem:$0x3F92];
	_ =	swait.ge [sflag:s4], $0x0  }
0x19: {  	s7 =	sld [smem:$0x3F93]  }
0x1a: {  	s8 =	sadd.s32 $0xFFFFE003, lr  }
0x1b: {  	s9 =	sadd.s32 $0xFFFFFEF7, lr;
	s5 =	simm.s32 $0xFFFFFFFF;
	p2 =	slt.u32 s8, $0xFFFFF086  }
0x1c: {  	p1 =	slt.u32 s9, $0xF7A;
	s5 =	simm.s32 @!p2 $0x0  }
0x1d: {  	s5 =	simm.s32 @p1 $0x1;
	p0 =	seq.s32 s7, s2  }
0x1e: {  	s7 =	smul.u32 @!p0 $0xF7A, s2;
	p2 =	seq.s32 @!p0 s5, $0x0  }
0x1f: {  	s9 =	smul.u32 $0xF7A, s1;
	s8 =	simm.s32 @!p0 $0x1BF5;
	p2 =	por !p2, p0  }
0x20: {  	[sflag:s8] =	ssyncset.s32 @!p0 $0xFFFFF086;
	s6 =	sadd.s32 @!p0 s3, s7;
	s7 =	simm.s32 @!p0 $0x108  }
0x21: {  	s3 =	sadd.s32 s3, s9;
	s6 =	sadd.s32 @!p0 $0x88, s6;
	s7 =	simm.s32 @p2 $0x1082  }
0x22: {  	[simem:s7], [sflag:s8] =	dma.local @!p0 [hbm:s6], $0xF7A  }
0x23: {  	s9 =	sor.u32 $0xD0000000, s2;
	s6 =	simm.s32 $0x108;
	_ =	swait.ge @!p0 [sflag:s8], $0x0  }
0x24: {  	s3 =	sadd.s32 $0x88, s3;
	s6 =	simm.s32 @!p1 $0x1082;
	[sflag:s4] =	ssyncset.s32 $0xFFFFF086  }
0x25: {  	[simem:s6], [sflag:s4] =	dma.local [hbm:s3], $0xF7A  }
0x26: {  	[smem:$0x3F93] =	sst s1;
	(tag) =	ssettag s2;
	_ =	strace s9  }
0x27: {  	s1 =	sld [smem:$0x3FA3]  }
0x28: {  	s2 =	sld [smem:$0x3FA4]  }
0x29: {  	s4 =	sld [smem:$0x3FA6]  }
0x2a: {  	p0 =	seq.s32 s5, $0x0;
	s5 =	sld [smem:$0x3FA7]  }
0x2b: {  	s6 =	sld [smem:$0x3FA8]  }
0x2c: {  	s7 =	sld [smem:$0x3FA9]  }
0x2d: {  	s3 =	simm.s32 $0x108;
	s8 =	sld [smem:$0x3FAA]  }
0x2e: {  	s3 =	simm.s32 @!p0 $0x1082;
	s9 =	sld [smem:$0x3FAB]  }
0x2f: {  	lr =	sadd.s32 s0, s3;
	s0 =	sld [smem:$0x3FA2]  }
0x30: {  	s3 =	sld [smem:$0x3FA5]  }
0x31: {  	[smem:$0x3FAE] =	sst s10  }
0x32: {  	s10 =	sld [smem:$0x3FAC];
	_ =	sdelay $0x3  }
0x33: {  	p0 =	seq.s32 s10, $0x1;
	s10 =	sld [smem:$0x3FAE];
	_ =	sdelay $0x3  }
0x34: {  	[smem:$0x3FAE] =	sst s10  }
0x35: {  	s10 =	sld [smem:$0x3FAD];
	_ =	sdelay $0x3  }
0x36: {  	p1 =	seq.s32 s10, $0x1;
	s10 =	sld [smem:$0x3FAE];
	_ =	sdelay $0x3  }
0x37: {  	[smem:$0x3FAE] =	sst s10  }
0x38: {  	s10 =	sld [smem:$0x3FAF]  }
0x39: {  	_ = 	snop;
	(pc) =	sbr.ind lr, $3  }
0x3a: {  	_ = 	snop  }
0x3b: {  	_ = 	snop  }
0x3c: {  	p2 =	seq.s32 s10, $0x1;
	s10 =	sld [smem:$0x3FAE]  }
0x3d: {  	_ =	shalt  }
0x3e: {  	_ =	shalt  }
0x3f: {  	_ =	shalt  }
0x40: {  	_ =	shalt  }
0x41: {  	_ =	shalt  }
0x42: {  	_ =	shalt  }
0x43: {  	_ =	shalt  }
0x44: {  	_ =	shalt  }
0x45: {  	_ =	shalt  }
0x46: {  	_ =	shalt  }
0x47: {  	_ =	shalt  }
0x48: {  	_ =	shalt  }
0x49: {  	_ =	shalt  }
0x4a: {  	_ =	shalt  }
0x4b: {  	_ =	shalt  }
0x4c: {  	_ =	shalt  }
0x4d: {  	_ =	shalt  }
0x4e: {  	_ =	shalt  }
0x4f: {  	_ =	shalt  }
0x50: {  	_ =	shalt  }
0x51: {  	_ =	shalt  }
0x52: {  	_ =	shalt  }
0x53: {  	_ =	shalt  }
0x54: {  	_ =	shalt  }
0x55: {  	_ =	shalt  }
0x56: {  	_ =	shalt  }
0x57: {  	_ =	shalt  }
0x58: {  	_ =	shalt  }
0x59: {  	_ =	shalt  }
0x5a: {  	_ =	shalt  }
0x5b: {  	_ =	shalt  }
0x5c: {  	_ =	shalt  }
0x5d: {  	_ =	shalt  }
0x5e: {  	_ =	shalt  }
0x5f: {  	_ =	shalt  }
0x60: {  	_ =	shalt  }
0x61: {  	_ =	shalt  }
0x62: {  	_ =	shalt  }
0x63: {  	_ =	shalt  }
0x64: {  	_ =	shalt  }
0x65: {  	_ =	shalt  }
0x66: {  	_ =	shalt  }
0x67: {  	_ =	shalt  }
0x68: {  	_ =	shalt  }
0x69: {  	_ =	shalt  }
0x6a: {  	_ =	shalt  }
0x6b: {  	_ =	shalt  }
0x6c: {  	_ =	shalt  }
0x6d: {  	_ =	shalt  }
0x6e: {  	_ =	shalt  }
0x6f: {  	_ =	shalt  }
0x70: {  	_ =	shalt  }
0x71: {  	_ =	shalt  }
0x72: {  	_ =	shalt  }
0x73: {  	_ =	shalt  }
0x74: {  	_ =	shalt  }
0x75: {  	_ =	shalt  }
0x76: {  	_ =	shalt  }
0x77: {  	_ =	shalt  }
0x78: {  	_ =	shalt  }
0x79: {  	_ =	shalt  }
0x7a: {  	_ =	shalt  }
0x7b: {  	_ =	shalt  }
0x7c: {  	_ =	shalt  }
0x7d: {  	_ =	shalt  }
0x7e: {  	_ =	shalt  }
0x7f: {  	_ =	shalt  }
0x80: {  	_ =	shalt  }
0x81: {  	_ =	shalt  }
0x82: {  	_ =	shalt  }
0x83: {  	_ =	shalt  }
0x84: {  	_ =	shalt  }
0x85: {  	_ =	shalt  }
0x86: {  	_ =	shalt  }
0x87: {  	_ =	shalt  }
.Lfunc_end0:
.L_simem_size_0:
called_computation_lowered:
.L_overlay_start_0:
0x88: {  	s0 =	sld [smem:$0x3FD9]  }
0x89: {  	s1 =	sld [smem:$0x3FFE];
	_ =	sdelay $0x3  }
0x8a: {  	s0 =	sadd.s32 s1, s0  }
0x8b: {  	[smem:$0x3FBA] =	sst s0  }
0x8c: {  	_ = 	snop  }
0x8d: {  	(tm) =	ssettm $0x1  }
0x8e: {  	s15 =	sld [smem:$0x3FFB];
	_ =	sdelay $0x3  }
0x8f: {  	_ =	strace s15  }
0x90: {  	s0 =	sld [smem:$0x3FFC];
	_ =	sdelay $0x3  }
0x91: {  	_ =	strace s0  }
0x92: {  	s0 =	sld [smem:$0x3FFD];
	_ =	sdelay $0x3  }
0x93: {  	_ =	strace s0  }
0x94: {  	_ =	strace $0x8FFFFFFF  }
0x95: {  	s16 =	sld [smem:$0x3FDB];
	_ =	sdelay $0x1  }
0x96: {  	s17 =	simm.s32 $_scs_section_size  }
0x97: {  	s2 =	simm.s32 $_size__tile_overlayer_lowered;
	s3 =	simm.s32 $_tile_overlayer_lowered  }
0x98: {  	s20 =	simm.s32 $0x1BFF;
	s19 =	sshll.u32 s3, $0x1;
	s0 =	sadd.s32 s17, s16  }
0x99: {  	s4 =	simm.s32 $0x0;
	s18 =	sshll.u32 s2, $0x1;
	s2 =	sadd.s32 s19, s0  }
0x9a: {  	[timem:s4], [sflag:s20] =	dma.local [hbm:s2], s18  }
0x9b: {  	_ =	swait.ge [sflag:s20], s18  }
0x9c: {  	s1 =	ssub.s32 $0x0, s18;
	[sflag:s20] =	ssyncset.done $0x0  }
0x9d: {  	[sflag:s20] =	ssyncadd.s32 s1;
	_ =	sdelay $0x1  }
0x9e: {  	s21 =	simm.s32 $0x1B8B  }
0x9f: {  	_ =	swait.ge [sflag:s21], $0x1  }
0xa0: {  	[sflag:s21] =	ssyncset.done $0x0  }
0xa1: {  	s23 =	simm.s32 $0x1B8E;
	s22 =	sld [smem:$0x3FFE];
	[sflag:s21] =	ssyncadd.s32 $0xFFFFFFFF  }
0xa2: {  	s24 =	simm.s32 $execute0_lowered;
	[smem:$0x3FD2] =	sst s23  }
0xa3: {  	s2 =	sshll.u32 s24, $0x1;
	_ =	strace $0x80000046;
	[dreg:$0x1] =	wrdreg $0xFFFFFFFF  }
0xa4: {  	s25 =	simm.s32 $_size_execute0_lowered;
	s0 =	sadd.s32 s0, s2;
	[dreg:$0x0] =	wrdreg $0x0  }
0xa5: {  	s2 =	sshll.u32 s25, $0x1;
	[dreg:$0x2] =	wrdreg s0  }
0xa6: {  	[dreg:$0x3] =	wrdreg s2  }
0xa7: {  	[dreg:$0x4] =	wrdreg $0xC0  }
0xa8: {  	_ =	task [dreg:s4], $0x5FFFF  }
0xa9: {  	[dreg:$0x1] =	wrdreg $0xFFFFFFFF  }
0xaa: {  	[dreg:$0x0] =	wrdreg $0x60  }
0xab: {  	[dreg:$0x2] =	wrdreg s22  }
0xac: {  	[dreg:$0x3] =	wrdreg $0xA0000  }
0xad: {  	[dreg:$0x4] =	wrdreg $0x9  }
0xae: {  	_ =	task.clear_ibuf [dreg:s4], $0x5FFFF;
	_ =	strace $0x90000046  }
0xaf: {  	s26 =	simm.s32 $0x9;
	_ =	strace $0x80000048  }
0xb0: {  	_ =	swait.ge [sflag:s26], $0x1  }
0xb1: {  	[sflag:s26] =	ssyncadd.s32 $0xFFFFFFFF  }
0xb2: {  	_ =	strace $0x90000048  }
0xb3: {  	_ =	sfence  }
0xb4: {  	s28 =	sld [smem:$0x0];
	_ =	sdelay $0x1  }
0xb5: {  	s29 =	srdreg.scid  }
0xb6: {  	s30 =	sshll.u32 s29, $0xD;
	s31 =	sshrl.u32 s29, $0x2  }
0xb7: {  	s1 =	sand.u32 $0x1, s29;
	s2 =	sand.u32 $0x4000, s30;
	s0 =	sadd.s32 s31, s28  }
0xb8: {  	s1 =	sor.u32 s2, s1;
	s0 =	sshll.u32 s0, $0x11  }
0xb9: {  	s0 =	sor.u32 s0, s1  }
0xba: {  	s0 =	sadd.s32 $0x8F2B, s0  }
0xbb: {  	[sflag:s0] =	ssyncadd.remote.s32 $0x1  }
0xbc: {  	_ =	sfence.sel $0xFFFF  }
0xbd: {  	[dreg:$0x0] =	wrdreg $0xFFFFFFFF;
	(pc) =	sbr.abs _section_cstart, $3  }
0xbe: {  	[dreg:$0x1] =	wrdreg $0xFFFFFFFF  }
0xbf: {  	_ =	task.clear_ibuf [dreg:s4], $0x2FFFF;
	_ =	strace $0x9FFFFFFF  }
0xc0: {  	(tm) =	ssettm $0x7FFFFFFF  }
0xc1: {  	_ =	shalt  }
tec
execute0_lowered:
.L_overlay_start_1:
0x0: {  	(tag) =	ssettag $0x1  }
0x1: {  	s12 =	rddreg [dreg:$0x0]  }
0x2: {  	s2 =	rddreg [dreg:$0x1]  }
0x3: {  	s1 =	stileid.u32;
	s14 =	simm.s32 $0x0;
	s8 =	simm.s32 $0x1000  }
0x4: {  	s24 =	simm.s32 $0x6;
	s13 =	smul.u32 $0x5000, s1;
	[smem:$0x7FF] =	sst s14  }
0x5: {  	s3 =	smul.u32 $0x50000, s1;
	s6 =	sadd.s32 $0x5000, s12;
	s11 =	sadd.s32 $0x2D000, s12  }
0x6: {  	s10 =	sadd.s32 $0x37000, s12;
	s22 =	sshll.u32 s1, $0x6;
	s4 =	sshrl.u32 s13, $0x3  }
0x7: {  	_ =	strace $0x80000047;
	s3 =	sshrl.u32 s3, $0x2;
	s5 =	sadd.s32 s11, s4  }
0x8: {  	[tilespmem:s14], [sflag:$0x5] =	stream.linear.gather [hbm4b:s5+s14], $0x800, $0x38;
	[tilespmem:$0x1E000] =	vst v63  }
0x9: {  	s4 =	sadd.s32 s10, s4;
	s7 =	sadd.s32 s3, s2;
	s3 =	smul.u32 $0x2800, s1  }
0xa: {  	[tilespmem:s8], [sflag:$0x5] =	stream.linear.gather [hbm4b:s4+s14], $0x800, $0x38;
	[tilespmem:$0x1E000] =	vst v63  }
0xb: {  	s5 =	sshrl.u32 s7, $0x3;
	s23 =	sadd.s32 s6, s3;
	s4 =	sor.u32 $0x1C06, s22  }
0xc: {  	[spmem:s5], [sflag:s4] =	dma.local [hbm:s23], $0x2800  }
0xd: {  	_ =	swait.ge [sflag:s24], $0x2800  }
0xe: {  	[sflag:s24] =	ssyncset.done $0x0  }
0xf: {  	s25 =	simm.s32 $0x5;
	[sflag:s24] =	ssyncadd.s32 $0xFFFFD800  }
0x10: {  	s17 =	sand.u32 $0xE, s14;
	_ =	swait.ge [sflag:s25], $0x800  }
0x11: {  	p0 =	sne.s32 s17, $0x0;
	[sflag:s25] =	ssyncset.done $0x0  }
0x12: {  	p1 =	por @!p0 $0x0, $0x0;
	[sflag:s25] =	ssyncadd.s32 $0xFFFFF800  }
0x13: {  	p0 =	por p1, p0;
	_ =	swait.ge [sflag:s25], $0x800  }
0x14: {  	s15 =	sand.u32 @!p0 $0x7800, s14;
	[sflag:s25] =	ssyncset.done $0x0  }
0x15: {  	s9 =	simm.s32 $0x2000;
	s15 =	sadd.s32 @!p0 $0x800, s15;
	[sflag:s25] =	ssyncadd.s32 $0xFFFFF800  }
0x16: {  	s7 =	simm.s32 $0x80;
	s16 =	sadd.s32 @!p0 s13, s15;
	[bflag:$0x0] =	sbarrier.arrive $0xFFFF  }
0x17: {  	[tilespmem:s9], [sflag:$0x1] =	stream.indirect.gather [hbm4b:s6+s7], $0x80, s14, s7, $0xb8;
	[tilespmem:$0x1E000] =	vst v63  }
0x18: {  	s20 =	simm.s32 $0x100;
	s8 =	simm.s32 $0x6000;
	s18 =	sshrl.u32 @!p0 s16, $0x3  }
0x19: {  	[tilespmem:s8], [sflag:$0x2] =	stream.indirect.gather [hbm4b:s6+s7], $0x80, s7, s7, $0xb8;
	[tilespmem:$0x1E000] =	vst v63  }
0x1a: {  	s19 =	simm.s32 @!p0 $0x0;
	s15 =	sand.u32 @!p0 $0x800, s15;
	s16 =	sadd.s32 @!p0 s11, s18  }
0x1b: {  	[tilespmem:s15], [sflag:$0x5] =	stream.linear.gather @!p0 [hbm4b:s16+s19], $0x800, $0x38;
	[tilespmem:$0x1E000] =	vst v63  }
0x1c: {  	s18 =	sadd.s32 @!p0 s10, s18;
	s16 =	simm.s32 $0x1;
	s15 =	sor.u32 @!p0 $0x1000, s15  }
0x1d: {  	[tilespmem:s15], [sflag:$0x5] =	stream.linear.gather @!p0 [hbm4b:s18+s19], $0x800, $0x38;
	[tilespmem:$0x1E000] =	vst v63  }
0x1e: {  	s26 =	sand.u32 $0x800, s14;
	s17 =	sshll.u32 s17, $0x7;
	_ =	swait.ge [sflag:s16], $0x4000  }
0x1f: {  	s14 =	sand.u32 $0x1C00, s14;
	s18 =	sor.u32 $0x1000, s26;
	[sflag:s16] =	ssyncset.done $0x0  }
0x20: {  	s15 =	simm.s32 $0x2;
	s17 =	sor.u32 s17, s18;
	[sflag:s16] =	ssyncadd.s32 $0xFFFFC000  }
0x21: {  	[spmem:s2] =	stream.indirect.scatter.add.f32 [tilespmem:s9], [sflag:$0x3], $0x80, s17, s7, $0xb8;
	[tilespmem:$0x1E000] =	vst v63  }
0x22: {  	s21 =	simm.s32 $0x600;
	s14 =	sshrl.u32 s14, $0x2;
	_ =	swait.ge [sflag:s15], $0x4000  }
0x23: {  	s14 =	sor.u32 s14, s18;
	s18 =	simm.s32 $0x2;
	[sflag:s15] =	ssyncset.done $0x0  }
0x24: {  	s14 =	sor.u32 $0x80, s14;
	s17 =	simm.s32 $0x3;
	[sflag:s15] =	ssyncadd.s32 $0xFFFFC000  }
0x25: {  	[spmem:s2] =	stream.indirect.scatter.add.f32 [tilespmem:s8], [sflag:$0x4], $0x80, s14, s7, $0xb8;
	[tilespmem:$0x1E000] =	vst v63  }
0x26: {  	s12 =	sadd.s32 $0x4B000, s12;
	s31 =	sand.u32 $0xE, s18;
	_ =	swait.ge [sflag:s17], $0x4000  }
0x27: {  	s22 =	simm.s32 $0x200;
	p2 =	sne.s32 s31, $0x0;
	[sflag:s17] =	ssyncset.done $0x0  }
0x28: {  	s23 =	simm.s32 $0x1;
	s29 =	simm.s32 @!p2 $0x5;
	[sflag:s17] =	ssyncadd.s32 $0xFFFFC000  }
0x29: {  	s24 =	simm.s32 $0xA00;
	p0 =	por @!p2 $0x0, $0x0;
	_ =	swait.ge @!p2 [sflag:s29], $0x800  }
0x2a: {  	s26 =	sshll.u32 s31, $0x7;
	p0 =	por p0, p2;
	[sflag:s29] =	ssyncset.done @!p2 $0x0  }
0x2b: {  	s25 =	sshll.u32 s31, $0x7;
	s19 =	sand.u32 @!p0 $0x7800, s20;
	[sflag:s29] =	ssyncadd.s32 @!p2 $0xFFFFF800  }
0x2c: {  	s28 =	sadd.s32 @!p0 $0x800, s19;
	s19 =	simm.s32 $0x400;
	_ =	swait.ge @!p2 [sflag:s29], $0x800  }
0x2d: {  	s14 =	simm.s32 $0x4;
	s30 =	sand.u32 $0x2000, s19;
	[sflag:s29] =	ssyncset.done @!p2 $0x0  }
.LBB2_1:
0x2e: {  	s31 =	sadd.s32 @!p0 s13, s28  }
0x2f: {  	s30 =	sshrl.u32 s30, $0x2;
	s0 =	smov.u32 s22;
	s22 =	sadd.s32 $0x100, s22  }
0x30: {  	s31 =	sshrl.u32 @!p0 s31, $0x3;
	[sflag:s29] =	ssyncadd.s32 @!p2 $0xFFFFF800;
	s25 =	sor.u32 s25, s30  }
0x31: {  	[tilespmem:s9], [sflag:$0x1] =	stream.indirect.gather [hbm4b:s6+s7], $0x80, s25, s7, $0xb8;
	[tilespmem:$0x1E000] =	vst v63  }
0x32: {  	s25 =	sadd.s32 @!p0 s11, s31;
	s29 =	sadd.s32 @!p0 s10, s31;
	_ =	swait.ge [sflag:s14], $0x4000  }
0x33: {  	s21 =	sand.u32 $0x3E00, s21;
	p1 =	sne.s32 s22, $0x4F00;
	[sflag:s14] =	ssyncset.done $0x0  }
0x34: {  	s30 =	sshrl.u32 s21, $0x2;
	s21 =	smov.u32 s24;
	[sflag:s14] =	ssyncadd.s32 $0xFFFFC000  }
0x35: {  	[tilespmem:s8], [sflag:$0x2] =	stream.indirect.gather [hbm4b:s6+s7], $0x80, s30, s7, $0xb8;
	[tilespmem:$0x1E000] =	vst v63  }
0x36: {  	s24 =	sand.u32 @!p0 $0x800, s28;
	s28 =	simm.s32 @!p0 $0x0  }
0x37: {  	[tilespmem:s24], [sflag:$0x5] =	stream.linear.gather @!p0 [hbm4b:s25+s28], $0x800, $0x38;
	[tilespmem:$0x1E000] =	vst v63  }
0x38: {  	s24 =	sor.u32 @!p0 $0x1000, s24  }
0x39: {  	[tilespmem:s24], [sflag:$0x5] =	stream.linear.gather @!p0 [hbm4b:s29+s28], $0x800, $0x38;
	[tilespmem:$0x1E000] =	vst v63  }
0x3a: {  	s24 =	sand.u32 $0x800, s20;
	s20 =	smov.u32 s0;
	_ =	swait.ge [sflag:s16], $0x4000  }
0x3b: {  	s0 =	sor.u32 $0x1000, s24;
	[sflag:s16] =	ssyncset.done $0x0  }
0x3c: {  	s25 =	sand.u32 $0x1C00, s19;
	s24 =	sor.u32 s26, s0;
	[sflag:s16] =	ssyncadd.s32 $0xFFFFC000  }
0x3d: {  	[spmem:s2] =	stream.indirect.scatter.add.f32 [tilespmem:s9], [sflag:$0x3], $0x80, s24, s7, $0xb8;
	[tilespmem:$0x1E000] =	vst v63  }
0x3e: {  	s24 =	sshrl.u32 s25, $0x2;
	_ =	swait.ge [sflag:s15], $0x4000  }
0x3f: {  	s0 =	sor.u32 s24, s0;
	[sflag:s15] =	ssyncset.done $0x0  }
0x40: {  	s18 =	sadd.s32 $0x2, s18;
	s0 =	sor.u32 $0x80, s0;
	[sflag:s15] =	ssyncadd.s32 $0xFFFFC000  }
0x41: {  	[spmem:s2] =	stream.indirect.scatter.add.f32 [tilespmem:s8], [sflag:$0x4], $0x80, s0, s7, $0xb8;
	[tilespmem:$0x1E000] =	vst v63  }
0x42: {  	s0 =	sand.u32 $0xE, s18;
	_ =	swait.ge [sflag:s17], $0x4000  }
0x43: {  	s23 =	sadd.s32 $0x1, s23;
	p2 =	sne.s32 s0, $0x0;
	[sflag:s17] =	ssyncset.done $0x0  }
0x44: {  	s29 =	simm.s32 @!p2 $0x5;
	[sflag:s17] =	ssyncadd.s32 $0xFFFFC000  }
.Ltmp0:
0x45: {  	s25 =	sshll.u32 s0, $0x7;
	_ =	swait.ge @!p2 [sflag:s29], $0x800;
	(pc) =	sbr.rel @p1 .LBB2_1-.Ltmp0, $4  }
0x46: {  	s19 =	sadd.s32 $0x400, s19;
	p0 =	sgt.u32 @!p2 s23, $0x47;
	[sflag:s29] =	ssyncset.done @!p2 $0x0  }
0x47: {  	s30 =	sand.u32 $0x2000, s19;
	p0 =	por p0, p2;
	[sflag:s29] =	ssyncadd.s32 @!p2 $0xFFFFF800  }
0x48: {  	s24 =	sadd.s32 $0x600, s19;
	s0 =	sand.u32 @!p0 $0x7800, s20;
	_ =	swait.ge @!p2 [sflag:s29], $0x800  }
0x49: {  	s26 =	smov.u32 s25;
	s28 =	sadd.s32 @!p0 $0x800, s0;
	[sflag:s29] =	ssyncset.done @!p2 $0x0  }
0x4a: {  	s0 =	sshrl.u32 s30, $0x2  }
0x4b: {  	[sflag:s29] =	ssyncadd.s32 @!p2 $0xFFFFF800;
	s0 =	sor.u32 s25, s0  }
0x4c: {  	[tilespmem:s9], [sflag:$0x1] =	stream.indirect.gather [hbm4b:s6+s7], $0x80, s0, s7, $0xb8;
	[tilespmem:$0x1E000] =	vst v63  }
0x4d: {  	_ =	swait.ge [sflag:s14], $0x4000  }
0x4e: {  	s31 =	sand.u32 $0x3E00, s21;
	s0 =	sadd.s32 @!p0 s13, s28;
	[sflag:s14] =	ssyncset.done $0x0  }
0x4f: {  	s13 =	sshrl.u32 s31, $0x2;
	s0 =	sshrl.u32 @!p0 s0, $0x3;
	[sflag:s14] =	ssyncadd.s32 $0xFFFFC000  }
0x50: {  	[tilespmem:s8], [sflag:$0x2] =	stream.indirect.gather [hbm4b:s6+s7], $0x80, s13, s7, $0xb8;
	[tilespmem:$0x1E000] =	vst v63  }
0x51: {  	s21 =	simm.s32 @!p0 $0x0;
	s11 =	sadd.s32 @!p0 s11, s0;
	s13 =	sand.u32 @!p0 $0x800, s28  }
0x52: {  	[tilespmem:s13], [sflag:$0x5] =	stream.linear.gather @!p0 [hbm4b:s11+s21], $0x800, $0x38;
	[tilespmem:$0x1E000] =	vst v63  }
0x53: {  	s0 =	sadd.s32 @!p0 s10, s0;
	s10 =	sor.u32 @!p0 $0x1000, s13  }
0x54: {  	[tilespmem:s10], [sflag:$0x5] =	stream.linear.gather @!p0 [hbm4b:s0+s21], $0x800, $0x38;
	[tilespmem:$0x1E000] =	vst v63  }
0x55: {  	s10 =	sand.u32 $0x800, s20;
	_ =	swait.ge [sflag:s16], $0x4000  }
0x56: {  	s0 =	sor.u32 $0x1000, s10;
	[sflag:s16] =	ssyncset.done $0x0  }
0x57: {  	s13 =	sand.u32 $0x1C00, s19;
	s11 =	sor.u32 s25, s0;
	[sflag:s16] =	ssyncadd.s32 $0xFFFFC000  }
0x58: {  	[spmem:s2] =	stream.indirect.scatter.add.f32 [tilespmem:s9], [sflag:$0x3], $0x80, s11, s7, $0xb8;
	[tilespmem:$0x1E000] =	vst v63  }
0x59: {  	s10 =	sshrl.u32 s13, $0x2;
	_ =	swait.ge [sflag:s15], $0x4000  }
0x5a: {  	s0 =	sor.u32 s10, s0;
	[sflag:s15] =	ssyncset.done $0x0  }
0x5b: {  	s0 =	sor.u32 $0x80, s0;
	s16 =	sadd.s32 $0x2, s18;
	[sflag:s15] =	ssyncadd.s32 $0xFFFFC000  }
0x5c: {  	[spmem:s2] =	stream.indirect.scatter.add.f32 [tilespmem:s8], [sflag:$0x4], $0x80, s0, s7, $0xb8;
	[tilespmem:$0x1E000] =	vst v63  }
0x5d: {  	s0 =	sand.u32 $0xE, s16;
	_ =	swait.ge [sflag:s17], $0x4000  }
0x5e: {  	p0 =	sne.s32 s0, $0x0;
	[sflag:s17] =	ssyncset.done $0x0  }
0x5f: {  	s10 =	simm.s32 @!p0 $0x5;
	[sflag:s17] =	ssyncadd.s32 $0xFFFFC000  }
0x60: {  	_ =	swait.ge @!p0 [sflag:s10], $0x800  }
0x61: {  	[sflag:s10] =	ssyncset.done @!p0 $0x0  }
0x62: {  	s18 =	sadd.s32 $0x400, s19;
	[sflag:s10] =	ssyncadd.s32 @!p0 $0xFFFFF800  }
0x63: {  	s11 =	sand.u32 $0x2000, s18;
	_ =	swait.ge @!p0 [sflag:s10], $0x800  }
0x64: {  	s11 =	sshrl.u32 s11, $0x2;
	s0 =	sshll.u32 s0, $0x7;
	[sflag:s10] =	ssyncset.done @!p0 $0x0  }
0x65: {  	s0 =	sor.u32 s0, s11;
	[sflag:s10] =	ssyncadd.s32 @!p0 $0xFFFFF800  }
0x66: {  	[tilespmem:s9], [sflag:$0x1] =	stream.indirect.gather [hbm4b:s6+s7], $0x80, s0, s7, $0xb8;
	[tilespmem:$0x1E000] =	vst v63  }
0x67: {  	_ =	swait.ge [sflag:s14], $0x4000  }
0x68: {  	s19 =	sand.u32 $0x3E00, s24;
	[sflag:s14] =	ssyncset.done $0x0  }
0x69: {  	s20 =	simm.s32 $0x1;
	s0 =	sshrl.u32 s19, $0x2;
	[sflag:s14] =	ssyncadd.s32 $0xFFFFC000  }
0x6a: {  	[tilespmem:s8], [sflag:$0x2] =	stream.indirect.gather [hbm4b:s6+s7], $0x80, s0, s7, $0xb8;
	[tilespmem:$0x1E000] =	vst v63  }
0x6b: {  	_ =	swait.ge [sflag:s20], $0x4000  }
0x6c: {  	s22 =	simm.s32 $0x1F00;
	s23 =	simm.s32 $0x2000;
	[sflag:s20] =	ssyncset.done $0x0  }
0x6d: {  	s21 =	simm.s32 $0x80;
	s24 =	simm.s32 $0x2;
	[sflag:s20] =	ssyncadd.s32 $0xFFFFC000  }
0x6e: {  	[spmem:s2] =	stream.indirect.scatter.add.f32 [tilespmem:s23], [sflag:$0x3], $0x80, s22, s21, $0xb8;
	[tilespmem:$0x1E000] =	vst v63  }
0x6f: {  	_ =	swait.ge [sflag:s24], $0x4000  }
0x70: {  	s26 =	simm.s32 $0x6000;
	[sflag:s24] =	ssyncset.done $0x0  }
0x71: {  	s28 =	simm.s32 $0x3;
	s25 =	simm.s32 $0x1F80;
	[sflag:s24] =	ssyncadd.s32 $0xFFFFC000  }
0x72: {  	[spmem:s2] =	stream.indirect.scatter.add.f32 [tilespmem:s26], [sflag:$0x4], $0x80, s25, s21, $0xb8;
	[tilespmem:$0x1E000] =	vst v63  }
0x73: {  	_ =	swait.ge [sflag:s28], $0x4000  }
0x74: {  	[sflag:s28] =	ssyncset.done $0x0  }
0x75: {  	s29 =	simm.s32 $0x4;
	[sflag:s28] =	ssyncadd.s32 $0xFFFFC000  }
0x76: {  	_ =	swait.ge [sflag:s29], $0x4000  }
0x77: {  	[sflag:s29] =	ssyncset.done $0x0  }
0x78: {  	[sflag:s29] =	ssyncadd.s32 $0xFFFFC000  }
0x79: {  	s30 =	sadd.s32 s12, s3;
	s31 =	simm.s32 $0x6;
	[bflag:$0x0] =	sbarrier.arrive $0xFFFF  }
0x7a: {  	[hbm:s30], [sflag:s4] =	dma.local [spmem:s5], $0x2800  }
0x7b: {  	_ =	swait.ge [sflag:s31], $0x2800  }
0x7c: {  	[sflag:s31] =	ssyncset.done $0x0  }
0x7d: {  	[sflag:s31] =	ssyncadd.s32 $0xFFFFD800  }
0x7e: {  	_ =	sfence.sel $0x180000  }
0x7f: {  	[bflag:$0x0] =	sbarrier.arrive $0xFFFF  }
0x80: {  	_ =	strace $0x90000047  }
0x81: {  	[bflag:$0x2] =	sbarrier.arrive $0xFFFF  }
0x82: {  	p0 =	sne.s32 s1, $0x0;
	s0 =	rddreg [dreg:$0x2]  }
0x83: {  	s0 =	sadd.s32 @!p0 $0x100000, s0  }
0x84: {  	[sflag:s0] =	ssyncadd.tile.s32 @!p0 $0x1;
	_ =	shalt  }
.Lfunc_end2:
_tile_overlayer_lowered:
.L_overlay_start_2:
0x85: {  	(tag) =	ssettag $0x2  }
0x86: {  	s0 =	rddreg [dreg:$0x0];
	s2 =	stileid.u32  }
0x87: {  	s1 =	rddreg [dreg:$0x1];
	p0 =	sne.s32 s2, $0x0  }
0x88: {  	s3 =	rddreg [dreg:$0x2];
	[bflag:$0x3] =	sbarrier.arrive $0xFFFF;
	s2 =	simm.s32 @!p0 $0x1C06  }
0x89: {  	[timem:s3], [sflag:s2] =	dma.local @!p0 [hbm:s0], s1  }
0x8a: {  	s0 =	simm.s32 @!p0 $0x6  }
0x8b: {  	_ =	swait.ge @!p0 [sflag:s0], s1  }
0x8c: {  	s1 =	ssub.s32 @!p0 $0x0, s1;
	[sflag:s0] =	ssyncset.done @!p0 $0x0  }
0x8d: {  	[sflag:s0] =	ssyncadd.s32 @!p0 s1  }
0x8e: {  	[bflag:$0x3] =	sbarrier.arrive $0xFFFF  }
0x8f: {  	_ =	shalt  }

// kernel: kernel.15.cloned.1.call-start
scs
__scs_entry_jumppad:
0x0: {  	(pc) =	sbr.rel $0x88, $3  }
0x1: {  	(tag) =	ssettag $0x0;
	lr =	simm.s32 $0x1  }
0x2: {  	[smem:$0x3F93] =	sst lr;
	_ =	strace $0xD0000000  }
0x3: {  	_ = 	snop  }
0x4: {  	_ = 	snop  }
0x5: {  	_ = 	snop  }
0x6: {  	_ = 	snop  }
0x7: {  	_ = 	snop  }
__scs_overlays_trampoline_lowered:
0x8: {  	[smem:$0x3FA2] =	sst s0  }
0x9: {  	[smem:$0x3FA3] =	sst s1  }
0xa: {  	[smem:$0x3FA4] =	sst s2  }
0xb: {  	[smem:$0x3FA5] =	sst s3  }
0xc: {  	[smem:$0x3FA6] =	sst s4  }
0xd: {  	[smem:$0x3FA7] =	sst s5  }
0xe: {  	[smem:$0x3FA8] =	sst s6  }
0xf: {  	[smem:$0x3FA9] =	sst s7  }
0x10: {  	[smem:$0x3FAA] =	sst s8  }
0x11: {  	[smem:$0x3FAB] =	sst s9;
	s0 =	simm.s32 @!p0 $0x0  }
0x12: {  	s1 =	sld [smem:$0x3F91];
	s0 =	simm.s32 @p0 $0x1  }
0x13: {  	[smem:$0x3FAC] =	sst s0;
	s0 =	simm.s32 @!p1 $0x0  }
0x14: {  	s2 =	sld [smem:$0x3F90];
	s0 =	simm.s32 @p1 $0x1  }
0x15: {  	[smem:$0x3FAD] =	sst s0;
	s0 =	simm.s32 @!p2 $0x0  }
0x16: {  	s3 =	sld [smem:$0x3FDB];
	s0 =	simm.s32 @p2 $0x1  }
0x17: {  	s4 =	simm.s32 $0x1BF5;
	[smem:$0x3FAF] =	sst s0  }
0x18: {  	s0 =	sld [smem:$0x3F92];
	_ =	swait.ge [sflag:s4], $0x0  }
0x19: {  	s7 =	sld [smem:$0x3F93]  }
0x1a: {  	s8 =	sadd.s32 $0xFFFFE003, lr  }
0x1b: {  	s9 =	sadd.s32 $0xFFFFFEF7, lr;
	s5 =	simm.s32 $0xFFFFFFFF;
	p2 =	slt.u32 s8, $0xFFFFF086  }
0x1c: {  	p1 =	slt.u32 s9, $0xF7A;
	s5 =	simm.s32 @!p2 $0x0  }
0x1d: {  	s5 =	simm.s32 @p1 $0x1;
	p0 =	seq.s32 s7, s2  }
0x1e: {  	s7 =	smul.u32 @!p0 $0xF7A, s2;
	p2 =	seq.s32 @!p0 s5, $0x0  }
0x1f: {  	s9 =	smul.u32 $0xF7A, s1;
	s8 =	simm.s32 @!p0 $0x1BF5;
	p2 =	por !p2, p0  }
0x20: {  	[sflag:s8] =	ssyncset.s32 @!p0 $0xFFFFF086;
	s6 =	sadd.s32 @!p0 s3, s7;
	s7 =	simm.s32 @!p0 $0x108  }
0x21: {  	s3 =	sadd.s32 s3, s9;
	s6 =	sadd.s32 @!p0 $0x88, s6;
	s7 =	simm.s32 @p2 $0x1082  }
0x22: {  	[simem:s7], [sflag:s8] =	dma.local @!p0 [hbm:s6], $0xF7A  }
0x23: {  	s9 =	sor.u32 $0xD0000000, s2;
	s6 =	simm.s32 $0x108;
	_ =	swait.ge @!p0 [sflag:s8], $0x0  }
0x24: {  	s3 =	sadd.s32 $0x88, s3;
	s6 =	simm.s32 @!p1 $0x1082;
	[sflag:s4] =	ssyncset.s32 $0xFFFFF086  }
0x25: {  	[simem:s6], [sflag:s4] =	dma.local [hbm:s3], $0xF7A  }
0x26: {  	[smem:$0x3F93] =	sst s1;
	(tag) =	ssettag s2;
	_ =	strace s9  }
0x27: {  	s1 =	sld [smem:$0x3FA3]  }
0x28: {  	s2 =	sld [smem:$0x3FA4]  }
0x29: {  	s4 =	sld [smem:$0x3FA6]  }
0x2a: {  	p0 =	seq.s32 s5, $0x0;
	s5 =	sld [smem:$0x3FA7]  }
0x2b: {  	s6 =	sld [smem:$0x3FA8]  }
0x2c: {  	s7 =	sld [smem:$0x3FA9]  }
0x2d: {  	s3 =	simm.s32 $0x108;
	s8 =	sld [smem:$0x3FAA]  }
0x2e: {  	s3 =	simm.s32 @!p0 $0x1082;
	s9 =	sld [smem:$0x3FAB]  }
0x2f: {  	lr =	sadd.s32 s0, s3;
	s0 =	sld [smem:$0x3FA2]  }
0x30: {  	s3 =	sld [smem:$0x3FA5]  }
0x31: {  	[smem:$0x3FAE] =	sst s10  }
0x32: {  	s10 =	sld [smem:$0x3FAC];
	_ =	sdelay $0x3  }
0x33: {  	p0 =	seq.s32 s10, $0x1;
	s10 =	sld [smem:$0x3FAE];
	_ =	sdelay $0x3  }
0x34: {  	[smem:$0x3FAE] =	sst s10  }
0x35: {  	s10 =	sld [smem:$0x3FAD];
	_ =	sdelay $0x3  }
0x36: {  	p1 =	seq.s32 s10, $0x1;
	s10 =	sld [smem:$0x3FAE];
	_ =	sdelay $0x3  }
0x37: {  	[smem:$0x3FAE] =	sst s10  }
0x38: {  	s10 =	sld [smem:$0x3FAF]  }
0x39: {  	_ = 	snop;
	(pc) =	sbr.ind lr, $3  }
0x3a: {  	_ = 	snop  }
0x3b: {  	_ = 	snop  }
0x3c: {  	p2 =	seq.s32 s10, $0x1;
	s10 =	sld [smem:$0x3FAE]  }
0x3d: {  	_ =	shalt  }
0x3e: {  	_ =	shalt  }
0x3f: {  	_ =	shalt  }
0x40: {  	_ =	shalt  }
0x41: {  	_ =	shalt  }
0x42: {  	_ =	shalt  }
0x43: {  	_ =	shalt  }
0x44: {  	_ =	shalt  }
0x45: {  	_ =	shalt  }
0x46: {  	_ =	shalt  }
0x47: {  	_ =	shalt  }
0x48: {  	_ =	shalt  }
0x49: {  	_ =	shalt  }
0x4a: {  	_ =	shalt  }
0x4b: {  	_ =	shalt  }
0x4c: {  	_ =	shalt  }
0x4d: {  	_ =	shalt  }
0x4e: {  	_ =	shalt  }
0x4f: {  	_ =	shalt  }
0x50: {  	_ =	shalt  }
0x51: {  	_ =	shalt  }
0x52: {  	_ =	shalt  }
0x53: {  	_ =	shalt  }
0x54: {  	_ =	shalt  }
0x55: {  	_ =	shalt  }
0x56: {  	_ =	shalt  }
0x57: {  	_ =	shalt  }
0x58: {  	_ =	shalt  }
0x59: {  	_ =	shalt  }
0x5a: {  	_ =	shalt  }
0x5b: {  	_ =	shalt  }
0x5c: {  	_ =	shalt  }
0x5d: {  	_ =	shalt  }
0x5e: {  	_ =	shalt  }
0x5f: {  	_ =	shalt  }
0x60: {  	_ =	shalt  }
0x61: {  	_ =	shalt  }
0x62: {  	_ =	shalt  }
0x63: {  	_ =	shalt  }
0x64: {  	_ =	shalt  }
0x65: {  	_ =	shalt  }
0x66: {  	_ =	shalt  }
0x67: {  	_ =	shalt  }
0x68: {  	_ =	shalt  }
0x69: {  	_ =	shalt  }
0x6a: {  	_ =	shalt  }
0x6b: {  	_ =	shalt  }
0x6c: {  	_ =	shalt  }
0x6d: {  	_ =	shalt  }
0x6e: {  	_ =	shalt  }
0x6f: {  	_ =	shalt  }
0x70: {  	_ =	shalt  }
0x71: {  	_ =	shalt  }
0x72: {  	_ =	shalt  }
0x73: {  	_ =	shalt  }
0x74: {  	_ =	shalt  }
0x75: {  	_ =	shalt  }
0x76: {  	_ =	shalt  }
0x77: {  	_ =	shalt  }
0x78: {  	_ =	shalt  }
0x79: {  	_ =	shalt  }
0x7a: {  	_ =	shalt  }
0x7b: {  	_ =	shalt  }
0x7c: {  	_ =	shalt  }
0x7d: {  	_ =	shalt  }
0x7e: {  	_ =	shalt  }
0x7f: {  	_ =	shalt  }
0x80: {  	_ =	shalt  }
0x81: {  	_ =	shalt  }
0x82: {  	_ =	shalt  }
0x83: {  	_ =	shalt  }
0x84: {  	_ =	shalt  }
0x85: {  	_ =	shalt  }
0x86: {  	_ =	shalt  }
0x87: {  	_ =	shalt  }
.Lfunc_end0:
.L_simem_size_0:
called_computation.1_lowered:
.L_overlay_start_0:
0x88: {  	s0 =	sld [smem:$0x3FD9]  }
0x89: {  	s1 =	sld [smem:$0x3FFE];
	_ =	sdelay $0x3  }
0x8a: {  	s0 =	sadd.s32 s1, s0  }
0x8b: {  	[smem:$0x3FBA] =	sst s0  }
0x8c: {  	_ = 	snop  }
0x8d: {  	s0 =	sld [smem:$0x3FD0];
	(tm) =	ssettm $0x1  }
0x8e: {  	s16 =	sld [smem:$0x3FFB];
	_ =	sdelay $0x3  }
0x8f: {  	_ =	strace s16  }
0x90: {  	s1 =	sld [smem:$0x3FFC];
	_ =	sdelay $0x3  }
0x91: {  	_ =	strace s1  }
0x92: {  	s1 =	sld [smem:$0x3FFD];
	_ =	sdelay $0x3  }
0x93: {  	_ =	strace s1  }
0x94: {  	_ =	strace $0x8FFFFFFF  }
0x95: {  	s17 =	sld [smem:$0x3FDB];
	_ =	sdelay $0x1  }
0x96: {  	s2 =	simm.s32 $_scs_section_size  }
0x97: {  	s3 =	simm.s32 $_size__tile_overlayer_lowered;
	s4 =	simm.s32 $_tile_overlayer_lowered  }
0x98: {  	s20 =	simm.s32 $0x1BFF;
	s19 =	sshll.u32 s4, $0x1;
	s1 =	sadd.s32 s2, s17  }
0x99: {  	s5 =	simm.s32 $0x0;
	s18 =	sshll.u32 s3, $0x1;
	s3 =	sadd.s32 s19, s1  }
0x9a: {  	[timem:s5], [sflag:s20] =	dma.local [hbm:s3], s18  }
0x9b: {  	_ =	swait.ge [sflag:s20], s18  }
0x9c: {  	s2 =	ssub.s32 $0x0, s18;
	[sflag:s20] =	ssyncset.done $0x0  }
0x9d: {  	[sflag:s20] =	ssyncadd.s32 s2;
	_ =	sdelay $0x1  }
0x9e: {  	s21 =	simm.s32 $0x1B8B  }
0x9f: {  	_ =	swait.ge [sflag:s21], $0x1  }
0xa0: {  	[sflag:s21] =	ssyncset.done $0x0  }
0xa1: {  	s23 =	simm.s32 $0x1B8E;
	s22 =	sld [smem:$0x3FFE];
	[sflag:s21] =	ssyncadd.s32 $0xFFFFFFFF  }
0xa2: {  	s24 =	simm.s32 $execute0_lowered;
	[smem:$0x3FD2] =	sst s23  }
0xa3: {  	s3 =	sshll.u32 s24, $0x1;
	_ =	strace $0x80000049;
	[dreg:$0x1] =	wrdreg $0xFFFFFFFF  }
0xa4: {  	s25 =	simm.s32 $_size_execute0_lowered;
	s1 =	sadd.s32 s1, s3;
	[dreg:$0x0] =	wrdreg $0x0  }
0xa5: {  	s3 =	sshll.u32 s25, $0x1;
	[dreg:$0x2] =	wrdreg s1  }
0xa6: {  	[dreg:$0x3] =	wrdreg s3  }
0xa7: {  	[dreg:$0x4] =	wrdreg $0xC0  }
0xa8: {  	_ =	task [dreg:s5], $0x5FFFF  }
0xa9: {  	[dreg:$0x1] =	wrdreg $0xFFFFFFFF  }
0xaa: {  	[dreg:$0x0] =	wrdreg $0x60  }
0xab: {  	[dreg:$0x2] =	wrdreg s22  }
0xac: {  	[dreg:$0x3] =	wrdreg s0  }
0xad: {  	[dreg:$0x4] =	wrdreg $0xA0000  }
0xae: {  	[dreg:$0x5] =	wrdreg $0xA  }
0xaf: {  	_ =	task.clear_ibuf [dreg:s5], $0x6FFFF;
	_ =	strace $0x90000049  }
0xb0: {  	s26 =	simm.s32 $0xA;
	_ =	strace $0x8000004B  }
0xb1: {  	_ =	swait.ge [sflag:s26], $0x1  }
0xb2: {  	[sflag:s26] =	ssyncadd.s32 $0xFFFFFFFF  }
0xb3: {  	_ =	strace $0x9000004B  }
0xb4: {  	_ =	sfence  }
0xb5: {  	s28 =	sld [smem:$0x0];
	_ =	sdelay $0x1  }
0xb6: {  	s29 =	srdreg.scid  }
0xb7: {  	s30 =	sshll.u32 s29, $0xD;
	s31 =	sshrl.u32 s29, $0x2  }
0xb8: {  	s2 =	sand.u32 $0x4000, s30;
	s1 =	sand.u32 $0x1, s29;
	s0 =	sadd.s32 s31, s28  }
0xb9: {  	s1 =	sor.u32 s2, s1;
	s0 =	sshll.u32 s0, $0x11  }
0xba: {  	s0 =	sor.u32 s0, s1  }
0xbb: {  	s0 =	sadd.s32 $0x8F2B, s0  }
0xbc: {  	[sflag:s0] =	ssyncadd.remote.s32 $0x1  }
0xbd: {  	_ =	sfence.sel $0xFFFF  }
0xbe: {  	[dreg:$0x0] =	wrdreg $0xFFFFFFFF;
	(pc) =	sbr.abs _section_cstart, $3  }
0xbf: {  	[dreg:$0x1] =	wrdreg $0xFFFFFFFF  }
0xc0: {  	_ =	task.clear_ibuf [dreg:s5], $0x2FFFF;
	_ =	strace $0x9FFFFFFF  }
0xc1: {  	(tm) =	ssettm $0x7FFFFFFF  }
tec
execute0_lowered:
.L_overlay_start_1:
0x0: {  	(tag) =	ssettag $0x1  }
0x1: {  	s12 =	rddreg [dreg:$0x0]  }
0x2: {  	s10 =	rddreg [dreg:$0x1];
	s1 =	stileid.u32  }
0x3: {  	s3 =	rddreg [dreg:$0x2];
	s2 =	smul.u32 $0x2800, s1  }
0x4: {  	s14 =	simm.s32 $0x0;
	s8 =	simm.s32 $0x1000;
	s13 =	smul.u32 $0x5000, s1  }
0x5: {  	s24 =	simm.s32 $0x6;
	[smem:$0x7FF] =	sst s14;
	s4 =	smul.u32 $0x50000, s1  }
0x6: {  	s11 =	sadd.s32 $0x41000, s12;
	s22 =	sshll.u32 s1, $0x6;
	_ =	strace $0x8000004A  }
0x7: {  	s5 =	sadd.s32 s2, s12;
	s6 =	sshrl.u32 s13, $0x3;
	s4 =	sshrl.u32 s4, $0x2  }
0x8: {  	s7 =	sadd.s32 s10, s6;
	s6 =	sadd.s32 s11, s6;
	s21 =	sadd.s32 s4, s3  }
0x9: {  	[tilespmem:s14], [sflag:$0x5] =	stream.linear.gather [hbm4b:s7+s14], $0x800, $0x38;
	[tilespmem:$0x1E000] =	vst v63  }
0xa: {  	s23 =	sadd.s32 $0x73000, s5;
	s4 =	sor.u32 $0x1C06, s22;
	s5 =	sshrl.u32 s21, $0x3  }
0xb: {  	[tilespmem:s8], [sflag:$0x5] =	stream.linear.gather [hbm4b:s6+s14], $0x800, $0x38;
	[tilespmem:$0x1E000] =	vst v63  }
0xc: {  	[spmem:s5], [sflag:s4] =	dma.local [hbm:s23], $0x2800  }
0xd: {  	_ =	swait.ge [sflag:s24], $0x2800  }
0xe: {  	[sflag:s24] =	ssyncset.done $0x0  }
0xf: {  	s25 =	simm.s32 $0x5;
	[sflag:s24] =	ssyncadd.s32 $0xFFFFD800  }
0x10: {  	s17 =	sand.u32 $0xE, s14;
	_ =	swait.ge [sflag:s25], $0x800  }
0x11: {  	p0 =	sne.s32 s17, $0x0;
	[sflag:s25] =	ssyncset.done $0x0  }
0x12: {  	p1 =	por @!p0 $0x0, $0x0;
	[sflag:s25] =	ssyncadd.s32 $0xFFFFF800  }
0x13: {  	p0 =	por p1, p0;
	_ =	swait.ge [sflag:s25], $0x800  }
0x14: {  	s9 =	simm.s32 $0x2000;
	s15 =	sand.u32 @!p0 $0x7800, s14;
	[sflag:s25] =	ssyncset.done $0x0  }
0x15: {  	s7 =	simm.s32 $0x80;
	s15 =	sadd.s32 @!p0 $0x800, s15;
	[sflag:s25] =	ssyncadd.s32 $0xFFFFF800  }
0x16: {  	s6 =	sadd.s32 $0x5000, s12;
	s16 =	sadd.s32 @!p0 s13, s15;
	[bflag:$0x0] =	sbarrier.arrive $0xFFFF  }
0x17: {  	[tilespmem:s9], [sflag:$0x1] =	stream.indirect.gather [hbm4b:s6+s7], $0x80, s14, s7, $0xb8;
	[tilespmem:$0x1E000] =	vst v63  }
0x18: {  	s20 =	simm.s32 $0x100;
	s8 =	simm.s32 $0x6000;
	s18 =	sshrl.u32 @!p0 s16, $0x3  }
0x19: {  	[tilespmem:s8], [sflag:$0x2] =	stream.indirect.gather [hbm4b:s6+s7], $0x80, s7, s7, $0xb8;
	[tilespmem:$0x1E000] =	vst v63  }
0x1a: {  	s19 =	simm.s32 @!p0 $0x0;
	s15 =	sand.u32 @!p0 $0x800, s15;
	s16 =	sadd.s32 @!p0 s10, s18  }
0x1b: {  	[tilespmem:s15], [sflag:$0x5] =	stream.linear.gather @!p0 [hbm4b:s16+s19], $0x800, $0x38;
	[tilespmem:$0x1E000] =	vst v63  }
0x1c: {  	s18 =	sadd.s32 @!p0 s11, s18;
	s16 =	simm.s32 $0x1;
	s15 =	sor.u32 @!p0 $0x1000, s15  }
0x1d: {  	[tilespmem:s15], [sflag:$0x5] =	stream.linear.gather @!p0 [hbm4b:s18+s19], $0x800, $0x38;
	[tilespmem:$0x1E000] =	vst v63  }
0x1e: {  	s26 =	sand.u32 $0x800, s14;
	s17 =	sshll.u32 s17, $0x7;
	_ =	swait.ge [sflag:s16], $0x4000  }
0x1f: {  	s14 =	sand.u32 $0x1C00, s14;
	s18 =	sor.u32 $0x1000, s26;
	[sflag:s16] =	ssyncset.done $0x0  }
0x20: {  	s15 =	simm.s32 $0x2;
	s17 =	sor.u32 s17, s18;
	[sflag:s16] =	ssyncadd.s32 $0xFFFFC000  }
0x21: {  	[spmem:s3] =	stream.indirect.scatter.add.f32 [tilespmem:s9], [sflag:$0x3], $0x80, s17, s7, $0xb8;
	[tilespmem:$0x1E000] =	vst v63  }
0x22: {  	s22 =	simm.s32 $0x200;
	s14 =	sshrl.u32 s14, $0x2;
	_ =	swait.ge [sflag:s15], $0x4000  }
0x23: {  	s14 =	sor.u32 s14, s18;
	s18 =	simm.s32 $0x2;
	[sflag:s15] =	ssyncset.done $0x0  }
0x24: {  	s14 =	sor.u32 $0x80, s14;
	s17 =	simm.s32 $0x3;
	[sflag:s15] =	ssyncadd.s32 $0xFFFFC000  }
0x25: {  	[spmem:s3] =	stream.indirect.scatter.add.f32 [tilespmem:s8], [sflag:$0x4], $0x80, s14, s7, $0xb8;
	[tilespmem:$0x1E000] =	vst v63  }
0x26: {  	s21 =	simm.s32 $0x600;
	s31 =	sand.u32 $0xE, s18;
	_ =	swait.ge [sflag:s17], $0x4000  }
0x27: {  	s12 =	sadd.s32 $0x9B000, s12;
	p2 =	sne.s32 s31, $0x0;
	[sflag:s17] =	ssyncset.done $0x0  }
0x28: {  	s23 =	simm.s32 $0x1;
	s29 =	simm.s32 @!p2 $0x5;
	[sflag:s17] =	ssyncadd.s32 $0xFFFFC000  }
0x29: {  	s24 =	simm.s32 $0xA00;
	p0 =	por @!p2 $0x0, $0x0;
	_ =	swait.ge @!p2 [sflag:s29], $0x800  }
0x2a: {  	s26 =	sshll.u32 s31, $0x7;
	p0 =	por p0, p2;
	[sflag:s29] =	ssyncset.done @!p2 $0x0  }
0x2b: {  	s25 =	sshll.u32 s31, $0x7;
	s19 =	sand.u32 @!p0 $0x7800, s20;
	[sflag:s29] =	ssyncadd.s32 @!p2 $0xFFFFF800  }
0x2c: {  	s28 =	sadd.s32 @!p0 $0x800, s19;
	s19 =	simm.s32 $0x400;
	_ =	swait.ge @!p2 [sflag:s29], $0x800  }
0x2d: {  	s14 =	simm.s32 $0x4;
	s30 =	sand.u32 $0x2000, s19;
	[sflag:s29] =	ssyncset.done @!p2 $0x0  }
.LBB2_1:
0x2e: {  	s31 =	sadd.s32 @!p0 s13, s28  }
0x2f: {  	s30 =	sshrl.u32 s30, $0x2;
	s0 =	smov.u32 s22;
	s22 =	sadd.s32 $0x100, s22  }
0x30: {  	s31 =	sshrl.u32 @!p0 s31, $0x3;
	[sflag:s29] =	ssyncadd.s32 @!p2 $0xFFFFF800;
	s25 =	sor.u32 s25, s30  }
0x31: {  	[tilespmem:s9], [sflag:$0x1] =	stream.indirect.gather [hbm4b:s6+s7], $0x80, s25, s7, $0xb8;
	[tilespmem:$0x1E000] =	vst v63  }
0x32: {  	s25 =	sadd.s32 @!p0 s10, s31;
	s29 =	sadd.s32 @!p0 s11, s31;
	_ =	swait.ge [sflag:s14], $0x4000  }
0x33: {  	s21 =	sand.u32 $0x3E00, s21;
	p1 =	sne.s32 s22, $0x4F00;
	[sflag:s14] =	ssyncset.done $0x0  }
0x34: {  	s30 =	sshrl.u32 s21, $0x2;
	s21 =	smov.u32 s24;
	[sflag:s14] =	ssyncadd.s32 $0xFFFFC000  }
0x35: {  	[tilespmem:s8], [sflag:$0x2] =	stream.indirect.gather [hbm4b:s6+s7], $0x80, s30, s7, $0xb8;
	[tilespmem:$0x1E000] =	vst v63  }
0x36: {  	s24 =	sand.u32 @!p0 $0x800, s28;
	s28 =	simm.s32 @!p0 $0x0  }
0x37: {  	[tilespmem:s24], [sflag:$0x5] =	stream.linear.gather @!p0 [hbm4b:s25+s28], $0x800, $0x38;
	[tilespmem:$0x1E000] =	vst v63  }
0x38: {  	s24 =	sor.u32 @!p0 $0x1000, s24  }
0x39: {  	[tilespmem:s24], [sflag:$0x5] =	stream.linear.gather @!p0 [hbm4b:s29+s28], $0x800, $0x38;
	[tilespmem:$0x1E000] =	vst v63  }
0x3a: {  	s24 =	sand.u32 $0x800, s20;
	s20 =	smov.u32 s0;
	_ =	swait.ge [sflag:s16], $0x4000  }
0x3b: {  	s0 =	sor.u32 $0x1000, s24;
	[sflag:s16] =	ssyncset.done $0x0  }
0x3c: {  	s25 =	sand.u32 $0x1C00, s19;
	s24 =	sor.u32 s26, s0;
	[sflag:s16] =	ssyncadd.s32 $0xFFFFC000  }
0x3d: {  	[spmem:s3] =	stream.indirect.scatter.add.f32 [tilespmem:s9], [sflag:$0x3], $0x80, s24, s7, $0xb8;
	[tilespmem:$0x1E000] =	vst v63  }
0x3e: {  	s24 =	sshrl.u32 s25, $0x2;
	_ =	swait.ge [sflag:s15], $0x4000  }
0x3f: {  	s0 =	sor.u32 s24, s0;
	[sflag:s15] =	ssyncset.done $0x0  }
0x40: {  	s18 =	sadd.s32 $0x2, s18;
	s0 =	sor.u32 $0x80, s0;
	[sflag:s15] =	ssyncadd.s32 $0xFFFFC000  }
0x41: {  	[spmem:s3] =	stream.indirect.scatter.add.f32 [tilespmem:s8], [sflag:$0x4], $0x80, s0, s7, $0xb8;
	[tilespmem:$0x1E000] =	vst v63  }
0x42: {  	s0 =	sand.u32 $0xE, s18;
	_ =	swait.ge [sflag:s17], $0x4000  }
0x43: {  	s23 =	sadd.s32 $0x1, s23;
	p2 =	sne.s32 s0, $0x0;
	[sflag:s17] =	ssyncset.done $0x0  }
0x44: {  	s29 =	simm.s32 @!p2 $0x5;
	[sflag:s17] =	ssyncadd.s32 $0xFFFFC000  }
.Ltmp0:
0x45: {  	s25 =	sshll.u32 s0, $0x7;
	_ =	swait.ge @!p2 [sflag:s29], $0x800;
	(pc) =	sbr.rel @p1 .LBB2_1-.Ltmp0, $4  }
0x46: {  	s19 =	sadd.s32 $0x400, s19;
	p0 =	sgt.u32 @!p2 s23, $0x47;
	[sflag:s29] =	ssyncset.done @!p2 $0x0  }
0x47: {  	s30 =	sand.u32 $0x2000, s19;
	p0 =	por p0, p2;
	[sflag:s29] =	ssyncadd.s32 @!p2 $0xFFFFF800  }
0x48: {  	s24 =	sadd.s32 $0x600, s19;
	s0 =	sand.u32 @!p0 $0x7800, s20;
	_ =	swait.ge @!p2 [sflag:s29], $0x800  }
0x49: {  	s26 =	smov.u32 s25;
	s28 =	sadd.s32 @!p0 $0x800, s0;
	[sflag:s29] =	ssyncset.done @!p2 $0x0  }
0x4a: {  	s0 =	sshrl.u32 s30, $0x2  }
0x4b: {  	[sflag:s29] =	ssyncadd.s32 @!p2 $0xFFFFF800;
	s0 =	sor.u32 s25, s0  }
0x4c: {  	[tilespmem:s9], [sflag:$0x1] =	stream.indirect.gather [hbm4b:s6+s7], $0x80, s0, s7, $0xb8;
	[tilespmem:$0x1E000] =	vst v63  }
0x4d: {  	_ =	swait.ge [sflag:s14], $0x4000  }
0x4e: {  	s31 =	sand.u32 $0x3E00, s21;
	s0 =	sadd.s32 @!p0 s13, s28;
	[sflag:s14] =	ssyncset.done $0x0  }
0x4f: {  	s13 =	sshrl.u32 s31, $0x2;
	s0 =	sshrl.u32 @!p0 s0, $0x3;
	[sflag:s14] =	ssyncadd.s32 $0xFFFFC000  }
0x50: {  	[tilespmem:s8], [sflag:$0x2] =	stream.indirect.gather [hbm4b:s6+s7], $0x80, s13, s7, $0xb8;
	[tilespmem:$0x1E000] =	vst v63  }
0x51: {  	s21 =	simm.s32 @!p0 $0x0;
	s10 =	sadd.s32 @!p0 s10, s0;
	s13 =	sand.u32 @!p0 $0x800, s28  }
0x52: {  	[tilespmem:s13], [sflag:$0x5] =	stream.linear.gather @!p0 [hbm4b:s10+s21], $0x800, $0x38;
	[tilespmem:$0x1E000] =	vst v63  }
0x53: {  	s0 =	sadd.s32 @!p0 s11, s0;
	s10 =	sor.u32 @!p0 $0x1000, s13  }
0x54: {  	[tilespmem:s10], [sflag:$0x5] =	stream.linear.gather @!p0 [hbm4b:s0+s21], $0x800, $0x38;
	[tilespmem:$0x1E000] =	vst v63  }
0x55: {  	s10 =	sand.u32 $0x800, s20;
	_ =	swait.ge [sflag:s16], $0x4000  }
0x56: {  	s0 =	sor.u32 $0x1000, s10;
	[sflag:s16] =	ssyncset.done $0x0  }
0x57: {  	s13 =	sand.u32 $0x1C00, s19;
	s11 =	sor.u32 s25, s0;
	[sflag:s16] =	ssyncadd.s32 $0xFFFFC000  }
0x58: {  	[spmem:s3] =	stream.indirect.scatter.add.f32 [tilespmem:s9], [sflag:$0x3], $0x80, s11, s7, $0xb8;
	[tilespmem:$0x1E000] =	vst v63  }
0x59: {  	s10 =	sshrl.u32 s13, $0x2;
	_ =	swait.ge [sflag:s15], $0x4000  }
0x5a: {  	s0 =	sor.u32 s10, s0;
	[sflag:s15] =	ssyncset.done $0x0  }
0x5b: {  	s0 =	sor.u32 $0x80, s0;
	s16 =	sadd.s32 $0x2, s18;
	[sflag:s15] =	ssyncadd.s32 $0xFFFFC000  }
0x5c: {  	[spmem:s3] =	stream.indirect.scatter.add.f32 [tilespmem:s8], [sflag:$0x4], $0x80, s0, s7, $0xb8;
	[tilespmem:$0x1E000] =	vst v63  }
0x5d: {  	s0 =	sand.u32 $0xE, s16;
	_ =	swait.ge [sflag:s17], $0x4000  }
0x5e: {  	p0 =	sne.s32 s0, $0x0;
	[sflag:s17] =	ssyncset.done $0x0  }
0x5f: {  	s10 =	simm.s32 @!p0 $0x5;
	[sflag:s17] =	ssyncadd.s32 $0xFFFFC000  }
0x60: {  	_ =	swait.ge @!p0 [sflag:s10], $0x800  }
0x61: {  	[sflag:s10] =	ssyncset.done @!p0 $0x0  }
0x62: {  	s18 =	sadd.s32 $0x400, s19;
	[sflag:s10] =	ssyncadd.s32 @!p0 $0xFFFFF800  }
0x63: {  	s11 =	sand.u32 $0x2000, s18;
	_ =	swait.ge @!p0 [sflag:s10], $0x800  }
0x64: {  	s11 =	sshrl.u32 s11, $0x2;
	s0 =	sshll.u32 s0, $0x7;
	[sflag:s10] =	ssyncset.done @!p0 $0x0  }
0x65: {  	s0 =	sor.u32 s0, s11;
	[sflag:s10] =	ssyncadd.s32 @!p0 $0xFFFFF800  }
0x66: {  	[tilespmem:s9], [sflag:$0x1] =	stream.indirect.gather [hbm4b:s6+s7], $0x80, s0, s7, $0xb8;
	[tilespmem:$0x1E000] =	vst v63  }
0x67: {  	_ =	swait.ge [sflag:s14], $0x4000  }
0x68: {  	s19 =	sand.u32 $0x3E00, s24;
	[sflag:s14] =	ssyncset.done $0x0  }
0x69: {  	s20 =	simm.s32 $0x1;
	s0 =	sshrl.u32 s19, $0x2;
	[sflag:s14] =	ssyncadd.s32 $0xFFFFC000  }
0x6a: {  	[tilespmem:s8], [sflag:$0x2] =	stream.indirect.gather [hbm4b:s6+s7], $0x80, s0, s7, $0xb8;
	[tilespmem:$0x1E000] =	vst v63  }
0x6b: {  	_ =	swait.ge [sflag:s20], $0x4000  }
0x6c: {  	s22 =	simm.s32 $0x1F00;
	s23 =	simm.s32 $0x2000;
	[sflag:s20] =	ssyncset.done $0x0  }
0x6d: {  	s21 =	simm.s32 $0x80;
	s24 =	simm.s32 $0x2;
	[sflag:s20] =	ssyncadd.s32 $0xFFFFC000  }
0x6e: {  	[spmem:s3] =	stream.indirect.scatter.add.f32 [tilespmem:s23], [sflag:$0x3], $0x80, s22, s21, $0xb8;
	[tilespmem:$0x1E000] =	vst v63  }
0x6f: {  	_ =	swait.ge [sflag:s24], $0x4000  }
0x70: {  	s26 =	simm.s32 $0x6000;
	[sflag:s24] =	ssyncset.done $0x0  }
0x71: {  	s28 =	simm.s32 $0x3;
	s25 =	simm.s32 $0x1F80;
	[sflag:s24] =	ssyncadd.s32 $0xFFFFC000  }
0x72: {  	[spmem:s3] =	stream.indirect.scatter.add.f32 [tilespmem:s26], [sflag:$0x4], $0x80, s25, s21, $0xb8;
	[tilespmem:$0x1E000] =	vst v63  }
0x73: {  	_ =	swait.ge [sflag:s28], $0x4000  }
0x74: {  	[sflag:s28] =	ssyncset.done $0x0  }
0x75: {  	s29 =	simm.s32 $0x4;
	[sflag:s28] =	ssyncadd.s32 $0xFFFFC000  }
0x76: {  	_ =	swait.ge [sflag:s29], $0x4000  }
0x77: {  	[sflag:s29] =	ssyncset.done $0x0  }
0x78: {  	[sflag:s29] =	ssyncadd.s32 $0xFFFFC000  }
0x79: {  	s30 =	sadd.s32 s12, s2;
	s31 =	simm.s32 $0x6;
	[bflag:$0x0] =	sbarrier.arrive $0xFFFF  }
0x7a: {  	[hbm:s30], [sflag:s4] =	dma.local [spmem:s5], $0x2800  }
0x7b: {  	_ =	swait.ge [sflag:s31], $0x2800  }
0x7c: {  	[sflag:s31] =	ssyncset.done $0x0  }
0x7d: {  	[sflag:s31] =	ssyncadd.s32 $0xFFFFD800  }
0x7e: {  	_ =	sfence.sel $0x180000  }
0x7f: {  	[bflag:$0x0] =	sbarrier.arrive $0xFFFF  }
0x80: {  	_ =	strace $0x9000004A  }
0x81: {  	[bflag:$0x2] =	sbarrier.arrive $0xFFFF  }
0x82: {  	p0 =	sne.s32 s1, $0x0;
	s0 =	rddreg [dreg:$0x3]  }
0x83: {  	s0 =	sadd.s32 @!p0 $0x100000, s0  }
0x84: {  	[sflag:s0] =	ssyncadd.tile.s32 @!p0 $0x1;
	_ =	shalt  }
.Lfunc_end2:
_tile_overlayer_lowered:
.L_overlay_start_2:
0x85: {  	(tag) =	ssettag $0x2  }
0x86: {  	s0 =	rddreg [dreg:$0x0];
	s2 =	stileid.u32  }
0x87: {  	s1 =	rddreg [dreg:$0x1];
	p0 =	sne.s32 s2, $0x0  }
0x88: {  	s3 =	rddreg [dreg:$0x2];
	[bflag:$0x3] =	sbarrier.arrive $0xFFFF;
	s2 =	simm.s32 @!p0 $0x1C06  }
0x89: {  	[timem:s3], [sflag:s2] =	dma.local @!p0 [hbm:s0], s1  }
0x8a: {  	s0 =	simm.s32 @!p0 $0x6  }
0x8b: {  	_ =	swait.ge @!p0 [sflag:s0], s1  }
0x8c: {  	s1 =	ssub.s32 @!p0 $0x0, s1;
	[sflag:s0] =	ssyncset.done @!p0 $0x0  }
0x8d: {  	[sflag:s0] =	ssyncadd.s32 @!p0 s1  }
0x8e: {  	[bflag:$0x3] =	sbarrier.arrive $0xFFFF  }
0x8f: {  	_ =	shalt  }

// kernel: kernel.18.cloned.1.call-start
scs
__scs_entry_jumppad:
0x0: {  	(pc) =	sbr.rel $0x88, $3  }
0x1: {  	(tag) =	ssettag $0x0;
	lr =	simm.s32 $0x1  }
0x2: {  	[smem:$0x3F93] =	sst lr;
	_ =	strace $0xD0000000  }
0x3: {  	_ = 	snop  }
0x4: {  	_ = 	snop  }
0x5: {  	_ = 	snop  }
0x6: {  	_ = 	snop  }
0x7: {  	_ = 	snop  }
__scs_overlays_trampoline_lowered:
0x8: {  	[smem:$0x3FA2] =	sst s0  }
0x9: {  	[smem:$0x3FA3] =	sst s1  }
0xa: {  	[smem:$0x3FA4] =	sst s2  }
0xb: {  	[smem:$0x3FA5] =	sst s3  }
0xc: {  	[smem:$0x3FA6] =	sst s4  }
0xd: {  	[smem:$0x3FA7] =	sst s5  }
0xe: {  	[smem:$0x3FA8] =	sst s6  }
0xf: {  	[smem:$0x3FA9] =	sst s7  }
0x10: {  	[smem:$0x3FAA] =	sst s8  }
0x11: {  	[smem:$0x3FAB] =	sst s9;
	s0 =	simm.s32 @!p0 $0x0  }
0x12: {  	s1 =	sld [smem:$0x3F91];
	s0 =	simm.s32 @p0 $0x1  }
0x13: {  	[smem:$0x3FAC] =	sst s0;
	s0 =	simm.s32 @!p1 $0x0  }
0x14: {  	s2 =	sld [smem:$0x3F90];
	s0 =	simm.s32 @p1 $0x1  }
0x15: {  	[smem:$0x3FAD] =	sst s0;
	s0 =	simm.s32 @!p2 $0x0  }
0x16: {  	s3 =	sld [smem:$0x3FDB];
	s0 =	simm.s32 @p2 $0x1  }
0x17: {  	s4 =	simm.s32 $0x1BF5;
	[smem:$0x3FAF] =	sst s0  }
0x18: {  	s0 =	sld [smem:$0x3F92];
	_ =	swait.ge [sflag:s4], $0x0  }
0x19: {  	s7 =	sld [smem:$0x3F93]  }
0x1a: {  	s8 =	sadd.s32 $0xFFFFE003, lr  }
0x1b: {  	s9 =	sadd.s32 $0xFFFFFEF7, lr;
	s5 =	simm.s32 $0xFFFFFFFF;
	p2 =	slt.u32 s8, $0xFFFFF086  }
0x1c: {  	p1 =	slt.u32 s9, $0xF7A;
	s5 =	simm.s32 @!p2 $0x0  }
0x1d: {  	s5 =	simm.s32 @p1 $0x1;
	p0 =	seq.s32 s7, s2  }
0x1e: {  	s7 =	smul.u32 @!p0 $0xF7A, s2;
	p2 =	seq.s32 @!p0 s5, $0x0  }
0x1f: {  	s9 =	smul.u32 $0xF7A, s1;
	s8 =	simm.s32 @!p0 $0x1BF5;
	p2 =	por !p2, p0  }
0x20: {  	[sflag:s8] =	ssyncset.s32 @!p0 $0xFFFFF086;
	s6 =	sadd.s32 @!p0 s3, s7;
	s7 =	simm.s32 @!p0 $0x108  }
0x21: {  	s3 =	sadd.s32 s3, s9;
	s6 =	sadd.s32 @!p0 $0x88, s6;
	s7 =	simm.s32 @p2 $0x1082  }
0x22: {  	[simem:s7], [sflag:s8] =	dma.local @!p0 [hbm:s6], $0xF7A  }
0x23: {  	s9 =	sor.u32 $0xD0000000, s2;
	s6 =	simm.s32 $0x108;
	_ =	swait.ge @!p0 [sflag:s8], $0x0  }
0x24: {  	s3 =	sadd.s32 $0x88, s3;
	s6 =	simm.s32 @!p1 $0x1082;
	[sflag:s4] =	ssyncset.s32 $0xFFFFF086  }
0x25: {  	[simem:s6], [sflag:s4] =	dma.local [hbm:s3], $0xF7A  }
0x26: {  	[smem:$0x3F93] =	sst s1;
	(tag) =	ssettag s2;
	_ =	strace s9  }
0x27: {  	s1 =	sld [smem:$0x3FA3]  }
0x28: {  	s2 =	sld [smem:$0x3FA4]  }
0x29: {  	s4 =	sld [smem:$0x3FA6]  }
0x2a: {  	p0 =	seq.s32 s5, $0x0;
	s5 =	sld [smem:$0x3FA7]  }
0x2b: {  	s6 =	sld [smem:$0x3FA8]  }
0x2c: {  	s7 =	sld [smem:$0x3FA9]  }
0x2d: {  	s3 =	simm.s32 $0x108;
	s8 =	sld [smem:$0x3FAA]  }
0x2e: {  	s3 =	simm.s32 @!p0 $0x1082;
	s9 =	sld [smem:$0x3FAB]  }
0x2f: {  	lr =	sadd.s32 s0, s3;
	s0 =	sld [smem:$0x3FA2]  }
0x30: {  	s3 =	sld [smem:$0x3FA5]  }
0x31: {  	[smem:$0x3FAE] =	sst s10  }
0x32: {  	s10 =	sld [smem:$0x3FAC];
	_ =	sdelay $0x3  }
0x33: {  	p0 =	seq.s32 s10, $0x1;
	s10 =	sld [smem:$0x3FAE];
	_ =	sdelay $0x3  }
0x34: {  	[smem:$0x3FAE] =	sst s10  }
0x35: {  	s10 =	sld [smem:$0x3FAD];
	_ =	sdelay $0x3  }
0x36: {  	p1 =	seq.s32 s10, $0x1;
	s10 =	sld [smem:$0x3FAE];
	_ =	sdelay $0x3  }
0x37: {  	[smem:$0x3FAE] =	sst s10  }
0x38: {  	s10 =	sld [smem:$0x3FAF]  }
0x39: {  	_ = 	snop;
	(pc) =	sbr.ind lr, $3  }
0x3a: {  	_ = 	snop  }
0x3b: {  	_ = 	snop  }
0x3c: {  	p2 =	seq.s32 s10, $0x1;
	s10 =	sld [smem:$0x3FAE]  }
0x3d: {  	_ =	shalt  }
0x3e: {  	_ =	shalt  }
0x3f: {  	_ =	shalt  }
0x40: {  	_ =	shalt  }
0x41: {  	_ =	shalt  }
0x42: {  	_ =	shalt  }
0x43: {  	_ =	shalt  }
0x44: {  	_ =	shalt  }
0x45: {  	_ =	shalt  }
0x46: {  	_ =	shalt  }
0x47: {  	_ =	shalt  }
0x48: {  	_ =	shalt  }
0x49: {  	_ =	shalt  }
0x4a: {  	_ =	shalt  }
0x4b: {  	_ =	shalt  }
0x4c: {  	_ =	shalt  }
0x4d: {  	_ =	shalt  }
0x4e: {  	_ =	shalt  }
0x4f: {  	_ =	shalt  }
0x50: {  	_ =	shalt  }
0x51: {  	_ =	shalt  }
0x52: {  	_ =	shalt  }
0x53: {  	_ =	shalt  }
0x54: {  	_ =	shalt  }
0x55: {  	_ =	shalt  }
0x56: {  	_ =	shalt  }
0x57: {  	_ =	shalt  }
0x58: {  	_ =	shalt  }
0x59: {  	_ =	shalt  }
0x5a: {  	_ =	shalt  }
0x5b: {  	_ =	shalt  }
0x5c: {  	_ =	shalt  }
0x5d: {  	_ =	shalt  }
0x5e: {  	_ =	shalt  }
0x5f: {  	_ =	shalt  }
0x60: {  	_ =	shalt  }
0x61: {  	_ =	shalt  }
0x62: {  	_ =	shalt  }
0x63: {  	_ =	shalt  }
0x64: {  	_ =	shalt  }
0x65: {  	_ =	shalt  }
0x66: {  	_ =	shalt  }
0x67: {  	_ =	shalt  }
0x68: {  	_ =	shalt  }
0x69: {  	_ =	shalt  }
0x6a: {  	_ =	shalt  }
0x6b: {  	_ =	shalt  }
0x6c: {  	_ =	shalt  }
0x6d: {  	_ =	shalt  }
0x6e: {  	_ =	shalt  }
0x6f: {  	_ =	shalt  }
0x70: {  	_ =	shalt  }
0x71: {  	_ =	shalt  }
0x72: {  	_ =	shalt  }
0x73: {  	_ =	shalt  }
0x74: {  	_ =	shalt  }
0x75: {  	_ =	shalt  }
0x76: {  	_ =	shalt  }
0x77: {  	_ =	shalt  }
0x78: {  	_ =	shalt  }
0x79: {  	_ =	shalt  }
0x7a: {  	_ =	shalt  }
0x7b: {  	_ =	shalt  }
0x7c: {  	_ =	shalt  }
0x7d: {  	_ =	shalt  }
0x7e: {  	_ =	shalt  }
0x7f: {  	_ =	shalt  }
0x80: {  	_ =	shalt  }
0x81: {  	_ =	shalt  }
0x82: {  	_ =	shalt  }
0x83: {  	_ =	shalt  }
0x84: {  	_ =	shalt  }
0x85: {  	_ =	shalt  }
0x86: {  	_ =	shalt  }
0x87: {  	_ =	shalt  }
.Lfunc_end0:
.L_simem_size_0:
called_computation.2_lowered:
.L_overlay_start_0:
0x88: {  	s0 =	sld [smem:$0x3FD9]  }
0x89: {  	s1 =	sld [smem:$0x3FFE];
	_ =	sdelay $0x3  }
0x8a: {  	s0 =	sadd.s32 s1, s0  }
0x8b: {  	[smem:$0x3FBA] =	sst s0  }
0x8c: {  	_ = 	snop  }
0x8d: {  	(tm) =	ssettm $0x1  }
0x8e: {  	s15 =	sld [smem:$0x3FFB];
	_ =	sdelay $0x3  }
0x8f: {  	_ =	strace s15  }
0x90: {  	s0 =	sld [smem:$0x3FFC];
	_ =	sdelay $0x3  }
0x91: {  	_ =	strace s0  }
0x92: {  	s0 =	sld [smem:$0x3FFD];
	_ =	sdelay $0x3  }
0x93: {  	_ =	strace s0  }
0x94: {  	_ =	strace $0x8FFFFFFF  }
0x95: {  	s16 =	sld [smem:$0x3FDB];
	_ =	sdelay $0x1  }
0x96: {  	s17 =	simm.s32 $_scs_section_size  }
0x97: {  	s2 =	simm.s32 $_size__tile_overlayer_lowered;
	s3 =	simm.s32 $_tile_overlayer_lowered  }
0x98: {  	s20 =	simm.s32 $0x1BFF;
	s19 =	sshll.u32 s3, $0x1;
	s0 =	sadd.s32 s17, s16  }
0x99: {  	s4 =	simm.s32 $0x0;
	s18 =	sshll.u32 s2, $0x1;
	s2 =	sadd.s32 s19, s0  }
0x9a: {  	[timem:s4], [sflag:s20] =	dma.local [hbm:s2], s18  }
0x9b: {  	_ =	swait.ge [sflag:s20], s18  }
0x9c: {  	s1 =	ssub.s32 $0x0, s18;
	[sflag:s20] =	ssyncset.done $0x0  }
0x9d: {  	[sflag:s20] =	ssyncadd.s32 s1;
	_ =	sdelay $0x1  }
0x9e: {  	s21 =	simm.s32 $0x1B8B  }
0x9f: {  	_ =	swait.ge [sflag:s21], $0x1  }
0xa0: {  	[sflag:s21] =	ssyncset.done $0x0  }
0xa1: {  	s23 =	simm.s32 $0x1B8E;
	s22 =	sld [smem:$0x3FFE];
	[sflag:s21] =	ssyncadd.s32 $0xFFFFFFFF  }
0xa2: {  	s24 =	simm.s32 $execute0_lowered;
	[smem:$0x3FD2] =	sst s23  }
0xa3: {  	s2 =	sshll.u32 s24, $0x1;
	_ =	strace $0x8000004C;
	[dreg:$0x1] =	wrdreg $0xFFFFFFFF  }
0xa4: {  	s25 =	simm.s32 $_size_execute0_lowered;
	s0 =	sadd.s32 s0, s2;
	[dreg:$0x0] =	wrdreg $0x0  }
0xa5: {  	s2 =	sshll.u32 s25, $0x1;
	[dreg:$0x2] =	wrdreg s0  }
0xa6: {  	[dreg:$0x3] =	wrdreg s2  }
0xa7: {  	[dreg:$0x4] =	wrdreg $0xC0  }
0xa8: {  	_ =	task [dreg:s4], $0x5FFFF  }
0xa9: {  	[dreg:$0x1] =	wrdreg $0xFFFFFFFF  }
0xaa: {  	[dreg:$0x0] =	wrdreg $0x60  }
0xab: {  	[dreg:$0x2] =	wrdreg s22  }
0xac: {  	[dreg:$0x3] =	wrdreg $0xA0000  }
0xad: {  	[dreg:$0x4] =	wrdreg $0x9  }
0xae: {  	_ =	task.clear_ibuf [dreg:s4], $0x5FFFF;
	_ =	strace $0x9000004C  }
0xaf: {  	s26 =	simm.s32 $0x9;
	_ =	strace $0x8000004E  }
0xb0: {  	_ =	swait.ge [sflag:s26], $0x1  }
0xb1: {  	[sflag:s26] =	ssyncadd.s32 $0xFFFFFFFF  }
0xb2: {  	_ =	strace $0x9000004E  }
0xb3: {  	_ =	sfence  }
0xb4: {  	s28 =	sld [smem:$0x0];
	_ =	sdelay $0x1  }
0xb5: {  	s29 =	srdreg.scid  }
0xb6: {  	s30 =	sshll.u32 s29, $0xD;
	s31 =	sshrl.u32 s29, $0x2  }
0xb7: {  	s1 =	sand.u32 $0x1, s29;
	s2 =	sand.u32 $0x4000, s30;
	s0 =	sadd.s32 s31, s28  }
0xb8: {  	s1 =	sor.u32 s2, s1;
	s0 =	sshll.u32 s0, $0x11  }
0xb9: {  	s0 =	sor.u32 s0, s1  }
0xba: {  	s0 =	sadd.s32 $0x8F2B, s0  }
0xbb: {  	[sflag:s0] =	ssyncadd.remote.s32 $0x1  }
0xbc: {  	_ =	sfence.sel $0xFFFF  }
0xbd: {  	[dreg:$0x0] =	wrdreg $0xFFFFFFFF;
	(pc) =	sbr.abs _section_cstart, $3  }
0xbe: {  	[dreg:$0x1] =	wrdreg $0xFFFFFFFF  }
0xbf: {  	_ =	task.clear_ibuf [dreg:s4], $0x2FFFF;
	_ =	strace $0x9FFFFFFF  }
0xc0: {  	(tm) =	ssettm $0x7FFFFFFF  }
0xc1: {  	_ =	shalt  }
tec
execute0_lowered:
.L_overlay_start_1:
0x0: {  	(tag) =	ssettag $0x1  }
0x1: {  	s12 =	rddreg [dreg:$0x0]  }
0x2: {  	s2 =	rddreg [dreg:$0x1]  }
0x3: {  	s1 =	stileid.u32;
	s14 =	simm.s32 $0x0;
	s8 =	simm.s32 $0x1000  }
0x4: {  	s24 =	simm.s32 $0x6;
	s13 =	smul.u32 $0x5000, s1;
	[smem:$0x7FF] =	sst s14  }
0x5: {  	s3 =	smul.u32 $0x50000, s1;
	s6 =	sadd.s32 $0x5000, s12;
	s11 =	sadd.s32 $0x2D000, s12  }
0x6: {  	s10 =	sadd.s32 $0x37000, s12;
	s22 =	sshll.u32 s1, $0x6;
	s4 =	sshrl.u32 s13, $0x3  }
0x7: {  	_ =	strace $0x8000004D;
	s3 =	sshrl.u32 s3, $0x2;
	s5 =	sadd.s32 s11, s4  }
0x8: {  	[tilespmem:s14], [sflag:$0x5] =	stream.linear.gather [hbm4b:s5+s14], $0x800, $0x38;
	[tilespmem:$0x1E000] =	vst v63  }
0x9: {  	s4 =	sadd.s32 s10, s4;
	s7 =	sadd.s32 s3, s2;
	s3 =	smul.u32 $0x2800, s1  }
0xa: {  	[tilespmem:s8], [sflag:$0x5] =	stream.linear.gather [hbm4b:s4+s14], $0x800, $0x38;
	[tilespmem:$0x1E000] =	vst v63  }
0xb: {  	s5 =	sshrl.u32 s7, $0x3;
	s23 =	sadd.s32 s6, s3;
	s4 =	sor.u32 $0x1C06, s22  }
0xc: {  	[spmem:s5], [sflag:s4] =	dma.local [hbm:s23], $0x2800  }
0xd: {  	_ =	swait.ge [sflag:s24], $0x2800  }
0xe: {  	[sflag:s24] =	ssyncset.done $0x0  }
0xf: {  	s25 =	simm.s32 $0x5;
	[sflag:s24] =	ssyncadd.s32 $0xFFFFD800  }
0x10: {  	s17 =	sand.u32 $0xE, s14;
	_ =	swait.ge [sflag:s25], $0x800  }
0x11: {  	p0 =	sne.s32 s17, $0x0;
	[sflag:s25] =	ssyncset.done $0x0  }
0x12: {  	p1 =	por @!p0 $0x0, $0x0;
	[sflag:s25] =	ssyncadd.s32 $0xFFFFF800  }
0x13: {  	p0 =	por p1, p0;
	_ =	swait.ge [sflag:s25], $0x800  }
0x14: {  	s15 =	sand.u32 @!p0 $0x7800, s14;
	[sflag:s25] =	ssyncset.done $0x0  }
0x15: {  	s9 =	simm.s32 $0x2000;
	s15 =	sadd.s32 @!p0 $0x800, s15;
	[sflag:s25] =	ssyncadd.s32 $0xFFFFF800  }
0x16: {  	s7 =	simm.s32 $0x80;
	s16 =	sadd.s32 @!p0 s13, s15;
	[bflag:$0x0] =	sbarrier.arrive $0xFFFF  }
0x17: {  	[tilespmem:s9], [sflag:$0x1] =	stream.indirect.gather [hbm4b:s6+s7], $0x80, s14, s7, $0xb8;
	[tilespmem:$0x1E000] =	vst v63  }
0x18: {  	s20 =	simm.s32 $0x100;
	s8 =	simm.s32 $0x6000;
	s18 =	sshrl.u32 @!p0 s16, $0x3  }
0x19: {  	[tilespmem:s8], [sflag:$0x2] =	stream.indirect.gather [hbm4b:s6+s7], $0x80, s7, s7, $0xb8;
	[tilespmem:$0x1E000] =	vst v63  }
0x1a: {  	s19 =	simm.s32 @!p0 $0x0;
	s15 =	sand.u32 @!p0 $0x800, s15;
	s16 =	sadd.s32 @!p0 s11, s18  }
0x1b: {  	[tilespmem:s15], [sflag:$0x5] =	stream.linear.gather @!p0 [hbm4b:s16+s19], $0x800, $0x38;
	[tilespmem:$0x1E000] =	vst v63  }
0x1c: {  	s18 =	sadd.s32 @!p0 s10, s18;
	s16 =	simm.s32 $0x1;
	s15 =	sor.u32 @!p0 $0x1000, s15  }
0x1d: {  	[tilespmem:s15], [sflag:$0x5] =	stream.linear.gather @!p0 [hbm4b:s18+s19], $0x800, $0x38;
	[tilespmem:$0x1E000] =	vst v63  }
0x1e: {  	s26 =	sand.u32 $0x800, s14;
	s17 =	sshll.u32 s17, $0x7;
	_ =	swait.ge [sflag:s16], $0x4000  }
0x1f: {  	s14 =	sand.u32 $0x1C00, s14;
	s18 =	sor.u32 $0x1000, s26;
	[sflag:s16] =	ssyncset.done $0x0  }
0x20: {  	s15 =	simm.s32 $0x2;
	s17 =	sor.u32 s17, s18;
	[sflag:s16] =	ssyncadd.s32 $0xFFFFC000  }
0x21: {  	[spmem:s2] =	stream.indirect.scatter.add.f32 [tilespmem:s9], [sflag:$0x3], $0x80, s17, s7, $0xb8;
	[tilespmem:$0x1E000] =	vst v63  }
0x22: {  	s21 =	simm.s32 $0x600;
	s14 =	sshrl.u32 s14, $0x2;
	_ =	swait.ge [sflag:s15], $0x4000  }
0x23: {  	s14 =	sor.u32 s14, s18;
	s18 =	simm.s32 $0x2;
	[sflag:s15] =	ssyncset.done $0x0  }
0x24: {  	s14 =	sor.u32 $0x80, s14;
	s17 =	simm.s32 $0x3;
	[sflag:s15] =	ssyncadd.s32 $0xFFFFC000  }
0x25: {  	[spmem:s2] =	stream.indirect.scatter.add.f32 [tilespmem:s8], [sflag:$0x4], $0x80, s14, s7, $0xb8;
	[tilespmem:$0x1E000] =	vst v63  }
0x26: {  	s12 =	sadd.s32 $0x4B000, s12;
	s31 =	sand.u32 $0xE, s18;
	_ =	swait.ge [sflag:s17], $0x4000  }
0x27: {  	s22 =	simm.s32 $0x200;
	p2 =	sne.s32 s31, $0x0;
	[sflag:s17] =	ssyncset.done $0x0  }
0x28: {  	s23 =	simm.s32 $0x1;
	s29 =	simm.s32 @!p2 $0x5;
	[sflag:s17] =	ssyncadd.s32 $0xFFFFC000  }
0x29: {  	s24 =	simm.s32 $0xA00;
	p0 =	por @!p2 $0x0, $0x0;
	_ =	swait.ge @!p2 [sflag:s29], $0x800  }
0x2a: {  	s26 =	sshll.u32 s31, $0x7;
	p0 =	por p0, p2;
	[sflag:s29] =	ssyncset.done @!p2 $0x0  }
0x2b: {  	s25 =	sshll.u32 s31, $0x7;
	s19 =	sand.u32 @!p0 $0x7800, s20;
	[sflag:s29] =	ssyncadd.s32 @!p2 $0xFFFFF800  }
0x2c: {  	s28 =	sadd.s32 @!p0 $0x800, s19;
	s19 =	simm.s32 $0x400;
	_ =	swait.ge @!p2 [sflag:s29], $0x800  }
0x2d: {  	s14 =	simm.s32 $0x4;
	s30 =	sand.u32 $0x2000, s19;
	[sflag:s29] =	ssyncset.done @!p2 $0x0  }
.LBB2_1:
0x2e: {  	s31 =	sadd.s32 @!p0 s13, s28  }
0x2f: {  	s30 =	sshrl.u32 s30, $0x2;
	s0 =	smov.u32 s22;
	s22 =	sadd.s32 $0x100, s22  }
0x30: {  	s31 =	sshrl.u32 @!p0 s31, $0x3;
	[sflag:s29] =	ssyncadd.s32 @!p2 $0xFFFFF800;
	s25 =	sor.u32 s25, s30  }
0x31: {  	[tilespmem:s9], [sflag:$0x1] =	stream.indirect.gather [hbm4b:s6+s7], $0x80, s25, s7, $0xb8;
	[tilespmem:$0x1E000] =	vst v63  }
0x32: {  	s25 =	sadd.s32 @!p0 s11, s31;
	s29 =	sadd.s32 @!p0 s10, s31;
	_ =	swait.ge [sflag:s14], $0x4000  }
0x33: {  	s21 =	sand.u32 $0x3E00, s21;
	p1 =	sne.s32 s22, $0x4F00;
	[sflag:s14] =	ssyncset.done $0x0  }
0x34: {  	s30 =	sshrl.u32 s21, $0x2;
	s21 =	smov.u32 s24;
	[sflag:s14] =	ssyncadd.s32 $0xFFFFC000  }
0x35: {  	[tilespmem:s8], [sflag:$0x2] =	stream.indirect.gather [hbm4b:s6+s7], $0x80, s30, s7, $0xb8;
	[tilespmem:$0x1E000] =	vst v63  }
0x36: {  	s24 =	sand.u32 @!p0 $0x800, s28;
	s28 =	simm.s32 @!p0 $0x0  }
0x37: {  	[tilespmem:s24], [sflag:$0x5] =	stream.linear.gather @!p0 [hbm4b:s25+s28], $0x800, $0x38;
	[tilespmem:$0x1E000] =	vst v63  }
0x38: {  	s24 =	sor.u32 @!p0 $0x1000, s24  }
0x39: {  	[tilespmem:s24], [sflag:$0x5] =	stream.linear.gather @!p0 [hbm4b:s29+s28], $0x800, $0x38;
	[tilespmem:$0x1E000] =	vst v63  }
0x3a: {  	s24 =	sand.u32 $0x800, s20;
	s20 =	smov.u32 s0;
	_ =	swait.ge [sflag:s16], $0x4000  }
0x3b: {  	s0 =	sor.u32 $0x1000, s24;
	[sflag:s16] =	ssyncset.done $0x0  }
0x3c: {  	s25 =	sand.u32 $0x1C00, s19;
	s24 =	sor.u32 s26, s0;
	[sflag:s16] =	ssyncadd.s32 $0xFFFFC000  }
0x3d: {  	[spmem:s2] =	stream.indirect.scatter.add.f32 [tilespmem:s9], [sflag:$0x3], $0x80, s24, s7, $0xb8;
	[tilespmem:$0x1E000] =	vst v63  }
0x3e: {  	s24 =	sshrl.u32 s25, $0x2;
	_ =	swait.ge [sflag:s15], $0x4000  }
0x3f: {  	s0 =	sor.u32 s24, s0;
	[sflag:s15] =	ssyncset.done $0x0  }
0x40: {  	s18 =	sadd.s32 $0x2, s18;
	s0 =	sor.u32 $0x80, s0;
	[sflag:s15] =	ssyncadd.s32 $0xFFFFC000  }
0x41: {  	[spmem:s2] =	stream.indirect.scatter.add.f32 [tilespmem:s8], [sflag:$0x4], $0x80, s0, s7, $0xb8;
	[tilespmem:$0x1E000] =	vst v63  }
0x42: {  	s0 =	sand.u32 $0xE, s18;
	_ =	swait.ge [sflag:s17], $0x4000  }
0x43: {  	s23 =	sadd.s32 $0x1, s23;
	p2 =	sne.s32 s0, $0x0;
	[sflag:s17] =	ssyncset.done $0x0  }
0x44: {  	s29 =	simm.s32 @!p2 $0x5;
	[sflag:s17] =	ssyncadd.s32 $0xFFFFC000  }
.Ltmp0:
0x45: {  	s25 =	sshll.u32 s0, $0x7;
	_ =	swait.ge @!p2 [sflag:s29], $0x800;
	(pc) =	sbr.rel @p1 .LBB2_1-.Ltmp0, $4  }
0x46: {  	s19 =	sadd.s32 $0x400, s19;
	p0 =	sgt.u32 @!p2 s23, $0x47;
	[sflag:s29] =	ssyncset.done @!p2 $0x0  }
0x47: {  	s30 =	sand.u32 $0x2000, s19;
	p0 =	por p0, p2;
	[sflag:s29] =	ssyncadd.s32 @!p2 $0xFFFFF800  }
0x48: {  	s24 =	sadd.s32 $0x600, s19;
	s0 =	sand.u32 @!p0 $0x7800, s20;
	_ =	swait.ge @!p2 [sflag:s29], $0x800  }
0x49: {  	s26 =	smov.u32 s25;
	s28 =	sadd.s32 @!p0 $0x800, s0;
	[sflag:s29] =	ssyncset.done @!p2 $0x0  }
0x4a: {  	s0 =	sshrl.u32 s30, $0x2  }
0x4b: {  	[sflag:s29] =	ssyncadd.s32 @!p2 $0xFFFFF800;
	s0 =	sor.u32 s25, s0  }
0x4c: {  	[tilespmem:s9], [sflag:$0x1] =	stream.indirect.gather [hbm4b:s6+s7], $0x80, s0, s7, $0xb8;
	[tilespmem:$0x1E000] =	vst v63  }
0x4d: {  	_ =	swait.ge [sflag:s14], $0x4000  }
0x4e: {  	s31 =	sand.u32 $0x3E00, s21;
	s0 =	sadd.s32 @!p0 s13, s28;
	[sflag:s14] =	ssyncset.done $0x0  }
0x4f: {  	s13 =	sshrl.u32 s31, $0x2;
	s0 =	sshrl.u32 @!p0 s0, $0x3;
	[sflag:s14] =	ssyncadd.s32 $0xFFFFC000  }
0x50: {  	[tilespmem:s8], [sflag:$0x2] =	stream.indirect.gather [hbm4b:s6+s7], $0x80, s13, s7, $0xb8;
	[tilespmem:$0x1E000] =	vst v63  }
0x51: {  	s21 =	simm.s32 @!p0 $0x0;
	s11 =	sadd.s32 @!p0 s11, s0;
	s13 =	sand.u32 @!p0 $0x800, s28  }
0x52: {  	[tilespmem:s13], [sflag:$0x5] =	stream.linear.gather @!p0 [hbm4b:s11+s21], $0x800, $0x38;
	[tilespmem:$0x1E000] =	vst v63  }
0x53: {  	s0 =	sadd.s32 @!p0 s10, s0;
	s10 =	sor.u32 @!p0 $0x1000, s13  }
0x54: {  	[tilespmem:s10], [sflag:$0x5] =	stream.linear.gather @!p0 [hbm4b:s0+s21], $0x800, $0x38;
	[tilespmem:$0x1E000] =	vst v63  }
0x55: {  	s10 =	sand.u32 $0x800, s20;
	_ =	swait.ge [sflag:s16], $0x4000  }
0x56: {  	s0 =	sor.u32 $0x1000, s10;
	[sflag:s16] =	ssyncset.done $0x0  }
0x57: {  	s13 =	sand.u32 $0x1C00, s19;
	s11 =	sor.u32 s25, s0;
	[sflag:s16] =	ssyncadd.s32 $0xFFFFC000  }
0x58: {  	[spmem:s2] =	stream.indirect.scatter.add.f32 [tilespmem:s9], [sflag:$0x3], $0x80, s11, s7, $0xb8;
	[tilespmem:$0x1E000] =	vst v63  }
0x59: {  	s10 =	sshrl.u32 s13, $0x2;
	_ =	swait.ge [sflag:s15], $0x4000  }
0x5a: {  	s0 =	sor.u32 s10, s0;
	[sflag:s15] =	ssyncset.done $0x0  }
0x5b: {  	s0 =	sor.u32 $0x80, s0;
	s16 =	sadd.s32 $0x2, s18;
	[sflag:s15] =	ssyncadd.s32 $0xFFFFC000  }
0x5c: {  	[spmem:s2] =	stream.indirect.scatter.add.f32 [tilespmem:s8], [sflag:$0x4], $0x80, s0, s7, $0xb8;
	[tilespmem:$0x1E000] =	vst v63  }
0x5d: {  	s0 =	sand.u32 $0xE, s16;
	_ =	swait.ge [sflag:s17], $0x4000  }
0x5e: {  	p0 =	sne.s32 s0, $0x0;
	[sflag:s17] =	ssyncset.done $0x0  }
0x5f: {  	s10 =	simm.s32 @!p0 $0x5;
	[sflag:s17] =	ssyncadd.s32 $0xFFFFC000  }
0x60: {  	_ =	swait.ge @!p0 [sflag:s10], $0x800  }
0x61: {  	[sflag:s10] =	ssyncset.done @!p0 $0x0  }
0x62: {  	s18 =	sadd.s32 $0x400, s19;
	[sflag:s10] =	ssyncadd.s32 @!p0 $0xFFFFF800  }
0x63: {  	s11 =	sand.u32 $0x2000, s18;
	_ =	swait.ge @!p0 [sflag:s10], $0x800  }
0x64: {  	s11 =	sshrl.u32 s11, $0x2;
	s0 =	sshll.u32 s0, $0x7;
	[sflag:s10] =	ssyncset.done @!p0 $0x0  }
0x65: {  	s0 =	sor.u32 s0, s11;
	[sflag:s10] =	ssyncadd.s32 @!p0 $0xFFFFF800  }
0x66: {  	[tilespmem:s9], [sflag:$0x1] =	stream.indirect.gather [hbm4b:s6+s7], $0x80, s0, s7, $0xb8;
	[tilespmem:$0x1E000] =	vst v63  }
0x67: {  	_ =	swait.ge [sflag:s14], $0x4000  }
0x68: {  	s19 =	sand.u32 $0x3E00, s24;
	[sflag:s14] =	ssyncset.done $0x0  }
0x69: {  	s20 =	simm.s32 $0x1;
	s0 =	sshrl.u32 s19, $0x2;
	[sflag:s14] =	ssyncadd.s32 $0xFFFFC000  }
0x6a: {  	[tilespmem:s8], [sflag:$0x2] =	stream.indirect.gather [hbm4b:s6+s7], $0x80, s0, s7, $0xb8;
	[tilespmem:$0x1E000] =	vst v63  }
0x6b: {  	_ =	swait.ge [sflag:s20], $0x4000  }
0x6c: {  	s22 =	simm.s32 $0x1F00;
	s23 =	simm.s32 $0x2000;
	[sflag:s20] =	ssyncset.done $0x0  }
0x6d: {  	s21 =	simm.s32 $0x80;
	s24 =	simm.s32 $0x2;
	[sflag:s20] =	ssyncadd.s32 $0xFFFFC000  }
0x6e: {  	[spmem:s2] =	stream.indirect.scatter.add.f32 [tilespmem:s23], [sflag:$0x3], $0x80, s22, s21, $0xb8;
	[tilespmem:$0x1E000] =	vst v63  }
0x6f: {  	_ =	swait.ge [sflag:s24], $0x4000  }
0x70: {  	s26 =	simm.s32 $0x6000;
	[sflag:s24] =	ssyncset.done $0x0  }
0x71: {  	s28 =	simm.s32 $0x3;
	s25 =	simm.s32 $0x1F80;
	[sflag:s24] =	ssyncadd.s32 $0xFFFFC000  }
0x72: {  	[spmem:s2] =	stream.indirect.scatter.add.f32 [tilespmem:s26], [sflag:$0x4], $0x80, s25, s21, $0xb8;
	[tilespmem:$0x1E000] =	vst v63  }
0x73: {  	_ =	swait.ge [sflag:s28], $0x4000  }
0x74: {  	[sflag:s28] =	ssyncset.done $0x0  }
0x75: {  	s29 =	simm.s32 $0x4;
	[sflag:s28] =	ssyncadd.s32 $0xFFFFC000  }
0x76: {  	_ =	swait.ge [sflag:s29], $0x4000  }
0x77: {  	[sflag:s29] =	ssyncset.done $0x0  }
0x78: {  	[sflag:s29] =	ssyncadd.s32 $0xFFFFC000  }
0x79: {  	s30 =	sadd.s32 s12, s3;
	s31 =	simm.s32 $0x6;
	[bflag:$0x0] =	sbarrier.arrive $0xFFFF  }
0x7a: {  	[hbm:s30], [sflag:s4] =	dma.local [spmem:s5], $0x2800  }
0x7b: {  	_ =	swait.ge [sflag:s31], $0x2800  }
0x7c: {  	[sflag:s31] =	ssyncset.done $0x0  }
0x7d: {  	[sflag:s31] =	ssyncadd.s32 $0xFFFFD800  }
0x7e: {  	_ =	sfence.sel $0x180000  }
0x7f: {  	[bflag:$0x0] =	sbarrier.arrive $0xFFFF  }
0x80: {  	_ =	strace $0x9000004D  }
0x81: {  	[bflag:$0x2] =	sbarrier.arrive $0xFFFF  }
0x82: {  	p0 =	sne.s32 s1, $0x0;
	s0 =	rddreg [dreg:$0x2]  }
0x83: {  	s0 =	sadd.s32 @!p0 $0x100000, s0  }
0x84: {  	[sflag:s0] =	ssyncadd.tile.s32 @!p0 $0x1;
	_ =	shalt  }
.Lfunc_end2:
_tile_overlayer_lowered:
.L_overlay_start_2:
0x85: {  	(tag) =	ssettag $0x2  }
0x86: {  	s0 =	rddreg [dreg:$0x0];
	s2 =	stileid.u32  }
0x87: {  	s1 =	rddreg [dreg:$0x1];
	p0 =	sne.s32 s2, $0x0  }
0x88: {  	s3 =	rddreg [dreg:$0x2];
	[bflag:$0x3] =	sbarrier.arrive $0xFFFF;
	s2 =	simm.s32 @!p0 $0x1C06  }
0x89: {  	[timem:s3], [sflag:s2] =	dma.local @!p0 [hbm:s0], s1  }
0x8a: {  	s0 =	simm.s32 @!p0 $0x6  }
0x8b: {  	_ =	swait.ge @!p0 [sflag:s0], s1  }
0x8c: {  	s1 =	ssub.s32 @!p0 $0x0, s1;
	[sflag:s0] =	ssyncset.done @!p0 $0x0  }
0x8d: {  	[sflag:s0] =	ssyncadd.s32 @!p0 s1  }
0x8e: {  	[bflag:$0x3] =	sbarrier.arrive $0xFFFF  }
0x8f: {  	_ =	shalt  }

// kernel: kernel.21.cloned.1.call-start
scs
__scs_entry_jumppad:
0x0: {  	(pc) =	sbr.rel $0x88, $3  }
0x1: {  	(tag) =	ssettag $0x0;
	lr =	simm.s32 $0x1  }
0x2: {  	[smem:$0x3F93] =	sst lr;
	_ =	strace $0xD0000000  }
0x3: {  	_ = 	snop  }
0x4: {  	_ = 	snop  }
0x5: {  	_ = 	snop  }
0x6: {  	_ = 	snop  }
0x7: {  	_ = 	snop  }
__scs_overlays_trampoline_lowered:
0x8: {  	[smem:$0x3FA2] =	sst s0  }
0x9: {  	[smem:$0x3FA3] =	sst s1  }
0xa: {  	[smem:$0x3FA4] =	sst s2  }
0xb: {  	[smem:$0x3FA5] =	sst s3  }
0xc: {  	[smem:$0x3FA6] =	sst s4  }
0xd: {  	[smem:$0x3FA7] =	sst s5  }
0xe: {  	[smem:$0x3FA8] =	sst s6  }
0xf: {  	[smem:$0x3FA9] =	sst s7  }
0x10: {  	[smem:$0x3FAA] =	sst s8  }
0x11: {  	[smem:$0x3FAB] =	sst s9;
	s0 =	simm.s32 @!p0 $0x0  }
0x12: {  	s1 =	sld [smem:$0x3F91];
	s0 =	simm.s32 @p0 $0x1  }
0x13: {  	[smem:$0x3FAC] =	sst s0;
	s0 =	simm.s32 @!p1 $0x0  }
0x14: {  	s2 =	sld [smem:$0x3F90];
	s0 =	simm.s32 @p1 $0x1  }
0x15: {  	[smem:$0x3FAD] =	sst s0;
	s0 =	simm.s32 @!p2 $0x0  }
0x16: {  	s3 =	sld [smem:$0x3FDB];
	s0 =	simm.s32 @p2 $0x1  }
0x17: {  	s4 =	simm.s32 $0x1BF5;
	[smem:$0x3FAF] =	sst s0  }
0x18: {  	s0 =	sld [smem:$0x3F92];
	_ =	swait.ge [sflag:s4], $0x0  }
0x19: {  	s7 =	sld [smem:$0x3F93]  }
0x1a: {  	s8 =	sadd.s32 $0xFFFFE003, lr  }
0x1b: {  	s9 =	sadd.s32 $0xFFFFFEF7, lr;
	s5 =	simm.s32 $0xFFFFFFFF;
	p2 =	slt.u32 s8, $0xFFFFF086  }
0x1c: {  	p1 =	slt.u32 s9, $0xF7A;
	s5 =	simm.s32 @!p2 $0x0  }
0x1d: {  	s5 =	simm.s32 @p1 $0x1;
	p0 =	seq.s32 s7, s2  }
0x1e: {  	s7 =	smul.u32 @!p0 $0xF7A, s2;
	p2 =	seq.s32 @!p0 s5, $0x0  }
0x1f: {  	s9 =	smul.u32 $0xF7A, s1;
	s8 =	simm.s32 @!p0 $0x1BF5;
	p2 =	por !p2, p0  }
0x20: {  	[sflag:s8] =	ssyncset.s32 @!p0 $0xFFFFF086;
	s6 =	sadd.s32 @!p0 s3, s7;
	s7 =	simm.s32 @!p0 $0x108  }
0x21: {  	s3 =	sadd.s32 s3, s9;
	s6 =	sadd.s32 @!p0 $0x88, s6;
	s7 =	simm.s32 @p2 $0x1082  }
0x22: {  	[simem:s7], [sflag:s8] =	dma.local @!p0 [hbm:s6], $0xF7A  }
0x23: {  	s9 =	sor.u32 $0xD0000000, s2;
	s6 =	simm.s32 $0x108;
	_ =	swait.ge @!p0 [sflag:s8], $0x0  }
0x24: {  	s3 =	sadd.s32 $0x88, s3;
	s6 =	simm.s32 @!p1 $0x1082;
	[sflag:s4] =	ssyncset.s32 $0xFFFFF086  }
0x25: {  	[simem:s6], [sflag:s4] =	dma.local [hbm:s3], $0xF7A  }
0x26: {  	[smem:$0x3F93] =	sst s1;
	(tag) =	ssettag s2;
	_ =	strace s9  }
0x27: {  	s1 =	sld [smem:$0x3FA3]  }
0x28: {  	s2 =	sld [smem:$0x3FA4]  }
0x29: {  	s4 =	sld [smem:$0x3FA6]  }
0x2a: {  	p0 =	seq.s32 s5, $0x0;
	s5 =	sld [smem:$0x3FA7]  }
0x2b: {  	s6 =	sld [smem:$0x3FA8]  }
0x2c: {  	s7 =	sld [smem:$0x3FA9]  }
0x2d: {  	s3 =	simm.s32 $0x108;
	s8 =	sld [smem:$0x3FAA]  }
0x2e: {  	s3 =	simm.s32 @!p0 $0x1082;
	s9 =	sld [smem:$0x3FAB]  }
0x2f: {  	lr =	sadd.s32 s0, s3;
	s0 =	sld [smem:$0x3FA2]  }
0x30: {  	s3 =	sld [smem:$0x3FA5]  }
0x31: {  	[smem:$0x3FAE] =	sst s10  }
0x32: {  	s10 =	sld [smem:$0x3FAC];
	_ =	sdelay $0x3  }
0x33: {  	p0 =	seq.s32 s10, $0x1;
	s10 =	sld [smem:$0x3FAE];
	_ =	sdelay $0x3  }
0x34: {  	[smem:$0x3FAE] =	sst s10  }
0x35: {  	s10 =	sld [smem:$0x3FAD];
	_ =	sdelay $0x3  }
0x36: {  	p1 =	seq.s32 s10, $0x1;
	s10 =	sld [smem:$0x3FAE];
	_ =	sdelay $0x3  }
0x37: {  	[smem:$0x3FAE] =	sst s10  }
0x38: {  	s10 =	sld [smem:$0x3FAF]  }
0x39: {  	_ = 	snop;
	(pc) =	sbr.ind lr, $3  }
0x3a: {  	_ = 	snop  }
0x3b: {  	_ = 	snop  }
0x3c: {  	p2 =	seq.s32 s10, $0x1;
	s10 =	sld [smem:$0x3FAE]  }
0x3d: {  	_ =	shalt  }
0x3e: {  	_ =	shalt  }
0x3f: {  	_ =	shalt  }
0x40: {  	_ =	shalt  }
0x41: {  	_ =	shalt  }
0x42: {  	_ =	shalt  }
0x43: {  	_ =	shalt  }
0x44: {  	_ =	shalt  }
0x45: {  	_ =	shalt  }
0x46: {  	_ =	shalt  }
0x47: {  	_ =	shalt  }
0x48: {  	_ =	shalt  }
0x49: {  	_ =	shalt  }
0x4a: {  	_ =	shalt  }
0x4b: {  	_ =	shalt  }
0x4c: {  	_ =	shalt  }
0x4d: {  	_ =	shalt  }
0x4e: {  	_ =	shalt  }
0x4f: {  	_ =	shalt  }
0x50: {  	_ =	shalt  }
0x51: {  	_ =	shalt  }
0x52: {  	_ =	shalt  }
0x53: {  	_ =	shalt  }
0x54: {  	_ =	shalt  }
0x55: {  	_ =	shalt  }
0x56: {  	_ =	shalt  }
0x57: {  	_ =	shalt  }
0x58: {  	_ =	shalt  }
0x59: {  	_ =	shalt  }
0x5a: {  	_ =	shalt  }
0x5b: {  	_ =	shalt  }
0x5c: {  	_ =	shalt  }
0x5d: {  	_ =	shalt  }
0x5e: {  	_ =	shalt  }
0x5f: {  	_ =	shalt  }
0x60: {  	_ =	shalt  }
0x61: {  	_ =	shalt  }
0x62: {  	_ =	shalt  }
0x63: {  	_ =	shalt  }
0x64: {  	_ =	shalt  }
0x65: {  	_ =	shalt  }
0x66: {  	_ =	shalt  }
0x67: {  	_ =	shalt  }
0x68: {  	_ =	shalt  }
0x69: {  	_ =	shalt  }
0x6a: {  	_ =	shalt  }
0x6b: {  	_ =	shalt  }
0x6c: {  	_ =	shalt  }
0x6d: {  	_ =	shalt  }
0x6e: {  	_ =	shalt  }
0x6f: {  	_ =	shalt  }
0x70: {  	_ =	shalt  }
0x71: {  	_ =	shalt  }
0x72: {  	_ =	shalt  }
0x73: {  	_ =	shalt  }
0x74: {  	_ =	shalt  }
0x75: {  	_ =	shalt  }
0x76: {  	_ =	shalt  }
0x77: {  	_ =	shalt  }
0x78: {  	_ =	shalt  }
0x79: {  	_ =	shalt  }
0x7a: {  	_ =	shalt  }
0x7b: {  	_ =	shalt  }
0x7c: {  	_ =	shalt  }
0x7d: {  	_ =	shalt  }
0x7e: {  	_ =	shalt  }
0x7f: {  	_ =	shalt  }
0x80: {  	_ =	shalt  }
0x81: {  	_ =	shalt  }
0x82: {  	_ =	shalt  }
0x83: {  	_ =	shalt  }
0x84: {  	_ =	shalt  }
0x85: {  	_ =	shalt  }
0x86: {  	_ =	shalt  }
0x87: {  	_ =	shalt  }
.Lfunc_end0:
.L_simem_size_0:
called_computation.3_lowered:
.L_overlay_start_0:
0x88: {  	s0 =	sld [smem:$0x3FD9]  }
0x89: {  	s1 =	sld [smem:$0x3FFE];
	_ =	sdelay $0x3  }
0x8a: {  	s0 =	sadd.s32 s1, s0  }
0x8b: {  	[smem:$0x3FBA] =	sst s0  }
0x8c: {  	_ = 	snop  }
0x8d: {  	s0 =	sld [smem:$0x3FD0];
	(tm) =	ssettm $0x1  }
0x8e: {  	s16 =	sld [smem:$0x3FFB];
	_ =	sdelay $0x3  }
0x8f: {  	_ =	strace s16  }
0x90: {  	s1 =	sld [smem:$0x3FFC];
	_ =	sdelay $0x3  }
0x91: {  	_ =	strace s1  }
0x92: {  	s1 =	sld [smem:$0x3FFD];
	_ =	sdelay $0x3  }
0x93: {  	_ =	strace s1  }
0x94: {  	_ =	strace $0x8FFFFFFF  }
0x95: {  	s17 =	sld [smem:$0x3FDB];
	_ =	sdelay $0x1  }
0x96: {  	s2 =	simm.s32 $_scs_section_size  }
0x97: {  	s3 =	simm.s32 $_size__tile_overlayer_lowered;
	s4 =	simm.s32 $_tile_overlayer_lowered  }
0x98: {  	s20 =	simm.s32 $0x1BFF;
	s19 =	sshll.u32 s4, $0x1;
	s1 =	sadd.s32 s2, s17  }
0x99: {  	s5 =	simm.s32 $0x0;
	s18 =	sshll.u32 s3, $0x1;
	s3 =	sadd.s32 s19, s1  }
0x9a: {  	[timem:s5], [sflag:s20] =	dma.local [hbm:s3], s18  }
0x9b: {  	_ =	swait.ge [sflag:s20], s18  }
0x9c: {  	s2 =	ssub.s32 $0x0, s18;
	[sflag:s20] =	ssyncset.done $0x0  }
0x9d: {  	[sflag:s20] =	ssyncadd.s32 s2;
	_ =	sdelay $0x1  }
0x9e: {  	s21 =	simm.s32 $0x1B8B  }
0x9f: {  	_ =	swait.ge [sflag:s21], $0x1  }
0xa0: {  	[sflag:s21] =	ssyncset.done $0x0  }
0xa1: {  	s23 =	simm.s32 $0x1B8E;
	s22 =	sld [smem:$0x3FFE];
	[sflag:s21] =	ssyncadd.s32 $0xFFFFFFFF  }
0xa2: {  	s24 =	simm.s32 $execute0_lowered;
	[smem:$0x3FD2] =	sst s23  }
0xa3: {  	s3 =	sshll.u32 s24, $0x1;
	_ =	strace $0x8000004F;
	[dreg:$0x1] =	wrdreg $0xFFFFFFFF  }
0xa4: {  	s25 =	simm.s32 $_size_execute0_lowered;
	s1 =	sadd.s32 s1, s3;
	[dreg:$0x0] =	wrdreg $0x0  }
0xa5: {  	s3 =	sshll.u32 s25, $0x1;
	[dreg:$0x2] =	wrdreg s1  }
0xa6: {  	[dreg:$0x3] =	wrdreg s3  }
0xa7: {  	[dreg:$0x4] =	wrdreg $0xC0  }
0xa8: {  	_ =	task [dreg:s5], $0x5FFFF  }
0xa9: {  	[dreg:$0x1] =	wrdreg $0xFFFFFFFF  }
0xaa: {  	[dreg:$0x0] =	wrdreg $0x60  }
0xab: {  	[dreg:$0x2] =	wrdreg s22  }
0xac: {  	[dreg:$0x3] =	wrdreg s0  }
0xad: {  	[dreg:$0x4] =	wrdreg $0xA0000  }
0xae: {  	[dreg:$0x5] =	wrdreg $0xA  }
0xaf: {  	_ =	task.clear_ibuf [dreg:s5], $0x6FFFF;
	_ =	strace $0x9000004F  }
0xb0: {  	s26 =	simm.s32 $0xA;
	_ =	strace $0x80000051  }
0xb1: {  	_ =	swait.ge [sflag:s26], $0x1  }
0xb2: {  	[sflag:s26] =	ssyncadd.s32 $0xFFFFFFFF  }
0xb3: {  	_ =	strace $0x90000051  }
0xb4: {  	_ =	sfence  }
0xb5: {  	s28 =	sld [smem:$0x0];
	_ =	sdelay $0x1  }
0xb6: {  	s29 =	srdreg.scid  }
0xb7: {  	s30 =	sshll.u32 s29, $0xD;
	s31 =	sshrl.u32 s29, $0x2  }
0xb8: {  	s2 =	sand.u32 $0x4000, s30;
	s1 =	sand.u32 $0x1, s29;
	s0 =	sadd.s32 s31, s28  }
0xb9: {  	s1 =	sor.u32 s2, s1;
	s0 =	sshll.u32 s0, $0x11  }
0xba: {  	s0 =	sor.u32 s0, s1  }
0xbb: {  	s0 =	sadd.s32 $0x8F2B, s0  }
0xbc: {  	[sflag:s0] =	ssyncadd.remote.s32 $0x1  }
0xbd: {  	_ =	sfence.sel $0xFFFF  }
0xbe: {  	[dreg:$0x0] =	wrdreg $0xFFFFFFFF;
	(pc) =	sbr.abs _section_cstart, $3  }
0xbf: {  	[dreg:$0x1] =	wrdreg $0xFFFFFFFF  }
0xc0: {  	_ =	task.clear_ibuf [dreg:s5], $0x2FFFF;
	_ =	strace $0x9FFFFFFF  }
0xc1: {  	(tm) =	ssettm $0x7FFFFFFF  }
tec
execute0_lowered:
.L_overlay_start_1:
0x0: {  	(tag) =	ssettag $0x1  }
0x1: {  	s12 =	rddreg [dreg:$0x0]  }
0x2: {  	s10 =	rddreg [dreg:$0x1];
	s1 =	stileid.u32  }
0x3: {  	s3 =	rddreg [dreg:$0x2];
	s2 =	smul.u32 $0x2800, s1  }
0x4: {  	s14 =	simm.s32 $0x0;
	s8 =	simm.s32 $0x1000;
	s13 =	smul.u32 $0x5000, s1  }
0x5: {  	s24 =	simm.s32 $0x6;
	[smem:$0x7FF] =	sst s14;
	s4 =	smul.u32 $0x50000, s1  }
0x6: {  	s11 =	sadd.s32 $0x41000, s12;
	s22 =	sshll.u32 s1, $0x6;
	_ =	strace $0x80000050  }
0x7: {  	s5 =	sadd.s32 s2, s12;
	s6 =	sshrl.u32 s13, $0x3;
	s4 =	sshrl.u32 s4, $0x2  }
0x8: {  	s7 =	sadd.s32 s10, s6;
	s6 =	sadd.s32 s11, s6;
	s21 =	sadd.s32 s4, s3  }
0x9: {  	[tilespmem:s14], [sflag:$0x5] =	stream.linear.gather [hbm4b:s7+s14], $0x800, $0x38;
	[tilespmem:$0x1E000] =	vst v63  }
0xa: {  	s23 =	sadd.s32 $0x73000, s5;
	s4 =	sor.u32 $0x1C06, s22;
	s5 =	sshrl.u32 s21, $0x3  }
0xb: {  	[tilespmem:s8], [sflag:$0x5] =	stream.linear.gather [hbm4b:s6+s14], $0x800, $0x38;
	[tilespmem:$0x1E000] =	vst v63  }
0xc: {  	[spmem:s5], [sflag:s4] =	dma.local [hbm:s23], $0x2800  }
0xd: {  	_ =	swait.ge [sflag:s24], $0x2800  }
0xe: {  	[sflag:s24] =	ssyncset.done $0x0  }
0xf: {  	s25 =	simm.s32 $0x5;
	[sflag:s24] =	ssyncadd.s32 $0xFFFFD800  }
0x10: {  	s17 =	sand.u32 $0xE, s14;
	_ =	swait.ge [sflag:s25], $0x800  }
0x11: {  	p0 =	sne.s32 s17, $0x0;
	[sflag:s25] =	ssyncset.done $0x0  }
0x12: {  	p1 =	por @!p0 $0x0, $0x0;
	[sflag:s25] =	ssyncadd.s32 $0xFFFFF800  }
0x13: {  	p0 =	por p1, p0;
	_ =	swait.ge [sflag:s25], $0x800  }
0x14: {  	s9 =	simm.s32 $0x2000;
	s15 =	sand.u32 @!p0 $0x7800, s14;
	[sflag:s25] =	ssyncset.done $0x0  }
0x15: {  	s7 =	simm.s32 $0x80;
	s15 =	sadd.s32 @!p0 $0x800, s15;
	[sflag:s25] =	ssyncadd.s32 $0xFFFFF800  }
0x16: {  	s6 =	sadd.s32 $0x5000, s12;
	s16 =	sadd.s32 @!p0 s13, s15;
	[bflag:$0x0] =	sbarrier.arrive $0xFFFF  }
0x17: {  	[tilespmem:s9], [sflag:$0x1] =	stream.indirect.gather [hbm4b:s6+s7], $0x80, s14, s7, $0xb8;
	[tilespmem:$0x1E000] =	vst v63  }
0x18: {  	s20 =	simm.s32 $0x100;
	s8 =	simm.s32 $0x6000;
	s18 =	sshrl.u32 @!p0 s16, $0x3  }
0x19: {  	[tilespmem:s8], [sflag:$0x2] =	stream.indirect.gather [hbm4b:s6+s7], $0x80, s7, s7, $0xb8;
	[tilespmem:$0x1E000] =	vst v63  }
0x1a: {  	s19 =	simm.s32 @!p0 $0x0;
	s15 =	sand.u32 @!p0 $0x800, s15;
	s16 =	sadd.s32 @!p0 s10, s18  }
0x1b: {  	[tilespmem:s15], [sflag:$0x5] =	stream.linear.gather @!p0 [hbm4b:s16+s19], $0x800, $0x38;
	[tilespmem:$0x1E000] =	vst v63  }
0x1c: {  	s18 =	sadd.s32 @!p0 s11, s18;
	s16 =	simm.s32 $0x1;
	s15 =	sor.u32 @!p0 $0x1000, s15  }
0x1d: {  	[tilespmem:s15], [sflag:$0x5] =	stream.linear.gather @!p0 [hbm4b:s18+s19], $0x800, $0x38;
	[tilespmem:$0x1E000] =	vst v63  }
0x1e: {  	s26 =	sand.u32 $0x800, s14;
	s17 =	sshll.u32 s17, $0x7;
	_ =	swait.ge [sflag:s16], $0x4000  }
0x1f: {  	s14 =	sand.u32 $0x1C00, s14;
	s18 =	sor.u32 $0x1000, s26;
	[sflag:s16] =	ssyncset.done $0x0  }
0x20: {  	s15 =	simm.s32 $0x2;
	s17 =	sor.u32 s17, s18;
	[sflag:s16] =	ssyncadd.s32 $0xFFFFC000  }
0x21: {  	[spmem:s3] =	stream.indirect.scatter.add.f32 [tilespmem:s9], [sflag:$0x3], $0x80, s17, s7, $0xb8;
	[tilespmem:$0x1E000] =	vst v63  }
0x22: {  	s22 =	simm.s32 $0x200;
	s14 =	sshrl.u32 s14, $0x2;
	_ =	swait.ge [sflag:s15], $0x4000  }
0x23: {  	s14 =	sor.u32 s14, s18;
	s18 =	simm.s32 $0x2;
	[sflag:s15] =	ssyncset.done $0x0  }
0x24: {  	s14 =	sor.u32 $0x80, s14;
	s17 =	simm.s32 $0x3;
	[sflag:s15] =	ssyncadd.s32 $0xFFFFC000  }
0x25: {  	[spmem:s3] =	stream.indirect.scatter.add.f32 [tilespmem:s8], [sflag:$0x4], $0x80, s14, s7, $0xb8;
	[tilespmem:$0x1E000] =	vst v63  }
0x26: {  	s21 =	simm.s32 $0x600;
	s31 =	sand.u32 $0xE, s18;
	_ =	swait.ge [sflag:s17], $0x4000  }
0x27: {  	s12 =	sadd.s32 $0x9B000, s12;
	p2 =	sne.s32 s31, $0x0;
	[sflag:s17] =	ssyncset.done $0x0  }
0x28: {  	s23 =	simm.s32 $0x1;
	s29 =	simm.s32 @!p2 $0x5;
	[sflag:s17] =	ssyncadd.s32 $0xFFFFC000  }
0x29: {  	s24 =	simm.s32 $0xA00;
	p0 =	por @!p2 $0x0, $0x0;
	_ =	swait.ge @!p2 [sflag:s29], $0x800  }
0x2a: {  	s26 =	sshll.u32 s31, $0x7;
	p0 =	por p0, p2;
	[sflag:s29] =	ssyncset.done @!p2 $0x0  }
0x2b: {  	s25 =	sshll.u32 s31, $0x7;
	s19 =	sand.u32 @!p0 $0x7800, s20;
	[sflag:s29] =	ssyncadd.s32 @!p2 $0xFFFFF800  }
0x2c: {  	s28 =	sadd.s32 @!p0 $0x800, s19;
	s19 =	simm.s32 $0x400;
	_ =	swait.ge @!p2 [sflag:s29], $0x800  }
0x2d: {  	s14 =	simm.s32 $0x4;
	s30 =	sand.u32 $0x2000, s19;
	[sflag:s29] =	ssyncset.done @!p2 $0x0  }
.LBB2_1:
0x2e: {  	s31 =	sadd.s32 @!p0 s13, s28  }
0x2f: {  	s30 =	sshrl.u32 s30, $0x2;
	s0 =	smov.u32 s22;
	s22 =	sadd.s32 $0x100, s22  }
0x30: {  	s31 =	sshrl.u32 @!p0 s31, $0x3;
	[sflag:s29] =	ssyncadd.s32 @!p2 $0xFFFFF800;
	s25 =	sor.u32 s25, s30  }
0x31: {  	[tilespmem:s9], [sflag:$0x1] =	stream.indirect.gather [hbm4b:s6+s7], $0x80, s25, s7, $0xb8;
	[tilespmem:$0x1E000] =	vst v63  }
0x32: {  	s25 =	sadd.s32 @!p0 s10, s31;
	s29 =	sadd.s32 @!p0 s11, s31;
	_ =	swait.ge [sflag:s14], $0x4000  }
0x33: {  	s21 =	sand.u32 $0x3E00, s21;
	p1 =	sne.s32 s22, $0x4F00;
	[sflag:s14] =	ssyncset.done $0x0  }
0x34: {  	s30 =	sshrl.u32 s21, $0x2;
	s21 =	smov.u32 s24;
	[sflag:s14] =	ssyncadd.s32 $0xFFFFC000  }
0x35: {  	[tilespmem:s8], [sflag:$0x2] =	stream.indirect.gather [hbm4b:s6+s7], $0x80, s30, s7, $0xb8;
	[tilespmem:$0x1E000] =	vst v63  }
0x36: {  	s24 =	sand.u32 @!p0 $0x800, s28;
	s28 =	simm.s32 @!p0 $0x0  }
0x37: {  	[tilespmem:s24], [sflag:$0x5] =	stream.linear.gather @!p0 [hbm4b:s25+s28], $0x800, $0x38;
	[tilespmem:$0x1E000] =	vst v63  }
0x38: {  	s24 =	sor.u32 @!p0 $0x1000, s24  }
0x39: {  	[tilespmem:s24], [sflag:$0x5] =	stream.linear.gather @!p0 [hbm4b:s29+s28], $0x800, $0x38;
	[tilespmem:$0x1E000] =	vst v63  }
0x3a: {  	s24 =	sand.u32 $0x800, s20;
	s20 =	smov.u32 s0;
	_ =	swait.ge [sflag:s16], $0x4000  }
0x3b: {  	s0 =	sor.u32 $0x1000, s24;
	[sflag:s16] =	ssyncset.done $0x0  }
0x3c: {  	s25 =	sand.u32 $0x1C00, s19;
	s24 =	sor.u32 s26, s0;
	[sflag:s16] =	ssyncadd.s32 $0xFFFFC000  }
0x3d: {  	[spmem:s3] =	stream.indirect.scatter.add.f32 [tilespmem:s9], [sflag:$0x3], $0x80, s24, s7, $0xb8;
	[tilespmem:$0x1E000] =	vst v63  }
0x3e: {  	s24 =	sshrl.u32 s25, $0x2;
	_ =	swait.ge [sflag:s15], $0x4000  }
0x3f: {  	s0 =	sor.u32 s24, s0;
	[sflag:s15] =	ssyncset.done $0x0  }
0x40: {  	s18 =	sadd.s32 $0x2, s18;
	s0 =	sor.u32 $0x80, s0;
	[sflag:s15] =	ssyncadd.s32 $0xFFFFC000  }
0x41: {  	[spmem:s3] =	stream.indirect.scatter.add.f32 [tilespmem:s8], [sflag:$0x4], $0x80, s0, s7, $0xb8;
	[tilespmem:$0x1E000] =	vst v63  }
0x42: {  	s0 =	sand.u32 $0xE, s18;
	_ =	swait.ge [sflag:s17], $0x4000  }
0x43: {  	s23 =	sadd.s32 $0x1, s23;
	p2 =	sne.s32 s0, $0x0;
	[sflag:s17] =	ssyncset.done $0x0  }
0x44: {  	s29 =	simm.s32 @!p2 $0x5;
	[sflag:s17] =	ssyncadd.s32 $0xFFFFC000  }
.Ltmp0:
0x45: {  	s25 =	sshll.u32 s0, $0x7;
	_ =	swait.ge @!p2 [sflag:s29], $0x800;
	(pc) =	sbr.rel @p1 .LBB2_1-.Ltmp0, $4  }
0x46: {  	s19 =	sadd.s32 $0x400, s19;
	p0 =	sgt.u32 @!p2 s23, $0x47;
	[sflag:s29] =	ssyncset.done @!p2 $0x0  }
0x47: {  	s30 =	sand.u32 $0x2000, s19;
	p0 =	por p0, p2;
	[sflag:s29] =	ssyncadd.s32 @!p2 $0xFFFFF800  }
0x48: {  	s24 =	sadd.s32 $0x600, s19;
	s0 =	sand.u32 @!p0 $0x7800, s20;
	_ =	swait.ge @!p2 [sflag:s29], $0x800  }
0x49: {  	s26 =	smov.u32 s25;
	s28 =	sadd.s32 @!p0 $0x800, s0;
	[sflag:s29] =	ssyncset.done @!p2 $0x0  }
0x4a: {  	s0 =	sshrl.u32 s30, $0x2  }
0x4b: {  	[sflag:s29] =	ssyncadd.s32 @!p2 $0xFFFFF800;
	s0 =	sor.u32 s25, s0  }
0x4c: {  	[tilespmem:s9], [sflag:$0x1] =	stream.indirect.gather [hbm4b:s6+s7], $0x80, s0, s7, $0xb8;
	[tilespmem:$0x1E000] =	vst v63  }
0x4d: {  	_ =	swait.ge [sflag:s14], $0x4000  }
0x4e: {  	s31 =	sand.u32 $0x3E00, s21;
	s0 =	sadd.s32 @!p0 s13, s28;
	[sflag:s14] =	ssyncset.done $0x0  }
0x4f: {  	s13 =	sshrl.u32 s31, $0x2;
	s0 =	sshrl.u32 @!p0 s0, $0x3;
	[sflag:s14] =	ssyncadd.s32 $0xFFFFC000  }
0x50: {  	[tilespmem:s8], [sflag:$0x2] =	stream.indirect.gather [hbm4b:s6+s7], $0x80, s13, s7, $0xb8;
	[tilespmem:$0x1E000] =	vst v63  }
0x51: {  	s21 =	simm.s32 @!p0 $0x0;
	s10 =	sadd.s32 @!p0 s10, s0;
	s13 =	sand.u32 @!p0 $0x800, s28  }
0x52: {  	[tilespmem:s13], [sflag:$0x5] =	stream.linear.gather @!p0 [hbm4b:s10+s21], $0x800, $0x38;
	[tilespmem:$0x1E000] =	vst v63  }
0x53: {  	s0 =	sadd.s32 @!p0 s11, s0;
	s10 =	sor.u32 @!p0 $0x1000, s13  }
0x54: {  	[tilespmem:s10], [sflag:$0x5] =	stream.linear.gather @!p0 [hbm4b:s0+s21], $0x800, $0x38;
	[tilespmem:$0x1E000] =	vst v63  }
0x55: {  	s10 =	sand.u32 $0x800, s20;
	_ =	swait.ge [sflag:s16], $0x4000  }
0x56: {  	s0 =	sor.u32 $0x1000, s10;
	[sflag:s16] =	ssyncset.done $0x0  }
0x57: {  	s13 =	sand.u32 $0x1C00, s19;
	s11 =	sor.u32 s25, s0;
	[sflag:s16] =	ssyncadd.s32 $0xFFFFC000  }
0x58: {  	[spmem:s3] =	stream.indirect.scatter.add.f32 [tilespmem:s9], [sflag:$0x3], $0x80, s11, s7, $0xb8;
	[tilespmem:$0x1E000] =	vst v63  }
0x59: {  	s10 =	sshrl.u32 s13, $0x2;
	_ =	swait.ge [sflag:s15], $0x4000  }
0x5a: {  	s0 =	sor.u32 s10, s0;
	[sflag:s15] =	ssyncset.done $0x0  }
0x5b: {  	s0 =	sor.u32 $0x80, s0;
	s16 =	sadd.s32 $0x2, s18;
	[sflag:s15] =	ssyncadd.s32 $0xFFFFC000  }
0x5c: {  	[spmem:s3] =	stream.indirect.scatter.add.f32 [tilespmem:s8], [sflag:$0x4], $0x80, s0, s7, $0xb8;
	[tilespmem:$0x1E000] =	vst v63  }
0x5d: {  	s0 =	sand.u32 $0xE, s16;
	_ =	swait.ge [sflag:s17], $0x4000  }
0x5e: {  	p0 =	sne.s32 s0, $0x0;
	[sflag:s17] =	ssyncset.done $0x0  }
0x5f: {  	s10 =	simm.s32 @!p0 $0x5;
	[sflag:s17] =	ssyncadd.s32 $0xFFFFC000  }
0x60: {  	_ =	swait.ge @!p0 [sflag:s10], $0x800  }
0x61: {  	[sflag:s10] =	ssyncset.done @!p0 $0x0  }
0x62: {  	s18 =	sadd.s32 $0x400, s19;
	[sflag:s10] =	ssyncadd.s32 @!p0 $0xFFFFF800  }
0x63: {  	s11 =	sand.u32 $0x2000, s18;
	_ =	swait.ge @!p0 [sflag:s10], $0x800  }
0x64: {  	s11 =	sshrl.u32 s11, $0x2;
	s0 =	sshll.u32 s0, $0x7;
	[sflag:s10] =	ssyncset.done @!p0 $0x0  }
0x65: {  	s0 =	sor.u32 s0, s11;
	[sflag:s10] =	ssyncadd.s32 @!p0 $0xFFFFF800  }
0x66: {  	[tilespmem:s9], [sflag:$0x1] =	stream.indirect.gather [hbm4b:s6+s7], $0x80, s0, s7, $0xb8;
	[tilespmem:$0x1E000] =	vst v63  }
0x67: {  	_ =	swait.ge [sflag:s14], $0x4000  }
0x68: {  	s19 =	sand.u32 $0x3E00, s24;
	[sflag:s14] =	ssyncset.done $0x0  }
0x69: {  	s20 =	simm.s32 $0x1;
	s0 =	sshrl.u32 s19, $0x2;
	[sflag:s14] =	ssyncadd.s32 $0xFFFFC000  }
0x6a: {  	[tilespmem:s8], [sflag:$0x2] =	stream.indirect.gather [hbm4b:s6+s7], $0x80, s0, s7, $0xb8;
	[tilespmem:$0x1E000] =	vst v63  }
0x6b: {  	_ =	swait.ge [sflag:s20], $0x4000  }
0x6c: {  	s22 =	simm.s32 $0x1F00;
	s23 =	simm.s32 $0x2000;
	[sflag:s20] =	ssyncset.done $0x0  }
0x6d: {  	s21 =	simm.s32 $0x80;
	s24 =	simm.s32 $0x2;
	[sflag:s20] =	ssyncadd.s32 $0xFFFFC000  }
0x6e: {  	[spmem:s3] =	stream.indirect.scatter.add.f32 [tilespmem:s23], [sflag:$0x3], $0x80, s22, s21, $0xb8;
	[tilespmem:$0x1E000] =	vst v63  }
0x6f: {  	_ =	swait.ge [sflag:s24], $0x4000  }
0x70: {  	s26 =	simm.s32 $0x6000;
	[sflag:s24] =	ssyncset.done $0x0  }
0x71: {  	s28 =	simm.s32 $0x3;
	s25 =	simm.s32 $0x1F80;
	[sflag:s24] =	ssyncadd.s32 $0xFFFFC000  }
0x72: {  	[spmem:s3] =	stream.indirect.scatter.add.f32 [tilespmem:s26], [sflag:$0x4], $0x80, s25, s21, $0xb8;
	[tilespmem:$0x1E000] =	vst v63  }
0x73: {  	_ =	swait.ge [sflag:s28], $0x4000  }
0x74: {  	[sflag:s28] =	ssyncset.done $0x0  }
0x75: {  	s29 =	simm.s32 $0x4;
	[sflag:s28] =	ssyncadd.s32 $0xFFFFC000  }
0x76: {  	_ =	swait.ge [sflag:s29], $0x4000  }
0x77: {  	[sflag:s29] =	ssyncset.done $0x0  }
0x78: {  	[sflag:s29] =	ssyncadd.s32 $0xFFFFC000  }
0x79: {  	s30 =	sadd.s32 s12, s2;
	s31 =	simm.s32 $0x6;
	[bflag:$0x0] =	sbarrier.arrive $0xFFFF  }
0x7a: {  	[hbm:s30], [sflag:s4] =	dma.local [spmem:s5], $0x2800  }
0x7b: {  	_ =	swait.ge [sflag:s31], $0x2800  }
0x7c: {  	[sflag:s31] =	ssyncset.done $0x0  }
0x7d: {  	[sflag:s31] =	ssyncadd.s32 $0xFFFFD800  }
0x7e: {  	_ =	sfence.sel $0x180000  }
0x7f: {  	[bflag:$0x0] =	sbarrier.arrive $0xFFFF  }
0x80: {  	_ =	strace $0x90000050  }
0x81: {  	[bflag:$0x2] =	sbarrier.arrive $0xFFFF  }
0x82: {  	p0 =	sne.s32 s1, $0x0;
	s0 =	rddreg [dreg:$0x3]  }
0x83: {  	s0 =	sadd.s32 @!p0 $0x100000, s0  }
0x84: {  	[sflag:s0] =	ssyncadd.tile.s32 @!p0 $0x1;
	_ =	shalt  }
.Lfunc_end2:
_tile_overlayer_lowered:
.L_overlay_start_2:
0x85: {  	(tag) =	ssettag $0x2  }
0x86: {  	s0 =	rddreg [dreg:$0x0];
	s2 =	stileid.u32  }
0x87: {  	s1 =	rddreg [dreg:$0x1];
	p0 =	sne.s32 s2, $0x0  }
0x88: {  	s3 =	rddreg [dreg:$0x2];
	[bflag:$0x3] =	sbarrier.arrive $0xFFFF;
	s2 =	simm.s32 @!p0 $0x1C06  }
0x89: {  	[timem:s3], [sflag:s2] =	dma.local @!p0 [hbm:s0], s1  }
0x8a: {  	s0 =	simm.s32 @!p0 $0x6  }
0x8b: {  	_ =	swait.ge @!p0 [sflag:s0], s1  }
0x8c: {  	s1 =	ssub.s32 @!p0 $0x0, s1;
	[sflag:s0] =	ssyncset.done @!p0 $0x0  }
0x8d: {  	[sflag:s0] =	ssyncadd.s32 @!p0 s1  }
0x8e: {  	[bflag:$0x3] =	sbarrier.arrive $0xFFFF  }
0x8f: {  	_ =	shalt  }

// kernel: kernel.24.cloned.1.call-start
scs
__scs_entry_jumppad:
0x0: {  	(pc) =	sbr.rel $0x88, $3  }
0x1: {  	(tag) =	ssettag $0x0;
	lr =	simm.s32 $0x1  }
0x2: {  	[smem:$0x3F93] =	sst lr;
	_ =	strace $0xD0000000  }
0x3: {  	_ = 	snop  }
0x4: {  	_ = 	snop  }
0x5: {  	_ = 	snop  }
0x6: {  	_ = 	snop  }
0x7: {  	_ = 	snop  }
__scs_overlays_trampoline_lowered:
0x8: {  	[smem:$0x3FA2] =	sst s0  }
0x9: {  	[smem:$0x3FA3] =	sst s1  }
0xa: {  	[smem:$0x3FA4] =	sst s2  }
0xb: {  	[smem:$0x3FA5] =	sst s3  }
0xc: {  	[smem:$0x3FA6] =	sst s4  }
0xd: {  	[smem:$0x3FA7] =	sst s5  }
0xe: {  	[smem:$0x3FA8] =	sst s6  }
0xf: {  	[smem:$0x3FA9] =	sst s7  }
0x10: {  	[smem:$0x3FAA] =	sst s8  }
0x11: {  	[smem:$0x3FAB] =	sst s9;
	s0 =	simm.s32 @!p0 $0x0  }
0x12: {  	s1 =	sld [smem:$0x3F91];
	s0 =	simm.s32 @p0 $0x1  }
0x13: {  	[smem:$0x3FAC] =	sst s0;
	s0 =	simm.s32 @!p1 $0x0  }
0x14: {  	s2 =	sld [smem:$0x3F90];
	s0 =	simm.s32 @p1 $0x1  }
0x15: {  	[smem:$0x3FAD] =	sst s0;
	s0 =	simm.s32 @!p2 $0x0  }
0x16: {  	s3 =	sld [smem:$0x3FDB];
	s0 =	simm.s32 @p2 $0x1  }
0x17: {  	s4 =	simm.s32 $0x1BF5;
	[smem:$0x3FAF] =	sst s0  }
0x18: {  	s0 =	sld [smem:$0x3F92];
	_ =	swait.ge [sflag:s4], $0x0  }
0x19: {  	s7 =	sld [smem:$0x3F93]  }
0x1a: {  	s8 =	sadd.s32 $0xFFFFE003, lr  }
0x1b: {  	s9 =	sadd.s32 $0xFFFFFEF7, lr;
	s5 =	simm.s32 $0xFFFFFFFF;
	p2 =	slt.u32 s8, $0xFFFFF086  }
0x1c: {  	p1 =	slt.u32 s9, $0xF7A;
	s5 =	simm.s32 @!p2 $0x0  }
0x1d: {  	s5 =	simm.s32 @p1 $0x1;
	p0 =	seq.s32 s7, s2  }
0x1e: {  	s7 =	smul.u32 @!p0 $0xF7A, s2;
	p2 =	seq.s32 @!p0 s5, $0x0  }
0x1f: {  	s9 =	smul.u32 $0xF7A, s1;
	s8 =	simm.s32 @!p0 $0x1BF5;
	p2 =	por !p2, p0  }
0x20: {  	[sflag:s8] =	ssyncset.s32 @!p0 $0xFFFFF086;
	s6 =	sadd.s32 @!p0 s3, s7;
	s7 =	simm.s32 @!p0 $0x108  }
0x21: {  	s3 =	sadd.s32 s3, s9;
	s6 =	sadd.s32 @!p0 $0x88, s6;
	s7 =	simm.s32 @p2 $0x1082  }
0x22: {  	[simem:s7], [sflag:s8] =	dma.local @!p0 [hbm:s6], $0xF7A  }
0x23: {  	s9 =	sor.u32 $0xD0000000, s2;
	s6 =	simm.s32 $0x108;
	_ =	swait.ge @!p0 [sflag:s8], $0x0  }
0x24: {  	s3 =	sadd.s32 $0x88, s3;
	s6 =	simm.s32 @!p1 $0x1082;
	[sflag:s4] =	ssyncset.s32 $0xFFFFF086  }
0x25: {  	[simem:s6], [sflag:s4] =	dma.local [hbm:s3], $0xF7A  }
0x26: {  	[smem:$0x3F93] =	sst s1;
	(tag) =	ssettag s2;
	_ =	strace s9  }
0x27: {  	s1 =	sld [smem:$0x3FA3]  }
0x28: {  	s2 =	sld [smem:$0x3FA4]  }
0x29: {  	s4 =	sld [smem:$0x3FA6]  }
0x2a: {  	p0 =	seq.s32 s5, $0x0;
	s5 =	sld [smem:$0x3FA7]  }
0x2b: {  	s6 =	sld [smem:$0x3FA8]  }
0x2c: {  	s7 =	sld [smem:$0x3FA9]  }
0x2d: {  	s3 =	simm.s32 $0x108;
	s8 =	sld [smem:$0x3FAA]  }
0x2e: {  	s3 =	simm.s32 @!p0 $0x1082;
	s9 =	sld [smem:$0x3FAB]  }
0x2f: {  	lr =	sadd.s32 s0, s3;
	s0 =	sld [smem:$0x3FA2]  }
0x30: {  	s3 =	sld [smem:$0x3FA5]  }
0x31: {  	[smem:$0x3FAE] =	sst s10  }
0x32: {  	s10 =	sld [smem:$0x3FAC];
	_ =	sdelay $0x3  }
0x33: {  	p0 =	seq.s32 s10, $0x1;
	s10 =	sld [smem:$0x3FAE];
	_ =	sdelay $0x3  }
0x34: {  	[smem:$0x3FAE] =	sst s10  }
0x35: {  	s10 =	sld [smem:$0x3FAD];
	_ =	sdelay $0x3  }
0x36: {  	p1 =	seq.s32 s10, $0x1;
	s10 =	sld [smem:$0x3FAE];
	_ =	sdelay $0x3  }
0x37: {  	[smem:$0x3FAE] =	sst s10  }
0x38: {  	s10 =	sld [smem:$0x3FAF]  }
0x39: {  	_ = 	snop;
	(pc) =	sbr.ind lr, $3  }
0x3a: {  	_ = 	snop  }
0x3b: {  	_ = 	snop  }
0x3c: {  	p2 =	seq.s32 s10, $0x1;
	s10 =	sld [smem:$0x3FAE]  }
0x3d: {  	_ =	shalt  }
0x3e: {  	_ =	shalt  }
0x3f: {  	_ =	shalt  }
0x40: {  	_ =	shalt  }
0x41: {  	_ =	shalt  }
0x42: {  	_ =	shalt  }
0x43: {  	_ =	shalt  }
0x44: {  	_ =	shalt  }
0x45: {  	_ =	shalt  }
0x46: {  	_ =	shalt  }
0x47: {  	_ =	shalt  }
0x48: {  	_ =	shalt  }
0x49: {  	_ =	shalt  }
0x4a: {  	_ =	shalt  }
0x4b: {  	_ =	shalt  }
0x4c: {  	_ =	shalt  }
0x4d: {  	_ =	shalt  }
0x4e: {  	_ =	shalt  }
0x4f: {  	_ =	shalt  }
0x50: {  	_ =	shalt  }
0x51: {  	_ =	shalt  }
0x52: {  	_ =	shalt  }
0x53: {  	_ =	shalt  }
0x54: {  	_ =	shalt  }
0x55: {  	_ =	shalt  }
0x56: {  	_ =	shalt  }
0x57: {  	_ =	shalt  }
0x58: {  	_ =	shalt  }
0x59: {  	_ =	shalt  }
0x5a: {  	_ =	shalt  }
0x5b: {  	_ =	shalt  }
0x5c: {  	_ =	shalt  }
0x5d: {  	_ =	shalt  }
0x5e: {  	_ =	shalt  }
0x5f: {  	_ =	shalt  }
0x60: {  	_ =	shalt  }
0x61: {  	_ =	shalt  }
0x62: {  	_ =	shalt  }
0x63: {  	_ =	shalt  }
0x64: {  	_ =	shalt  }
0x65: {  	_ =	shalt  }
0x66: {  	_ =	shalt  }
0x67: {  	_ =	shalt  }
0x68: {  	_ =	shalt  }
0x69: {  	_ =	shalt  }
0x6a: {  	_ =	shalt  }
0x6b: {  	_ =	shalt  }
0x6c: {  	_ =	shalt  }
0x6d: {  	_ =	shalt  }
0x6e: {  	_ =	shalt  }
0x6f: {  	_ =	shalt  }
0x70: {  	_ =	shalt  }
0x71: {  	_ =	shalt  }
0x72: {  	_ =	shalt  }
0x73: {  	_ =	shalt  }
0x74: {  	_ =	shalt  }
0x75: {  	_ =	shalt  }
0x76: {  	_ =	shalt  }
0x77: {  	_ =	shalt  }
0x78: {  	_ =	shalt  }
0x79: {  	_ =	shalt  }
0x7a: {  	_ =	shalt  }
0x7b: {  	_ =	shalt  }
0x7c: {  	_ =	shalt  }
0x7d: {  	_ =	shalt  }
0x7e: {  	_ =	shalt  }
0x7f: {  	_ =	shalt  }
0x80: {  	_ =	shalt  }
0x81: {  	_ =	shalt  }
0x82: {  	_ =	shalt  }
0x83: {  	_ =	shalt  }
0x84: {  	_ =	shalt  }
0x85: {  	_ =	shalt  }
0x86: {  	_ =	shalt  }
0x87: {  	_ =	shalt  }
.Lfunc_end0:
.L_simem_size_0:
called_computation.4_lowered:
.L_overlay_start_0:
0x88: {  	s0 =	sld [smem:$0x3FD9]  }
0x89: {  	s1 =	sld [smem:$0x3FFE];
	_ =	sdelay $0x3  }
0x8a: {  	s0 =	sadd.s32 s1, s0  }
0x8b: {  	[smem:$0x3FBA] =	sst s0  }
0x8c: {  	_ = 	snop  }
0x8d: {  	(tm) =	ssettm $0x1  }
0x8e: {  	s15 =	sld [smem:$0x3FFB];
	_ =	sdelay $0x3  }
0x8f: {  	_ =	strace s15  }
0x90: {  	s0 =	sld [smem:$0x3FFC];
	_ =	sdelay $0x3  }
0x91: {  	_ =	strace s0  }
0x92: {  	s0 =	sld [smem:$0x3FFD];
	_ =	sdelay $0x3  }
0x93: {  	_ =	strace s0  }
0x94: {  	_ =	strace $0x8FFFFFFF  }
0x95: {  	s16 =	sld [smem:$0x3FDB];
	_ =	sdelay $0x1  }
0x96: {  	s17 =	simm.s32 $_scs_section_size  }
0x97: {  	s2 =	simm.s32 $_size__tile_overlayer_lowered;
	s3 =	simm.s32 $_tile_overlayer_lowered  }
0x98: {  	s20 =	simm.s32 $0x1BFF;
	s19 =	sshll.u32 s3, $0x1;
	s0 =	sadd.s32 s17, s16  }
0x99: {  	s4 =	simm.s32 $0x0;
	s18 =	sshll.u32 s2, $0x1;
	s2 =	sadd.s32 s19, s0  }
0x9a: {  	[timem:s4], [sflag:s20] =	dma.local [hbm:s2], s18  }
0x9b: {  	_ =	swait.ge [sflag:s20], s18  }
0x9c: {  	s1 =	ssub.s32 $0x0, s18;
	[sflag:s20] =	ssyncset.done $0x0  }
0x9d: {  	[sflag:s20] =	ssyncadd.s32 s1;
	_ =	sdelay $0x1  }
0x9e: {  	s21 =	simm.s32 $0x1B8B  }
0x9f: {  	_ =	swait.ge [sflag:s21], $0x1  }
0xa0: {  	[sflag:s21] =	ssyncset.done $0x0  }
0xa1: {  	s23 =	simm.s32 $0x1B8E;
	s22 =	sld [smem:$0x3FFE];
	[sflag:s21] =	ssyncadd.s32 $0xFFFFFFFF  }
0xa2: {  	s24 =	simm.s32 $execute0_lowered;
	[smem:$0x3FD2] =	sst s23  }
0xa3: {  	s2 =	sshll.u32 s24, $0x1;
	_ =	strace $0x80000052;
	[dreg:$0x1] =	wrdreg $0xFFFFFFFF  }
0xa4: {  	s25 =	simm.s32 $_size_execute0_lowered;
	s0 =	sadd.s32 s0, s2;
	[dreg:$0x0] =	wrdreg $0x0  }
0xa5: {  	s2 =	sshll.u32 s25, $0x1;
	[dreg:$0x2] =	wrdreg s0  }
0xa6: {  	[dreg:$0x3] =	wrdreg s2  }
0xa7: {  	[dreg:$0x4] =	wrdreg $0xC0  }
0xa8: {  	_ =	task [dreg:s4], $0x5FFFF  }
0xa9: {  	[dreg:$0x1] =	wrdreg $0xFFFFFFFF  }
0xaa: {  	[dreg:$0x0] =	wrdreg $0x60  }
0xab: {  	[dreg:$0x2] =	wrdreg s22  }
0xac: {  	[dreg:$0x3] =	wrdreg $0xA0000  }
0xad: {  	[dreg:$0x4] =	wrdreg $0x9  }
0xae: {  	_ =	task.clear_ibuf [dreg:s4], $0x5FFFF;
	_ =	strace $0x90000052  }
0xaf: {  	s26 =	simm.s32 $0x9;
	_ =	strace $0x80000054  }
0xb0: {  	_ =	swait.ge [sflag:s26], $0x1  }
0xb1: {  	[sflag:s26] =	ssyncadd.s32 $0xFFFFFFFF  }
0xb2: {  	_ =	strace $0x90000054  }
0xb3: {  	_ =	sfence  }
0xb4: {  	s28 =	sld [smem:$0x0];
	_ =	sdelay $0x1  }
0xb5: {  	s29 =	srdreg.scid  }
0xb6: {  	s30 =	sshll.u32 s29, $0xD;
	s31 =	sshrl.u32 s29, $0x2  }
0xb7: {  	s1 =	sand.u32 $0x1, s29;
	s2 =	sand.u32 $0x4000, s30;
	s0 =	sadd.s32 s31, s28  }
0xb8: {  	s1 =	sor.u32 s2, s1;
	s0 =	sshll.u32 s0, $0x11  }
0xb9: {  	s0 =	sor.u32 s0, s1  }
0xba: {  	s0 =	sadd.s32 $0x8F2B, s0  }
0xbb: {  	[sflag:s0] =	ssyncadd.remote.s32 $0x1  }
0xbc: {  	_ =	sfence.sel $0xFFFF  }
0xbd: {  	[dreg:$0x0] =	wrdreg $0xFFFFFFFF;
	(pc) =	sbr.abs _section_cstart, $3  }
0xbe: {  	[dreg:$0x1] =	wrdreg $0xFFFFFFFF  }
0xbf: {  	_ =	task.clear_ibuf [dreg:s4], $0x2FFFF;
	_ =	strace $0x9FFFFFFF  }
0xc0: {  	(tm) =	ssettm $0x7FFFFFFF  }
0xc1: {  	_ =	shalt  }
tec
execute0_lowered:
.L_overlay_start_1:
0x0: {  	(tag) =	ssettag $0x1  }
0x1: {  	s12 =	rddreg [dreg:$0x0]  }
0x2: {  	s2 =	rddreg [dreg:$0x1]  }
0x3: {  	s1 =	stileid.u32;
	s14 =	simm.s32 $0x0;
	s8 =	simm.s32 $0x1000  }
0x4: {  	s24 =	simm.s32 $0x6;
	s13 =	smul.u32 $0x5000, s1;
	[smem:$0x7FF] =	sst s14  }
0x5: {  	s3 =	smul.u32 $0x50000, s1;
	s6 =	sadd.s32 $0x5000, s12;
	s11 =	sadd.s32 $0x2D000, s12  }
0x6: {  	s10 =	sadd.s32 $0x37000, s12;
	s22 =	sshll.u32 s1, $0x6;
	s4 =	sshrl.u32 s13, $0x3  }
0x7: {  	_ =	strace $0x80000053;
	s3 =	sshrl.u32 s3, $0x2;
	s5 =	sadd.s32 s11, s4  }
0x8: {  	[tilespmem:s14], [sflag:$0x5] =	stream.linear.gather [hbm4b:s5+s14], $0x800, $0x38;
	[tilespmem:$0x1E000] =	vst v63  }
0x9: {  	s4 =	sadd.s32 s10, s4;
	s7 =	sadd.s32 s3, s2;
	s3 =	smul.u32 $0x2800, s1  }
0xa: {  	[tilespmem:s8], [sflag:$0x5] =	stream.linear.gather [hbm4b:s4+s14], $0x800, $0x38;
	[tilespmem:$0x1E000] =	vst v63  }
0xb: {  	s5 =	sshrl.u32 s7, $0x3;
	s23 =	sadd.s32 s6, s3;
	s4 =	sor.u32 $0x1C06, s22  }
0xc: {  	[spmem:s5], [sflag:s4] =	dma.local [hbm:s23], $0x2800  }
0xd: {  	_ =	swait.ge [sflag:s24], $0x2800  }
0xe: {  	[sflag:s24] =	ssyncset.done $0x0  }
0xf: {  	s25 =	simm.s32 $0x5;
	[sflag:s24] =	ssyncadd.s32 $0xFFFFD800  }
0x10: {  	s17 =	sand.u32 $0xE, s14;
	_ =	swait.ge [sflag:s25], $0x800  }
0x11: {  	p0 =	sne.s32 s17, $0x0;
	[sflag:s25] =	ssyncset.done $0x0  }
0x12: {  	p1 =	por @!p0 $0x0, $0x0;
	[sflag:s25] =	ssyncadd.s32 $0xFFFFF800  }
0x13: {  	p0 =	por p1, p0;
	_ =	swait.ge [sflag:s25], $0x800  }
0x14: {  	s15 =	sand.u32 @!p0 $0x7800, s14;
	[sflag:s25] =	ssyncset.done $0x0  }
0x15: {  	s9 =	simm.s32 $0x2000;
	s15 =	sadd.s32 @!p0 $0x800, s15;
	[sflag:s25] =	ssyncadd.s32 $0xFFFFF800  }
0x16: {  	s7 =	simm.s32 $0x80;
	s16 =	sadd.s32 @!p0 s13, s15;
	[bflag:$0x0] =	sbarrier.arrive $0xFFFF  }
0x17: {  	[tilespmem:s9], [sflag:$0x1] =	stream.indirect.gather [hbm4b:s6+s7], $0x80, s14, s7, $0xb8;
	[tilespmem:$0x1E000] =	vst v63  }
0x18: {  	s20 =	simm.s32 $0x100;
	s8 =	simm.s32 $0x6000;
	s18 =	sshrl.u32 @!p0 s16, $0x3  }
0x19: {  	[tilespmem:s8], [sflag:$0x2] =	stream.indirect.gather [hbm4b:s6+s7], $0x80, s7, s7, $0xb8;
	[tilespmem:$0x1E000] =	vst v63  }
0x1a: {  	s19 =	simm.s32 @!p0 $0x0;
	s15 =	sand.u32 @!p0 $0x800, s15;
	s16 =	sadd.s32 @!p0 s11, s18  }
0x1b: {  	[tilespmem:s15], [sflag:$0x5] =	stream.linear.gather @!p0 [hbm4b:s16+s19], $0x800, $0x38;
	[tilespmem:$0x1E000] =	vst v63  }
0x1c: {  	s18 =	sadd.s32 @!p0 s10, s18;
	s16 =	simm.s32 $0x1;
	s15 =	sor.u32 @!p0 $0x1000, s15  }
0x1d: {  	[tilespmem:s15], [sflag:$0x5] =	stream.linear.gather @!p0 [hbm4b:s18+s19], $0x800, $0x38;
	[tilespmem:$0x1E000] =	vst v63  }
0x1e: {  	s26 =	sand.u32 $0x800, s14;
	s17 =	sshll.u32 s17, $0x7;
	_ =	swait.ge [sflag:s16], $0x4000  }
0x1f: {  	s14 =	sand.u32 $0x1C00, s14;
	s18 =	sor.u32 $0x1000, s26;
	[sflag:s16] =	ssyncset.done $0x0  }
0x20: {  	s15 =	simm.s32 $0x2;
	s17 =	sor.u32 s17, s18;
	[sflag:s16] =	ssyncadd.s32 $0xFFFFC000  }
0x21: {  	[spmem:s2] =	stream.indirect.scatter.add.f32 [tilespmem:s9], [sflag:$0x3], $0x80, s17, s7, $0xb8;
	[tilespmem:$0x1E000] =	vst v63  }
0x22: {  	s21 =	simm.s32 $0x600;
	s14 =	sshrl.u32 s14, $0x2;
	_ =	swait.ge [sflag:s15], $0x4000  }
0x23: {  	s14 =	sor.u32 s14, s18;
	s18 =	simm.s32 $0x2;
	[sflag:s15] =	ssyncset.done $0x0  }
0x24: {  	s14 =	sor.u32 $0x80, s14;
	s17 =	simm.s32 $0x3;
	[sflag:s15] =	ssyncadd.s32 $0xFFFFC000  }
0x25: {  	[spmem:s2] =	stream.indirect.scatter.add.f32 [tilespmem:s8], [sflag:$0x4], $0x80, s14, s7, $0xb8;
	[tilespmem:$0x1E000] =	vst v63  }
0x26: {  	s12 =	sadd.s32 $0x4B000, s12;
	s31 =	sand.u32 $0xE, s18;
	_ =	swait.ge [sflag:s17], $0x4000  }
0x27: {  	s22 =	simm.s32 $0x200;
	p2 =	sne.s32 s31, $0x0;
	[sflag:s17] =	ssyncset.done $0x0  }
0x28: {  	s23 =	simm.s32 $0x1;
	s29 =	simm.s32 @!p2 $0x5;
	[sflag:s17] =	ssyncadd.s32 $0xFFFFC000  }
0x29: {  	s24 =	simm.s32 $0xA00;
	p0 =	por @!p2 $0x0, $0x0;
	_ =	swait.ge @!p2 [sflag:s29], $0x800  }
0x2a: {  	s26 =	sshll.u32 s31, $0x7;
	p0 =	por p0, p2;
	[sflag:s29] =	ssyncset.done @!p2 $0x0  }
0x2b: {  	s25 =	sshll.u32 s31, $0x7;
	s19 =	sand.u32 @!p0 $0x7800, s20;
	[sflag:s29] =	ssyncadd.s32 @!p2 $0xFFFFF800  }
0x2c: {  	s28 =	sadd.s32 @!p0 $0x800, s19;
	s19 =	simm.s32 $0x400;
	_ =	swait.ge @!p2 [sflag:s29], $0x800  }
0x2d: {  	s14 =	simm.s32 $0x4;
	s30 =	sand.u32 $0x2000, s19;
	[sflag:s29] =	ssyncset.done @!p2 $0x0  }
.LBB2_1:
0x2e: {  	s31 =	sadd.s32 @!p0 s13, s28  }
0x2f: {  	s30 =	sshrl.u32 s30, $0x2;
	s0 =	smov.u32 s22;
	s22 =	sadd.s32 $0x100, s22  }
0x30: {  	s31 =	sshrl.u32 @!p0 s31, $0x3;
	[sflag:s29] =	ssyncadd.s32 @!p2 $0xFFFFF800;
	s25 =	sor.u32 s25, s30  }
0x31: {  	[tilespmem:s9], [sflag:$0x1] =	stream.indirect.gather [hbm4b:s6+s7], $0x80, s25, s7, $0xb8;
	[tilespmem:$0x1E000] =	vst v63  }
0x32: {  	s25 =	sadd.s32 @!p0 s11, s31;
	s29 =	sadd.s32 @!p0 s10, s31;
	_ =	swait.ge [sflag:s14], $0x4000  }
0x33: {  	s21 =	sand.u32 $0x3E00, s21;
	p1 =	sne.s32 s22, $0x4F00;
	[sflag:s14] =	ssyncset.done $0x0  }
0x34: {  	s30 =	sshrl.u32 s21, $0x2;
	s21 =	smov.u32 s24;
	[sflag:s14] =	ssyncadd.s32 $0xFFFFC000  }
0x35: {  	[tilespmem:s8], [sflag:$0x2] =	stream.indirect.gather [hbm4b:s6+s7], $0x80, s30, s7, $0xb8;
	[tilespmem:$0x1E000] =	vst v63  }
0x36: {  	s24 =	sand.u32 @!p0 $0x800, s28;
	s28 =	simm.s32 @!p0 $0x0  }
0x37: {  	[tilespmem:s24], [sflag:$0x5] =	stream.linear.gather @!p0 [hbm4b:s25+s28], $0x800, $0x38;
	[tilespmem:$0x1E000] =	vst v63  }
0x38: {  	s24 =	sor.u32 @!p0 $0x1000, s24  }
0x39: {  	[tilespmem:s24], [sflag:$0x5] =	stream.linear.gather @!p0 [hbm4b:s29+s28], $0x800, $0x38;
	[tilespmem:$0x1E000] =	vst v63  }
0x3a: {  	s24 =	sand.u32 $0x800, s20;
	s20 =	smov.u32 s0;
	_ =	swait.ge [sflag:s16], $0x4000  }
0x3b: {  	s0 =	sor.u32 $0x1000, s24;
	[sflag:s16] =	ssyncset.done $0x0  }
0x3c: {  	s25 =	sand.u32 $0x1C00, s19;
	s24 =	sor.u32 s26, s0;
	[sflag:s16] =	ssyncadd.s32 $0xFFFFC000  }
0x3d: {  	[spmem:s2] =	stream.indirect.scatter.add.f32 [tilespmem:s9], [sflag:$0x3], $0x80, s24, s7, $0xb8;
	[tilespmem:$0x1E000] =	vst v63  }
0x3e: {  	s24 =	sshrl.u32 s25, $0x2;
	_ =	swait.ge [sflag:s15], $0x4000  }
0x3f: {  	s0 =	sor.u32 s24, s0;
	[sflag:s15] =	ssyncset.done $0x0  }
0x40: {  	s18 =	sadd.s32 $0x2, s18;
	s0 =	sor.u32 $0x80, s0;
	[sflag:s15] =	ssyncadd.s32 $0xFFFFC000  }
0x41: {  	[spmem:s2] =	stream.indirect.scatter.add.f32 [tilespmem:s8], [sflag:$0x4], $0x80, s0, s7, $0xb8;
	[tilespmem:$0x1E000] =	vst v63  }
0x42: {  	s0 =	sand.u32 $0xE, s18;
	_ =	swait.ge [sflag:s17], $0x4000  }
0x43: {  	s23 =	sadd.s32 $0x1, s23;
	p2 =	sne.s32 s0, $0x0;
	[sflag:s17] =	ssyncset.done $0x0  }
0x44: {  	s29 =	simm.s32 @!p2 $0x5;
	[sflag:s17] =	ssyncadd.s32 $0xFFFFC000  }
.Ltmp0:
0x45: {  	s25 =	sshll.u32 s0, $0x7;
	_ =	swait.ge @!p2 [sflag:s29], $0x800;
	(pc) =	sbr.rel @p1 .LBB2_1-.Ltmp0, $4  }
0x46: {  	s19 =	sadd.s32 $0x400, s19;
	p0 =	sgt.u32 @!p2 s23, $0x47;
	[sflag:s29] =	ssyncset.done @!p2 $0x0  }
0x47: {  	s30 =	sand.u32 $0x2000, s19;
	p0 =	por p0, p2;
	[sflag:s29] =	ssyncadd.s32 @!p2 $0xFFFFF800  }
0x48: {  	s24 =	sadd.s32 $0x600, s19;
	s0 =	sand.u32 @!p0 $0x7800, s20;
	_ =	swait.ge @!p2 [sflag:s29], $0x800  }
0x49: {  	s26 =	smov.u32 s25;
	s28 =	sadd.s32 @!p0 $0x800, s0;
	[sflag:s29] =	ssyncset.done @!p2 $0x0  }
0x4a: {  	s0 =	sshrl.u32 s30, $0x2  }
0x4b: {  	[sflag:s29] =	ssyncadd.s32 @!p2 $0xFFFFF800;
	s0 =	sor.u32 s25, s0  }
0x4c: {  	[tilespmem:s9], [sflag:$0x1] =	stream.indirect.gather [hbm4b:s6+s7], $0x80, s0, s7, $0xb8;
	[tilespmem:$0x1E000] =	vst v63  }
0x4d: {  	_ =	swait.ge [sflag:s14], $0x4000  }
0x4e: {  	s31 =	sand.u32 $0x3E00, s21;
	s0 =	sadd.s32 @!p0 s13, s28;
	[sflag:s14] =	ssyncset.done $0x0  }
0x4f: {  	s13 =	sshrl.u32 s31, $0x2;
	s0 =	sshrl.u32 @!p0 s0, $0x3;
	[sflag:s14] =	ssyncadd.s32 $0xFFFFC000  }
0x50: {  	[tilespmem:s8], [sflag:$0x2] =	stream.indirect.gather [hbm4b:s6+s7], $0x80, s13, s7, $0xb8;
	[tilespmem:$0x1E000] =	vst v63  }
0x51: {  	s21 =	simm.s32 @!p0 $0x0;
	s11 =	sadd.s32 @!p0 s11, s0;
	s13 =	sand.u32 @!p0 $0x800, s28  }
0x52: {  	[tilespmem:s13], [sflag:$0x5] =	stream.linear.gather @!p0 [hbm4b:s11+s21], $0x800, $0x38;
	[tilespmem:$0x1E000] =	vst v63  }
0x53: {  	s0 =	sadd.s32 @!p0 s10, s0;
	s10 =	sor.u32 @!p0 $0x1000, s13  }
0x54: {  	[tilespmem:s10], [sflag:$0x5] =	stream.linear.gather @!p0 [hbm4b:s0+s21], $0x800, $0x38;
	[tilespmem:$0x1E000] =	vst v63  }
0x55: {  	s10 =	sand.u32 $0x800, s20;
	_ =	swait.ge [sflag:s16], $0x4000  }
0x56: {  	s0 =	sor.u32 $0x1000, s10;
	[sflag:s16] =	ssyncset.done $0x0  }
0x57: {  	s13 =	sand.u32 $0x1C00, s19;
	s11 =	sor.u32 s25, s0;
	[sflag:s16] =	ssyncadd.s32 $0xFFFFC000  }
0x58: {  	[spmem:s2] =	stream.indirect.scatter.add.f32 [tilespmem:s9], [sflag:$0x3], $0x80, s11, s7, $0xb8;
	[tilespmem:$0x1E000] =	vst v63  }
0x59: {  	s10 =	sshrl.u32 s13, $0x2;
	_ =	swait.ge [sflag:s15], $0x4000  }
0x5a: {  	s0 =	sor.u32 s10, s0;
	[sflag:s15] =	ssyncset.done $0x0  }
0x5b: {  	s0 =	sor.u32 $0x80, s0;
	s16 =	sadd.s32 $0x2, s18;
	[sflag:s15] =	ssyncadd.s32 $0xFFFFC000  }
0x5c: {  	[spmem:s2] =	stream.indirect.scatter.add.f32 [tilespmem:s8], [sflag:$0x4], $0x80, s0, s7, $0xb8;
	[tilespmem:$0x1E000] =	vst v63  }
0x5d: {  	s0 =	sand.u32 $0xE, s16;
	_ =	swait.ge [sflag:s17], $0x4000  }
0x5e: {  	p0 =	sne.s32 s0, $0x0;
	[sflag:s17] =	ssyncset.done $0x0  }
0x5f: {  	s10 =	simm.s32 @!p0 $0x5;
	[sflag:s17] =	ssyncadd.s32 $0xFFFFC000  }
0x60: {  	_ =	swait.ge @!p0 [sflag:s10], $0x800  }
0x61: {  	[sflag:s10] =	ssyncset.done @!p0 $0x0  }
0x62: {  	s18 =	sadd.s32 $0x400, s19;
	[sflag:s10] =	ssyncadd.s32 @!p0 $0xFFFFF800  }
0x63: {  	s11 =	sand.u32 $0x2000, s18;
	_ =	swait.ge @!p0 [sflag:s10], $0x800  }
0x64: {  	s11 =	sshrl.u32 s11, $0x2;
	s0 =	sshll.u32 s0, $0x7;
	[sflag:s10] =	ssyncset.done @!p0 $0x0  }
0x65: {  	s0 =	sor.u32 s0, s11;
	[sflag:s10] =	ssyncadd.s32 @!p0 $0xFFFFF800  }
0x66: {  	[tilespmem:s9], [sflag:$0x1] =	stream.indirect.gather [hbm4b:s6+s7], $0x80, s0, s7, $0xb8;
	[tilespmem:$0x1E000] =	vst v63  }
0x67: {  	_ =	swait.ge [sflag:s14], $0x4000  }
0x68: {  	s19 =	sand.u32 $0x3E00, s24;
	[sflag:s14] =	ssyncset.done $0x0  }
0x69: {  	s20 =	simm.s32 $0x1;
	s0 =	sshrl.u32 s19, $0x2;
	[sflag:s14] =	ssyncadd.s32 $0xFFFFC000  }
0x6a: {  	[tilespmem:s8], [sflag:$0x2] =	stream.indirect.gather [hbm4b:s6+s7], $0x80, s0, s7, $0xb8;
	[tilespmem:$0x1E000] =	vst v63  }
0x6b: {  	_ =	swait.ge [sflag:s20], $0x4000  }
0x6c: {  	s22 =	simm.s32 $0x1F00;
	s23 =	simm.s32 $0x2000;
	[sflag:s20] =	ssyncset.done $0x0  }
0x6d: {  	s21 =	simm.s32 $0x80;
	s24 =	simm.s32 $0x2;
	[sflag:s20] =	ssyncadd.s32 $0xFFFFC000  }
0x6e: {  	[spmem:s2] =	stream.indirect.scatter.add.f32 [tilespmem:s23], [sflag:$0x3], $0x80, s22, s21, $0xb8;
	[tilespmem:$0x1E000] =	vst v63  }
0x6f: {  	_ =	swait.ge [sflag:s24], $0x4000  }
0x70: {  	s26 =	simm.s32 $0x6000;
	[sflag:s24] =	ssyncset.done $0x0  }
0x71: {  	s28 =	simm.s32 $0x3;
	s25 =	simm.s32 $0x1F80;
	[sflag:s24] =	ssyncadd.s32 $0xFFFFC000  }
0x72: {  	[spmem:s2] =	stream.indirect.scatter.add.f32 [tilespmem:s26], [sflag:$0x4], $0x80, s25, s21, $0xb8;
	[tilespmem:$0x1E000] =	vst v63  }
0x73: {  	_ =	swait.ge [sflag:s28], $0x4000  }
0x74: {  	[sflag:s28] =	ssyncset.done $0x0  }
0x75: {  	s29 =	simm.s32 $0x4;
	[sflag:s28] =	ssyncadd.s32 $0xFFFFC000  }
0x76: {  	_ =	swait.ge [sflag:s29], $0x4000  }
0x77: {  	[sflag:s29] =	ssyncset.done $0x0  }
0x78: {  	[sflag:s29] =	ssyncadd.s32 $0xFFFFC000  }
0x79: {  	s30 =	sadd.s32 s12, s3;
	s31 =	simm.s32 $0x6;
	[bflag:$0x0] =	sbarrier.arrive $0xFFFF  }
0x7a: {  	[hbm:s30], [sflag:s4] =	dma.local [spmem:s5], $0x2800  }
0x7b: {  	_ =	swait.ge [sflag:s31], $0x2800  }
0x7c: {  	[sflag:s31] =	ssyncset.done $0x0  }
0x7d: {  	[sflag:s31] =	ssyncadd.s32 $0xFFFFD800  }
0x7e: {  	_ =	sfence.sel $0x180000  }
0x7f: {  	[bflag:$0x0] =	sbarrier.arrive $0xFFFF  }
0x80: {  	_ =	strace $0x90000053  }
0x81: {  	[bflag:$0x2] =	sbarrier.arrive $0xFFFF  }
0x82: {  	p0 =	sne.s32 s1, $0x0;
	s0 =	rddreg [dreg:$0x2]  }
0x83: {  	s0 =	sadd.s32 @!p0 $0x100000, s0  }
0x84: {  	[sflag:s0] =	ssyncadd.tile.s32 @!p0 $0x1;
	_ =	shalt  }
.Lfunc_end2:
_tile_overlayer_lowered:
.L_overlay_start_2:
0x85: {  	(tag) =	ssettag $0x2  }
0x86: {  	s0 =	rddreg [dreg:$0x0];
	s2 =	stileid.u32  }
0x87: {  	s1 =	rddreg [dreg:$0x1];
	p0 =	sne.s32 s2, $0x0  }
0x88: {  	s3 =	rddreg [dreg:$0x2];
	[bflag:$0x3] =	sbarrier.arrive $0xFFFF;
	s2 =	simm.s32 @!p0 $0x1C06  }
0x89: {  	[timem:s3], [sflag:s2] =	dma.local @!p0 [hbm:s0], s1  }
0x8a: {  	s0 =	simm.s32 @!p0 $0x6  }
0x8b: {  	_ =	swait.ge @!p0 [sflag:s0], s1  }
0x8c: {  	s1 =	ssub.s32 @!p0 $0x0, s1;
	[sflag:s0] =	ssyncset.done @!p0 $0x0  }
0x8d: {  	[sflag:s0] =	ssyncadd.s32 @!p0 s1  }
0x8e: {  	[bflag:$0x3] =	sbarrier.arrive $0xFFFF  }
0x8f: {  	_ =	shalt  }

// kernel: kernel.27.cloned.1.call-start
scs
__scs_entry_jumppad:
0x0: {  	(pc) =	sbr.rel $0x88, $3  }
0x1: {  	(tag) =	ssettag $0x0;
	lr =	simm.s32 $0x1  }
0x2: {  	[smem:$0x3F93] =	sst lr;
	_ =	strace $0xD0000000  }
0x3: {  	_ = 	snop  }
0x4: {  	_ = 	snop  }
0x5: {  	_ = 	snop  }
0x6: {  	_ = 	snop  }
0x7: {  	_ = 	snop  }
__scs_overlays_trampoline_lowered:
0x8: {  	[smem:$0x3FA2] =	sst s0  }
0x9: {  	[smem:$0x3FA3] =	sst s1  }
0xa: {  	[smem:$0x3FA4] =	sst s2  }
0xb: {  	[smem:$0x3FA5] =	sst s3  }
0xc: {  	[smem:$0x3FA6] =	sst s4  }
0xd: {  	[smem:$0x3FA7] =	sst s5  }
0xe: {  	[smem:$0x3FA8] =	sst s6  }
0xf: {  	[smem:$0x3FA9] =	sst s7  }
0x10: {  	[smem:$0x3FAA] =	sst s8  }
0x11: {  	[smem:$0x3FAB] =	sst s9;
	s0 =	simm.s32 @!p0 $0x0  }
0x12: {  	s1 =	sld [smem:$0x3F91];
	s0 =	simm.s32 @p0 $0x1  }
0x13: {  	[smem:$0x3FAC] =	sst s0;
	s0 =	simm.s32 @!p1 $0x0  }
0x14: {  	s2 =	sld [smem:$0x3F90];
	s0 =	simm.s32 @p1 $0x1  }
0x15: {  	[smem:$0x3FAD] =	sst s0;
	s0 =	simm.s32 @!p2 $0x0  }
0x16: {  	s3 =	sld [smem:$0x3FDB];
	s0 =	simm.s32 @p2 $0x1  }
0x17: {  	s4 =	simm.s32 $0x1BF5;
	[smem:$0x3FAF] =	sst s0  }
0x18: {  	s0 =	sld [smem:$0x3F92];
	_ =	swait.ge [sflag:s4], $0x0  }
0x19: {  	s7 =	sld [smem:$0x3F93]  }
0x1a: {  	s8 =	sadd.s32 $0xFFFFE003, lr  }
0x1b: {  	s9 =	sadd.s32 $0xFFFFFEF7, lr;
	s5 =	simm.s32 $0xFFFFFFFF;
	p2 =	slt.u32 s8, $0xFFFFF086  }
0x1c: {  	p1 =	slt.u32 s9, $0xF7A;
	s5 =	simm.s32 @!p2 $0x0  }
0x1d: {  	s5 =	simm.s32 @p1 $0x1;
	p0 =	seq.s32 s7, s2  }
0x1e: {  	s7 =	smul.u32 @!p0 $0xF7A, s2;
	p2 =	seq.s32 @!p0 s5, $0x0  }
0x1f: {  	s9 =	smul.u32 $0xF7A, s1;
	s8 =	simm.s32 @!p0 $0x1BF5;
	p2 =	por !p2, p0  }
0x20: {  	[sflag:s8] =	ssyncset.s32 @!p0 $0xFFFFF086;
	s6 =	sadd.s32 @!p0 s3, s7;
	s7 =	simm.s32 @!p0 $0x108  }
0x21: {  	s3 =	sadd.s32 s3, s9;
	s6 =	sadd.s32 @!p0 $0x88, s6;
	s7 =	simm.s32 @p2 $0x1082  }
0x22: {  	[simem:s7], [sflag:s8] =	dma.local @!p0 [hbm:s6], $0xF7A  }
0x23: {  	s9 =	sor.u32 $0xD0000000, s2;
	s6 =	simm.s32 $0x108;
	_ =	swait.ge @!p0 [sflag:s8], $0x0  }
0x24: {  	s3 =	sadd.s32 $0x88, s3;
	s6 =	simm.s32 @!p1 $0x1082;
	[sflag:s4] =	ssyncset.s32 $0xFFFFF086  }
0x25: {  	[simem:s6], [sflag:s4] =	dma.local [hbm:s3], $0xF7A  }
0x26: {  	[smem:$0x3F93] =	sst s1;
	(tag) =	ssettag s2;
	_ =	strace s9  }
0x27: {  	s1 =	sld [smem:$0x3FA3]  }
0x28: {  	s2 =	sld [smem:$0x3FA4]  }
0x29: {  	s4 =	sld [smem:$0x3FA6]  }
0x2a: {  	p0 =	seq.s32 s5, $0x0;
	s5 =	sld [smem:$0x3FA7]  }
0x2b: {  	s6 =	sld [smem:$0x3FA8]  }
0x2c: {  	s7 =	sld [smem:$0x3FA9]  }
0x2d: {  	s3 =	simm.s32 $0x108;
	s8 =	sld [smem:$0x3FAA]  }
0x2e: {  	s3 =	simm.s32 @!p0 $0x1082;
	s9 =	sld [smem:$0x3FAB]  }
0x2f: {  	lr =	sadd.s32 s0, s3;
	s0 =	sld [smem:$0x3FA2]  }
0x30: {  	s3 =	sld [smem:$0x3FA5]  }
0x31: {  	[smem:$0x3FAE] =	sst s10  }
0x32: {  	s10 =	sld [smem:$0x3FAC];
	_ =	sdelay $0x3  }
0x33: {  	p0 =	seq.s32 s10, $0x1;
	s10 =	sld [smem:$0x3FAE];
	_ =	sdelay $0x3  }
0x34: {  	[smem:$0x3FAE] =	sst s10  }
0x35: {  	s10 =	sld [smem:$0x3FAD];
	_ =	sdelay $0x3  }
0x36: {  	p1 =	seq.s32 s10, $0x1;
	s10 =	sld [smem:$0x3FAE];
	_ =	sdelay $0x3  }
0x37: {  	[smem:$0x3FAE] =	sst s10  }
0x38: {  	s10 =	sld [smem:$0x3FAF]  }
0x39: {  	_ = 	snop;
	(pc) =	sbr.ind lr, $3  }
0x3a: {  	_ = 	snop  }
0x3b: {  	_ = 	snop  }
0x3c: {  	p2 =	seq.s32 s10, $0x1;
	s10 =	sld [smem:$0x3FAE]  }
0x3d: {  	_ =	shalt  }
0x3e: {  	_ =	shalt  }
0x3f: {  	_ =	shalt  }
0x40: {  	_ =	shalt  }
0x41: {  	_ =	shalt  }
0x42: {  	_ =	shalt  }
0x43: {  	_ =	shalt  }
0x44: {  	_ =	shalt  }
0x45: {  	_ =	shalt  }
0x46: {  	_ =	shalt  }
0x47: {  	_ =	shalt  }
0x48: {  	_ =	shalt  }
0x49: {  	_ =	shalt  }
0x4a: {  	_ =	shalt  }
0x4b: {  	_ =	shalt  }
0x4c: {  	_ =	shalt  }
0x4d: {  	_ =	shalt  }
0x4e: {  	_ =	shalt  }
0x4f: {  	_ =	shalt  }
0x50: {  	_ =	shalt  }
0x51: {  	_ =	shalt  }
0x52: {  	_ =	shalt  }
0x53: {  	_ =	shalt  }
0x54: {  	_ =	shalt  }
0x55: {  	_ =	shalt  }
0x56: {  	_ =	shalt  }
0x57: {  	_ =	shalt  }
0x58: {  	_ =	shalt  }
0x59: {  	_ =	shalt  }
0x5a: {  	_ =	shalt  }
0x5b: {  	_ =	shalt  }
0x5c: {  	_ =	shalt  }
0x5d: {  	_ =	shalt  }
0x5e: {  	_ =	shalt  }
0x5f: {  	_ =	shalt  }
0x60: {  	_ =	shalt  }
0x61: {  	_ =	shalt  }
0x62: {  	_ =	shalt  }
0x63: {  	_ =	shalt  }
0x64: {  	_ =	shalt  }
0x65: {  	_ =	shalt  }
0x66: {  	_ =	shalt  }
0x67: {  	_ =	shalt  }
0x68: {  	_ =	shalt  }
0x69: {  	_ =	shalt  }
0x6a: {  	_ =	shalt  }
0x6b: {  	_ =	shalt  }
0x6c: {  	_ =	shalt  }
0x6d: {  	_ =	shalt  }
0x6e: {  	_ =	shalt  }
0x6f: {  	_ =	shalt  }
0x70: {  	_ =	shalt  }
0x71: {  	_ =	shalt  }
0x72: {  	_ =	shalt  }
0x73: {  	_ =	shalt  }
0x74: {  	_ =	shalt  }
0x75: {  	_ =	shalt  }
0x76: {  	_ =	shalt  }
0x77: {  	_ =	shalt  }
0x78: {  	_ =	shalt  }
0x79: {  	_ =	shalt  }
0x7a: {  	_ =	shalt  }
0x7b: {  	_ =	shalt  }
0x7c: {  	_ =	shalt  }
0x7d: {  	_ =	shalt  }
0x7e: {  	_ =	shalt  }
0x7f: {  	_ =	shalt  }
0x80: {  	_ =	shalt  }
0x81: {  	_ =	shalt  }
0x82: {  	_ =	shalt  }
0x83: {  	_ =	shalt  }
0x84: {  	_ =	shalt  }
0x85: {  	_ =	shalt  }
0x86: {  	_ =	shalt  }
0x87: {  	_ =	shalt  }
.Lfunc_end0:
.L_simem_size_0:
called_computation.5_lowered:
.L_overlay_start_0:
0x88: {  	s0 =	sld [smem:$0x3FD9]  }
0x89: {  	s1 =	sld [smem:$0x3FFE];
	_ =	sdelay $0x3  }
0x8a: {  	s0 =	sadd.s32 s1, s0  }
0x8b: {  	[smem:$0x3FBA] =	sst s0  }
0x8c: {  	_ = 	snop  }
0x8d: {  	s0 =	sld [smem:$0x3FD0];
	(tm) =	ssettm $0x1  }
0x8e: {  	s16 =	sld [smem:$0x3FFB];
	_ =	sdelay $0x3  }
0x8f: {  	_ =	strace s16  }
0x90: {  	s1 =	sld [smem:$0x3FFC];
	_ =	sdelay $0x3  }
0x91: {  	_ =	strace s1  }
0x92: {  	s1 =	sld [smem:$0x3FFD];
	_ =	sdelay $0x3  }
0x93: {  	_ =	strace s1  }
0x94: {  	_ =	strace $0x8FFFFFFF  }
0x95: {  	s17 =	sld [smem:$0x3FDB];
	_ =	sdelay $0x1  }
0x96: {  	s2 =	simm.s32 $_scs_section_size  }
0x97: {  	s3 =	simm.s32 $_size__tile_overlayer_lowered;
	s4 =	simm.s32 $_tile_overlayer_lowered  }
0x98: {  	s20 =	simm.s32 $0x1BFF;
	s19 =	sshll.u32 s4, $0x1;
	s1 =	sadd.s32 s2, s17  }
0x99: {  	s5 =	simm.s32 $0x0;
	s18 =	sshll.u32 s3, $0x1;
	s3 =	sadd.s32 s19, s1  }
0x9a: {  	[timem:s5], [sflag:s20] =	dma.local [hbm:s3], s18  }
0x9b: {  	_ =	swait.ge [sflag:s20], s18  }
0x9c: {  	s2 =	ssub.s32 $0x0, s18;
	[sflag:s20] =	ssyncset.done $0x0  }
0x9d: {  	[sflag:s20] =	ssyncadd.s32 s2;
	_ =	sdelay $0x1  }
0x9e: {  	s21 =	simm.s32 $0x1B8B  }
0x9f: {  	_ =	swait.ge [sflag:s21], $0x1  }
0xa0: {  	[sflag:s21] =	ssyncset.done $0x0  }
0xa1: {  	s23 =	simm.s32 $0x1B8E;
	s22 =	sld [smem:$0x3FFE];
	[sflag:s21] =	ssyncadd.s32 $0xFFFFFFFF  }
0xa2: {  	s24 =	simm.s32 $execute0_lowered;
	[smem:$0x3FD2] =	sst s23  }
0xa3: {  	s3 =	sshll.u32 s24, $0x1;
	_ =	strace $0x80000055;
	[dreg:$0x1] =	wrdreg $0xFFFFFFFF  }
0xa4: {  	s25 =	simm.s32 $_size_execute0_lowered;
	s1 =	sadd.s32 s1, s3;
	[dreg:$0x0] =	wrdreg $0x0  }
0xa5: {  	s3 =	sshll.u32 s25, $0x1;
	[dreg:$0x2] =	wrdreg s1  }
0xa6: {  	[dreg:$0x3] =	wrdreg s3  }
0xa7: {  	[dreg:$0x4] =	wrdreg $0xC0  }
0xa8: {  	_ =	task [dreg:s5], $0x5FFFF  }
0xa9: {  	[dreg:$0x1] =	wrdreg $0xFFFFFFFF  }
0xaa: {  	[dreg:$0x0] =	wrdreg $0x60  }
0xab: {  	[dreg:$0x2] =	wrdreg s22  }
0xac: {  	[dreg:$0x3] =	wrdreg s0  }
0xad: {  	[dreg:$0x4] =	wrdreg $0xA0000  }
0xae: {  	[dreg:$0x5] =	wrdreg $0xA  }
0xaf: {  	_ =	task.clear_ibuf [dreg:s5], $0x6FFFF;
	_ =	strace $0x90000055  }
0xb0: {  	s26 =	simm.s32 $0xA;
	_ =	strace $0x80000057  }
0xb1: {  	_ =	swait.ge [sflag:s26], $0x1  }
0xb2: {  	[sflag:s26] =	ssyncadd.s32 $0xFFFFFFFF  }
0xb3: {  	_ =	strace $0x90000057  }
0xb4: {  	_ =	sfence  }
0xb5: {  	s28 =	sld [smem:$0x0];
	_ =	sdelay $0x1  }
0xb6: {  	s29 =	srdreg.scid  }
0xb7: {  	s30 =	sshll.u32 s29, $0xD;
	s31 =	sshrl.u32 s29, $0x2  }
0xb8: {  	s2 =	sand.u32 $0x4000, s30;
	s1 =	sand.u32 $0x1, s29;
	s0 =	sadd.s32 s31, s28  }
0xb9: {  	s1 =	sor.u32 s2, s1;
	s0 =	sshll.u32 s0, $0x11  }
0xba: {  	s0 =	sor.u32 s0, s1  }
0xbb: {  	s0 =	sadd.s32 $0x8F2B, s0  }
0xbc: {  	[sflag:s0] =	ssyncadd.remote.s32 $0x1  }
0xbd: {  	_ =	sfence.sel $0xFFFF  }
0xbe: {  	[dreg:$0x0] =	wrdreg $0xFFFFFFFF;
	(pc) =	sbr.abs _section_cstart, $3  }
0xbf: {  	[dreg:$0x1] =	wrdreg $0xFFFFFFFF  }
0xc0: {  	_ =	task.clear_ibuf [dreg:s5], $0x2FFFF;
	_ =	strace $0x9FFFFFFF  }
0xc1: {  	(tm) =	ssettm $0x7FFFFFFF  }
tec
execute0_lowered:
.L_overlay_start_1:
0x0: {  	(tag) =	ssettag $0x1  }
0x1: {  	s12 =	rddreg [dreg:$0x0]  }
0x2: {  	s10 =	rddreg [dreg:$0x1];
	s1 =	stileid.u32  }
0x3: {  	s3 =	rddreg [dreg:$0x2];
	s2 =	smul.u32 $0x2800, s1  }
0x4: {  	s14 =	simm.s32 $0x0;
	s8 =	simm.s32 $0x1000;
	s13 =	smul.u32 $0x5000, s1  }
0x5: {  	s24 =	simm.s32 $0x6;
	[smem:$0x7FF] =	sst s14;
	s4 =	smul.u32 $0x50000, s1  }
0x6: {  	s11 =	sadd.s32 $0x41000, s12;
	s22 =	sshll.u32 s1, $0x6;
	_ =	strace $0x80000056  }
0x7: {  	s5 =	sadd.s32 s2, s12;
	s6 =	sshrl.u32 s13, $0x3;
	s4 =	sshrl.u32 s4, $0x2  }
0x8: {  	s7 =	sadd.s32 s10, s6;
	s6 =	sadd.s32 s11, s6;
	s21 =	sadd.s32 s4, s3  }
0x9: {  	[tilespmem:s14], [sflag:$0x5] =	stream.linear.gather [hbm4b:s7+s14], $0x800, $0x38;
	[tilespmem:$0x1E000] =	vst v63  }
0xa: {  	s23 =	sadd.s32 $0x73000, s5;
	s4 =	sor.u32 $0x1C06, s22;
	s5 =	sshrl.u32 s21, $0x3  }
0xb: {  	[tilespmem:s8], [sflag:$0x5] =	stream.linear.gather [hbm4b:s6+s14], $0x800, $0x38;
	[tilespmem:$0x1E000] =	vst v63  }
0xc: {  	[spmem:s5], [sflag:s4] =	dma.local [hbm:s23], $0x2800  }
0xd: {  	_ =	swait.ge [sflag:s24], $0x2800  }
0xe: {  	[sflag:s24] =	ssyncset.done $0x0  }
0xf: {  	s25 =	simm.s32 $0x5;
	[sflag:s24] =	ssyncadd.s32 $0xFFFFD800  }
0x10: {  	s17 =	sand.u32 $0xE, s14;
	_ =	swait.ge [sflag:s25], $0x800  }
0x11: {  	p0 =	sne.s32 s17, $0x0;
	[sflag:s25] =	ssyncset.done $0x0  }
0x12: {  	p1 =	por @!p0 $0x0, $0x0;
	[sflag:s25] =	ssyncadd.s32 $0xFFFFF800  }
0x13: {  	p0 =	por p1, p0;
	_ =	swait.ge [sflag:s25], $0x800  }
0x14: {  	s9 =	simm.s32 $0x2000;
	s15 =	sand.u32 @!p0 $0x7800, s14;
	[sflag:s25] =	ssyncset.done $0x0  }
0x15: {  	s7 =	simm.s32 $0x80;
	s15 =	sadd.s32 @!p0 $0x800, s15;
	[sflag:s25] =	ssyncadd.s32 $0xFFFFF800  }
0x16: {  	s6 =	sadd.s32 $0x5000, s12;
	s16 =	sadd.s32 @!p0 s13, s15;
	[bflag:$0x0] =	sbarrier.arrive $0xFFFF  }
0x17: {  	[tilespmem:s9], [sflag:$0x1] =	stream.indirect.gather [hbm4b:s6+s7], $0x80, s14, s7, $0xb8;
	[tilespmem:$0x1E000] =	vst v63  }
0x18: {  	s20 =	simm.s32 $0x100;
	s8 =	simm.s32 $0x6000;
	s18 =	sshrl.u32 @!p0 s16, $0x3  }
0x19: {  	[tilespmem:s8], [sflag:$0x2] =	stream.indirect.gather [hbm4b:s6+s7], $0x80, s7, s7, $0xb8;
	[tilespmem:$0x1E000] =	vst v63  }
0x1a: {  	s19 =	simm.s32 @!p0 $0x0;
	s15 =	sand.u32 @!p0 $0x800, s15;
	s16 =	sadd.s32 @!p0 s10, s18  }
0x1b: {  	[tilespmem:s15], [sflag:$0x5] =	stream.linear.gather @!p0 [hbm4b:s16+s19], $0x800, $0x38;
	[tilespmem:$0x1E000] =	vst v63  }
0x1c: {  	s18 =	sadd.s32 @!p0 s11, s18;
	s16 =	simm.s32 $0x1;
	s15 =	sor.u32 @!p0 $0x1000, s15  }
0x1d: {  	[tilespmem:s15], [sflag:$0x5] =	stream.linear.gather @!p0 [hbm4b:s18+s19], $0x800, $0x38;
	[tilespmem:$0x1E000] =	vst v63  }
0x1e: {  	s26 =	sand.u32 $0x800, s14;
	s17 =	sshll.u32 s17, $0x7;
	_ =	swait.ge [sflag:s16], $0x4000  }
0x1f: {  	s14 =	sand.u32 $0x1C00, s14;
	s18 =	sor.u32 $0x1000, s26;
	[sflag:s16] =	ssyncset.done $0x0  }
0x20: {  	s15 =	simm.s32 $0x2;
	s17 =	sor.u32 s17, s18;
	[sflag:s16] =	ssyncadd.s32 $0xFFFFC000  }
0x21: {  	[spmem:s3] =	stream.indirect.scatter.add.f32 [tilespmem:s9], [sflag:$0x3], $0x80, s17, s7, $0xb8;
	[tilespmem:$0x1E000] =	vst v63  }
0x22: {  	s22 =	simm.s32 $0x200;
	s14 =	sshrl.u32 s14, $0x2;
	_ =	swait.ge [sflag:s15], $0x4000  }
0x23: {  	s14 =	sor.u32 s14, s18;
	s18 =	simm.s32 $0x2;
	[sflag:s15] =	ssyncset.done $0x0  }
0x24: {  	s14 =	sor.u32 $0x80, s14;
	s17 =	simm.s32 $0x3;
	[sflag:s15] =	ssyncadd.s32 $0xFFFFC000  }
0x25: {  	[spmem:s3] =	stream.indirect.scatter.add.f32 [tilespmem:s8], [sflag:$0x4], $0x80, s14, s7, $0xb8;
	[tilespmem:$0x1E000] =	vst v63  }
0x26: {  	s21 =	simm.s32 $0x600;
	s31 =	sand.u32 $0xE, s18;
	_ =	swait.ge [sflag:s17], $0x4000  }
0x27: {  	s12 =	sadd.s32 $0x9B000, s12;
	p2 =	sne.s32 s31, $0x0;
	[sflag:s17] =	ssyncset.done $0x0  }
0x28: {  	s23 =	simm.s32 $0x1;
	s29 =	simm.s32 @!p2 $0x5;
	[sflag:s17] =	ssyncadd.s32 $0xFFFFC000  }
0x29: {  	s24 =	simm.s32 $0xA00;
	p0 =	por @!p2 $0x0, $0x0;
	_ =	swait.ge @!p2 [sflag:s29], $0x800  }
0x2a: {  	s26 =	sshll.u32 s31, $0x7;
	p0 =	por p0, p2;
	[sflag:s29] =	ssyncset.done @!p2 $0x0  }
0x2b: {  	s25 =	sshll.u32 s31, $0x7;
	s19 =	sand.u32 @!p0 $0x7800, s20;
	[sflag:s29] =	ssyncadd.s32 @!p2 $0xFFFFF800  }
0x2c: {  	s28 =	sadd.s32 @!p0 $0x800, s19;
	s19 =	simm.s32 $0x400;
	_ =	swait.ge @!p2 [sflag:s29], $0x800  }
0x2d: {  	s14 =	simm.s32 $0x4;
	s30 =	sand.u32 $0x2000, s19;
	[sflag:s29] =	ssyncset.done @!p2 $0x0  }
.LBB2_1:
0x2e: {  	s31 =	sadd.s32 @!p0 s13, s28  }
0x2f: {  	s30 =	sshrl.u32 s30, $0x2;
	s0 =	smov.u32 s22;
	s22 =	sadd.s32 $0x100, s22  }
0x30: {  	s31 =	sshrl.u32 @!p0 s31, $0x3;
	[sflag:s29] =	ssyncadd.s32 @!p2 $0xFFFFF800;
	s25 =	sor.u32 s25, s30  }
0x31: {  	[tilespmem:s9], [sflag:$0x1] =	stream.indirect.gather [hbm4b:s6+s7], $0x80, s25, s7, $0xb8;
	[tilespmem:$0x1E000] =	vst v63  }
0x32: {  	s25 =	sadd.s32 @!p0 s10, s31;
	s29 =	sadd.s32 @!p0 s11, s31;
	_ =	swait.ge [sflag:s14], $0x4000  }
0x33: {  	s21 =	sand.u32 $0x3E00, s21;
	p1 =	sne.s32 s22, $0x4F00;
	[sflag:s14] =	ssyncset.done $0x0  }
0x34: {  	s30 =	sshrl.u32 s21, $0x2;
	s21 =	smov.u32 s24;
	[sflag:s14] =	ssyncadd.s32 $0xFFFFC000  }
0x35: {  	[tilespmem:s8], [sflag:$0x2] =	stream.indirect.gather [hbm4b:s6+s7], $0x80, s30, s7, $0xb8;
	[tilespmem:$0x1E000] =	vst v63  }
0x36: {  	s24 =	sand.u32 @!p0 $0x800, s28;
	s28 =	simm.s32 @!p0 $0x0  }
0x37: {  	[tilespmem:s24], [sflag:$0x5] =	stream.linear.gather @!p0 [hbm4b:s25+s28], $0x800, $0x38;
	[tilespmem:$0x1E000] =	vst v63  }
0x38: {  	s24 =	sor.u32 @!p0 $0x1000, s24  }
0x39: {  	[tilespmem:s24], [sflag:$0x5] =	stream.linear.gather @!p0 [hbm4b:s29+s28], $0x800, $0x38;
	[tilespmem:$0x1E000] =	vst v63  }
0x3a: {  	s24 =	sand.u32 $0x800, s20;
	s20 =	smov.u32 s0;
	_ =	swait.ge [sflag:s16], $0x4000  }
0x3b: {  	s0 =	sor.u32 $0x1000, s24;
	[sflag:s16] =	ssyncset.done $0x0  }
0x3c: {  	s25 =	sand.u32 $0x1C00, s19;
	s24 =	sor.u32 s26, s0;
	[sflag:s16] =	ssyncadd.s32 $0xFFFFC000  }
0x3d: {  	[spmem:s3] =	stream.indirect.scatter.add.f32 [tilespmem:s9], [sflag:$0x3], $0x80, s24, s7, $0xb8;
	[tilespmem:$0x1E000] =	vst v63  }
0x3e: {  	s24 =	sshrl.u32 s25, $0x2;
	_ =	swait.ge [sflag:s15], $0x4000  }
0x3f: {  	s0 =	sor.u32 s24, s0;
	[sflag:s15] =	ssyncset.done $0x0  }
0x40: {  	s18 =	sadd.s32 $0x2, s18;
	s0 =	sor.u32 $0x80, s0;
	[sflag:s15] =	ssyncadd.s32 $0xFFFFC000  }
0x41: {  	[spmem:s3] =	stream.indirect.scatter.add.f32 [tilespmem:s8], [sflag:$0x4], $0x80, s0, s7, $0xb8;
	[tilespmem:$0x1E000] =	vst v63  }
0x42: {  	s0 =	sand.u32 $0xE, s18;
	_ =	swait.ge [sflag:s17], $0x4000  }
0x43: {  	s23 =	sadd.s32 $0x1, s23;
	p2 =	sne.s32 s0, $0x0;
	[sflag:s17] =	ssyncset.done $0x0  }
0x44: {  	s29 =	simm.s32 @!p2 $0x5;
	[sflag:s17] =	ssyncadd.s32 $0xFFFFC000  }
.Ltmp0:
0x45: {  	s25 =	sshll.u32 s0, $0x7;
	_ =	swait.ge @!p2 [sflag:s29], $0x800;
	(pc) =	sbr.rel @p1 .LBB2_1-.Ltmp0, $4  }
0x46: {  	s19 =	sadd.s32 $0x400, s19;
	p0 =	sgt.u32 @!p2 s23, $0x47;
	[sflag:s29] =	ssyncset.done @!p2 $0x0  }
0x47: {  	s30 =	sand.u32 $0x2000, s19;
	p0 =	por p0, p2;
	[sflag:s29] =	ssyncadd.s32 @!p2 $0xFFFFF800  }
0x48: {  	s24 =	sadd.s32 $0x600, s19;
	s0 =	sand.u32 @!p0 $0x7800, s20;
	_ =	swait.ge @!p2 [sflag:s29], $0x800  }
0x49: {  	s26 =	smov.u32 s25;
	s28 =	sadd.s32 @!p0 $0x800, s0;
	[sflag:s29] =	ssyncset.done @!p2 $0x0  }
0x4a: {  	s0 =	sshrl.u32 s30, $0x2  }
0x4b: {  	[sflag:s29] =	ssyncadd.s32 @!p2 $0xFFFFF800;
	s0 =	sor.u32 s25, s0  }
0x4c: {  	[tilespmem:s9], [sflag:$0x1] =	stream.indirect.gather [hbm4b:s6+s7], $0x80, s0, s7, $0xb8;
	[tilespmem:$0x1E000] =	vst v63  }
0x4d: {  	_ =	swait.ge [sflag:s14], $0x4000  }
0x4e: {  	s31 =	sand.u32 $0x3E00, s21;
	s0 =	sadd.s32 @!p0 s13, s28;
	[sflag:s14] =	ssyncset.done $0x0  }
0x4f: {  	s13 =	sshrl.u32 s31, $0x2;
	s0 =	sshrl.u32 @!p0 s0, $0x3;
	[sflag:s14] =	ssyncadd.s32 $0xFFFFC000  }
0x50: {  	[tilespmem:s8], [sflag:$0x2] =	stream.indirect.gather [hbm4b:s6+s7], $0x80, s13, s7, $0xb8;
	[tilespmem:$0x1E000] =	vst v63  }
0x51: {  	s21 =	simm.s32 @!p0 $0x0;
	s10 =	sadd.s32 @!p0 s10, s0;
	s13 =	sand.u32 @!p0 $0x800, s28  }
0x52: {  	[tilespmem:s13], [sflag:$0x5] =	stream.linear.gather @!p0 [hbm4b:s10+s21], $0x800, $0x38;
	[tilespmem:$0x1E000] =	vst v63  }
0x53: {  	s0 =	sadd.s32 @!p0 s11, s0;
	s10 =	sor.u32 @!p0 $0x1000, s13  }
0x54: {  	[tilespmem:s10], [sflag:$0x5] =	stream.linear.gather @!p0 [hbm4b:s0+s21], $0x800, $0x38;
	[tilespmem:$0x1E000] =	vst v63  }
0x55: {  	s10 =	sand.u32 $0x800, s20;
	_ =	swait.ge [sflag:s16], $0x4000  }
0x56: {  	s0 =	sor.u32 $0x1000, s10;
	[sflag:s16] =	ssyncset.done $0x0  }
0x57: {  	s13 =	sand.u32 $0x1C00, s19;
	s11 =	sor.u32 s25, s0;
	[sflag:s16] =	ssyncadd.s32 $0xFFFFC000  }
0x58: {  	[spmem:s3] =	stream.indirect.scatter.add.f32 [tilespmem:s9], [sflag:$0x3], $0x80, s11, s7, $0xb8;
	[tilespmem:$0x1E000] =	vst v63  }
0x59: {  	s10 =	sshrl.u32 s13, $0x2;
	_ =	swait.ge [sflag:s15], $0x4000  }
0x5a: {  	s0 =	sor.u32 s10, s0;
	[sflag:s15] =	ssyncset.done $0x0  }
0x5b: {  	s0 =	sor.u32 $0x80, s0;
	s16 =	sadd.s32 $0x2, s18;
	[sflag:s15] =	ssyncadd.s32 $0xFFFFC000  }
0x5c: {  	[spmem:s3] =	stream.indirect.scatter.add.f32 [tilespmem:s8], [sflag:$0x4], $0x80, s0, s7, $0xb8;
	[tilespmem:$0x1E000] =	vst v63  }
0x5d: {  	s0 =	sand.u32 $0xE, s16;
	_ =	swait.ge [sflag:s17], $0x4000  }
0x5e: {  	p0 =	sne.s32 s0, $0x0;
	[sflag:s17] =	ssyncset.done $0x0  }
0x5f: {  	s10 =	simm.s32 @!p0 $0x5;
	[sflag:s17] =	ssyncadd.s32 $0xFFFFC000  }
0x60: {  	_ =	swait.ge @!p0 [sflag:s10], $0x800  }
0x61: {  	[sflag:s10] =	ssyncset.done @!p0 $0x0  }
0x62: {  	s18 =	sadd.s32 $0x400, s19;
	[sflag:s10] =	ssyncadd.s32 @!p0 $0xFFFFF800  }
0x63: {  	s11 =	sand.u32 $0x2000, s18;
	_ =	swait.ge @!p0 [sflag:s10], $0x800  }
0x64: {  	s11 =	sshrl.u32 s11, $0x2;
	s0 =	sshll.u32 s0, $0x7;
	[sflag:s10] =	ssyncset.done @!p0 $0x0  }
0x65: {  	s0 =	sor.u32 s0, s11;
	[sflag:s10] =	ssyncadd.s32 @!p0 $0xFFFFF800  }
0x66: {  	[tilespmem:s9], [sflag:$0x1] =	stream.indirect.gather [hbm4b:s6+s7], $0x80, s0, s7, $0xb8;
	[tilespmem:$0x1E000] =	vst v63  }
0x67: {  	_ =	swait.ge [sflag:s14], $0x4000  }
0x68: {  	s19 =	sand.u32 $0x3E00, s24;
	[sflag:s14] =	ssyncset.done $0x0  }
0x69: {  	s20 =	simm.s32 $0x1;
	s0 =	sshrl.u32 s19, $0x2;
	[sflag:s14] =	ssyncadd.s32 $0xFFFFC000  }
0x6a: {  	[tilespmem:s8], [sflag:$0x2] =	stream.indirect.gather [hbm4b:s6+s7], $0x80, s0, s7, $0xb8;
	[tilespmem:$0x1E000] =	vst v63  }
0x6b: {  	_ =	swait.ge [sflag:s20], $0x4000  }
0x6c: {  	s22 =	simm.s32 $0x1F00;
	s23 =	simm.s32 $0x2000;
	[sflag:s20] =	ssyncset.done $0x0  }
0x6d: {  	s21 =	simm.s32 $0x80;
	s24 =	simm.s32 $0x2;
	[sflag:s20] =	ssyncadd.s32 $0xFFFFC000  }
0x6e: {  	[spmem:s3] =	stream.indirect.scatter.add.f32 [tilespmem:s23], [sflag:$0x3], $0x80, s22, s21, $0xb8;
	[tilespmem:$0x1E000] =	vst v63  }
0x6f: {  	_ =	swait.ge [sflag:s24], $0x4000  }
0x70: {  	s26 =	simm.s32 $0x6000;
	[sflag:s24] =	ssyncset.done $0x0  }
0x71: {  	s28 =	simm.s32 $0x3;
	s25 =	simm.s32 $0x1F80;
	[sflag:s24] =	ssyncadd.s32 $0xFFFFC000  }
0x72: {  	[spmem:s3] =	stream.indirect.scatter.add.f32 [tilespmem:s26], [sflag:$0x4], $0x80, s25, s21, $0xb8;
	[tilespmem:$0x1E000] =	vst v63  }
0x73: {  	_ =	swait.ge [sflag:s28], $0x4000  }
0x74: {  	[sflag:s28] =	ssyncset.done $0x0  }
0x75: {  	s29 =	simm.s32 $0x4;
	[sflag:s28] =	ssyncadd.s32 $0xFFFFC000  }
0x76: {  	_ =	swait.ge [sflag:s29], $0x4000  }
0x77: {  	[sflag:s29] =	ssyncset.done $0x0  }
0x78: {  	[sflag:s29] =	ssyncadd.s32 $0xFFFFC000  }
0x79: {  	s30 =	sadd.s32 s12, s2;
	s31 =	simm.s32 $0x6;
	[bflag:$0x0] =	sbarrier.arrive $0xFFFF  }
0x7a: {  	[hbm:s30], [sflag:s4] =	dma.local [spmem:s5], $0x2800  }
0x7b: {  	_ =	swait.ge [sflag:s31], $0x2800  }
0x7c: {  	[sflag:s31] =	ssyncset.done $0x0  }
0x7d: {  	[sflag:s31] =	ssyncadd.s32 $0xFFFFD800  }
0x7e: {  	_ =	sfence.sel $0x180000  }
0x7f: {  	[bflag:$0x0] =	sbarrier.arrive $0xFFFF  }
0x80: {  	_ =	strace $0x90000056  }
0x81: {  	[bflag:$0x2] =	sbarrier.arrive $0xFFFF  }
0x82: {  	p0 =	sne.s32 s1, $0x0;
	s0 =	rddreg [dreg:$0x3]  }
0x83: {  	s0 =	sadd.s32 @!p0 $0x100000, s0  }
0x84: {  	[sflag:s0] =	ssyncadd.tile.s32 @!p0 $0x1;
	_ =	shalt  }
.Lfunc_end2:
_tile_overlayer_lowered:
.L_overlay_start_2:
0x85: {  	(tag) =	ssettag $0x2  }
0x86: {  	s0 =	rddreg [dreg:$0x0];
	s2 =	stileid.u32  }
0x87: {  	s1 =	rddreg [dreg:$0x1];
	p0 =	sne.s32 s2, $0x0  }
0x88: {  	s3 =	rddreg [dreg:$0x2];
	[bflag:$0x3] =	sbarrier.arrive $0xFFFF;
	s2 =	simm.s32 @!p0 $0x1C06  }
0x89: {  	[timem:s3], [sflag:s2] =	dma.local @!p0 [hbm:s0], s1  }
0x8a: {  	s0 =	simm.s32 @!p0 $0x6  }
0x8b: {  	_ =	swait.ge @!p0 [sflag:s0], s1  }
0x8c: {  	s1 =	ssub.s32 @!p0 $0x0, s1;
	[sflag:s0] =	ssyncset.done @!p0 $0x0  }
0x8d: {  	[sflag:s0] =	ssyncadd.s32 @!p0 s1  }
0x8e: {  	[bflag:$0x3] =	sbarrier.arrive $0xFFFF  }
0x8f: {  	_ =	shalt  }

</sc_bundles>
